<compile_context>
chip_gen: v7x
topology: tpu7x:2x2x1
jax: 0.10.2.dev20260603
libtpu: 0.0.44.dev20260713+nightly
codegen_flags: <defaults>
</compile_context>

<pallas_src>
import jax
import jax.numpy as jnp
from jax import lax
from jax.experimental import pallas as pl
from jax.experimental.pallas import tpu as pltpu
from jax.experimental.pallas import tpu_sc as plsc

_V = 100000
_D = 128
_B = 4096 * 50
_NC = 2
_NS = 16
_NW = _NC * _NS
_RPW = _B // _NW
_CH = 128
_NCH = _RPW // _CH

_mesh = plsc.VectorSubcoreMesh(
    core_axis_name="c", subcore_axis_name="s", num_cores=_NC, num_subcores=_NS
)


def _dyn_gather(v, idx):
    return lax.gather(
        v, idx[:, None],
        lax.GatherDimensionNumbers(
            offset_dims=(), collapsed_slice_dims=(0,), start_index_map=(0,)),
        (1,),
        mode=lax.GatherScatterMode.PROMISE_IN_BOUNDS)


def _tile_body(x_hbm, w_hbm, sz_hbm, out_hbm,
               idx_v0, idx_v1, w_v0, w_v1, sz_v0, sz_v1, out_v0, out_v1,
               sem_g0, sem_g1, sem_o0, sem_o1):
    idx_v = (idx_v0, idx_v1)
    w_v = (w_v0, w_v1)
    sz_v = (sz_v0, sz_v1)
    out_v = (out_v0, out_v1)
    sem_g = (sem_g0, sem_g1)
    sem_o = (sem_o0, sem_o1)

    wid = lax.axis_index("s") * _NC + lax.axis_index("c")
    base0 = wid * _RPW
    lane = lax.iota(jnp.int32, 16)
    ge8 = lane // 8
    col_idx = [[64 * h + 4 * lane + j for j in range(4)] for h in range(2)]

    def fetch(t, b):
        base = base0 + t * _CH
        pltpu.sync_copy(x_hbm.at[pl.ds(base, _CH)], idx_v[b])
        pltpu.async_copy(w_hbm.at[idx_v[b]], w_v[b], sem_g[b])
        pltpu.async_copy(sz_hbm.at[idx_v[b]], sz_v[b], sem_g[b])

    def wait_gathers(b):
        pltpu.make_async_copy(w_hbm.at[idx_v[b]], w_v[b], sem_g[b]).wait()
        pltpu.make_async_copy(sz_hbm.at[idx_v[b]], sz_v[b], sem_g[b]).wait()

    def drain_out(t_prev, b):
        base = base0 + t_prev * _CH
        pltpu.make_async_copy(
            out_v[b], out_hbm.at[pl.ds(base * _D, _CH * _D)], sem_o[b]
        ).wait()

    def compute_and_send(t, b):
        @plsc.parallel_loop(0, _CH, unroll=8)
        def row_body(r):
            szr = sz_v[b][r]
            rbase = jnp.full((16,), r * _D, jnp.int32)
            for h in range(2):
                wv = plsc.bitcast(w_v[b][r, pl.ds(64 * h, 64)], jnp.int32)
                sp = _dyn_gather(szr, ge8 + 2 * h)
                zp = _dyn_gather(szr, ge8 + 2 * h + 4)
                for j in range(4):
                    bb = (wv << (24 - 8 * j)) >> 24
                    f = (bb.astype(jnp.float32) - zp) * sp
                    plsc.store_scatter(out_v[b], [rbase + col_idx[h][j]], f)
        base = base0 + t * _CH
        pltpu.async_copy(out_v[b], out_hbm.at[pl.ds(base * _D, _CH * _D)], sem_o[b])

    fetch(0, 0)
    fetch(1, 1)
    for b in (0, 1):
        wait_gathers(b)
        compute_and_send(b, b)
        fetch(b + 2, b)

    def pair_body(tt, carry):
        for b in (0, 1):
            t = 2 * tt + b
            wait_gathers(b)
            drain_out(t - 2, b)
            compute_and_send(t, b)
            fetch(t + 2, b)
        return carry

    lax.fori_loop(1, _NCH // 2 - 1, pair_body, 0)

    for b in (0, 1):
        t = _NCH - 2 + b
        wait_gathers(b)
        drain_out(t - 2, b)
        compute_and_send(t, b)
    for b in (0, 1):
        drain_out(_NCH - 2 + b, b)


_lookup = pl.kernel(
    _tile_body,
    out_type=jax.ShapeDtypeStruct((_B * _D,), jnp.float32),
    mesh=_mesh,
    scratch_types=[
        pltpu.VMEM((_CH,), jnp.int32),
        pltpu.VMEM((_CH,), jnp.int32),
        pltpu.VMEM((_CH, _D), jnp.int8),
        pltpu.VMEM((_CH, _D), jnp.int8),
        pltpu.VMEM((_CH, 16), jnp.float32),
        pltpu.VMEM((_CH, 16), jnp.float32),
        pltpu.VMEM((_CH * _D,), jnp.float32),
        pltpu.VMEM((_CH * _D,), jnp.float32),
        pltpu.SemaphoreType.DMA,
        pltpu.SemaphoreType.DMA,
        pltpu.SemaphoreType.DMA,
        pltpu.SemaphoreType.DMA,
    ],
    compiler_params=pltpu.CompilerParams(
        needs_layout_passes=False, use_tc_tiling_on_sc=False
    ),
)


@jax.jit
def kernel(x, weight, scale, zero_point):
    n, s = x.shape
    xt = x.T.reshape(-1)
    sz = jnp.concatenate(
        [scale, zero_point.astype(jnp.float32), jnp.zeros((_V, 8), jnp.float32)],
        axis=1,
    )
    out = _lookup(xt, weight, sz)
    return out.reshape(s, n, _D).transpose(1, 0, 2)

# --- scband reference (transcript-rebuilt; emitter-appended) ---
"""Pipeline reference for scband-int4-weight-only-embedding-14886356648419 (READ-ONLY COPY).

The authoritative reference and input builder live on the scoring server;
editing this copy changes nothing except your own understanding.
"""

import jax, jax.numpy as jnp
import numpy as np

NUM_EMBEDDINGS = 100000
EMBEDDING_DIM = 128
GROUP_SIZE = 32


def setup_inputs(seed: int = 0) -> dict:
    key = jax.random.key(seed)
    k1, k2, k3, k4 = jax.random.split(key, 4)
    # forward arg: indices
    x = jax.random.randint(k1, (4096, 50), 0, NUM_EMBEDDINGS, dtype=jnp.int32)
    # int4-range quantized weights stored as int8 (qmin=-8, qmax=7)
    weight = jax.random.randint(k2, (NUM_EMBEDDINGS, EMBEDDING_DIM), -8, 8, dtype=jnp.int8)
    # per-channel-group scale and zero_point
    n_groups = EMBEDDING_DIM // GROUP_SIZE
    scale = jax.random.uniform(k3, (NUM_EMBEDDINGS, n_groups), minval=0.005, maxval=0.02, dtype=jnp.float32)
    zero_point = jax.random.randint(k4, (NUM_EMBEDDINGS, n_groups), -8, 8, dtype=jnp.int32)
    return {"x": x, "weight": weight, "scale": scale, "zero_point": zero_point}


def _dequantize_per_channel_group(weight, scale, zero_point, group_size):
    V, D = weight.shape
    n_groups = D // group_size
    w = weight.astype(jnp.float32).reshape(V, n_groups, group_size)
    zp = zero_point.astype(jnp.float32)[:, :, None]
    s = scale[:, :, None]
    w_dq = (w - zp) * s
    return w_dq.reshape(V, D)


def reference(x, weight, scale, zero_point):
    # dequantize full table (per-channel-group int4 -> float), then embedding lookup
    w_dq = _dequantize_per_channel_group(weight, scale, zero_point, GROUP_SIZE)
    return jnp.take(w_dq, x, axis=0)

if __name__ == "__main__":
    import jax
    _d = setup_inputs()
    print(jax.jit(kernel)(*tuple(_d.values())))

</pallas_src>

<mosaic_0001>
#map = affine_map<(d0, d1) -> (0)>
#map1 = affine_map<(d0, d1) -> (0, 0)>
module attributes {stable_mosaic.version = 14 : i64} {
  func.func @_tile_body(%arg0: i32, %arg1: i32, %arg2: memref<204800xi32, #tpu.memory_space<hbm>>, %arg3: memref<100000x128xi8, #tpu.memory_space<hbm>>, %arg4: memref<100000x16xf32, #tpu.memory_space<hbm>>, %arg5: memref<26214400xf32, #tpu.memory_space<hbm>>, %arg6: memref<128xi32, #tpu.memory_space<vmem>>, %arg7: memref<128xi32, #tpu.memory_space<vmem>>, %arg8: memref<128x128xi8, #tpu.memory_space<vmem>>, %arg9: memref<128x128xi8, #tpu.memory_space<vmem>>, %arg10: memref<128x16xf32, #tpu.memory_space<vmem>>, %arg11: memref<128x16xf32, #tpu.memory_space<vmem>>, %arg12: memref<16384xf32, #tpu.memory_space<vmem>>, %arg13: memref<16384xf32, #tpu.memory_space<vmem>>, %arg14: memref<!tpu.dma_semaphore, #tpu.memory_space<semaphore_mem>>, %arg15: memref<!tpu.dma_semaphore, #tpu.memory_space<semaphore_mem>>, %arg16: memref<!tpu.dma_semaphore, #tpu.memory_space<semaphore_mem>>, %arg17: memref<!tpu.dma_semaphore, #tpu.memory_space<semaphore_mem>>) attributes {dimension_semantics = [#tpu.dimension_semantics<core_parallel>, #tpu.dimension_semantics<subcore_parallel>], iteration_bounds = array<i64: 2, 16>, scalar_prefetch = 0 : i64, scratch_operands = 12 : i64, tpu.core_type = #tpu.core_type<sc_vector_subcore>, window_params = [{transform_indices = #map}, {transform_indices = #map1}, {transform_indices = #map1}, {transform_indices = #map}]} {
    %mul3A = arith.constant 2 : i32
    %mul3A_0 = arith.muli %arg1, %mul3A : i32
    %add3A = arith.addi %mul3A_0, %arg0 : i32
    %mul3A_1 = arith.constant 6400 : i32
    %mul3A_2 = arith.muli %add3A, %mul3A_1 : i32
    %iota3A = tpu.iota {dimensions = array<i32: 0>} : vector<16xi32>
    %jit3A = arith.constant 8 : i32
    %div3A = vector.broadcast %jit3A : i32 to vector<16xi32>
    %div3A_3 = arith.divsi %iota3A, %div3A : vector<16xi32>
    %sign3A = arith.constant 0 : i32
    %sign3A_4 = vector.broadcast %sign3A : i32 to vector<16xi32>
    %sign3A_5 = arith.cmpi sgt, %iota3A, %sign3A_4 : vector<16xi32>
    %sign3A_6 = arith.extui %sign3A_5 : vector<16xi1> to vector<16xi32>
    %sign3A_7 = arith.constant 0 : i32
    %sign3A_8 = vector.broadcast %sign3A_7 : i32 to vector<16xi32>
    %sign3A_9 = arith.cmpi slt, %iota3A, %sign3A_8 : vector<16xi32>
    %sign3A_10 = arith.extui %sign3A_9 : vector<16xi1> to vector<16xi32>
    %sign3A_11 = arith.subi %sign3A_6, %sign3A_10 : vector<16xi32>
    %sign3A_12 = arith.constant 0 : i32
    %sign3A_13 = arith.cmpi sgt, %jit3A, %sign3A_12 : i32
    %sign3A_14 = arith.extui %sign3A_13 : i1 to i32
    %sign3A_15 = arith.constant 0 : i32
    %sign3A_16 = arith.cmpi slt, %jit3A, %sign3A_15 : i32
    %sign3A_17 = arith.extui %sign3A_16 : i1 to i32
    %sign3A_18 = arith.subi %sign3A_14, %sign3A_17 : i32
    %ne3A = vector.broadcast %sign3A_18 : i32 to vector<16xi32>
    %ne3A_19 = arith.cmpi ne, %sign3A_11, %ne3A : vector<16xi32>
    %rem3A = vector.broadcast %jit3A : i32 to vector<16xi32>
    %rem3A_20 = arith.remsi %iota3A, %rem3A : vector<16xi32>
    %ne3A_21 = arith.constant 0 : i32
    %ne3A_22 = vector.broadcast %ne3A_21 : i32 to vector<16xi32>
    %ne3A_23 = arith.cmpi ne, %rem3A_20, %ne3A_22 : vector<16xi32>
    %and3A = arith.andi %ne3A_19, %ne3A_23 : vector<16xi1>
    %sub3A = arith.constant 1 : i32
    %sub3A_24 = vector.broadcast %sub3A : i32 to vector<16xi32>
    %sub3A_25 = arith.subi %div3A_3, %sub3A_24 : vector<16xi32>
    %select_n3A = arith.select %and3A, %sub3A_25, %div3A_3 : vector<16xi1>, vector<16xi32>
    %mul3A_26 = arith.constant 4 : i32
    %mul3A_27 = vector.broadcast %mul3A_26 : i32 to vector<16xi32>
    %mul3A_28 = arith.muli %mul3A_27, %iota3A : vector<16xi32>
    %add3A_29 = arith.constant 0 : i32
    %add3A_30 = vector.broadcast %add3A_29 : i32 to vector<16xi32>
    %add3A_31 = arith.addi %add3A_30, %mul3A_28 : vector<16xi32>
    %add3A_32 = arith.constant 0 : i32
    %add3A_33 = vector.broadcast %add3A_32 : i32 to vector<16xi32>
    %add3A_34 = arith.addi %add3A_31, %add3A_33 : vector<16xi32>
    %mul3A_35 = arith.constant 4 : i32
    %mul3A_36 = vector.broadcast %mul3A_35 : i32 to vector<16xi32>
    %mul3A_37 = arith.muli %mul3A_36, %iota3A : vector<16xi32>
    %add3A_38 = arith.constant 0 : i32
    %add3A_39 = vector.broadcast %add3A_38 : i32 to vector<16xi32>
    %add3A_40 = arith.addi %add3A_39, %mul3A_37 : vector<16xi32>
    %add3A_41 = arith.constant 1 : i32
    %add3A_42 = vector.broadcast %add3A_41 : i32 to vector<16xi32>
    %add3A_43 = arith.addi %add3A_40, %add3A_42 : vector<16xi32>
    %mul3A_44 = arith.constant 4 : i32
    %mul3A_45 = vector.broadcast %mul3A_44 : i32 to vector<16xi32>
    %mul3A_46 = arith.muli %mul3A_45, %iota3A : vector<16xi32>
    %add3A_47 = arith.constant 0 : i32
    %add3A_48 = vector.broadcast %add3A_47 : i32 to vector<16xi32>
    %add3A_49 = arith.addi %add3A_48, %mul3A_46 : vector<16xi32>
    %add3A_50 = arith.constant 2 : i32
    %add3A_51 = vector.broadcast %add3A_50 : i32 to vector<16xi32>
    %add3A_52 = arith.addi %add3A_49, %add3A_51 : vector<16xi32>
    %mul3A_53 = arith.constant 4 : i32
    %mul3A_54 = vector.broadcast %mul3A_53 : i32 to vector<16xi32>
    %mul3A_55 = arith.muli %mul3A_54, %iota3A : vector<16xi32>
    %add3A_56 = arith.constant 0 : i32
    %add3A_57 = vector.broadcast %add3A_56 : i32 to vector<16xi32>
    %add3A_58 = arith.addi %add3A_57, %mul3A_55 : vector<16xi32>
    %add3A_59 = arith.constant 3 : i32
    %add3A_60 = vector.broadcast %add3A_59 : i32 to vector<16xi32>
    %add3A_61 = arith.addi %add3A_58, %add3A_60 : vector<16xi32>
    %mul3A_62 = arith.constant 4 : i32
    %mul3A_63 = vector.broadcast %mul3A_62 : i32 to vector<16xi32>
    %mul3A_64 = arith.muli %mul3A_63, %iota3A : vector<16xi32>
    %add3A_65 = arith.constant 64 : i32
    %add3A_66 = vector.broadcast %add3A_65 : i32 to vector<16xi32>
    %add3A_67 = arith.addi %add3A_66, %mul3A_64 : vector<16xi32>
    %add3A_68 = arith.constant 0 : i32
    %add3A_69 = vector.broadcast %add3A_68 : i32 to vector<16xi32>
    %add3A_70 = arith.addi %add3A_67, %add3A_69 : vector<16xi32>
    %mul3A_71 = arith.constant 4 : i32
    %mul3A_72 = vector.broadcast %mul3A_71 : i32 to vector<16xi32>
    %mul3A_73 = arith.muli %mul3A_72, %iota3A : vector<16xi32>
    %add3A_74 = arith.constant 64 : i32
    %add3A_75 = vector.broadcast %add3A_74 : i32 to vector<16xi32>
    %add3A_76 = arith.addi %add3A_75, %mul3A_73 : vector<16xi32>
    %add3A_77 = arith.constant 1 : i32
    %add3A_78 = vector.broadcast %add3A_77 : i32 to vector<16xi32>
    %add3A_79 = arith.addi %add3A_76, %add3A_78 : vector<16xi32>
    %mul3A_80 = arith.constant 4 : i32
    %mul3A_81 = vector.broadcast %mul3A_80 : i32 to vector<16xi32>
    %mul3A_82 = arith.muli %mul3A_81, %iota3A : vector<16xi32>
    %add3A_83 = arith.constant 64 : i32
    %add3A_84 = vector.broadcast %add3A_83 : i32 to vector<16xi32>
    %add3A_85 = arith.addi %add3A_84, %mul3A_82 : vector<16xi32>
    %add3A_86 = arith.constant 2 : i32
    %add3A_87 = vector.broadcast %add3A_86 : i32 to vector<16xi32>
    %add3A_88 = arith.addi %add3A_85, %add3A_87 : vector<16xi32>
    %mul3A_89 = arith.constant 4 : i32
    %mul3A_90 = vector.broadcast %mul3A_89 : i32 to vector<16xi32>
    %mul3A_91 = arith.muli %mul3A_90, %iota3A : vector<16xi32>
    %add3A_92 = arith.constant 64 : i32
    %add3A_93 = vector.broadcast %add3A_92 : i32 to vector<16xi32>
    %add3A_94 = arith.addi %add3A_93, %mul3A_91 : vector<16xi32>
    %add3A_95 = arith.constant 3 : i32
    %add3A_96 = vector.broadcast %add3A_95 : i32 to vector<16xi32>
    %add3A_97 = arith.addi %add3A_94, %add3A_96 : vector<16xi32>
    %add3A_98 = arith.constant 0 : i32
    %add3A_99 = arith.addi %mul3A_2, %add3A_98 : i32
    "tpu.region"() ({
      %run_scoped3A = tpu.sem_alloc : memref<!tpu.dma_semaphore, #tpu.memory_space<semaphore_mem>>
      %dma_start3A_216 = tpu.memref_slice %arg2[%add3A_99] : memref<204800xi32, #tpu.memory_space<hbm>> -> memref<128xi32, #tpu.memory_space<hbm>>
      %dma_start3A_217 = tpu.memref_slice %arg2[%add3A_99] : memref<204800xi32, #tpu.memory_space<hbm>> -> memref<128xi32, #tpu.memory_space<hbm>>
      tpu.enqueue_dma source(%dma_start3A_217 : memref<128xi32, #tpu.memory_space<hbm>>) target(%arg6 : memref<128xi32, #tpu.memory_space<vmem>>) target_semaphore(%run_scoped3A : memref<!tpu.dma_semaphore, #tpu.memory_space<semaphore_mem>>)
      %dma_wait3A_218 = tpu.memref_slice %arg2[%add3A_99] : memref<204800xi32, #tpu.memory_space<hbm>> -> memref<128xi32, #tpu.memory_space<hbm>>
      %dma_wait3A_219 = tpu.memref_slice %arg2[%add3A_99] : memref<204800xi32, #tpu.memory_space<hbm>> -> memref<128xi32, #tpu.memory_space<hbm>>
      tpu.wait_dma2 semaphore(%run_scoped3A : memref<!tpu.dma_semaphore, #tpu.memory_space<semaphore_mem>>) src(%dma_wait3A_219 : memref<128xi32, #tpu.memory_space<hbm>>) dst(%arg6 : memref<128xi32, #tpu.memory_space<vmem>>)
      tpu.yield
    }) : () -> ()
    %dma_start3A = arith.constant 0 : i32
    %dma_start3A_100 = arith.constant 0 : i32
    %dma_start3A_101 = tpu.memref_slice %arg3[%dma_start3A, %dma_start3A_100] : memref<100000x128xi8, #tpu.memory_space<hbm>> -> memref<100000x128xi8, #tpu.memory_space<hbm>>
    tpu.enqueue_indirect_dma source(%dma_start3A_101 : memref<100000x128xi8, #tpu.memory_space<hbm>>) target(%arg8 : memref<128x128xi8, #tpu.memory_space<vmem>>) offsets(%arg6 : memref<128xi32, #tpu.memory_space<vmem>>) semaphore(%arg14 : memref<!tpu.dma_semaphore, #tpu.memory_space<semaphore_mem>>)
    %dma_start3A_102 = arith.constant 0 : i32
    %dma_start3A_103 = arith.constant 0 : i32
    %dma_start3A_104 = tpu.memref_slice %arg4[%dma_start3A_102, %dma_start3A_103] : memref<100000x16xf32, #tpu.memory_space<hbm>> -> memref<100000x16xf32, #tpu.memory_space<hbm>>
    tpu.enqueue_indirect_dma source(%dma_start3A_104 : memref<100000x16xf32, #tpu.memory_space<hbm>>) target(%arg10 : memref<128x16xf32, #tpu.memory_space<vmem>>) offsets(%arg6 : memref<128xi32, #tpu.memory_space<vmem>>) semaphore(%arg14 : memref<!tpu.dma_semaphore, #tpu.memory_space<semaphore_mem>>)
    %add3A_105 = arith.constant 128 : i32
    %add3A_106 = arith.addi %mul3A_2, %add3A_105 : i32
    "tpu.region"() ({
      %run_scoped3A = tpu.sem_alloc : memref<!tpu.dma_semaphore, #tpu.memory_space<semaphore_mem>>
      %dma_start3A_216 = tpu.memref_slice %arg2[%add3A_106] : memref<204800xi32, #tpu.memory_space<hbm>> -> memref<128xi32, #tpu.memory_space<hbm>>
      %dma_start3A_217 = tpu.memref_slice %arg2[%add3A_106] : memref<204800xi32, #tpu.memory_space<hbm>> -> memref<128xi32, #tpu.memory_space<hbm>>
      tpu.enqueue_dma source(%dma_start3A_217 : memref<128xi32, #tpu.memory_space<hbm>>) target(%arg7 : memref<128xi32, #tpu.memory_space<vmem>>) target_semaphore(%run_scoped3A : memref<!tpu.dma_semaphore, #tpu.memory_space<semaphore_mem>>)
      %dma_wait3A_218 = tpu.memref_slice %arg2[%add3A_106] : memref<204800xi32, #tpu.memory_space<hbm>> -> memref<128xi32, #tpu.memory_space<hbm>>
      %dma_wait3A_219 = tpu.memref_slice %arg2[%add3A_106] : memref<204800xi32, #tpu.memory_space<hbm>> -> memref<128xi32, #tpu.memory_space<hbm>>
      tpu.wait_dma2 semaphore(%run_scoped3A : memref<!tpu.dma_semaphore, #tpu.memory_space<semaphore_mem>>) src(%dma_wait3A_219 : memref<128xi32, #tpu.memory_space<hbm>>) dst(%arg7 : memref<128xi32, #tpu.memory_space<vmem>>)
      tpu.yield
    }) : () -> ()
    %dma_start3A_107 = arith.constant 0 : i32
    %dma_start3A_108 = arith.constant 0 : i32
    %dma_start3A_109 = tpu.memref_slice %arg3[%dma_start3A_107, %dma_start3A_108] : memref<100000x128xi8, #tpu.memory_space<hbm>> -> memref<100000x128xi8, #tpu.memory_space<hbm>>
    tpu.enqueue_indirect_dma source(%dma_start3A_109 : memref<100000x128xi8, #tpu.memory_space<hbm>>) target(%arg9 : memref<128x128xi8, #tpu.memory_space<vmem>>) offsets(%arg7 : memref<128xi32, #tpu.memory_space<vmem>>) semaphore(%arg15 : memref<!tpu.dma_semaphore, #tpu.memory_space<semaphore_mem>>)
    %dma_start3A_110 = arith.constant 0 : i32
    %dma_start3A_111 = arith.constant 0 : i32
    %dma_start3A_112 = tpu.memref_slice %arg4[%dma_start3A_110, %dma_start3A_111] : memref<100000x16xf32, #tpu.memory_space<hbm>> -> memref<100000x16xf32, #tpu.memory_space<hbm>>
    tpu.enqueue_indirect_dma source(%dma_start3A_112 : memref<100000x16xf32, #tpu.memory_space<hbm>>) target(%arg11 : memref<128x16xf32, #tpu.memory_space<vmem>>) offsets(%arg7 : memref<128xi32, #tpu.memory_space<vmem>>) semaphore(%arg15 : memref<!tpu.dma_semaphore, #tpu.memory_space<semaphore_mem>>)
    %dma_wait3A = arith.constant 0 : i32
    %dma_wait3A_113 = arith.constant 0 : i32
    %dma_wait3A_114 = tpu.memref_slice %arg3[%dma_wait3A, %dma_wait3A_113] : memref<100000x128xi8, #tpu.memory_space<hbm>> -> memref<100000x128xi8, #tpu.memory_space<hbm>>
    tpu.wait_indirect_dma semaphore(%arg14 : memref<!tpu.dma_semaphore, #tpu.memory_space<semaphore_mem>>) src(%dma_wait3A_114 : memref<100000x128xi8, #tpu.memory_space<hbm>>) dst(%arg8 : memref<128x128xi8, #tpu.memory_space<vmem>>)
    %dma_wait3A_115 = arith.constant 0 : i32
    %dma_wait3A_116 = arith.constant 0 : i32
    %dma_wait3A_117 = tpu.memref_slice %arg4[%dma_wait3A_115, %dma_wait3A_116] : memref<100000x16xf32, #tpu.memory_space<hbm>> -> memref<100000x16xf32, #tpu.memory_space<hbm>>
    tpu.wait_indirect_dma semaphore(%arg14 : memref<!tpu.dma_semaphore, #tpu.memory_space<semaphore_mem>>) src(%dma_wait3A_117 : memref<100000x16xf32, #tpu.memory_space<hbm>>) dst(%arg10 : memref<128x16xf32, #tpu.memory_space<vmem>>)
    %parallel_loop3A = arith.constant 0 : i32
    %parallel_loop3A_118 = arith.constant 128 : i32
    %parallel_loop3A_119 = arith.constant 1 : i32
    scf.for %parallel_loop3A_216 = %parallel_loop3A to %parallel_loop3A_118 step %parallel_loop3A_119  : i32 {
      %parallel_loop3A_217 = arith.index_cast %parallel_loop3A_216 : i32 to index
      %parallel_loop3A_218 = arith.constant 0 : index
      %parallel_loop3A_219 = tpu.vector_load %arg10[%parallel_loop3A_217, %parallel_loop3A_218] {strides = array<i32>} : memref<128x16xf32, #tpu.memory_space<vmem>>, vector<16xf32>,
      %parallel_loop3A_220 = arith.constant 128 : i32
      %parallel_loop3A_221 = arith.muli %parallel_loop3A_216, %parallel_loop3A_220 : i32
      %parallel_loop3A_222 = vector.broadcast %parallel_loop3A_221 : i32 to vector<16xi32>
      %parallel_loop3A_223 = arith.index_cast %parallel_loop3A_216 : i32 to index
      %parallel_loop3A_224 = arith.constant 0 : index
      %parallel_loop3A_225 = tpu.vector_load %arg8[%parallel_loop3A_223, %parallel_loop3A_224] {strides = array<i32>} : memref<128x128xi8, #tpu.memory_space<vmem>>, vector<64xi8>,
      %parallel_loop3A_226 = vector.bitcast %parallel_loop3A_225 : vector<64xi8> to vector<16xi32>
      %parallel_loop3A_227 = arith.constant 0 : i32
      %parallel_loop3A_228 = vector.broadcast %parallel_loop3A_227 : i32 to vector<16xi32>
      %parallel_loop3A_229 = arith.addi %select_n3A, %parallel_loop3A_228 : vector<16xi32>
      %parallel_loop3A_230 = vector.shape_cast %parallel_loop3A_229 : vector<16xi32> to vector<16x1xi32>
      %parallel_loop3A_231 = vector.shape_cast %parallel_loop3A_230 : vector<16x1xi32> to vector<16xi32>
      %parallel_loop3A_232 = tpu.dynamic_gather %parallel_loop3A_219[%parallel_loop3A_231] in [0] : vector<16xf32>, vector<16xi32> -> vector<16xf32>
      %parallel_loop3A_233 = arith.constant 0 : i32
      %parallel_loop3A_234 = vector.broadcast %parallel_loop3A_233 : i32 to vector<16xi32>
      %parallel_loop3A_235 = arith.addi %select_n3A, %parallel_loop3A_234 : vector<16xi32>
      %parallel_loop3A_236 = arith.constant 4 : i32
      %parallel_loop3A_237 = vector.broadcast %parallel_loop3A_236 : i32 to vector<16xi32>
      %parallel_loop3A_238 = arith.addi %parallel_loop3A_235, %parallel_loop3A_237 : vector<16xi32>
      %parallel_loop3A_239 = vector.shape_cast %parallel_loop3A_238 : vector<16xi32> to vector<16x1xi32>
      %parallel_loop3A_240 = vector.shape_cast %parallel_loop3A_239 : vector<16x1xi32> to vector<16xi32>
      %parallel_loop3A_241 = tpu.dynamic_gather %parallel_loop3A_219[%parallel_loop3A_240] in [0] : vector<16xf32>, vector<16xi32> -> vector<16xf32>
      %parallel_loop3A_242 = arith.constant 24 : i32
      %parallel_loop3A_243 = vector.broadcast %parallel_loop3A_242 : i32 to vector<16xi32>
      %parallel_loop3A_244 = arith.shli %parallel_loop3A_226, %parallel_loop3A_243 : vector<16xi32>
      %parallel_loop3A_245 = arith.constant 24 : i32
      %parallel_loop3A_246 = vector.broadcast %parallel_loop3A_245 : i32 to vector<16xi32>
      %parallel_loop3A_247 = arith.shrsi %parallel_loop3A_244, %parallel_loop3A_246 : vector<16xi32>
      %parallel_loop3A_248 = arith.sitofp %parallel_loop3A_247 : vector<16xi32> to vector<16xf32>
      %parallel_loop3A_249 = arith.subf %parallel_loop3A_248, %parallel_loop3A_241 : vector<16xf32>
      %parallel_loop3A_250 = arith.mulf %parallel_loop3A_249, %parallel_loop3A_232 : vector<16xf32>
      %parallel_loop3A_251 = arith.addi %parallel_loop3A_222, %add3A_34 : vector<16xi32>
      tpu.vector_store_idx %arg12[%parallel_loop3A_251], %parallel_loop3A_250 : memref<16384xf32, #tpu.memory_space<vmem>>[vector<16xi32>], vector<16xf32>,
      %parallel_loop3A_252 = arith.constant 16 : i32
      %parallel_loop3A_253 = vector.broadcast %parallel_loop3A_252 : i32 to vector<16xi32>
      %parallel_loop3A_254 = arith.shli %parallel_loop3A_226, %parallel_loop3A_253 : vector<16xi32>
      %parallel_loop3A_255 = arith.constant 24 : i32
      %parallel_loop3A_256 = vector.broadcast %parallel_loop3A_255 : i32 to vector<16xi32>
      %parallel_loop3A_257 = arith.shrsi %parallel_loop3A_254, %parallel_loop3A_256 : vector<16xi32>
      %parallel_loop3A_258 = arith.sitofp %parallel_loop3A_257 : vector<16xi32> to vector<16xf32>
      %parallel_loop3A_259 = arith.subf %parallel_loop3A_258, %parallel_loop3A_241 : vector<16xf32>
      %parallel_loop3A_260 = arith.mulf %parallel_loop3A_259, %parallel_loop3A_232 : vector<16xf32>
      %parallel_loop3A_261 = arith.addi %parallel_loop3A_222, %add3A_43 : vector<16xi32>
      tpu.vector_store_idx %arg12[%parallel_loop3A_261], %parallel_loop3A_260 : memref<16384xf32, #tpu.memory_space<vmem>>[vector<16xi32>], vector<16xf32>,
      %parallel_loop3A_262 = arith.constant 8 : i32
      %parallel_loop3A_263 = vector.broadcast %parallel_loop3A_262 : i32 to vector<16xi32>
      %parallel_loop3A_264 = arith.shli %parallel_loop3A_226, %parallel_loop3A_263 : vector<16xi32>
      %parallel_loop3A_265 = arith.constant 24 : i32
      %parallel_loop3A_266 = vector.broadcast %parallel_loop3A_265 : i32 to vector<16xi32>
      %parallel_loop3A_267 = arith.shrsi %parallel_loop3A_264, %parallel_loop3A_266 : vector<16xi32>
      %parallel_loop3A_268 = arith.sitofp %parallel_loop3A_267 : vector<16xi32> to vector<16xf32>
      %parallel_loop3A_269 = arith.subf %parallel_loop3A_268, %parallel_loop3A_241 : vector<16xf32>
      %parallel_loop3A_270 = arith.mulf %parallel_loop3A_269, %parallel_loop3A_232 : vector<16xf32>
      %parallel_loop3A_271 = arith.addi %parallel_loop3A_222, %add3A_52 : vector<16xi32>
      tpu.vector_store_idx %arg12[%parallel_loop3A_271], %parallel_loop3A_270 : memref<16384xf32, #tpu.memory_space<vmem>>[vector<16xi32>], vector<16xf32>,
      %parallel_loop3A_272 = arith.constant 0 : i32
      %parallel_loop3A_273 = vector.broadcast %parallel_loop3A_272 : i32 to vector<16xi32>
      %parallel_loop3A_274 = arith.shli %parallel_loop3A_226, %parallel_loop3A_273 : vector<16xi32>
      %parallel_loop3A_275 = arith.constant 24 : i32
      %parallel_loop3A_276 = vector.broadcast %parallel_loop3A_275 : i32 to vector<16xi32>
      %parallel_loop3A_277 = arith.shrsi %parallel_loop3A_274, %parallel_loop3A_276 : vector<16xi32>
      %parallel_loop3A_278 = arith.sitofp %parallel_loop3A_277 : vector<16xi32> to vector<16xf32>
      %parallel_loop3A_279 = arith.subf %parallel_loop3A_278, %parallel_loop3A_241 : vector<16xf32>
      %parallel_loop3A_280 = arith.mulf %parallel_loop3A_279, %parallel_loop3A_232 : vector<16xf32>
      %parallel_loop3A_281 = arith.addi %parallel_loop3A_222, %add3A_61 : vector<16xi32>
      tpu.vector_store_idx %arg12[%parallel_loop3A_281], %parallel_loop3A_280 : memref<16384xf32, #tpu.memory_space<vmem>>[vector<16xi32>], vector<16xf32>,
      %parallel_loop3A_282 = arith.index_cast %parallel_loop3A_216 : i32 to index
      %parallel_loop3A_283 = arith.constant 64 : index
      %parallel_loop3A_284 = tpu.vector_load %arg8[%parallel_loop3A_282, %parallel_loop3A_283] {strides = array<i32>} : memref<128x128xi8, #tpu.memory_space<vmem>>, vector<64xi8>,
      %parallel_loop3A_285 = vector.bitcast %parallel_loop3A_284 : vector<64xi8> to vector<16xi32>
      %parallel_loop3A_286 = arith.constant 2 : i32
      %parallel_loop3A_287 = vector.broadcast %parallel_loop3A_286 : i32 to vector<16xi32>
      %parallel_loop3A_288 = arith.addi %select_n3A, %parallel_loop3A_287 : vector<16xi32>
      %parallel_loop3A_289 = vector.shape_cast %parallel_loop3A_288 : vector<16xi32> to vector<16x1xi32>
      %parallel_loop3A_290 = vector.shape_cast %parallel_loop3A_289 : vector<16x1xi32> to vector<16xi32>
      %parallel_loop3A_291 = tpu.dynamic_gather %parallel_loop3A_219[%parallel_loop3A_290] in [0] : vector<16xf32>, vector<16xi32> -> vector<16xf32>
      %parallel_loop3A_292 = arith.constant 2 : i32
      %parallel_loop3A_293 = vector.broadcast %parallel_loop3A_292 : i32 to vector<16xi32>
      %parallel_loop3A_294 = arith.addi %select_n3A, %parallel_loop3A_293 : vector<16xi32>
      %parallel_loop3A_295 = arith.constant 4 : i32
      %parallel_loop3A_296 = vector.broadcast %parallel_loop3A_295 : i32 to vector<16xi32>
      %parallel_loop3A_297 = arith.addi %parallel_loop3A_294, %parallel_loop3A_296 : vector<16xi32>
      %parallel_loop3A_298 = vector.shape_cast %parallel_loop3A_297 : vector<16xi32> to vector<16x1xi32>
      %parallel_loop3A_299 = vector.shape_cast %parallel_loop3A_298 : vector<16x1xi32> to vector<16xi32>
      %parallel_loop3A_300 = tpu.dynamic_gather %parallel_loop3A_219[%parallel_loop3A_299] in [0] : vector<16xf32>, vector<16xi32> -> vector<16xf32>
      %parallel_loop3A_301 = arith.constant 24 : i32
      %parallel_loop3A_302 = vector.broadcast %parallel_loop3A_301 : i32 to vector<16xi32>
      %parallel_loop3A_303 = arith.shli %parallel_loop3A_285, %parallel_loop3A_302 : vector<16xi32>
      %parallel_loop3A_304 = arith.constant 24 : i32
      %parallel_loop3A_305 = vector.broadcast %parallel_loop3A_304 : i32 to vector<16xi32>
      %parallel_loop3A_306 = arith.shrsi %parallel_loop3A_303, %parallel_loop3A_305 : vector<16xi32>
      %parallel_loop3A_307 = arith.sitofp %parallel_loop3A_306 : vector<16xi32> to vector<16xf32>
      %parallel_loop3A_308 = arith.subf %parallel_loop3A_307, %parallel_loop3A_300 : vector<16xf32>
      %parallel_loop3A_309 = arith.mulf %parallel_loop3A_308, %parallel_loop3A_291 : vector<16xf32>
      %parallel_loop3A_310 = arith.addi %parallel_loop3A_222, %add3A_70 : vector<16xi32>
      tpu.vector_store_idx %arg12[%parallel_loop3A_310], %parallel_loop3A_309 : memref<16384xf32, #tpu.memory_space<vmem>>[vector<16xi32>], vector<16xf32>,
      %parallel_loop3A_311 = arith.constant 16 : i32
      %parallel_loop3A_312 = vector.broadcast %parallel_loop3A_311 : i32 to vector<16xi32>
      %parallel_loop3A_313 = arith.shli %parallel_loop3A_285, %parallel_loop3A_312 : vector<16xi32>
      %parallel_loop3A_314 = arith.constant 24 : i32
      %parallel_loop3A_315 = vector.broadcast %parallel_loop3A_314 : i32 to vector<16xi32>
      %parallel_loop3A_316 = arith.shrsi %parallel_loop3A_313, %parallel_loop3A_315 : vector<16xi32>
      %parallel_loop3A_317 = arith.sitofp %parallel_loop3A_316 : vector<16xi32> to vector<16xf32>
      %parallel_loop3A_318 = arith.subf %parallel_loop3A_317, %parallel_loop3A_300 : vector<16xf32>
      %parallel_loop3A_319 = arith.mulf %parallel_loop3A_318, %parallel_loop3A_291 : vector<16xf32>
      %parallel_loop3A_320 = arith.addi %parallel_loop3A_222, %add3A_79 : vector<16xi32>
      tpu.vector_store_idx %arg12[%parallel_loop3A_320], %parallel_loop3A_319 : memref<16384xf32, #tpu.memory_space<vmem>>[vector<16xi32>], vector<16xf32>,
      %parallel_loop3A_321 = arith.constant 8 : i32
      %parallel_loop3A_322 = vector.broadcast %parallel_loop3A_321 : i32 to vector<16xi32>
      %parallel_loop3A_323 = arith.shli %parallel_loop3A_285, %parallel_loop3A_322 : vector<16xi32>
      %parallel_loop3A_324 = arith.constant 24 : i32
      %parallel_loop3A_325 = vector.broadcast %parallel_loop3A_324 : i32 to vector<16xi32>
      %parallel_loop3A_326 = arith.shrsi %parallel_loop3A_323, %parallel_loop3A_325 : vector<16xi32>
      %parallel_loop3A_327 = arith.sitofp %parallel_loop3A_326 : vector<16xi32> to vector<16xf32>
      %parallel_loop3A_328 = arith.subf %parallel_loop3A_327, %parallel_loop3A_300 : vector<16xf32>
      %parallel_loop3A_329 = arith.mulf %parallel_loop3A_328, %parallel_loop3A_291 : vector<16xf32>
      %parallel_loop3A_330 = arith.addi %parallel_loop3A_222, %add3A_88 : vector<16xi32>
      tpu.vector_store_idx %arg12[%parallel_loop3A_330], %parallel_loop3A_329 : memref<16384xf32, #tpu.memory_space<vmem>>[vector<16xi32>], vector<16xf32>,
      %parallel_loop3A_331 = arith.constant 0 : i32
      %parallel_loop3A_332 = vector.broadcast %parallel_loop3A_331 : i32 to vector<16xi32>
      %parallel_loop3A_333 = arith.shli %parallel_loop3A_285, %parallel_loop3A_332 : vector<16xi32>
      %parallel_loop3A_334 = arith.constant 24 : i32
      %parallel_loop3A_335 = vector.broadcast %parallel_loop3A_334 : i32 to vector<16xi32>
      %parallel_loop3A_336 = arith.shrsi %parallel_loop3A_333, %parallel_loop3A_335 : vector<16xi32>
      %parallel_loop3A_337 = arith.sitofp %parallel_loop3A_336 : vector<16xi32> to vector<16xf32>
      %parallel_loop3A_338 = arith.subf %parallel_loop3A_337, %parallel_loop3A_300 : vector<16xf32>
      %parallel_loop3A_339 = arith.mulf %parallel_loop3A_338, %parallel_loop3A_291 : vector<16xf32>
      %parallel_loop3A_340 = arith.addi %parallel_loop3A_222, %add3A_97 : vector<16xi32>
      tpu.vector_store_idx %arg12[%parallel_loop3A_340], %parallel_loop3A_339 : memref<16384xf32, #tpu.memory_space<vmem>>[vector<16xi32>], vector<16xf32>,
    } {sc.loop_unroll_factor = 8 : i64, sc.parallel_access}
    %add3A_120 = arith.constant 0 : i32
    %add3A_121 = arith.addi %mul3A_2, %add3A_120 : i32
    %mul3A_122 = arith.constant 128 : i32
    %mul3A_123 = arith.muli %add3A_121, %mul3A_122 : i32
    %dma_start3A_124 = tpu.memref_slice %arg5[%mul3A_123] : memref<26214400xf32, #tpu.memory_space<hbm>> -> memref<16384xf32, #tpu.memory_space<hbm>>
    %dma_start3A_125 = tpu.memref_slice %arg5[%mul3A_123] : memref<26214400xf32, #tpu.memory_space<hbm>> -> memref<16384xf32, #tpu.memory_space<hbm>>
    tpu.enqueue_dma source(%arg12 : memref<16384xf32, #tpu.memory_space<vmem>>) target(%dma_start3A_125 : memref<16384xf32, #tpu.memory_space<hbm>>) target_semaphore(%arg16 : memref<!tpu.dma_semaphore, #tpu.memory_space<semaphore_mem>>)
    %add3A_126 = arith.constant 256 : i32
    %add3A_127 = arith.addi %mul3A_2, %add3A_126 : i32
    "tpu.region"() ({
      %run_scoped3A = tpu.sem_alloc : memref<!tpu.dma_semaphore, #tpu.memory_space<semaphore_mem>>
      %dma_start3A_216 = tpu.memref_slice %arg2[%add3A_127] : memref<204800xi32, #tpu.memory_space<hbm>> -> memref<128xi32, #tpu.memory_space<hbm>>
      %dma_start3A_217 = tpu.memref_slice %arg2[%add3A_127] : memref<204800xi32, #tpu.memory_space<hbm>> -> memref<128xi32, #tpu.memory_space<hbm>>
      tpu.enqueue_dma source(%dma_start3A_217 : memref<128xi32, #tpu.memory_space<hbm>>) target(%arg6 : memref<128xi32, #tpu.memory_space<vmem>>) target_semaphore(%run_scoped3A : memref<!tpu.dma_semaphore, #tpu.memory_space<semaphore_mem>>)
      %dma_wait3A_218 = tpu.memref_slice %arg2[%add3A_127] : memref<204800xi32, #tpu.memory_space<hbm>> -> memref<128xi32, #tpu.memory_space<hbm>>
      %dma_wait3A_219 = tpu.memref_slice %arg2[%add3A_127] : memref<204800xi32, #tpu.memory_space<hbm>> -> memref<128xi32, #tpu.memory_space<hbm>>
      tpu.wait_dma2 semaphore(%run_scoped3A : memref<!tpu.dma_semaphore, #tpu.memory_space<semaphore_mem>>) src(%dma_wait3A_219 : memref<128xi32, #tpu.memory_space<hbm>>) dst(%arg6 : memref<128xi32, #tpu.memory_space<vmem>>)
      tpu.yield
    }) : () -> ()
    %dma_start3A_128 = arith.constant 0 : i32
    %dma_start3A_129 = arith.constant 0 : i32
    %dma_start3A_130 = tpu.memref_slice %arg3[%dma_start3A_128, %dma_start3A_129] : memref<100000x128xi8, #tpu.memory_space<hbm>> -> memref<100000x128xi8, #tpu.memory_space<hbm>>
    tpu.enqueue_indirect_dma source(%dma_start3A_130 : memref<100000x128xi8, #tpu.memory_space<hbm>>) target(%arg8 : memref<128x128xi8, #tpu.memory_space<vmem>>) offsets(%arg6 : memref<128xi32, #tpu.memory_space<vmem>>) semaphore(%arg14 : memref<!tpu.dma_semaphore, #tpu.memory_space<semaphore_mem>>)
    %dma_start3A_131 = arith.constant 0 : i32
    %dma_start3A_132 = arith.constant 0 : i32
    %dma_start3A_133 = tpu.memref_slice %arg4[%dma_start3A_131, %dma_start3A_132] : memref<100000x16xf32, #tpu.memory_space<hbm>> -> memref<100000x16xf32, #tpu.memory_space<hbm>>
    tpu.enqueue_indirect_dma source(%dma_start3A_133 : memref<100000x16xf32, #tpu.memory_space<hbm>>) target(%arg10 : memref<128x16xf32, #tpu.memory_space<vmem>>) offsets(%arg6 : memref<128xi32, #tpu.memory_space<vmem>>) semaphore(%arg14 : memref<!tpu.dma_semaphore, #tpu.memory_space<semaphore_mem>>)
    %dma_wait3A_134 = arith.constant 0 : i32
    %dma_wait3A_135 = arith.constant 0 : i32
    %dma_wait3A_136 = tpu.memref_slice %arg3[%dma_wait3A_134, %dma_wait3A_135] : memref<100000x128xi8, #tpu.memory_space<hbm>> -> memref<100000x128xi8, #tpu.memory_space<hbm>>
    tpu.wait_indirect_dma semaphore(%arg15 : memref<!tpu.dma_semaphore, #tpu.memory_space<semaphore_mem>>) src(%dma_wait3A_136 : memref<100000x128xi8, #tpu.memory_space<hbm>>) dst(%arg9 : memref<128x128xi8, #tpu.memory_space<vmem>>)
    %dma_wait3A_137 = arith.constant 0 : i32
    %dma_wait3A_138 = arith.constant 0 : i32
    %dma_wait3A_139 = tpu.memref_slice %arg4[%dma_wait3A_137, %dma_wait3A_138] : memref<100000x16xf32, #tpu.memory_space<hbm>> -> memref<100000x16xf32, #tpu.memory_space<hbm>>
    tpu.wait_indirect_dma semaphore(%arg15 : memref<!tpu.dma_semaphore, #tpu.memory_space<semaphore_mem>>) src(%dma_wait3A_139 : memref<100000x16xf32, #tpu.memory_space<hbm>>) dst(%arg11 : memref<128x16xf32, #tpu.memory_space<vmem>>)
    %parallel_loop3A_140 = arith.constant 0 : i32
    %parallel_loop3A_141 = arith.constant 128 : i32
    %parallel_loop3A_142 = arith.constant 1 : i32
    scf.for %parallel_loop3A_216 = %parallel_loop3A_140 to %parallel_loop3A_141 step %parallel_loop3A_142  : i32 {
      %parallel_loop3A_217 = arith.index_cast %parallel_loop3A_216 : i32 to index
      %parallel_loop3A_218 = arith.constant 0 : index
      %parallel_loop3A_219 = tpu.vector_load %arg11[%parallel_loop3A_217, %parallel_loop3A_218] {strides = array<i32>} : memref<128x16xf32, #tpu.memory_space<vmem>>, vector<16xf32>,
      %parallel_loop3A_220 = arith.constant 128 : i32
      %parallel_loop3A_221 = arith.muli %parallel_loop3A_216, %parallel_loop3A_220 : i32
      %parallel_loop3A_222 = vector.broadcast %parallel_loop3A_221 : i32 to vector<16xi32>
      %parallel_loop3A_223 = arith.index_cast %parallel_loop3A_216 : i32 to index
      %parallel_loop3A_224 = arith.constant 0 : index
      %parallel_loop3A_225 = tpu.vector_load %arg9[%parallel_loop3A_223, %parallel_loop3A_224] {strides = array<i32>} : memref<128x128xi8, #tpu.memory_space<vmem>>, vector<64xi8>,
      %parallel_loop3A_226 = vector.bitcast %parallel_loop3A_225 : vector<64xi8> to vector<16xi32>
      %parallel_loop3A_227 = arith.constant 0 : i32
      %parallel_loop3A_228 = vector.broadcast %parallel_loop3A_227 : i32 to vector<16xi32>
      %parallel_loop3A_229 = arith.addi %select_n3A, %parallel_loop3A_228 : vector<16xi32>
      %parallel_loop3A_230 = vector.shape_cast %parallel_loop3A_229 : vector<16xi32> to vector<16x1xi32>
      %parallel_loop3A_231 = vector.shape_cast %parallel_loop3A_230 : vector<16x1xi32> to vector<16xi32>
      %parallel_loop3A_232 = tpu.dynamic_gather %parallel_loop3A_219[%parallel_loop3A_231] in [0] : vector<16xf32>, vector<16xi32> -> vector<16xf32>
      %parallel_loop3A_233 = arith.constant 0 : i32
      %parallel_loop3A_234 = vector.broadcast %parallel_loop3A_233 : i32 to vector<16xi32>
      %parallel_loop3A_235 = arith.addi %select_n3A, %parallel_loop3A_234 : vector<16xi32>
      %parallel_loop3A_236 = arith.constant 4 : i32
      %parallel_loop3A_237 = vector.broadcast %parallel_loop3A_236 : i32 to vector<16xi32>
      %parallel_loop3A_238 = arith.addi %parallel_loop3A_235, %parallel_loop3A_237 : vector<16xi32>
      %parallel_loop3A_239 = vector.shape_cast %parallel_loop3A_238 : vector<16xi32> to vector<16x1xi32>
      %parallel_loop3A_240 = vector.shape_cast %parallel_loop3A_239 : vector<16x1xi32> to vector<16xi32>
      %parallel_loop3A_241 = tpu.dynamic_gather %parallel_loop3A_219[%parallel_loop3A_240] in [0] : vector<16xf32>, vector<16xi32> -> vector<16xf32>
      %parallel_loop3A_242 = arith.constant 24 : i32
      %parallel_loop3A_243 = vector.broadcast %parallel_loop3A_242 : i32 to vector<16xi32>
      %parallel_loop3A_244 = arith.shli %parallel_loop3A_226, %parallel_loop3A_243 : vector<16xi32>
      %parallel_loop3A_245 = arith.constant 24 : i32
      %parallel_loop3A_246 = vector.broadcast %parallel_loop3A_245 : i32 to vector<16xi32>
      %parallel_loop3A_247 = arith.shrsi %parallel_loop3A_244, %parallel_loop3A_246 : vector<16xi32>
      %parallel_loop3A_248 = arith.sitofp %parallel_loop3A_247 : vector<16xi32> to vector<16xf32>
      %parallel_loop3A_249 = arith.subf %parallel_loop3A_248, %parallel_loop3A_241 : vector<16xf32>
      %parallel_loop3A_250 = arith.mulf %parallel_loop3A_249, %parallel_loop3A_232 : vector<16xf32>
      %parallel_loop3A_251 = arith.addi %parallel_loop3A_222, %add3A_34 : vector<16xi32>
      tpu.vector_store_idx %arg13[%parallel_loop3A_251], %parallel_loop3A_250 : memref<16384xf32, #tpu.memory_space<vmem>>[vector<16xi32>], vector<16xf32>,
      %parallel_loop3A_252 = arith.constant 16 : i32
      %parallel_loop3A_253 = vector.broadcast %parallel_loop3A_252 : i32 to vector<16xi32>
      %parallel_loop3A_254 = arith.shli %parallel_loop3A_226, %parallel_loop3A_253 : vector<16xi32>
      %parallel_loop3A_255 = arith.constant 24 : i32
      %parallel_loop3A_256 = vector.broadcast %parallel_loop3A_255 : i32 to vector<16xi32>
      %parallel_loop3A_257 = arith.shrsi %parallel_loop3A_254, %parallel_loop3A_256 : vector<16xi32>
      %parallel_loop3A_258 = arith.sitofp %parallel_loop3A_257 : vector<16xi32> to vector<16xf32>
      %parallel_loop3A_259 = arith.subf %parallel_loop3A_258, %parallel_loop3A_241 : vector<16xf32>
      %parallel_loop3A_260 = arith.mulf %parallel_loop3A_259, %parallel_loop3A_232 : vector<16xf32>
      %parallel_loop3A_261 = arith.addi %parallel_loop3A_222, %add3A_43 : vector<16xi32>
      tpu.vector_store_idx %arg13[%parallel_loop3A_261], %parallel_loop3A_260 : memref<16384xf32, #tpu.memory_space<vmem>>[vector<16xi32>], vector<16xf32>,
      %parallel_loop3A_262 = arith.constant 8 : i32
      %parallel_loop3A_263 = vector.broadcast %parallel_loop3A_262 : i32 to vector<16xi32>
      %parallel_loop3A_264 = arith.shli %parallel_loop3A_226, %parallel_loop3A_263 : vector<16xi32>
      %parallel_loop3A_265 = arith.constant 24 : i32
      %parallel_loop3A_266 = vector.broadcast %parallel_loop3A_265 : i32 to vector<16xi32>
      %parallel_loop3A_267 = arith.shrsi %parallel_loop3A_264, %parallel_loop3A_266 : vector<16xi32>
      %parallel_loop3A_268 = arith.sitofp %parallel_loop3A_267 : vector<16xi32> to vector<16xf32>
      %parallel_loop3A_269 = arith.subf %parallel_loop3A_268, %parallel_loop3A_241 : vector<16xf32>
      %parallel_loop3A_270 = arith.mulf %parallel_loop3A_269, %parallel_loop3A_232 : vector<16xf32>
      %parallel_loop3A_271 = arith.addi %parallel_loop3A_222, %add3A_52 : vector<16xi32>
      tpu.vector_store_idx %arg13[%parallel_loop3A_271], %parallel_loop3A_270 : memref<16384xf32, #tpu.memory_space<vmem>>[vector<16xi32>], vector<16xf32>,
      %parallel_loop3A_272 = arith.constant 0 : i32
      %parallel_loop3A_273 = vector.broadcast %parallel_loop3A_272 : i32 to vector<16xi32>
      %parallel_loop3A_274 = arith.shli %parallel_loop3A_226, %parallel_loop3A_273 : vector<16xi32>
      %parallel_loop3A_275 = arith.constant 24 : i32
      %parallel_loop3A_276 = vector.broadcast %parallel_loop3A_275 : i32 to vector<16xi32>
      %parallel_loop3A_277 = arith.shrsi %parallel_loop3A_274, %parallel_loop3A_276 : vector<16xi32>
      %parallel_loop3A_278 = arith.sitofp %parallel_loop3A_277 : vector<16xi32> to vector<16xf32>
      %parallel_loop3A_279 = arith.subf %parallel_loop3A_278, %parallel_loop3A_241 : vector<16xf32>
      %parallel_loop3A_280 = arith.mulf %parallel_loop3A_279, %parallel_loop3A_232 : vector<16xf32>
      %parallel_loop3A_281 = arith.addi %parallel_loop3A_222, %add3A_61 : vector<16xi32>
      tpu.vector_store_idx %arg13[%parallel_loop3A_281], %parallel_loop3A_280 : memref<16384xf32, #tpu.memory_space<vmem>>[vector<16xi32>], vector<16xf32>,
      %parallel_loop3A_282 = arith.index_cast %parallel_loop3A_216 : i32 to index
      %parallel_loop3A_283 = arith.constant 64 : index
      %parallel_loop3A_284 = tpu.vector_load %arg9[%parallel_loop3A_282, %parallel_loop3A_283] {strides = array<i32>} : memref<128x128xi8, #tpu.memory_space<vmem>>, vector<64xi8>,
      %parallel_loop3A_285 = vector.bitcast %parallel_loop3A_284 : vector<64xi8> to vector<16xi32>
      %parallel_loop3A_286 = arith.constant 2 : i32
      %parallel_loop3A_287 = vector.broadcast %parallel_loop3A_286 : i32 to vector<16xi32>
      %parallel_loop3A_288 = arith.addi %select_n3A, %parallel_loop3A_287 : vector<16xi32>
      %parallel_loop3A_289 = vector.shape_cast %parallel_loop3A_288 : vector<16xi32> to vector<16x1xi32>
      %parallel_loop3A_290 = vector.shape_cast %parallel_loop3A_289 : vector<16x1xi32> to vector<16xi32>
      %parallel_loop3A_291 = tpu.dynamic_gather %parallel_loop3A_219[%parallel_loop3A_290] in [0] : vector<16xf32>, vector<16xi32> -> vector<16xf32>
      %parallel_loop3A_292 = arith.constant 2 : i32
      %parallel_loop3A_293 = vector.broadcast %parallel_loop3A_292 : i32 to vector<16xi32>
      %parallel_loop3A_294 = arith.addi %select_n3A, %parallel_loop3A_293 : vector<16xi32>
      %parallel_loop3A_295 = arith.constant 4 : i32
      %parallel_loop3A_296 = vector.broadcast %parallel_loop3A_295 : i32 to vector<16xi32>
      %parallel_loop3A_297 = arith.addi %parallel_loop3A_294, %parallel_loop3A_296 : vector<16xi32>
      %parallel_loop3A_298 = vector.shape_cast %parallel_loop3A_297 : vector<16xi32> to vector<16x1xi32>
      %parallel_loop3A_299 = vector.shape_cast %parallel_loop3A_298 : vector<16x1xi32> to vector<16xi32>
      %parallel_loop3A_300 = tpu.dynamic_gather %parallel_loop3A_219[%parallel_loop3A_299] in [0] : vector<16xf32>, vector<16xi32> -> vector<16xf32>
      %parallel_loop3A_301 = arith.constant 24 : i32
      %parallel_loop3A_302 = vector.broadcast %parallel_loop3A_301 : i32 to vector<16xi32>
      %parallel_loop3A_303 = arith.shli %parallel_loop3A_285, %parallel_loop3A_302 : vector<16xi32>
      %parallel_loop3A_304 = arith.constant 24 : i32
      %parallel_loop3A_305 = vector.broadcast %parallel_loop3A_304 : i32 to vector<16xi32>
      %parallel_loop3A_306 = arith.shrsi %parallel_loop3A_303, %parallel_loop3A_305 : vector<16xi32>
      %parallel_loop3A_307 = arith.sitofp %parallel_loop3A_306 : vector<16xi32> to vector<16xf32>
      %parallel_loop3A_308 = arith.subf %parallel_loop3A_307, %parallel_loop3A_300 : vector<16xf32>
      %parallel_loop3A_309 = arith.mulf %parallel_loop3A_308, %parallel_loop3A_291 : vector<16xf32>
      %parallel_loop3A_310 = arith.addi %parallel_loop3A_222, %add3A_70 : vector<16xi32>
      tpu.vector_store_idx %arg13[%parallel_loop3A_310], %parallel_loop3A_309 : memref<16384xf32, #tpu.memory_space<vmem>>[vector<16xi32>], vector<16xf32>,
      %parallel_loop3A_311 = arith.constant 16 : i32
      %parallel_loop3A_312 = vector.broadcast %parallel_loop3A_311 : i32 to vector<16xi32>
      %parallel_loop3A_313 = arith.shli %parallel_loop3A_285, %parallel_loop3A_312 : vector<16xi32>
      %parallel_loop3A_314 = arith.constant 24 : i32
      %parallel_loop3A_315 = vector.broadcast %parallel_loop3A_314 : i32 to vector<16xi32>
      %parallel_loop3A_316 = arith.shrsi %parallel_loop3A_313, %parallel_loop3A_315 : vector<16xi32>
      %parallel_loop3A_317 = arith.sitofp %parallel_loop3A_316 : vector<16xi32> to vector<16xf32>
      %parallel_loop3A_318 = arith.subf %parallel_loop3A_317, %parallel_loop3A_300 : vector<16xf32>
      %parallel_loop3A_319 = arith.mulf %parallel_loop3A_318, %parallel_loop3A_291 : vector<16xf32>
      %parallel_loop3A_320 = arith.addi %parallel_loop3A_222, %add3A_79 : vector<16xi32>
      tpu.vector_store_idx %arg13[%parallel_loop3A_320], %parallel_loop3A_319 : memref<16384xf32, #tpu.memory_space<vmem>>[vector<16xi32>], vector<16xf32>,
      %parallel_loop3A_321 = arith.constant 8 : i32
      %parallel_loop3A_322 = vector.broadcast %parallel_loop3A_321 : i32 to vector<16xi32>
      %parallel_loop3A_323 = arith.shli %parallel_loop3A_285, %parallel_loop3A_322 : vector<16xi32>
      %parallel_loop3A_324 = arith.constant 24 : i32
      %parallel_loop3A_325 = vector.broadcast %parallel_loop3A_324 : i32 to vector<16xi32>
      %parallel_loop3A_326 = arith.shrsi %parallel_loop3A_323, %parallel_loop3A_325 : vector<16xi32>
      %parallel_loop3A_327 = arith.sitofp %parallel_loop3A_326 : vector<16xi32> to vector<16xf32>
      %parallel_loop3A_328 = arith.subf %parallel_loop3A_327, %parallel_loop3A_300 : vector<16xf32>
      %parallel_loop3A_329 = arith.mulf %parallel_loop3A_328, %parallel_loop3A_291 : vector<16xf32>
      %parallel_loop3A_330 = arith.addi %parallel_loop3A_222, %add3A_88 : vector<16xi32>
      tpu.vector_store_idx %arg13[%parallel_loop3A_330], %parallel_loop3A_329 : memref<16384xf32, #tpu.memory_space<vmem>>[vector<16xi32>], vector<16xf32>,
      %parallel_loop3A_331 = arith.constant 0 : i32
      %parallel_loop3A_332 = vector.broadcast %parallel_loop3A_331 : i32 to vector<16xi32>
      %parallel_loop3A_333 = arith.shli %parallel_loop3A_285, %parallel_loop3A_332 : vector<16xi32>
      %parallel_loop3A_334 = arith.constant 24 : i32
      %parallel_loop3A_335 = vector.broadcast %parallel_loop3A_334 : i32 to vector<16xi32>
      %parallel_loop3A_336 = arith.shrsi %parallel_loop3A_333, %parallel_loop3A_335 : vector<16xi32>
      %parallel_loop3A_337 = arith.sitofp %parallel_loop3A_336 : vector<16xi32> to vector<16xf32>
      %parallel_loop3A_338 = arith.subf %parallel_loop3A_337, %parallel_loop3A_300 : vector<16xf32>
      %parallel_loop3A_339 = arith.mulf %parallel_loop3A_338, %parallel_loop3A_291 : vector<16xf32>
      %parallel_loop3A_340 = arith.addi %parallel_loop3A_222, %add3A_97 : vector<16xi32>
      tpu.vector_store_idx %arg13[%parallel_loop3A_340], %parallel_loop3A_339 : memref<16384xf32, #tpu.memory_space<vmem>>[vector<16xi32>], vector<16xf32>,
    } {sc.loop_unroll_factor = 8 : i64, sc.parallel_access}
    %add3A_143 = arith.constant 128 : i32
    %add3A_144 = arith.addi %mul3A_2, %add3A_143 : i32
    %mul3A_145 = arith.constant 128 : i32
    %mul3A_146 = arith.muli %add3A_144, %mul3A_145 : i32
    %dma_start3A_147 = tpu.memref_slice %arg5[%mul3A_146] : memref<26214400xf32, #tpu.memory_space<hbm>> -> memref<16384xf32, #tpu.memory_space<hbm>>
    %dma_start3A_148 = tpu.memref_slice %arg5[%mul3A_146] : memref<26214400xf32, #tpu.memory_space<hbm>> -> memref<16384xf32, #tpu.memory_space<hbm>>
    tpu.enqueue_dma source(%arg13 : memref<16384xf32, #tpu.memory_space<vmem>>) target(%dma_start3A_148 : memref<16384xf32, #tpu.memory_space<hbm>>) target_semaphore(%arg17 : memref<!tpu.dma_semaphore, #tpu.memory_space<semaphore_mem>>)
    %add3A_149 = arith.constant 384 : i32
    %add3A_150 = arith.addi %mul3A_2, %add3A_149 : i32
    "tpu.region"() ({
      %run_scoped3A = tpu.sem_alloc : memref<!tpu.dma_semaphore, #tpu.memory_space<semaphore_mem>>
      %dma_start3A_216 = tpu.memref_slice %arg2[%add3A_150] : memref<204800xi32, #tpu.memory_space<hbm>> -> memref<128xi32, #tpu.memory_space<hbm>>
      %dma_start3A_217 = tpu.memref_slice %arg2[%add3A_150] : memref<204800xi32, #tpu.memory_space<hbm>> -> memref<128xi32, #tpu.memory_space<hbm>>
      tpu.enqueue_dma source(%dma_start3A_217 : memref<128xi32, #tpu.memory_space<hbm>>) target(%arg7 : memref<128xi32, #tpu.memory_space<vmem>>) target_semaphore(%run_scoped3A : memref<!tpu.dma_semaphore, #tpu.memory_space<semaphore_mem>>)
      %dma_wait3A_218 = tpu.memref_slice %arg2[%add3A_150] : memref<204800xi32, #tpu.memory_space<hbm>> -> memref<128xi32, #tpu.memory_space<hbm>>
      %dma_wait3A_219 = tpu.memref_slice %arg2[%add3A_150] : memref<204800xi32, #tpu.memory_space<hbm>> -> memref<128xi32, #tpu.memory_space<hbm>>
      tpu.wait_dma2 semaphore(%run_scoped3A : memref<!tpu.dma_semaphore, #tpu.memory_space<semaphore_mem>>) src(%dma_wait3A_219 : memref<128xi32, #tpu.memory_space<hbm>>) dst(%arg7 : memref<128xi32, #tpu.memory_space<vmem>>)
      tpu.yield
    }) : () -> ()
    %dma_start3A_151 = arith.constant 0 : i32
    %dma_start3A_152 = arith.constant 0 : i32
    %dma_start3A_153 = tpu.memref_slice %arg3[%dma_start3A_151, %dma_start3A_152] : memref<100000x128xi8, #tpu.memory_space<hbm>> -> memref<100000x128xi8, #tpu.memory_space<hbm>>
    tpu.enqueue_indirect_dma source(%dma_start3A_153 : memref<100000x128xi8, #tpu.memory_space<hbm>>) target(%arg9 : memref<128x128xi8, #tpu.memory_space<vmem>>) offsets(%arg7 : memref<128xi32, #tpu.memory_space<vmem>>) semaphore(%arg15 : memref<!tpu.dma_semaphore, #tpu.memory_space<semaphore_mem>>)
    %dma_start3A_154 = arith.constant 0 : i32
    %dma_start3A_155 = arith.constant 0 : i32
    %dma_start3A_156 = tpu.memref_slice %arg4[%dma_start3A_154, %dma_start3A_155] : memref<100000x16xf32, #tpu.memory_space<hbm>> -> memref<100000x16xf32, #tpu.memory_space<hbm>>
    tpu.enqueue_indirect_dma source(%dma_start3A_156 : memref<100000x16xf32, #tpu.memory_space<hbm>>) target(%arg11 : memref<128x16xf32, #tpu.memory_space<vmem>>) offsets(%arg7 : memref<128xi32, #tpu.memory_space<vmem>>) semaphore(%arg15 : memref<!tpu.dma_semaphore, #tpu.memory_space<semaphore_mem>>)
    %scan3A = arith.constant 0 : i32
    %scan3A_157 = arith.constant 1 : i32
    %scan3A_158 = arith.constant 23 : i32
    %scan3A_159 = arith.addi %scan3A_157, %scan3A_158 : i32
    %scan3A_160 = arith.constant 1 : i32
    scf.for %scan3A_216 = %scan3A_157 to %scan3A_159 step %scan3A_160  : i32 {
      %mul3A_217 = arith.constant 2 : i32
      %mul3A_218 = arith.muli %mul3A_217, %scan3A_216 : i32
      %add3A_219 = arith.constant 0 : i32
      %add3A_220 = arith.addi %mul3A_218, %add3A_219 : i32
      %dma_wait3A_221 = arith.constant 0 : i32
      %dma_wait3A_222 = arith.constant 0 : i32
      %dma_wait3A_223 = tpu.memref_slice %arg3[%dma_wait3A_221, %dma_wait3A_222] : memref<100000x128xi8, #tpu.memory_space<hbm>> -> memref<100000x128xi8, #tpu.memory_space<hbm>>
      tpu.wait_indirect_dma semaphore(%arg14 : memref<!tpu.dma_semaphore, #tpu.memory_space<semaphore_mem>>) src(%dma_wait3A_223 : memref<100000x128xi8, #tpu.memory_space<hbm>>) dst(%arg8 : memref<128x128xi8, #tpu.memory_space<vmem>>)
      %dma_wait3A_224 = arith.constant 0 : i32
      %dma_wait3A_225 = arith.constant 0 : i32
      %dma_wait3A_226 = tpu.memref_slice %arg4[%dma_wait3A_224, %dma_wait3A_225] : memref<100000x16xf32, #tpu.memory_space<hbm>> -> memref<100000x16xf32, #tpu.memory_space<hbm>>
      tpu.wait_indirect_dma semaphore(%arg14 : memref<!tpu.dma_semaphore, #tpu.memory_space<semaphore_mem>>) src(%dma_wait3A_226 : memref<100000x16xf32, #tpu.memory_space<hbm>>) dst(%arg10 : memref<128x16xf32, #tpu.memory_space<vmem>>)
      %sub3A_227 = arith.constant 2 : i32
      %sub3A_228 = arith.subi %add3A_220, %sub3A_227 : i32
      %mul3A_229 = arith.constant 128 : i32
      %mul3A_230 = arith.muli %sub3A_228, %mul3A_229 : i32
      %add3A_231 = arith.addi %mul3A_2, %mul3A_230 : i32
      %mul3A_232 = arith.constant 128 : i32
      %mul3A_233 = arith.muli %add3A_231, %mul3A_232 : i32
      %dma_wait3A_234 = tpu.memref_slice %arg5[%mul3A_233] : memref<26214400xf32, #tpu.memory_space<hbm>> -> memref<16384xf32, #tpu.memory_space<hbm>>
      %dma_wait3A_235 = tpu.memref_slice %arg5[%mul3A_233] : memref<26214400xf32, #tpu.memory_space<hbm>> -> memref<16384xf32, #tpu.memory_space<hbm>>
      tpu.wait_dma2 semaphore(%arg16 : memref<!tpu.dma_semaphore, #tpu.memory_space<semaphore_mem>>) src(%arg12 : memref<16384xf32, #tpu.memory_space<vmem>>) dst(%dma_wait3A_235 : memref<16384xf32, #tpu.memory_space<hbm>>)
      %parallel_loop3A_236 = arith.constant 0 : i32
      %parallel_loop3A_237 = arith.constant 128 : i32
      %parallel_loop3A_238 = arith.constant 1 : i32
      scf.for %parallel_loop3A_297 = %parallel_loop3A_236 to %parallel_loop3A_237 step %parallel_loop3A_238  : i32 {
        %parallel_loop3A_298 = arith.index_cast %parallel_loop3A_297 : i32 to index
        %parallel_loop3A_299 = arith.constant 0 : index
        %parallel_loop3A_300 = tpu.vector_load %arg10[%parallel_loop3A_298, %parallel_loop3A_299] {strides = array<i32>} : memref<128x16xf32, #tpu.memory_space<vmem>>, vector<16xf32>,
        %parallel_loop3A_301 = arith.constant 128 : i32
        %parallel_loop3A_302 = arith.muli %parallel_loop3A_297, %parallel_loop3A_301 : i32
        %parallel_loop3A_303 = vector.broadcast %parallel_loop3A_302 : i32 to vector<16xi32>
        %parallel_loop3A_304 = arith.index_cast %parallel_loop3A_297 : i32 to index
        %parallel_loop3A_305 = arith.constant 0 : index
        %parallel_loop3A_306 = tpu.vector_load %arg8[%parallel_loop3A_304, %parallel_loop3A_305] {strides = array<i32>} : memref<128x128xi8, #tpu.memory_space<vmem>>, vector<64xi8>,
        %parallel_loop3A_307 = vector.bitcast %parallel_loop3A_306 : vector<64xi8> to vector<16xi32>
        %parallel_loop3A_308 = arith.constant 0 : i32
        %parallel_loop3A_309 = vector.broadcast %parallel_loop3A_308 : i32 to vector<16xi32>
        %parallel_loop3A_310 = arith.addi %select_n3A, %parallel_loop3A_309 : vector<16xi32>
        %parallel_loop3A_311 = vector.shape_cast %parallel_loop3A_310 : vector<16xi32> to vector<16x1xi32>
        %parallel_loop3A_312 = vector.shape_cast %parallel_loop3A_311 : vector<16x1xi32> to vector<16xi32>
        %parallel_loop3A_313 = tpu.dynamic_gather %parallel_loop3A_300[%parallel_loop3A_312] in [0] : vector<16xf32>, vector<16xi32> -> vector<16xf32>
        %parallel_loop3A_314 = arith.constant 0 : i32
        %parallel_loop3A_315 = vector.broadcast %parallel_loop3A_314 : i32 to vector<16xi32>
        %parallel_loop3A_316 = arith.addi %select_n3A, %parallel_loop3A_315 : vector<16xi32>
        %parallel_loop3A_317 = arith.constant 4 : i32
        %parallel_loop3A_318 = vector.broadcast %parallel_loop3A_317 : i32 to vector<16xi32>
        %parallel_loop3A_319 = arith.addi %parallel_loop3A_316, %parallel_loop3A_318 : vector<16xi32>
        %parallel_loop3A_320 = vector.shape_cast %parallel_loop3A_319 : vector<16xi32> to vector<16x1xi32>
        %parallel_loop3A_321 = vector.shape_cast %parallel_loop3A_320 : vector<16x1xi32> to vector<16xi32>
        %parallel_loop3A_322 = tpu.dynamic_gather %parallel_loop3A_300[%parallel_loop3A_321] in [0] : vector<16xf32>, vector<16xi32> -> vector<16xf32>
        %parallel_loop3A_323 = arith.constant 24 : i32
        %parallel_loop3A_324 = vector.broadcast %parallel_loop3A_323 : i32 to vector<16xi32>
        %parallel_loop3A_325 = arith.shli %parallel_loop3A_307, %parallel_loop3A_324 : vector<16xi32>
        %parallel_loop3A_326 = arith.constant 24 : i32
        %parallel_loop3A_327 = vector.broadcast %parallel_loop3A_326 : i32 to vector<16xi32>
        %parallel_loop3A_328 = arith.shrsi %parallel_loop3A_325, %parallel_loop3A_327 : vector<16xi32>
        %parallel_loop3A_329 = arith.sitofp %parallel_loop3A_328 : vector<16xi32> to vector<16xf32>
        %parallel_loop3A_330 = arith.subf %parallel_loop3A_329, %parallel_loop3A_322 : vector<16xf32>
        %parallel_loop3A_331 = arith.mulf %parallel_loop3A_330, %parallel_loop3A_313 : vector<16xf32>
        %parallel_loop3A_332 = arith.addi %parallel_loop3A_303, %add3A_34 : vector<16xi32>
        tpu.vector_store_idx %arg12[%parallel_loop3A_332], %parallel_loop3A_331 : memref<16384xf32, #tpu.memory_space<vmem>>[vector<16xi32>], vector<16xf32>,
        %parallel_loop3A_333 = arith.constant 16 : i32
        %parallel_loop3A_334 = vector.broadcast %parallel_loop3A_333 : i32 to vector<16xi32>
        %parallel_loop3A_335 = arith.shli %parallel_loop3A_307, %parallel_loop3A_334 : vector<16xi32>
        %parallel_loop3A_336 = arith.constant 24 : i32
        %parallel_loop3A_337 = vector.broadcast %parallel_loop3A_336 : i32 to vector<16xi32>
        %parallel_loop3A_338 = arith.shrsi %parallel_loop3A_335, %parallel_loop3A_337 : vector<16xi32>
        %parallel_loop3A_339 = arith.sitofp %parallel_loop3A_338 : vector<16xi32> to vector<16xf32>
        %parallel_loop3A_340 = arith.subf %parallel_loop3A_339, %parallel_loop3A_322 : vector<16xf32>
        %parallel_loop3A_341 = arith.mulf %parallel_loop3A_340, %parallel_loop3A_313 : vector<16xf32>
        %parallel_loop3A_342 = arith.addi %parallel_loop3A_303, %add3A_43 : vector<16xi32>
        tpu.vector_store_idx %arg12[%parallel_loop3A_342], %parallel_loop3A_341 : memref<16384xf32, #tpu.memory_space<vmem>>[vector<16xi32>], vector<16xf32>,
        %parallel_loop3A_343 = arith.constant 8 : i32
        %parallel_loop3A_344 = vector.broadcast %parallel_loop3A_343 : i32 to vector<16xi32>
        %parallel_loop3A_345 = arith.shli %parallel_loop3A_307, %parallel_loop3A_344 : vector<16xi32>
        %parallel_loop3A_346 = arith.constant 24 : i32
        %parallel_loop3A_347 = vector.broadcast %parallel_loop3A_346 : i32 to vector<16xi32>
        %parallel_loop3A_348 = arith.shrsi %parallel_loop3A_345, %parallel_loop3A_347 : vector<16xi32>
        %parallel_loop3A_349 = arith.sitofp %parallel_loop3A_348 : vector<16xi32> to vector<16xf32>
        %parallel_loop3A_350 = arith.subf %parallel_loop3A_349, %parallel_loop3A_322 : vector<16xf32>
        %parallel_loop3A_351 = arith.mulf %parallel_loop3A_350, %parallel_loop3A_313 : vector<16xf32>
        %parallel_loop3A_352 = arith.addi %parallel_loop3A_303, %add3A_52 : vector<16xi32>
        tpu.vector_store_idx %arg12[%parallel_loop3A_352], %parallel_loop3A_351 : memref<16384xf32, #tpu.memory_space<vmem>>[vector<16xi32>], vector<16xf32>,
        %parallel_loop3A_353 = arith.constant 0 : i32
        %parallel_loop3A_354 = vector.broadcast %parallel_loop3A_353 : i32 to vector<16xi32>
        %parallel_loop3A_355 = arith.shli %parallel_loop3A_307, %parallel_loop3A_354 : vector<16xi32>
        %parallel_loop3A_356 = arith.constant 24 : i32
        %parallel_loop3A_357 = vector.broadcast %parallel_loop3A_356 : i32 to vector<16xi32>
        %parallel_loop3A_358 = arith.shrsi %parallel_loop3A_355, %parallel_loop3A_357 : vector<16xi32>
        %parallel_loop3A_359 = arith.sitofp %parallel_loop3A_358 : vector<16xi32> to vector<16xf32>
        %parallel_loop3A_360 = arith.subf %parallel_loop3A_359, %parallel_loop3A_322 : vector<16xf32>
        %parallel_loop3A_361 = arith.mulf %parallel_loop3A_360, %parallel_loop3A_313 : vector<16xf32>
        %parallel_loop3A_362 = arith.addi %parallel_loop3A_303, %add3A_61 : vector<16xi32>
        tpu.vector_store_idx %arg12[%parallel_loop3A_362], %parallel_loop3A_361 : memref<16384xf32, #tpu.memory_space<vmem>>[vector<16xi32>], vector<16xf32>,
        %parallel_loop3A_363 = arith.index_cast %parallel_loop3A_297 : i32 to index
        %parallel_loop3A_364 = arith.constant 64 : index
        %parallel_loop3A_365 = tpu.vector_load %arg8[%parallel_loop3A_363, %parallel_loop3A_364] {strides = array<i32>} : memref<128x128xi8, #tpu.memory_space<vmem>>, vector<64xi8>,
        %parallel_loop3A_366 = vector.bitcast %parallel_loop3A_365 : vector<64xi8> to vector<16xi32>
        %parallel_loop3A_367 = arith.constant 2 : i32
        %parallel_loop3A_368 = vector.broadcast %parallel_loop3A_367 : i32 to vector<16xi32>
        %parallel_loop3A_369 = arith.addi %select_n3A, %parallel_loop3A_368 : vector<16xi32>
        %parallel_loop3A_370 = vector.shape_cast %parallel_loop3A_369 : vector<16xi32> to vector<16x1xi32>
        %parallel_loop3A_371 = vector.shape_cast %parallel_loop3A_370 : vector<16x1xi32> to vector<16xi32>
        %parallel_loop3A_372 = tpu.dynamic_gather %parallel_loop3A_300[%parallel_loop3A_371] in [0] : vector<16xf32>, vector<16xi32> -> vector<16xf32>
        %parallel_loop3A_373 = arith.constant 2 : i32
        %parallel_loop3A_374 = vector.broadcast %parallel_loop3A_373 : i32 to vector<16xi32>
        %parallel_loop3A_375 = arith.addi %select_n3A, %parallel_loop3A_374 : vector<16xi32>
        %parallel_loop3A_376 = arith.constant 4 : i32
        %parallel_loop3A_377 = vector.broadcast %parallel_loop3A_376 : i32 to vector<16xi32>
        %parallel_loop3A_378 = arith.addi %parallel_loop3A_375, %parallel_loop3A_377 : vector<16xi32>
        %parallel_loop3A_379 = vector.shape_cast %parallel_loop3A_378 : vector<16xi32> to vector<16x1xi32>
        %parallel_loop3A_380 = vector.shape_cast %parallel_loop3A_379 : vector<16x1xi32> to vector<16xi32>
        %parallel_loop3A_381 = tpu.dynamic_gather %parallel_loop3A_300[%parallel_loop3A_380] in [0] : vector<16xf32>, vector<16xi32> -> vector<16xf32>
        %parallel_loop3A_382 = arith.constant 24 : i32
        %parallel_loop3A_383 = vector.broadcast %parallel_loop3A_382 : i32 to vector<16xi32>
        %parallel_loop3A_384 = arith.shli %parallel_loop3A_366, %parallel_loop3A_383 : vector<16xi32>
        %parallel_loop3A_385 = arith.constant 24 : i32
        %parallel_loop3A_386 = vector.broadcast %parallel_loop3A_385 : i32 to vector<16xi32>
        %parallel_loop3A_387 = arith.shrsi %parallel_loop3A_384, %parallel_loop3A_386 : vector<16xi32>
        %parallel_loop3A_388 = arith.sitofp %parallel_loop3A_387 : vector<16xi32> to vector<16xf32>
        %parallel_loop3A_389 = arith.subf %parallel_loop3A_388, %parallel_loop3A_381 : vector<16xf32>
        %parallel_loop3A_390 = arith.mulf %parallel_loop3A_389, %parallel_loop3A_372 : vector<16xf32>
        %parallel_loop3A_391 = arith.addi %parallel_loop3A_303, %add3A_70 : vector<16xi32>
        tpu.vector_store_idx %arg12[%parallel_loop3A_391], %parallel_loop3A_390 : memref<16384xf32, #tpu.memory_space<vmem>>[vector<16xi32>], vector<16xf32>,
        %parallel_loop3A_392 = arith.constant 16 : i32
        %parallel_loop3A_393 = vector.broadcast %parallel_loop3A_392 : i32 to vector<16xi32>
        %parallel_loop3A_394 = arith.shli %parallel_loop3A_366, %parallel_loop3A_393 : vector<16xi32>
        %parallel_loop3A_395 = arith.constant 24 : i32
        %parallel_loop3A_396 = vector.broadcast %parallel_loop3A_395 : i32 to vector<16xi32>
        %parallel_loop3A_397 = arith.shrsi %parallel_loop3A_394, %parallel_loop3A_396 : vector<16xi32>
        %parallel_loop3A_398 = arith.sitofp %parallel_loop3A_397 : vector<16xi32> to vector<16xf32>
        %parallel_loop3A_399 = arith.subf %parallel_loop3A_398, %parallel_loop3A_381 : vector<16xf32>
        %parallel_loop3A_400 = arith.mulf %parallel_loop3A_399, %parallel_loop3A_372 : vector<16xf32>
        %parallel_loop3A_401 = arith.addi %parallel_loop3A_303, %add3A_79 : vector<16xi32>
        tpu.vector_store_idx %arg12[%parallel_loop3A_401], %parallel_loop3A_400 : memref<16384xf32, #tpu.memory_space<vmem>>[vector<16xi32>], vector<16xf32>,
        %parallel_loop3A_402 = arith.constant 8 : i32
        %parallel_loop3A_403 = vector.broadcast %parallel_loop3A_402 : i32 to vector<16xi32>
        %parallel_loop3A_404 = arith.shli %parallel_loop3A_366, %parallel_loop3A_403 : vector<16xi32>
        %parallel_loop3A_405 = arith.constant 24 : i32
        %parallel_loop3A_406 = vector.broadcast %parallel_loop3A_405 : i32 to vector<16xi32>
        %parallel_loop3A_407 = arith.shrsi %parallel_loop3A_404, %parallel_loop3A_406 : vector<16xi32>
        %parallel_loop3A_408 = arith.sitofp %parallel_loop3A_407 : vector<16xi32> to vector<16xf32>
        %parallel_loop3A_409 = arith.subf %parallel_loop3A_408, %parallel_loop3A_381 : vector<16xf32>
        %parallel_loop3A_410 = arith.mulf %parallel_loop3A_409, %parallel_loop3A_372 : vector<16xf32>
        %parallel_loop3A_411 = arith.addi %parallel_loop3A_303, %add3A_88 : vector<16xi32>
        tpu.vector_store_idx %arg12[%parallel_loop3A_411], %parallel_loop3A_410 : memref<16384xf32, #tpu.memory_space<vmem>>[vector<16xi32>], vector<16xf32>,
        %parallel_loop3A_412 = arith.constant 0 : i32
        %parallel_loop3A_413 = vector.broadcast %parallel_loop3A_412 : i32 to vector<16xi32>
        %parallel_loop3A_414 = arith.shli %parallel_loop3A_366, %parallel_loop3A_413 : vector<16xi32>
        %parallel_loop3A_415 = arith.constant 24 : i32
        %parallel_loop3A_416 = vector.broadcast %parallel_loop3A_415 : i32 to vector<16xi32>
        %parallel_loop3A_417 = arith.shrsi %parallel_loop3A_414, %parallel_loop3A_416 : vector<16xi32>
        %parallel_loop3A_418 = arith.sitofp %parallel_loop3A_417 : vector<16xi32> to vector<16xf32>
        %parallel_loop3A_419 = arith.subf %parallel_loop3A_418, %parallel_loop3A_381 : vector<16xf32>
        %parallel_loop3A_420 = arith.mulf %parallel_loop3A_419, %parallel_loop3A_372 : vector<16xf32>
        %parallel_loop3A_421 = arith.addi %parallel_loop3A_303, %add3A_97 : vector<16xi32>
        tpu.vector_store_idx %arg12[%parallel_loop3A_421], %parallel_loop3A_420 : memref<16384xf32, #tpu.memory_space<vmem>>[vector<16xi32>], vector<16xf32>,
      } {sc.loop_unroll_factor = 8 : i64, sc.parallel_access}
      %mul3A_239 = arith.constant 128 : i32
      %mul3A_240 = arith.muli %add3A_220, %mul3A_239 : i32
      %add3A_241 = arith.addi %mul3A_2, %mul3A_240 : i32
      %mul3A_242 = arith.constant 128 : i32
      %mul3A_243 = arith.muli %add3A_241, %mul3A_242 : i32
      %dma_start3A_244 = tpu.memref_slice %arg5[%mul3A_243] : memref<26214400xf32, #tpu.memory_space<hbm>> -> memref<16384xf32, #tpu.memory_space<hbm>>
      %dma_start3A_245 = tpu.memref_slice %arg5[%mul3A_243] : memref<26214400xf32, #tpu.memory_space<hbm>> -> memref<16384xf32, #tpu.memory_space<hbm>>
      tpu.enqueue_dma source(%arg12 : memref<16384xf32, #tpu.memory_space<vmem>>) target(%dma_start3A_245 : memref<16384xf32, #tpu.memory_space<hbm>>) target_semaphore(%arg16 : memref<!tpu.dma_semaphore, #tpu.memory_space<semaphore_mem>>)
      %add3A_246 = arith.constant 2 : i32
      %add3A_247 = arith.addi %add3A_220, %add3A_246 : i32
      %mul3A_248 = arith.constant 128 : i32
      %mul3A_249 = arith.muli %add3A_247, %mul3A_248 : i32
      %add3A_250 = arith.addi %mul3A_2, %mul3A_249 : i32
      "tpu.region"() ({
        %run_scoped3A = tpu.sem_alloc : memref<!tpu.dma_semaphore, #tpu.memory_space<semaphore_mem>>
        %dma_start3A_297 = tpu.memref_slice %arg2[%add3A_250] : memref<204800xi32, #tpu.memory_space<hbm>> -> memref<128xi32, #tpu.memory_space<hbm>>
        %dma_start3A_298 = tpu.memref_slice %arg2[%add3A_250] : memref<204800xi32, #tpu.memory_space<hbm>> -> memref<128xi32, #tpu.memory_space<hbm>>
        tpu.enqueue_dma source(%dma_start3A_298 : memref<128xi32, #tpu.memory_space<hbm>>) target(%arg6 : memref<128xi32, #tpu.memory_space<vmem>>) target_semaphore(%run_scoped3A : memref<!tpu.dma_semaphore, #tpu.memory_space<semaphore_mem>>)
        %dma_wait3A_299 = tpu.memref_slice %arg2[%add3A_250] : memref<204800xi32, #tpu.memory_space<hbm>> -> memref<128xi32, #tpu.memory_space<hbm>>
        %dma_wait3A_300 = tpu.memref_slice %arg2[%add3A_250] : memref<204800xi32, #tpu.memory_space<hbm>> -> memref<128xi32, #tpu.memory_space<hbm>>
        tpu.wait_dma2 semaphore(%run_scoped3A : memref<!tpu.dma_semaphore, #tpu.memory_space<semaphore_mem>>) src(%dma_wait3A_300 : memref<128xi32, #tpu.memory_space<hbm>>) dst(%arg6 : memref<128xi32, #tpu.memory_space<vmem>>)
        tpu.yield
      }) : () -> ()
      %dma_start3A_251 = arith.constant 0 : i32
      %dma_start3A_252 = arith.constant 0 : i32
      %dma_start3A_253 = tpu.memref_slice %arg3[%dma_start3A_251, %dma_start3A_252] : memref<100000x128xi8, #tpu.memory_space<hbm>> -> memref<100000x128xi8, #tpu.memory_space<hbm>>
      tpu.enqueue_indirect_dma source(%dma_start3A_253 : memref<100000x128xi8, #tpu.memory_space<hbm>>) target(%arg8 : memref<128x128xi8, #tpu.memory_space<vmem>>) offsets(%arg6 : memref<128xi32, #tpu.memory_space<vmem>>) semaphore(%arg14 : memref<!tpu.dma_semaphore, #tpu.memory_space<semaphore_mem>>)
      %dma_start3A_254 = arith.constant 0 : i32
      %dma_start3A_255 = arith.constant 0 : i32
      %dma_start3A_256 = tpu.memref_slice %arg4[%dma_start3A_254, %dma_start3A_255] : memref<100000x16xf32, #tpu.memory_space<hbm>> -> memref<100000x16xf32, #tpu.memory_space<hbm>>
      tpu.enqueue_indirect_dma source(%dma_start3A_256 : memref<100000x16xf32, #tpu.memory_space<hbm>>) target(%arg10 : memref<128x16xf32, #tpu.memory_space<vmem>>) offsets(%arg6 : memref<128xi32, #tpu.memory_space<vmem>>) semaphore(%arg14 : memref<!tpu.dma_semaphore, #tpu.memory_space<semaphore_mem>>)
      %mul3A_257 = arith.constant 2 : i32
      %mul3A_258 = arith.muli %mul3A_257, %scan3A_216 : i32
      %add3A_259 = arith.constant 1 : i32
      %add3A_260 = arith.addi %mul3A_258, %add3A_259 : i32
      %dma_wait3A_261 = arith.constant 0 : i32
      %dma_wait3A_262 = arith.constant 0 : i32
      %dma_wait3A_263 = tpu.memref_slice %arg3[%dma_wait3A_261, %dma_wait3A_262] : memref<100000x128xi8, #tpu.memory_space<hbm>> -> memref<100000x128xi8, #tpu.memory_space<hbm>>
      tpu.wait_indirect_dma semaphore(%arg15 : memref<!tpu.dma_semaphore, #tpu.memory_space<semaphore_mem>>) src(%dma_wait3A_263 : memref<100000x128xi8, #tpu.memory_space<hbm>>) dst(%arg9 : memref<128x128xi8, #tpu.memory_space<vmem>>)
      %dma_wait3A_264 = arith.constant 0 : i32
      %dma_wait3A_265 = arith.constant 0 : i32
      %dma_wait3A_266 = tpu.memref_slice %arg4[%dma_wait3A_264, %dma_wait3A_265] : memref<100000x16xf32, #tpu.memory_space<hbm>> -> memref<100000x16xf32, #tpu.memory_space<hbm>>
      tpu.wait_indirect_dma semaphore(%arg15 : memref<!tpu.dma_semaphore, #tpu.memory_space<semaphore_mem>>) src(%dma_wait3A_266 : memref<100000x16xf32, #tpu.memory_space<hbm>>) dst(%arg11 : memref<128x16xf32, #tpu.memory_space<vmem>>)
      %sub3A_267 = arith.constant 2 : i32
      %sub3A_268 = arith.subi %add3A_260, %sub3A_267 : i32
      %mul3A_269 = arith.constant 128 : i32
      %mul3A_270 = arith.muli %sub3A_268, %mul3A_269 : i32
      %add3A_271 = arith.addi %mul3A_2, %mul3A_270 : i32
      %mul3A_272 = arith.constant 128 : i32
      %mul3A_273 = arith.muli %add3A_271, %mul3A_272 : i32
      %dma_wait3A_274 = tpu.memref_slice %arg5[%mul3A_273] : memref<26214400xf32, #tpu.memory_space<hbm>> -> memref<16384xf32, #tpu.memory_space<hbm>>
      %dma_wait3A_275 = tpu.memref_slice %arg5[%mul3A_273] : memref<26214400xf32, #tpu.memory_space<hbm>> -> memref<16384xf32, #tpu.memory_space<hbm>>
      tpu.wait_dma2 semaphore(%arg17 : memref<!tpu.dma_semaphore, #tpu.memory_space<semaphore_mem>>) src(%arg13 : memref<16384xf32, #tpu.memory_space<vmem>>) dst(%dma_wait3A_275 : memref<16384xf32, #tpu.memory_space<hbm>>)
      %parallel_loop3A_276 = arith.constant 0 : i32
      %parallel_loop3A_277 = arith.constant 128 : i32
      %parallel_loop3A_278 = arith.constant 1 : i32
      scf.for %parallel_loop3A_297 = %parallel_loop3A_276 to %parallel_loop3A_277 step %parallel_loop3A_278  : i32 {
        %parallel_loop3A_298 = arith.index_cast %parallel_loop3A_297 : i32 to index
        %parallel_loop3A_299 = arith.constant 0 : index
        %parallel_loop3A_300 = tpu.vector_load %arg11[%parallel_loop3A_298, %parallel_loop3A_299] {strides = array<i32>} : memref<128x16xf32, #tpu.memory_space<vmem>>, vector<16xf32>,
        %parallel_loop3A_301 = arith.constant 128 : i32
        %parallel_loop3A_302 = arith.muli %parallel_loop3A_297, %parallel_loop3A_301 : i32
        %parallel_loop3A_303 = vector.broadcast %parallel_loop3A_302 : i32 to vector<16xi32>
        %parallel_loop3A_304 = arith.index_cast %parallel_loop3A_297 : i32 to index
        %parallel_loop3A_305 = arith.constant 0 : index
        %parallel_loop3A_306 = tpu.vector_load %arg9[%parallel_loop3A_304, %parallel_loop3A_305] {strides = array<i32>} : memref<128x128xi8, #tpu.memory_space<vmem>>, vector<64xi8>,
        %parallel_loop3A_307 = vector.bitcast %parallel_loop3A_306 : vector<64xi8> to vector<16xi32>
        %parallel_loop3A_308 = arith.constant 0 : i32
        %parallel_loop3A_309 = vector.broadcast %parallel_loop3A_308 : i32 to vector<16xi32>
        %parallel_loop3A_310 = arith.addi %select_n3A, %parallel_loop3A_309 : vector<16xi32>
        %parallel_loop3A_311 = vector.shape_cast %parallel_loop3A_310 : vector<16xi32> to vector<16x1xi32>
        %parallel_loop3A_312 = vector.shape_cast %parallel_loop3A_311 : vector<16x1xi32> to vector<16xi32>
        %parallel_loop3A_313 = tpu.dynamic_gather %parallel_loop3A_300[%parallel_loop3A_312] in [0] : vector<16xf32>, vector<16xi32> -> vector<16xf32>
        %parallel_loop3A_314 = arith.constant 0 : i32
        %parallel_loop3A_315 = vector.broadcast %parallel_loop3A_314 : i32 to vector<16xi32>
        %parallel_loop3A_316 = arith.addi %select_n3A, %parallel_loop3A_315 : vector<16xi32>
        %parallel_loop3A_317 = arith.constant 4 : i32
        %parallel_loop3A_318 = vector.broadcast %parallel_loop3A_317 : i32 to vector<16xi32>
        %parallel_loop3A_319 = arith.addi %parallel_loop3A_316, %parallel_loop3A_318 : vector<16xi32>
        %parallel_loop3A_320 = vector.shape_cast %parallel_loop3A_319 : vector<16xi32> to vector<16x1xi32>
        %parallel_loop3A_321 = vector.shape_cast %parallel_loop3A_320 : vector<16x1xi32> to vector<16xi32>
        %parallel_loop3A_322 = tpu.dynamic_gather %parallel_loop3A_300[%parallel_loop3A_321] in [0] : vector<16xf32>, vector<16xi32> -> vector<16xf32>
        %parallel_loop3A_323 = arith.constant 24 : i32
        %parallel_loop3A_324 = vector.broadcast %parallel_loop3A_323 : i32 to vector<16xi32>
        %parallel_loop3A_325 = arith.shli %parallel_loop3A_307, %parallel_loop3A_324 : vector<16xi32>
        %parallel_loop3A_326 = arith.constant 24 : i32
        %parallel_loop3A_327 = vector.broadcast %parallel_loop3A_326 : i32 to vector<16xi32>
        %parallel_loop3A_328 = arith.shrsi %parallel_loop3A_325, %parallel_loop3A_327 : vector<16xi32>
        %parallel_loop3A_329 = arith.sitofp %parallel_loop3A_328 : vector<16xi32> to vector<16xf32>
        %parallel_loop3A_330 = arith.subf %parallel_loop3A_329, %parallel_loop3A_322 : vector<16xf32>
        %parallel_loop3A_331 = arith.mulf %parallel_loop3A_330, %parallel_loop3A_313 : vector<16xf32>
        %parallel_loop3A_332 = arith.addi %parallel_loop3A_303, %add3A_34 : vector<16xi32>
        tpu.vector_store_idx %arg13[%parallel_loop3A_332], %parallel_loop3A_331 : memref<16384xf32, #tpu.memory_space<vmem>>[vector<16xi32>], vector<16xf32>,
        %parallel_loop3A_333 = arith.constant 16 : i32
        %parallel_loop3A_334 = vector.broadcast %parallel_loop3A_333 : i32 to vector<16xi32>
        %parallel_loop3A_335 = arith.shli %parallel_loop3A_307, %parallel_loop3A_334 : vector<16xi32>
        %parallel_loop3A_336 = arith.constant 24 : i32
        %parallel_loop3A_337 = vector.broadcast %parallel_loop3A_336 : i32 to vector<16xi32>
        %parallel_loop3A_338 = arith.shrsi %parallel_loop3A_335, %parallel_loop3A_337 : vector<16xi32>
        %parallel_loop3A_339 = arith.sitofp %parallel_loop3A_338 : vector<16xi32> to vector<16xf32>
        %parallel_loop3A_340 = arith.subf %parallel_loop3A_339, %parallel_loop3A_322 : vector<16xf32>
        %parallel_loop3A_341 = arith.mulf %parallel_loop3A_340, %parallel_loop3A_313 : vector<16xf32>
        %parallel_loop3A_342 = arith.addi %parallel_loop3A_303, %add3A_43 : vector<16xi32>
        tpu.vector_store_idx %arg13[%parallel_loop3A_342], %parallel_loop3A_341 : memref<16384xf32, #tpu.memory_space<vmem>>[vector<16xi32>], vector<16xf32>,
        %parallel_loop3A_343 = arith.constant 8 : i32
        %parallel_loop3A_344 = vector.broadcast %parallel_loop3A_343 : i32 to vector<16xi32>
        %parallel_loop3A_345 = arith.shli %parallel_loop3A_307, %parallel_loop3A_344 : vector<16xi32>
        %parallel_loop3A_346 = arith.constant 24 : i32
        %parallel_loop3A_347 = vector.broadcast %parallel_loop3A_346 : i32 to vector<16xi32>
        %parallel_loop3A_348 = arith.shrsi %parallel_loop3A_345, %parallel_loop3A_347 : vector<16xi32>
        %parallel_loop3A_349 = arith.sitofp %parallel_loop3A_348 : vector<16xi32> to vector<16xf32>
        %parallel_loop3A_350 = arith.subf %parallel_loop3A_349, %parallel_loop3A_322 : vector<16xf32>
        %parallel_loop3A_351 = arith.mulf %parallel_loop3A_350, %parallel_loop3A_313 : vector<16xf32>
        %parallel_loop3A_352 = arith.addi %parallel_loop3A_303, %add3A_52 : vector<16xi32>
        tpu.vector_store_idx %arg13[%parallel_loop3A_352], %parallel_loop3A_351 : memref<16384xf32, #tpu.memory_space<vmem>>[vector<16xi32>], vector<16xf32>,
        %parallel_loop3A_353 = arith.constant 0 : i32
        %parallel_loop3A_354 = vector.broadcast %parallel_loop3A_353 : i32 to vector<16xi32>
        %parallel_loop3A_355 = arith.shli %parallel_loop3A_307, %parallel_loop3A_354 : vector<16xi32>
        %parallel_loop3A_356 = arith.constant 24 : i32
        %parallel_loop3A_357 = vector.broadcast %parallel_loop3A_356 : i32 to vector<16xi32>
        %parallel_loop3A_358 = arith.shrsi %parallel_loop3A_355, %parallel_loop3A_357 : vector<16xi32>
        %parallel_loop3A_359 = arith.sitofp %parallel_loop3A_358 : vector<16xi32> to vector<16xf32>
        %parallel_loop3A_360 = arith.subf %parallel_loop3A_359, %parallel_loop3A_322 : vector<16xf32>
        %parallel_loop3A_361 = arith.mulf %parallel_loop3A_360, %parallel_loop3A_313 : vector<16xf32>
        %parallel_loop3A_362 = arith.addi %parallel_loop3A_303, %add3A_61 : vector<16xi32>
        tpu.vector_store_idx %arg13[%parallel_loop3A_362], %parallel_loop3A_361 : memref<16384xf32, #tpu.memory_space<vmem>>[vector<16xi32>], vector<16xf32>,
        %parallel_loop3A_363 = arith.index_cast %parallel_loop3A_297 : i32 to index
        %parallel_loop3A_364 = arith.constant 64 : index
        %parallel_loop3A_365 = tpu.vector_load %arg9[%parallel_loop3A_363, %parallel_loop3A_364] {strides = array<i32>} : memref<128x128xi8, #tpu.memory_space<vmem>>, vector<64xi8>,
        %parallel_loop3A_366 = vector.bitcast %parallel_loop3A_365 : vector<64xi8> to vector<16xi32>
        %parallel_loop3A_367 = arith.constant 2 : i32
        %parallel_loop3A_368 = vector.broadcast %parallel_loop3A_367 : i32 to vector<16xi32>
        %parallel_loop3A_369 = arith.addi %select_n3A, %parallel_loop3A_368 : vector<16xi32>
        %parallel_loop3A_370 = vector.shape_cast %parallel_loop3A_369 : vector<16xi32> to vector<16x1xi32>
        %parallel_loop3A_371 = vector.shape_cast %parallel_loop3A_370 : vector<16x1xi32> to vector<16xi32>
        %parallel_loop3A_372 = tpu.dynamic_gather %parallel_loop3A_300[%parallel_loop3A_371] in [0] : vector<16xf32>, vector<16xi32> -> vector<16xf32>
        %parallel_loop3A_373 = arith.constant 2 : i32
        %parallel_loop3A_374 = vector.broadcast %parallel_loop3A_373 : i32 to vector<16xi32>
        %parallel_loop3A_375 = arith.addi %select_n3A, %parallel_loop3A_374 : vector<16xi32>
        %parallel_loop3A_376 = arith.constant 4 : i32
        %parallel_loop3A_377 = vector.broadcast %parallel_loop3A_376 : i32 to vector<16xi32>
        %parallel_loop3A_378 = arith.addi %parallel_loop3A_375, %parallel_loop3A_377 : vector<16xi32>
        %parallel_loop3A_379 = vector.shape_cast %parallel_loop3A_378 : vector<16xi32> to vector<16x1xi32>
        %parallel_loop3A_380 = vector.shape_cast %parallel_loop3A_379 : vector<16x1xi32> to vector<16xi32>
        %parallel_loop3A_381 = tpu.dynamic_gather %parallel_loop3A_300[%parallel_loop3A_380] in [0] : vector<16xf32>, vector<16xi32> -> vector<16xf32>
        %parallel_loop3A_382 = arith.constant 24 : i32
        %parallel_loop3A_383 = vector.broadcast %parallel_loop3A_382 : i32 to vector<16xi32>
        %parallel_loop3A_384 = arith.shli %parallel_loop3A_366, %parallel_loop3A_383 : vector<16xi32>
        %parallel_loop3A_385 = arith.constant 24 : i32
        %parallel_loop3A_386 = vector.broadcast %parallel_loop3A_385 : i32 to vector<16xi32>
        %parallel_loop3A_387 = arith.shrsi %parallel_loop3A_384, %parallel_loop3A_386 : vector<16xi32>
        %parallel_loop3A_388 = arith.sitofp %parallel_loop3A_387 : vector<16xi32> to vector<16xf32>
        %parallel_loop3A_389 = arith.subf %parallel_loop3A_388, %parallel_loop3A_381 : vector<16xf32>
        %parallel_loop3A_390 = arith.mulf %parallel_loop3A_389, %parallel_loop3A_372 : vector<16xf32>
        %parallel_loop3A_391 = arith.addi %parallel_loop3A_303, %add3A_70 : vector<16xi32>
        tpu.vector_store_idx %arg13[%parallel_loop3A_391], %parallel_loop3A_390 : memref<16384xf32, #tpu.memory_space<vmem>>[vector<16xi32>], vector<16xf32>,
        %parallel_loop3A_392 = arith.constant 16 : i32
        %parallel_loop3A_393 = vector.broadcast %parallel_loop3A_392 : i32 to vector<16xi32>
        %parallel_loop3A_394 = arith.shli %parallel_loop3A_366, %parallel_loop3A_393 : vector<16xi32>
        %parallel_loop3A_395 = arith.constant 24 : i32
        %parallel_loop3A_396 = vector.broadcast %parallel_loop3A_395 : i32 to vector<16xi32>
        %parallel_loop3A_397 = arith.shrsi %parallel_loop3A_394, %parallel_loop3A_396 : vector<16xi32>
        %parallel_loop3A_398 = arith.sitofp %parallel_loop3A_397 : vector<16xi32> to vector<16xf32>
        %parallel_loop3A_399 = arith.subf %parallel_loop3A_398, %parallel_loop3A_381 : vector<16xf32>
        %parallel_loop3A_400 = arith.mulf %parallel_loop3A_399, %parallel_loop3A_372 : vector<16xf32>
        %parallel_loop3A_401 = arith.addi %parallel_loop3A_303, %add3A_79 : vector<16xi32>
        tpu.vector_store_idx %arg13[%parallel_loop3A_401], %parallel_loop3A_400 : memref<16384xf32, #tpu.memory_space<vmem>>[vector<16xi32>], vector<16xf32>,
        %parallel_loop3A_402 = arith.constant 8 : i32
        %parallel_loop3A_403 = vector.broadcast %parallel_loop3A_402 : i32 to vector<16xi32>
        %parallel_loop3A_404 = arith.shli %parallel_loop3A_366, %parallel_loop3A_403 : vector<16xi32>
        %parallel_loop3A_405 = arith.constant 24 : i32
        %parallel_loop3A_406 = vector.broadcast %parallel_loop3A_405 : i32 to vector<16xi32>
        %parallel_loop3A_407 = arith.shrsi %parallel_loop3A_404, %parallel_loop3A_406 : vector<16xi32>
        %parallel_loop3A_408 = arith.sitofp %parallel_loop3A_407 : vector<16xi32> to vector<16xf32>
        %parallel_loop3A_409 = arith.subf %parallel_loop3A_408, %parallel_loop3A_381 : vector<16xf32>
        %parallel_loop3A_410 = arith.mulf %parallel_loop3A_409, %parallel_loop3A_372 : vector<16xf32>
        %parallel_loop3A_411 = arith.addi %parallel_loop3A_303, %add3A_88 : vector<16xi32>
        tpu.vector_store_idx %arg13[%parallel_loop3A_411], %parallel_loop3A_410 : memref<16384xf32, #tpu.memory_space<vmem>>[vector<16xi32>], vector<16xf32>,
        %parallel_loop3A_412 = arith.constant 0 : i32
        %parallel_loop3A_413 = vector.broadcast %parallel_loop3A_412 : i32 to vector<16xi32>
        %parallel_loop3A_414 = arith.shli %parallel_loop3A_366, %parallel_loop3A_413 : vector<16xi32>
        %parallel_loop3A_415 = arith.constant 24 : i32
        %parallel_loop3A_416 = vector.broadcast %parallel_loop3A_415 : i32 to vector<16xi32>
        %parallel_loop3A_417 = arith.shrsi %parallel_loop3A_414, %parallel_loop3A_416 : vector<16xi32>
        %parallel_loop3A_418 = arith.sitofp %parallel_loop3A_417 : vector<16xi32> to vector<16xf32>
        %parallel_loop3A_419 = arith.subf %parallel_loop3A_418, %parallel_loop3A_381 : vector<16xf32>
        %parallel_loop3A_420 = arith.mulf %parallel_loop3A_419, %parallel_loop3A_372 : vector<16xf32>
        %parallel_loop3A_421 = arith.addi %parallel_loop3A_303, %add3A_97 : vector<16xi32>
        tpu.vector_store_idx %arg13[%parallel_loop3A_421], %parallel_loop3A_420 : memref<16384xf32, #tpu.memory_space<vmem>>[vector<16xi32>], vector<16xf32>,
      } {sc.loop_unroll_factor = 8 : i64, sc.parallel_access}
      %mul3A_279 = arith.constant 128 : i32
      %mul3A_280 = arith.muli %add3A_260, %mul3A_279 : i32
      %add3A_281 = arith.addi %mul3A_2, %mul3A_280 : i32
      %mul3A_282 = arith.constant 128 : i32
      %mul3A_283 = arith.muli %add3A_281, %mul3A_282 : i32
      %dma_start3A_284 = tpu.memref_slice %arg5[%mul3A_283] : memref<26214400xf32, #tpu.memory_space<hbm>> -> memref<16384xf32, #tpu.memory_space<hbm>>
      %dma_start3A_285 = tpu.memref_slice %arg5[%mul3A_283] : memref<26214400xf32, #tpu.memory_space<hbm>> -> memref<16384xf32, #tpu.memory_space<hbm>>
      tpu.enqueue_dma source(%arg13 : memref<16384xf32, #tpu.memory_space<vmem>>) target(%dma_start3A_285 : memref<16384xf32, #tpu.memory_space<hbm>>) target_semaphore(%arg17 : memref<!tpu.dma_semaphore, #tpu.memory_space<semaphore_mem>>)
      %add3A_286 = arith.constant 2 : i32
      %add3A_287 = arith.addi %add3A_260, %add3A_286 : i32
      %mul3A_288 = arith.constant 128 : i32
      %mul3A_289 = arith.muli %add3A_287, %mul3A_288 : i32
      %add3A_290 = arith.addi %mul3A_2, %mul3A_289 : i32
      "tpu.region"() ({
        %run_scoped3A = tpu.sem_alloc : memref<!tpu.dma_semaphore, #tpu.memory_space<semaphore_mem>>
        %dma_start3A_297 = tpu.memref_slice %arg2[%add3A_290] : memref<204800xi32, #tpu.memory_space<hbm>> -> memref<128xi32, #tpu.memory_space<hbm>>
        %dma_start3A_298 = tpu.memref_slice %arg2[%add3A_290] : memref<204800xi32, #tpu.memory_space<hbm>> -> memref<128xi32, #tpu.memory_space<hbm>>
        tpu.enqueue_dma source(%dma_start3A_298 : memref<128xi32, #tpu.memory_space<hbm>>) target(%arg7 : memref<128xi32, #tpu.memory_space<vmem>>) target_semaphore(%run_scoped3A : memref<!tpu.dma_semaphore, #tpu.memory_space<semaphore_mem>>)
        %dma_wait3A_299 = tpu.memref_slice %arg2[%add3A_290] : memref<204800xi32, #tpu.memory_space<hbm>> -> memref<128xi32, #tpu.memory_space<hbm>>
        %dma_wait3A_300 = tpu.memref_slice %arg2[%add3A_290] : memref<204800xi32, #tpu.memory_space<hbm>> -> memref<128xi32, #tpu.memory_space<hbm>>
        tpu.wait_dma2 semaphore(%run_scoped3A : memref<!tpu.dma_semaphore, #tpu.memory_space<semaphore_mem>>) src(%dma_wait3A_300 : memref<128xi32, #tpu.memory_space<hbm>>) dst(%arg7 : memref<128xi32, #tpu.memory_space<vmem>>)
        tpu.yield
      }) : () -> ()
      %dma_start3A_291 = arith.constant 0 : i32
      %dma_start3A_292 = arith.constant 0 : i32
      %dma_start3A_293 = tpu.memref_slice %arg3[%dma_start3A_291, %dma_start3A_292] : memref<100000x128xi8, #tpu.memory_space<hbm>> -> memref<100000x128xi8, #tpu.memory_space<hbm>>
      tpu.enqueue_indirect_dma source(%dma_start3A_293 : memref<100000x128xi8, #tpu.memory_space<hbm>>) target(%arg9 : memref<128x128xi8, #tpu.memory_space<vmem>>) offsets(%arg7 : memref<128xi32, #tpu.memory_space<vmem>>) semaphore(%arg15 : memref<!tpu.dma_semaphore, #tpu.memory_space<semaphore_mem>>)
      %dma_start3A_294 = arith.constant 0 : i32
      %dma_start3A_295 = arith.constant 0 : i32
      %dma_start3A_296 = tpu.memref_slice %arg4[%dma_start3A_294, %dma_start3A_295] : memref<100000x16xf32, #tpu.memory_space<hbm>> -> memref<100000x16xf32, #tpu.memory_space<hbm>>
      tpu.enqueue_indirect_dma source(%dma_start3A_296 : memref<100000x16xf32, #tpu.memory_space<hbm>>) target(%arg11 : memref<128x16xf32, #tpu.memory_space<vmem>>) offsets(%arg7 : memref<128xi32, #tpu.memory_space<vmem>>) semaphore(%arg15 : memref<!tpu.dma_semaphore, #tpu.memory_space<semaphore_mem>>)
    }
    %scan3A_161 = arith.constant 23 : i32
    %dma_wait3A_162 = arith.constant 0 : i32
    %dma_wait3A_163 = arith.constant 0 : i32
    %dma_wait3A_164 = tpu.memref_slice %arg3[%dma_wait3A_162, %dma_wait3A_163] : memref<100000x128xi8, #tpu.memory_space<hbm>> -> memref<100000x128xi8, #tpu.memory_space<hbm>>
    tpu.wait_indirect_dma semaphore(%arg14 : memref<!tpu.dma_semaphore, #tpu.memory_space<semaphore_mem>>) src(%dma_wait3A_164 : memref<100000x128xi8, #tpu.memory_space<hbm>>) dst(%arg8 : memref<128x128xi8, #tpu.memory_space<vmem>>)
    %dma_wait3A_165 = arith.constant 0 : i32
    %dma_wait3A_166 = arith.constant 0 : i32
    %dma_wait3A_167 = tpu.memref_slice %arg4[%dma_wait3A_165, %dma_wait3A_166] : memref<100000x16xf32, #tpu.memory_space<hbm>> -> memref<100000x16xf32, #tpu.memory_space<hbm>>
    tpu.wait_indirect_dma semaphore(%arg14 : memref<!tpu.dma_semaphore, #tpu.memory_space<semaphore_mem>>) src(%dma_wait3A_167 : memref<100000x16xf32, #tpu.memory_space<hbm>>) dst(%arg10 : memref<128x16xf32, #tpu.memory_space<vmem>>)
    %add3A_168 = arith.constant 5888 : i32
    %add3A_169 = arith.addi %mul3A_2, %add3A_168 : i32
    %mul3A_170 = arith.constant 128 : i32
    %mul3A_171 = arith.muli %add3A_169, %mul3A_170 : i32
    %dma_wait3A_172 = tpu.memref_slice %arg5[%mul3A_171] : memref<26214400xf32, #tpu.memory_space<hbm>> -> memref<16384xf32, #tpu.memory_space<hbm>>
    %dma_wait3A_173 = tpu.memref_slice %arg5[%mul3A_171] : memref<26214400xf32, #tpu.memory_space<hbm>> -> memref<16384xf32, #tpu.memory_space<hbm>>
    tpu.wait_dma2 semaphore(%arg16 : memref<!tpu.dma_semaphore, #tpu.memory_space<semaphore_mem>>) src(%arg12 : memref<16384xf32, #tpu.memory_space<vmem>>) dst(%dma_wait3A_173 : memref<16384xf32, #tpu.memory_space<hbm>>)
    %parallel_loop3A_174 = arith.constant 0 : i32
    %parallel_loop3A_175 = arith.constant 128 : i32
    %parallel_loop3A_176 = arith.constant 1 : i32
    scf.for %parallel_loop3A_216 = %parallel_loop3A_174 to %parallel_loop3A_175 step %parallel_loop3A_176  : i32 {
      %parallel_loop3A_217 = arith.index_cast %parallel_loop3A_216 : i32 to index
      %parallel_loop3A_218 = arith.constant 0 : index
      %parallel_loop3A_219 = tpu.vector_load %arg10[%parallel_loop3A_217, %parallel_loop3A_218] {strides = array<i32>} : memref<128x16xf32, #tpu.memory_space<vmem>>, vector<16xf32>,
      %parallel_loop3A_220 = arith.constant 128 : i32
      %parallel_loop3A_221 = arith.muli %parallel_loop3A_216, %parallel_loop3A_220 : i32
      %parallel_loop3A_222 = vector.broadcast %parallel_loop3A_221 : i32 to vector<16xi32>
      %parallel_loop3A_223 = arith.index_cast %parallel_loop3A_216 : i32 to index
      %parallel_loop3A_224 = arith.constant 0 : index
      %parallel_loop3A_225 = tpu.vector_load %arg8[%parallel_loop3A_223, %parallel_loop3A_224] {strides = array<i32>} : memref<128x128xi8, #tpu.memory_space<vmem>>, vector<64xi8>,
      %parallel_loop3A_226 = vector.bitcast %parallel_loop3A_225 : vector<64xi8> to vector<16xi32>
      %parallel_loop3A_227 = arith.constant 0 : i32
      %parallel_loop3A_228 = vector.broadcast %parallel_loop3A_227 : i32 to vector<16xi32>
      %parallel_loop3A_229 = arith.addi %select_n3A, %parallel_loop3A_228 : vector<16xi32>
      %parallel_loop3A_230 = vector.shape_cast %parallel_loop3A_229 : vector<16xi32> to vector<16x1xi32>
      %parallel_loop3A_231 = vector.shape_cast %parallel_loop3A_230 : vector<16x1xi32> to vector<16xi32>
      %parallel_loop3A_232 = tpu.dynamic_gather %parallel_loop3A_219[%parallel_loop3A_231] in [0] : vector<16xf32>, vector<16xi32> -> vector<16xf32>
      %parallel_loop3A_233 = arith.constant 0 : i32
      %parallel_loop3A_234 = vector.broadcast %parallel_loop3A_233 : i32 to vector<16xi32>
      %parallel_loop3A_235 = arith.addi %select_n3A, %parallel_loop3A_234 : vector<16xi32>
      %parallel_loop3A_236 = arith.constant 4 : i32
      %parallel_loop3A_237 = vector.broadcast %parallel_loop3A_236 : i32 to vector<16xi32>
      %parallel_loop3A_238 = arith.addi %parallel_loop3A_235, %parallel_loop3A_237 : vector<16xi32>
      %parallel_loop3A_239 = vector.shape_cast %parallel_loop3A_238 : vector<16xi32> to vector<16x1xi32>
      %parallel_loop3A_240 = vector.shape_cast %parallel_loop3A_239 : vector<16x1xi32> to vector<16xi32>
      %parallel_loop3A_241 = tpu.dynamic_gather %parallel_loop3A_219[%parallel_loop3A_240] in [0] : vector<16xf32>, vector<16xi32> -> vector<16xf32>
      %parallel_loop3A_242 = arith.constant 24 : i32
      %parallel_loop3A_243 = vector.broadcast %parallel_loop3A_242 : i32 to vector<16xi32>
      %parallel_loop3A_244 = arith.shli %parallel_loop3A_226, %parallel_loop3A_243 : vector<16xi32>
      %parallel_loop3A_245 = arith.constant 24 : i32
      %parallel_loop3A_246 = vector.broadcast %parallel_loop3A_245 : i32 to vector<16xi32>
      %parallel_loop3A_247 = arith.shrsi %parallel_loop3A_244, %parallel_loop3A_246 : vector<16xi32>
      %parallel_loop3A_248 = arith.sitofp %parallel_loop3A_247 : vector<16xi32> to vector<16xf32>
      %parallel_loop3A_249 = arith.subf %parallel_loop3A_248, %parallel_loop3A_241 : vector<16xf32>
      %parallel_loop3A_250 = arith.mulf %parallel_loop3A_249, %parallel_loop3A_232 : vector<16xf32>
      %parallel_loop3A_251 = arith.addi %parallel_loop3A_222, %add3A_34 : vector<16xi32>
      tpu.vector_store_idx %arg12[%parallel_loop3A_251], %parallel_loop3A_250 : memref<16384xf32, #tpu.memory_space<vmem>>[vector<16xi32>], vector<16xf32>,
      %parallel_loop3A_252 = arith.constant 16 : i32
      %parallel_loop3A_253 = vector.broadcast %parallel_loop3A_252 : i32 to vector<16xi32>
      %parallel_loop3A_254 = arith.shli %parallel_loop3A_226, %parallel_loop3A_253 : vector<16xi32>
      %parallel_loop3A_255 = arith.constant 24 : i32
      %parallel_loop3A_256 = vector.broadcast %parallel_loop3A_255 : i32 to vector<16xi32>
      %parallel_loop3A_257 = arith.shrsi %parallel_loop3A_254, %parallel_loop3A_256 : vector<16xi32>
      %parallel_loop3A_258 = arith.sitofp %parallel_loop3A_257 : vector<16xi32> to vector<16xf32>
      %parallel_loop3A_259 = arith.subf %parallel_loop3A_258, %parallel_loop3A_241 : vector<16xf32>
      %parallel_loop3A_260 = arith.mulf %parallel_loop3A_259, %parallel_loop3A_232 : vector<16xf32>
      %parallel_loop3A_261 = arith.addi %parallel_loop3A_222, %add3A_43 : vector<16xi32>
      tpu.vector_store_idx %arg12[%parallel_loop3A_261], %parallel_loop3A_260 : memref<16384xf32, #tpu.memory_space<vmem>>[vector<16xi32>], vector<16xf32>,
      %parallel_loop3A_262 = arith.constant 8 : i32
      %parallel_loop3A_263 = vector.broadcast %parallel_loop3A_262 : i32 to vector<16xi32>
      %parallel_loop3A_264 = arith.shli %parallel_loop3A_226, %parallel_loop3A_263 : vector<16xi32>
      %parallel_loop3A_265 = arith.constant 24 : i32
      %parallel_loop3A_266 = vector.broadcast %parallel_loop3A_265 : i32 to vector<16xi32>
      %parallel_loop3A_267 = arith.shrsi %parallel_loop3A_264, %parallel_loop3A_266 : vector<16xi32>
      %parallel_loop3A_268 = arith.sitofp %parallel_loop3A_267 : vector<16xi32> to vector<16xf32>
      %parallel_loop3A_269 = arith.subf %parallel_loop3A_268, %parallel_loop3A_241 : vector<16xf32>
      %parallel_loop3A_270 = arith.mulf %parallel_loop3A_269, %parallel_loop3A_232 : vector<16xf32>
      %parallel_loop3A_271 = arith.addi %parallel_loop3A_222, %add3A_52 : vector<16xi32>
      tpu.vector_store_idx %arg12[%parallel_loop3A_271], %parallel_loop3A_270 : memref<16384xf32, #tpu.memory_space<vmem>>[vector<16xi32>], vector<16xf32>,
      %parallel_loop3A_272 = arith.constant 0 : i32
      %parallel_loop3A_273 = vector.broadcast %parallel_loop3A_272 : i32 to vector<16xi32>
      %parallel_loop3A_274 = arith.shli %parallel_loop3A_226, %parallel_loop3A_273 : vector<16xi32>
      %parallel_loop3A_275 = arith.constant 24 : i32
      %parallel_loop3A_276 = vector.broadcast %parallel_loop3A_275 : i32 to vector<16xi32>
      %parallel_loop3A_277 = arith.shrsi %parallel_loop3A_274, %parallel_loop3A_276 : vector<16xi32>
      %parallel_loop3A_278 = arith.sitofp %parallel_loop3A_277 : vector<16xi32> to vector<16xf32>
      %parallel_loop3A_279 = arith.subf %parallel_loop3A_278, %parallel_loop3A_241 : vector<16xf32>
      %parallel_loop3A_280 = arith.mulf %parallel_loop3A_279, %parallel_loop3A_232 : vector<16xf32>
      %parallel_loop3A_281 = arith.addi %parallel_loop3A_222, %add3A_61 : vector<16xi32>
      tpu.vector_store_idx %arg12[%parallel_loop3A_281], %parallel_loop3A_280 : memref<16384xf32, #tpu.memory_space<vmem>>[vector<16xi32>], vector<16xf32>,
      %parallel_loop3A_282 = arith.index_cast %parallel_loop3A_216 : i32 to index
      %parallel_loop3A_283 = arith.constant 64 : index
      %parallel_loop3A_284 = tpu.vector_load %arg8[%parallel_loop3A_282, %parallel_loop3A_283] {strides = array<i32>} : memref<128x128xi8, #tpu.memory_space<vmem>>, vector<64xi8>,
      %parallel_loop3A_285 = vector.bitcast %parallel_loop3A_284 : vector<64xi8> to vector<16xi32>
      %parallel_loop3A_286 = arith.constant 2 : i32
      %parallel_loop3A_287 = vector.broadcast %parallel_loop3A_286 : i32 to vector<16xi32>
      %parallel_loop3A_288 = arith.addi %select_n3A, %parallel_loop3A_287 : vector<16xi32>
      %parallel_loop3A_289 = vector.shape_cast %parallel_loop3A_288 : vector<16xi32> to vector<16x1xi32>
      %parallel_loop3A_290 = vector.shape_cast %parallel_loop3A_289 : vector<16x1xi32> to vector<16xi32>
      %parallel_loop3A_291 = tpu.dynamic_gather %parallel_loop3A_219[%parallel_loop3A_290] in [0] : vector<16xf32>, vector<16xi32> -> vector<16xf32>
      %parallel_loop3A_292 = arith.constant 2 : i32
      %parallel_loop3A_293 = vector.broadcast %parallel_loop3A_292 : i32 to vector<16xi32>
      %parallel_loop3A_294 = arith.addi %select_n3A, %parallel_loop3A_293 : vector<16xi32>
      %parallel_loop3A_295 = arith.constant 4 : i32
      %parallel_loop3A_296 = vector.broadcast %parallel_loop3A_295 : i32 to vector<16xi32>
      %parallel_loop3A_297 = arith.addi %parallel_loop3A_294, %parallel_loop3A_296 : vector<16xi32>
      %parallel_loop3A_298 = vector.shape_cast %parallel_loop3A_297 : vector<16xi32> to vector<16x1xi32>
      %parallel_loop3A_299 = vector.shape_cast %parallel_loop3A_298 : vector<16x1xi32> to vector<16xi32>
      %parallel_loop3A_300 = tpu.dynamic_gather %parallel_loop3A_219[%parallel_loop3A_299] in [0] : vector<16xf32>, vector<16xi32> -> vector<16xf32>
      %parallel_loop3A_301 = arith.constant 24 : i32
      %parallel_loop3A_302 = vector.broadcast %parallel_loop3A_301 : i32 to vector<16xi32>
      %parallel_loop3A_303 = arith.shli %parallel_loop3A_285, %parallel_loop3A_302 : vector<16xi32>
      %parallel_loop3A_304 = arith.constant 24 : i32
      %parallel_loop3A_305 = vector.broadcast %parallel_loop3A_304 : i32 to vector<16xi32>
      %parallel_loop3A_306 = arith.shrsi %parallel_loop3A_303, %parallel_loop3A_305 : vector<16xi32>
      %parallel_loop3A_307 = arith.sitofp %parallel_loop3A_306 : vector<16xi32> to vector<16xf32>
      %parallel_loop3A_308 = arith.subf %parallel_loop3A_307, %parallel_loop3A_300 : vector<16xf32>
      %parallel_loop3A_309 = arith.mulf %parallel_loop3A_308, %parallel_loop3A_291 : vector<16xf32>
      %parallel_loop3A_310 = arith.addi %parallel_loop3A_222, %add3A_70 : vector<16xi32>
      tpu.vector_store_idx %arg12[%parallel_loop3A_310], %parallel_loop3A_309 : memref<16384xf32, #tpu.memory_space<vmem>>[vector<16xi32>], vector<16xf32>,
      %parallel_loop3A_311 = arith.constant 16 : i32
      %parallel_loop3A_312 = vector.broadcast %parallel_loop3A_311 : i32 to vector<16xi32>
      %parallel_loop3A_313 = arith.shli %parallel_loop3A_285, %parallel_loop3A_312 : vector<16xi32>
      %parallel_loop3A_314 = arith.constant 24 : i32
      %parallel_loop3A_315 = vector.broadcast %parallel_loop3A_314 : i32 to vector<16xi32>
      %parallel_loop3A_316 = arith.shrsi %parallel_loop3A_313, %parallel_loop3A_315 : vector<16xi32>
      %parallel_loop3A_317 = arith.sitofp %parallel_loop3A_316 : vector<16xi32> to vector<16xf32>
      %parallel_loop3A_318 = arith.subf %parallel_loop3A_317, %parallel_loop3A_300 : vector<16xf32>
      %parallel_loop3A_319 = arith.mulf %parallel_loop3A_318, %parallel_loop3A_291 : vector<16xf32>
      %parallel_loop3A_320 = arith.addi %parallel_loop3A_222, %add3A_79 : vector<16xi32>
      tpu.vector_store_idx %arg12[%parallel_loop3A_320], %parallel_loop3A_319 : memref<16384xf32, #tpu.memory_space<vmem>>[vector<16xi32>], vector<16xf32>,
      %parallel_loop3A_321 = arith.constant 8 : i32
      %parallel_loop3A_322 = vector.broadcast %parallel_loop3A_321 : i32 to vector<16xi32>
      %parallel_loop3A_323 = arith.shli %parallel_loop3A_285, %parallel_loop3A_322 : vector<16xi32>
      %parallel_loop3A_324 = arith.constant 24 : i32
      %parallel_loop3A_325 = vector.broadcast %parallel_loop3A_324 : i32 to vector<16xi32>
      %parallel_loop3A_326 = arith.shrsi %parallel_loop3A_323, %parallel_loop3A_325 : vector<16xi32>
      %parallel_loop3A_327 = arith.sitofp %parallel_loop3A_326 : vector<16xi32> to vector<16xf32>
      %parallel_loop3A_328 = arith.subf %parallel_loop3A_327, %parallel_loop3A_300 : vector<16xf32>
      %parallel_loop3A_329 = arith.mulf %parallel_loop3A_328, %parallel_loop3A_291 : vector<16xf32>
      %parallel_loop3A_330 = arith.addi %parallel_loop3A_222, %add3A_88 : vector<16xi32>
      tpu.vector_store_idx %arg12[%parallel_loop3A_330], %parallel_loop3A_329 : memref<16384xf32, #tpu.memory_space<vmem>>[vector<16xi32>], vector<16xf32>,
      %parallel_loop3A_331 = arith.constant 0 : i32
      %parallel_loop3A_332 = vector.broadcast %parallel_loop3A_331 : i32 to vector<16xi32>
      %parallel_loop3A_333 = arith.shli %parallel_loop3A_285, %parallel_loop3A_332 : vector<16xi32>
      %parallel_loop3A_334 = arith.constant 24 : i32
      %parallel_loop3A_335 = vector.broadcast %parallel_loop3A_334 : i32 to vector<16xi32>
      %parallel_loop3A_336 = arith.shrsi %parallel_loop3A_333, %parallel_loop3A_335 : vector<16xi32>
      %parallel_loop3A_337 = arith.sitofp %parallel_loop3A_336 : vector<16xi32> to vector<16xf32>
      %parallel_loop3A_338 = arith.subf %parallel_loop3A_337, %parallel_loop3A_300 : vector<16xf32>
      %parallel_loop3A_339 = arith.mulf %parallel_loop3A_338, %parallel_loop3A_291 : vector<16xf32>
      %parallel_loop3A_340 = arith.addi %parallel_loop3A_222, %add3A_97 : vector<16xi32>
      tpu.vector_store_idx %arg12[%parallel_loop3A_340], %parallel_loop3A_339 : memref<16384xf32, #tpu.memory_space<vmem>>[vector<16xi32>], vector<16xf32>,
    } {sc.loop_unroll_factor = 8 : i64, sc.parallel_access}
    %add3A_177 = arith.constant 6144 : i32
    %add3A_178 = arith.addi %mul3A_2, %add3A_177 : i32
    %mul3A_179 = arith.constant 128 : i32
    %mul3A_180 = arith.muli %add3A_178, %mul3A_179 : i32
    %dma_start3A_181 = tpu.memref_slice %arg5[%mul3A_180] : memref<26214400xf32, #tpu.memory_space<hbm>> -> memref<16384xf32, #tpu.memory_space<hbm>>
    %dma_start3A_182 = tpu.memref_slice %arg5[%mul3A_180] : memref<26214400xf32, #tpu.memory_space<hbm>> -> memref<16384xf32, #tpu.memory_space<hbm>>
    tpu.enqueue_dma source(%arg12 : memref<16384xf32, #tpu.memory_space<vmem>>) target(%dma_start3A_182 : memref<16384xf32, #tpu.memory_space<hbm>>) target_semaphore(%arg16 : memref<!tpu.dma_semaphore, #tpu.memory_space<semaphore_mem>>)
    %dma_wait3A_183 = arith.constant 0 : i32
    %dma_wait3A_184 = arith.constant 0 : i32
    %dma_wait3A_185 = tpu.memref_slice %arg3[%dma_wait3A_183, %dma_wait3A_184] : memref<100000x128xi8, #tpu.memory_space<hbm>> -> memref<100000x128xi8, #tpu.memory_space<hbm>>
    tpu.wait_indirect_dma semaphore(%arg15 : memref<!tpu.dma_semaphore, #tpu.memory_space<semaphore_mem>>) src(%dma_wait3A_185 : memref<100000x128xi8, #tpu.memory_space<hbm>>) dst(%arg9 : memref<128x128xi8, #tpu.memory_space<vmem>>)
    %dma_wait3A_186 = arith.constant 0 : i32
    %dma_wait3A_187 = arith.constant 0 : i32
    %dma_wait3A_188 = tpu.memref_slice %arg4[%dma_wait3A_186, %dma_wait3A_187] : memref<100000x16xf32, #tpu.memory_space<hbm>> -> memref<100000x16xf32, #tpu.memory_space<hbm>>
    tpu.wait_indirect_dma semaphore(%arg15 : memref<!tpu.dma_semaphore, #tpu.memory_space<semaphore_mem>>) src(%dma_wait3A_188 : memref<100000x16xf32, #tpu.memory_space<hbm>>) dst(%arg11 : memref<128x16xf32, #tpu.memory_space<vmem>>)
    %add3A_189 = arith.constant 6016 : i32
    %add3A_190 = arith.addi %mul3A_2, %add3A_189 : i32
    %mul3A_191 = arith.constant 128 : i32
    %mul3A_192 = arith.muli %add3A_190, %mul3A_191 : i32
    %dma_wait3A_193 = tpu.memref_slice %arg5[%mul3A_192] : memref<26214400xf32, #tpu.memory_space<hbm>> -> memref<16384xf32, #tpu.memory_space<hbm>>
    %dma_wait3A_194 = tpu.memref_slice %arg5[%mul3A_192] : memref<26214400xf32, #tpu.memory_space<hbm>> -> memref<16384xf32, #tpu.memory_space<hbm>>
    tpu.wait_dma2 semaphore(%arg17 : memref<!tpu.dma_semaphore, #tpu.memory_space<semaphore_mem>>) src(%arg13 : memref<16384xf32, #tpu.memory_space<vmem>>) dst(%dma_wait3A_194 : memref<16384xf32, #tpu.memory_space<hbm>>)
    %parallel_loop3A_195 = arith.constant 0 : i32
    %parallel_loop3A_196 = arith.constant 128 : i32
    %parallel_loop3A_197 = arith.constant 1 : i32
    scf.for %parallel_loop3A_216 = %parallel_loop3A_195 to %parallel_loop3A_196 step %parallel_loop3A_197  : i32 {
      %parallel_loop3A_217 = arith.index_cast %parallel_loop3A_216 : i32 to index
      %parallel_loop3A_218 = arith.constant 0 : index
      %parallel_loop3A_219 = tpu.vector_load %arg11[%parallel_loop3A_217, %parallel_loop3A_218] {strides = array<i32>} : memref<128x16xf32, #tpu.memory_space<vmem>>, vector<16xf32>,
      %parallel_loop3A_220 = arith.constant 128 : i32
      %parallel_loop3A_221 = arith.muli %parallel_loop3A_216, %parallel_loop3A_220 : i32
      %parallel_loop3A_222 = vector.broadcast %parallel_loop3A_221 : i32 to vector<16xi32>
      %parallel_loop3A_223 = arith.index_cast %parallel_loop3A_216 : i32 to index
      %parallel_loop3A_224 = arith.constant 0 : index
      %parallel_loop3A_225 = tpu.vector_load %arg9[%parallel_loop3A_223, %parallel_loop3A_224] {strides = array<i32>} : memref<128x128xi8, #tpu.memory_space<vmem>>, vector<64xi8>,
      %parallel_loop3A_226 = vector.bitcast %parallel_loop3A_225 : vector<64xi8> to vector<16xi32>
      %parallel_loop3A_227 = arith.constant 0 : i32
      %parallel_loop3A_228 = vector.broadcast %parallel_loop3A_227 : i32 to vector<16xi32>
      %parallel_loop3A_229 = arith.addi %select_n3A, %parallel_loop3A_228 : vector<16xi32>
      %parallel_loop3A_230 = vector.shape_cast %parallel_loop3A_229 : vector<16xi32> to vector<16x1xi32>
      %parallel_loop3A_231 = vector.shape_cast %parallel_loop3A_230 : vector<16x1xi32> to vector<16xi32>
      %parallel_loop3A_232 = tpu.dynamic_gather %parallel_loop3A_219[%parallel_loop3A_231] in [0] : vector<16xf32>, vector<16xi32> -> vector<16xf32>
      %parallel_loop3A_233 = arith.constant 0 : i32
      %parallel_loop3A_234 = vector.broadcast %parallel_loop3A_233 : i32 to vector<16xi32>
      %parallel_loop3A_235 = arith.addi %select_n3A, %parallel_loop3A_234 : vector<16xi32>
      %parallel_loop3A_236 = arith.constant 4 : i32
      %parallel_loop3A_237 = vector.broadcast %parallel_loop3A_236 : i32 to vector<16xi32>
      %parallel_loop3A_238 = arith.addi %parallel_loop3A_235, %parallel_loop3A_237 : vector<16xi32>
      %parallel_loop3A_239 = vector.shape_cast %parallel_loop3A_238 : vector<16xi32> to vector<16x1xi32>
      %parallel_loop3A_240 = vector.shape_cast %parallel_loop3A_239 : vector<16x1xi32> to vector<16xi32>
      %parallel_loop3A_241 = tpu.dynamic_gather %parallel_loop3A_219[%parallel_loop3A_240] in [0] : vector<16xf32>, vector<16xi32> -> vector<16xf32>
      %parallel_loop3A_242 = arith.constant 24 : i32
      %parallel_loop3A_243 = vector.broadcast %parallel_loop3A_242 : i32 to vector<16xi32>
      %parallel_loop3A_244 = arith.shli %parallel_loop3A_226, %parallel_loop3A_243 : vector<16xi32>
      %parallel_loop3A_245 = arith.constant 24 : i32
      %parallel_loop3A_246 = vector.broadcast %parallel_loop3A_245 : i32 to vector<16xi32>
      %parallel_loop3A_247 = arith.shrsi %parallel_loop3A_244, %parallel_loop3A_246 : vector<16xi32>
      %parallel_loop3A_248 = arith.sitofp %parallel_loop3A_247 : vector<16xi32> to vector<16xf32>
      %parallel_loop3A_249 = arith.subf %parallel_loop3A_248, %parallel_loop3A_241 : vector<16xf32>
      %parallel_loop3A_250 = arith.mulf %parallel_loop3A_249, %parallel_loop3A_232 : vector<16xf32>
      %parallel_loop3A_251 = arith.addi %parallel_loop3A_222, %add3A_34 : vector<16xi32>
      tpu.vector_store_idx %arg13[%parallel_loop3A_251], %parallel_loop3A_250 : memref<16384xf32, #tpu.memory_space<vmem>>[vector<16xi32>], vector<16xf32>,
      %parallel_loop3A_252 = arith.constant 16 : i32
      %parallel_loop3A_253 = vector.broadcast %parallel_loop3A_252 : i32 to vector<16xi32>
      %parallel_loop3A_254 = arith.shli %parallel_loop3A_226, %parallel_loop3A_253 : vector<16xi32>
      %parallel_loop3A_255 = arith.constant 24 : i32
      %parallel_loop3A_256 = vector.broadcast %parallel_loop3A_255 : i32 to vector<16xi32>
      %parallel_loop3A_257 = arith.shrsi %parallel_loop3A_254, %parallel_loop3A_256 : vector<16xi32>
      %parallel_loop3A_258 = arith.sitofp %parallel_loop3A_257 : vector<16xi32> to vector<16xf32>
      %parallel_loop3A_259 = arith.subf %parallel_loop3A_258, %parallel_loop3A_241 : vector<16xf32>
      %parallel_loop3A_260 = arith.mulf %parallel_loop3A_259, %parallel_loop3A_232 : vector<16xf32>
      %parallel_loop3A_261 = arith.addi %parallel_loop3A_222, %add3A_43 : vector<16xi32>
      tpu.vector_store_idx %arg13[%parallel_loop3A_261], %parallel_loop3A_260 : memref<16384xf32, #tpu.memory_space<vmem>>[vector<16xi32>], vector<16xf32>,
      %parallel_loop3A_262 = arith.constant 8 : i32
      %parallel_loop3A_263 = vector.broadcast %parallel_loop3A_262 : i32 to vector<16xi32>
      %parallel_loop3A_264 = arith.shli %parallel_loop3A_226, %parallel_loop3A_263 : vector<16xi32>
      %parallel_loop3A_265 = arith.constant 24 : i32
      %parallel_loop3A_266 = vector.broadcast %parallel_loop3A_265 : i32 to vector<16xi32>
      %parallel_loop3A_267 = arith.shrsi %parallel_loop3A_264, %parallel_loop3A_266 : vector<16xi32>
      %parallel_loop3A_268 = arith.sitofp %parallel_loop3A_267 : vector<16xi32> to vector<16xf32>
      %parallel_loop3A_269 = arith.subf %parallel_loop3A_268, %parallel_loop3A_241 : vector<16xf32>
      %parallel_loop3A_270 = arith.mulf %parallel_loop3A_269, %parallel_loop3A_232 : vector<16xf32>
      %parallel_loop3A_271 = arith.addi %parallel_loop3A_222, %add3A_52 : vector<16xi32>
      tpu.vector_store_idx %arg13[%parallel_loop3A_271], %parallel_loop3A_270 : memref<16384xf32, #tpu.memory_space<vmem>>[vector<16xi32>], vector<16xf32>,
      %parallel_loop3A_272 = arith.constant 0 : i32
      %parallel_loop3A_273 = vector.broadcast %parallel_loop3A_272 : i32 to vector<16xi32>
      %parallel_loop3A_274 = arith.shli %parallel_loop3A_226, %parallel_loop3A_273 : vector<16xi32>
      %parallel_loop3A_275 = arith.constant 24 : i32
      %parallel_loop3A_276 = vector.broadcast %parallel_loop3A_275 : i32 to vector<16xi32>
      %parallel_loop3A_277 = arith.shrsi %parallel_loop3A_274, %parallel_loop3A_276 : vector<16xi32>
      %parallel_loop3A_278 = arith.sitofp %parallel_loop3A_277 : vector<16xi32> to vector<16xf32>
      %parallel_loop3A_279 = arith.subf %parallel_loop3A_278, %parallel_loop3A_241 : vector<16xf32>
      %parallel_loop3A_280 = arith.mulf %parallel_loop3A_279, %parallel_loop3A_232 : vector<16xf32>
      %parallel_loop3A_281 = arith.addi %parallel_loop3A_222, %add3A_61 : vector<16xi32>
      tpu.vector_store_idx %arg13[%parallel_loop3A_281], %parallel_loop3A_280 : memref<16384xf32, #tpu.memory_space<vmem>>[vector<16xi32>], vector<16xf32>,
      %parallel_loop3A_282 = arith.index_cast %parallel_loop3A_216 : i32 to index
      %parallel_loop3A_283 = arith.constant 64 : index
      %parallel_loop3A_284 = tpu.vector_load %arg9[%parallel_loop3A_282, %parallel_loop3A_283] {strides = array<i32>} : memref<128x128xi8, #tpu.memory_space<vmem>>, vector<64xi8>,
      %parallel_loop3A_285 = vector.bitcast %parallel_loop3A_284 : vector<64xi8> to vector<16xi32>
      %parallel_loop3A_286 = arith.constant 2 : i32
      %parallel_loop3A_287 = vector.broadcast %parallel_loop3A_286 : i32 to vector<16xi32>
      %parallel_loop3A_288 = arith.addi %select_n3A, %parallel_loop3A_287 : vector<16xi32>
      %parallel_loop3A_289 = vector.shape_cast %parallel_loop3A_288 : vector<16xi32> to vector<16x1xi32>
      %parallel_loop3A_290 = vector.shape_cast %parallel_loop3A_289 : vector<16x1xi32> to vector<16xi32>
      %parallel_loop3A_291 = tpu.dynamic_gather %parallel_loop3A_219[%parallel_loop3A_290] in [0] : vector<16xf32>, vector<16xi32> -> vector<16xf32>
      %parallel_loop3A_292 = arith.constant 2 : i32
      %parallel_loop3A_293 = vector.broadcast %parallel_loop3A_292 : i32 to vector<16xi32>
      %parallel_loop3A_294 = arith.addi %select_n3A, %parallel_loop3A_293 : vector<16xi32>
      %parallel_loop3A_295 = arith.constant 4 : i32
      %parallel_loop3A_296 = vector.broadcast %parallel_loop3A_295 : i32 to vector<16xi32>
      %parallel_loop3A_297 = arith.addi %parallel_loop3A_294, %parallel_loop3A_296 : vector<16xi32>
      %parallel_loop3A_298 = vector.shape_cast %parallel_loop3A_297 : vector<16xi32> to vector<16x1xi32>
      %parallel_loop3A_299 = vector.shape_cast %parallel_loop3A_298 : vector<16x1xi32> to vector<16xi32>
      %parallel_loop3A_300 = tpu.dynamic_gather %parallel_loop3A_219[%parallel_loop3A_299] in [0] : vector<16xf32>, vector<16xi32> -> vector<16xf32>
      %parallel_loop3A_301 = arith.constant 24 : i32
      %parallel_loop3A_302 = vector.broadcast %parallel_loop3A_301 : i32 to vector<16xi32>
      %parallel_loop3A_303 = arith.shli %parallel_loop3A_285, %parallel_loop3A_302 : vector<16xi32>
      %parallel_loop3A_304 = arith.constant 24 : i32
      %parallel_loop3A_305 = vector.broadcast %parallel_loop3A_304 : i32 to vector<16xi32>
      %parallel_loop3A_306 = arith.shrsi %parallel_loop3A_303, %parallel_loop3A_305 : vector<16xi32>
      %parallel_loop3A_307 = arith.sitofp %parallel_loop3A_306 : vector<16xi32> to vector<16xf32>
      %parallel_loop3A_308 = arith.subf %parallel_loop3A_307, %parallel_loop3A_300 : vector<16xf32>
      %parallel_loop3A_309 = arith.mulf %parallel_loop3A_308, %parallel_loop3A_291 : vector<16xf32>
      %parallel_loop3A_310 = arith.addi %parallel_loop3A_222, %add3A_70 : vector<16xi32>
      tpu.vector_store_idx %arg13[%parallel_loop3A_310], %parallel_loop3A_309 : memref<16384xf32, #tpu.memory_space<vmem>>[vector<16xi32>], vector<16xf32>,
      %parallel_loop3A_311 = arith.constant 16 : i32
      %parallel_loop3A_312 = vector.broadcast %parallel_loop3A_311 : i32 to vector<16xi32>
      %parallel_loop3A_313 = arith.shli %parallel_loop3A_285, %parallel_loop3A_312 : vector<16xi32>
      %parallel_loop3A_314 = arith.constant 24 : i32
      %parallel_loop3A_315 = vector.broadcast %parallel_loop3A_314 : i32 to vector<16xi32>
      %parallel_loop3A_316 = arith.shrsi %parallel_loop3A_313, %parallel_loop3A_315 : vector<16xi32>
      %parallel_loop3A_317 = arith.sitofp %parallel_loop3A_316 : vector<16xi32> to vector<16xf32>
      %parallel_loop3A_318 = arith.subf %parallel_loop3A_317, %parallel_loop3A_300 : vector<16xf32>
      %parallel_loop3A_319 = arith.mulf %parallel_loop3A_318, %parallel_loop3A_291 : vector<16xf32>
      %parallel_loop3A_320 = arith.addi %parallel_loop3A_222, %add3A_79 : vector<16xi32>
      tpu.vector_store_idx %arg13[%parallel_loop3A_320], %parallel_loop3A_319 : memref<16384xf32, #tpu.memory_space<vmem>>[vector<16xi32>], vector<16xf32>,
      %parallel_loop3A_321 = arith.constant 8 : i32
      %parallel_loop3A_322 = vector.broadcast %parallel_loop3A_321 : i32 to vector<16xi32>
      %parallel_loop3A_323 = arith.shli %parallel_loop3A_285, %parallel_loop3A_322 : vector<16xi32>
      %parallel_loop3A_324 = arith.constant 24 : i32
      %parallel_loop3A_325 = vector.broadcast %parallel_loop3A_324 : i32 to vector<16xi32>
      %parallel_loop3A_326 = arith.shrsi %parallel_loop3A_323, %parallel_loop3A_325 : vector<16xi32>
      %parallel_loop3A_327 = arith.sitofp %parallel_loop3A_326 : vector<16xi32> to vector<16xf32>
      %parallel_loop3A_328 = arith.subf %parallel_loop3A_327, %parallel_loop3A_300 : vector<16xf32>
      %parallel_loop3A_329 = arith.mulf %parallel_loop3A_328, %parallel_loop3A_291 : vector<16xf32>
      %parallel_loop3A_330 = arith.addi %parallel_loop3A_222, %add3A_88 : vector<16xi32>
      tpu.vector_store_idx %arg13[%parallel_loop3A_330], %parallel_loop3A_329 : memref<16384xf32, #tpu.memory_space<vmem>>[vector<16xi32>], vector<16xf32>,
      %parallel_loop3A_331 = arith.constant 0 : i32
      %parallel_loop3A_332 = vector.broadcast %parallel_loop3A_331 : i32 to vector<16xi32>
      %parallel_loop3A_333 = arith.shli %parallel_loop3A_285, %parallel_loop3A_332 : vector<16xi32>
      %parallel_loop3A_334 = arith.constant 24 : i32
      %parallel_loop3A_335 = vector.broadcast %parallel_loop3A_334 : i32 to vector<16xi32>
      %parallel_loop3A_336 = arith.shrsi %parallel_loop3A_333, %parallel_loop3A_335 : vector<16xi32>
      %parallel_loop3A_337 = arith.sitofp %parallel_loop3A_336 : vector<16xi32> to vector<16xf32>
      %parallel_loop3A_338 = arith.subf %parallel_loop3A_337, %parallel_loop3A_300 : vector<16xf32>
      %parallel_loop3A_339 = arith.mulf %parallel_loop3A_338, %parallel_loop3A_291 : vector<16xf32>
      %parallel_loop3A_340 = arith.addi %parallel_loop3A_222, %add3A_97 : vector<16xi32>
      tpu.vector_store_idx %arg13[%parallel_loop3A_340], %parallel_loop3A_339 : memref<16384xf32, #tpu.memory_space<vmem>>[vector<16xi32>], vector<16xf32>,
    } {sc.loop_unroll_factor = 8 : i64, sc.parallel_access}
    %add3A_198 = arith.constant 6272 : i32
    %add3A_199 = arith.addi %mul3A_2, %add3A_198 : i32
    %mul3A_200 = arith.constant 128 : i32
    %mul3A_201 = arith.muli %add3A_199, %mul3A_200 : i32
    %dma_start3A_202 = tpu.memref_slice %arg5[%mul3A_201] : memref<26214400xf32, #tpu.memory_space<hbm>> -> memref<16384xf32, #tpu.memory_space<hbm>>
    %dma_start3A_203 = tpu.memref_slice %arg5[%mul3A_201] : memref<26214400xf32, #tpu.memory_space<hbm>> -> memref<16384xf32, #tpu.memory_space<hbm>>
    tpu.enqueue_dma source(%arg13 : memref<16384xf32, #tpu.memory_space<vmem>>) target(%dma_start3A_203 : memref<16384xf32, #tpu.memory_space<hbm>>) target_semaphore(%arg17 : memref<!tpu.dma_semaphore, #tpu.memory_space<semaphore_mem>>)
    %add3A_204 = arith.constant 6144 : i32
    %add3A_205 = arith.addi %mul3A_2, %add3A_204 : i32
    %mul3A_206 = arith.constant 128 : i32
    %mul3A_207 = arith.muli %add3A_205, %mul3A_206 : i32
    %dma_wait3A_208 = tpu.memref_slice %arg5[%mul3A_207] : memref<26214400xf32, #tpu.memory_space<hbm>> -> memref<16384xf32, #tpu.memory_space<hbm>>
    %dma_wait3A_209 = tpu.memref_slice %arg5[%mul3A_207] : memref<26214400xf32, #tpu.memory_space<hbm>> -> memref<16384xf32, #tpu.memory_space<hbm>>
    tpu.wait_dma2 semaphore(%arg16 : memref<!tpu.dma_semaphore, #tpu.memory_space<semaphore_mem>>) src(%arg12 : memref<16384xf32, #tpu.memory_space<vmem>>) dst(%dma_wait3A_209 : memref<16384xf32, #tpu.memory_space<hbm>>)
    %add3A_210 = arith.constant 6272 : i32
    %add3A_211 = arith.addi %mul3A_2, %add3A_210 : i32
    %mul3A_212 = arith.constant 128 : i32
    %mul3A_213 = arith.muli %add3A_211, %mul3A_212 : i32
    %dma_wait3A_214 = tpu.memref_slice %arg5[%mul3A_213] : memref<26214400xf32, #tpu.memory_space<hbm>> -> memref<16384xf32, #tpu.memory_space<hbm>>
    %dma_wait3A_215 = tpu.memref_slice %arg5[%mul3A_213] : memref<26214400xf32, #tpu.memory_space<hbm>> -> memref<16384xf32, #tpu.memory_space<hbm>>
    tpu.wait_dma2 semaphore(%arg17 : memref<!tpu.dma_semaphore, #tpu.memory_space<semaphore_mem>>) src(%arg13 : memref<16384xf32, #tpu.memory_space<vmem>>) dst(%dma_wait3A_215 : memref<16384xf32, #tpu.memory_space<hbm>>)
    return
  }
}

</mosaic_0001>

<sc_bundles>
// kernel: kernel.3.cloned.1.call-start
scs
__scs_entry_jumppad:
0x0: {  	(pc) =	sbr.rel $0x88, $3  }
0x1: {  	(tag) =	ssettag $0x0;
	lr =	simm.s32 $0x1  }
0x2: {  	[smem:$0x3F9D] =	sst lr;
	_ =	strace $0xD0000000  }
0x3: {  	_ = 	snop  }
0x4: {  	_ = 	snop  }
0x5: {  	_ = 	snop  }
0x6: {  	_ = 	snop  }
0x7: {  	_ = 	snop  }
__scs_overlays_trampoline_lowered:
0x8: {  	[smem:$0x3FAC] =	sst s0  }
0x9: {  	[smem:$0x3FAD] =	sst s1  }
0xa: {  	[smem:$0x3FAE] =	sst s2  }
0xb: {  	[smem:$0x3FAF] =	sst s3  }
0xc: {  	[smem:$0x3FB0] =	sst s4  }
0xd: {  	[smem:$0x3FB1] =	sst s5  }
0xe: {  	[smem:$0x3FB2] =	sst s6  }
0xf: {  	[smem:$0x3FB3] =	sst s7  }
0x10: {  	[smem:$0x3FB4] =	sst s8  }
0x11: {  	[smem:$0x3FB5] =	sst s9;
	s0 =	simm.s32 @!p0 $0x0  }
0x12: {  	s1 =	sld [smem:$0x3F9B];
	s0 =	simm.s32 @p0 $0x1  }
0x13: {  	[smem:$0x3FB6] =	sst s0;
	s0 =	simm.s32 @!p1 $0x0  }
0x14: {  	s2 =	sld [smem:$0x3F9A];
	s0 =	simm.s32 @p1 $0x1  }
0x15: {  	[smem:$0x3FB7] =	sst s0;
	s0 =	simm.s32 @!p2 $0x0  }
0x16: {  	s3 =	sld [smem:$0x3FDB];
	s0 =	simm.s32 @p2 $0x1  }
0x17: {  	s4 =	simm.s32 $0x1BF5;
	[smem:$0x3FB9] =	sst s0  }
0x18: {  	s0 =	sld [smem:$0x3F9C];
	_ =	swait.ge [sflag:s4], $0x0  }
0x19: {  	s7 =	sld [smem:$0x3F9D]  }
0x1a: {  	s8 =	sadd.s32 $0xFFFFE003, lr  }
0x1b: {  	s9 =	sadd.s32 $0xFFFFFEF7, lr;
	s5 =	simm.s32 $0xFFFFFFFF;
	p2 =	slt.u32 s8, $0xFFFFF086  }
0x1c: {  	p1 =	slt.u32 s9, $0xF7A;
	s5 =	simm.s32 @!p2 $0x0  }
0x1d: {  	s5 =	simm.s32 @p1 $0x1;
	p0 =	seq.s32 s7, s2  }
0x1e: {  	s7 =	smul.u32 @!p0 $0xF7A, s2;
	p2 =	seq.s32 @!p0 s5, $0x0  }
0x1f: {  	s9 =	smul.u32 $0xF7A, s1;
	s8 =	simm.s32 @!p0 $0x1BF5;
	p2 =	por !p2, p0  }
0x20: {  	[sflag:s8] =	ssyncset.s32 @!p0 $0xFFFFF086;
	s6 =	sadd.s32 @!p0 s3, s7;
	s7 =	simm.s32 @!p0 $0x108  }
0x21: {  	s3 =	sadd.s32 s3, s9;
	s6 =	sadd.s32 @!p0 $0x88, s6;
	s7 =	simm.s32 @p2 $0x1082  }
0x22: {  	[simem:s7], [sflag:s8] =	dma.local @!p0 [hbm:s6], $0xF7A  }
0x23: {  	s9 =	sor.u32 $0xD0000000, s2;
	s6 =	simm.s32 $0x108;
	_ =	swait.ge @!p0 [sflag:s8], $0x0  }
0x24: {  	s3 =	sadd.s32 $0x88, s3;
	s6 =	simm.s32 @!p1 $0x1082;
	[sflag:s4] =	ssyncset.s32 $0xFFFFF086  }
0x25: {  	[simem:s6], [sflag:s4] =	dma.local [hbm:s3], $0xF7A  }
0x26: {  	[smem:$0x3F9D] =	sst s1;
	(tag) =	ssettag s2;
	_ =	strace s9  }
0x27: {  	s1 =	sld [smem:$0x3FAD]  }
0x28: {  	s2 =	sld [smem:$0x3FAE]  }
0x29: {  	s4 =	sld [smem:$0x3FB0]  }
0x2a: {  	p0 =	seq.s32 s5, $0x0;
	s5 =	sld [smem:$0x3FB1]  }
0x2b: {  	s6 =	sld [smem:$0x3FB2]  }
0x2c: {  	s7 =	sld [smem:$0x3FB3]  }
0x2d: {  	s3 =	simm.s32 $0x108;
	s8 =	sld [smem:$0x3FB4]  }
0x2e: {  	s3 =	simm.s32 @!p0 $0x1082;
	s9 =	sld [smem:$0x3FB5]  }
0x2f: {  	lr =	sadd.s32 s0, s3;
	s0 =	sld [smem:$0x3FAC]  }
0x30: {  	s3 =	sld [smem:$0x3FAF]  }
0x31: {  	[smem:$0x3FB8] =	sst s10  }
0x32: {  	s10 =	sld [smem:$0x3FB6];
	_ =	sdelay $0x3  }
0x33: {  	p0 =	seq.s32 s10, $0x1;
	s10 =	sld [smem:$0x3FB8];
	_ =	sdelay $0x3  }
0x34: {  	[smem:$0x3FB8] =	sst s10  }
0x35: {  	s10 =	sld [smem:$0x3FB7];
	_ =	sdelay $0x3  }
0x36: {  	p1 =	seq.s32 s10, $0x1;
	s10 =	sld [smem:$0x3FB8];
	_ =	sdelay $0x3  }
0x37: {  	[smem:$0x3FB8] =	sst s10  }
0x38: {  	s10 =	sld [smem:$0x3FB9]  }
0x39: {  	_ = 	snop;
	(pc) =	sbr.ind lr, $3  }
0x3a: {  	_ = 	snop  }
0x3b: {  	_ = 	snop  }
0x3c: {  	p2 =	seq.s32 s10, $0x1;
	s10 =	sld [smem:$0x3FB8]  }
0x3d: {  	_ =	shalt  }
0x3e: {  	_ =	shalt  }
0x3f: {  	_ =	shalt  }
0x40: {  	_ =	shalt  }
0x41: {  	_ =	shalt  }
0x42: {  	_ =	shalt  }
0x43: {  	_ =	shalt  }
0x44: {  	_ =	shalt  }
0x45: {  	_ =	shalt  }
0x46: {  	_ =	shalt  }
0x47: {  	_ =	shalt  }
0x48: {  	_ =	shalt  }
0x49: {  	_ =	shalt  }
0x4a: {  	_ =	shalt  }
0x4b: {  	_ =	shalt  }
0x4c: {  	_ =	shalt  }
0x4d: {  	_ =	shalt  }
0x4e: {  	_ =	shalt  }
0x4f: {  	_ =	shalt  }
0x50: {  	_ =	shalt  }
0x51: {  	_ =	shalt  }
0x52: {  	_ =	shalt  }
0x53: {  	_ =	shalt  }
0x54: {  	_ =	shalt  }
0x55: {  	_ =	shalt  }
0x56: {  	_ =	shalt  }
0x57: {  	_ =	shalt  }
0x58: {  	_ =	shalt  }
0x59: {  	_ =	shalt  }
0x5a: {  	_ =	shalt  }
0x5b: {  	_ =	shalt  }
0x5c: {  	_ =	shalt  }
0x5d: {  	_ =	shalt  }
0x5e: {  	_ =	shalt  }
0x5f: {  	_ =	shalt  }
0x60: {  	_ =	shalt  }
0x61: {  	_ =	shalt  }
0x62: {  	_ =	shalt  }
0x63: {  	_ =	shalt  }
0x64: {  	_ =	shalt  }
0x65: {  	_ =	shalt  }
0x66: {  	_ =	shalt  }
0x67: {  	_ =	shalt  }
0x68: {  	_ =	shalt  }
0x69: {  	_ =	shalt  }
0x6a: {  	_ =	shalt  }
0x6b: {  	_ =	shalt  }
0x6c: {  	_ =	shalt  }
0x6d: {  	_ =	shalt  }
0x6e: {  	_ =	shalt  }
0x6f: {  	_ =	shalt  }
0x70: {  	_ =	shalt  }
0x71: {  	_ =	shalt  }
0x72: {  	_ =	shalt  }
0x73: {  	_ =	shalt  }
0x74: {  	_ =	shalt  }
0x75: {  	_ =	shalt  }
0x76: {  	_ =	shalt  }
0x77: {  	_ =	shalt  }
0x78: {  	_ =	shalt  }
0x79: {  	_ =	shalt  }
0x7a: {  	_ =	shalt  }
0x7b: {  	_ =	shalt  }
0x7c: {  	_ =	shalt  }
0x7d: {  	_ =	shalt  }
0x7e: {  	_ =	shalt  }
0x7f: {  	_ =	shalt  }
0x80: {  	_ =	shalt  }
0x81: {  	_ =	shalt  }
0x82: {  	_ =	shalt  }
0x83: {  	_ =	shalt  }
0x84: {  	_ =	shalt  }
0x85: {  	_ =	shalt  }
0x86: {  	_ =	shalt  }
0x87: {  	_ =	shalt  }
.Lfunc_end0:
.L_simem_size_0:
called_computation_lowered:
.L_overlay_start_0:
0x88: {  	s2 =	sld [smem:$0x3FD9]  }
0x89: {  	s3 =	sld [smem:$0x3FFE];
	_ =	sdelay $0x1  }
0x8a: {  	s1 =	srdreg.scid  }
0x8b: {  	s0 =	sand.u32 $0x1, s1  }
0x8c: {  	s17 =	sshll.u32 s0, $0xA;
	s2 =	sadd.s32 s3, s2  }
0x8d: {  	s2 =	sadd.s32 s2, s17  }
0x8e: {  	[smem:$0x3FC4] =	sst s2  }
0x8f: {  	_ = 	snop  }
0x90: {  	s2 =	sld [smem:$0x3FD0];
	(tm) =	ssettm $0x1  }
0x91: {  	s18 =	sld [smem:$0x3FFB];
	_ =	sdelay $0x3  }
0x92: {  	_ =	strace s18  }
0x93: {  	s3 =	sld [smem:$0x3FFC];
	_ =	sdelay $0x3  }
0x94: {  	_ =	strace s3  }
0x95: {  	s3 =	sld [smem:$0x3FFD];
	_ =	sdelay $0x3  }
0x96: {  	_ =	strace s3  }
0x97: {  	_ =	strace $0x8FFFFFFF  }
0x98: {  	s19 =	sld [smem:$0x3FDB];
	_ =	sdelay $0x1  }
0x99: {  	s4 =	simm.s32 $_scs_section_size  }
0x9a: {  	s5 =	simm.s32 $_size__tile_overlayer_lowered;
	s6 =	simm.s32 $_tile_overlayer_lowered  }
0x9b: {  	s22 =	simm.s32 $0x1BFF;
	s21 =	sshll.u32 s6, $0x1;
	s3 =	sadd.s32 s4, s19  }
0x9c: {  	s7 =	simm.s32 $0x0;
	s20 =	sshll.u32 s5, $0x1;
	s5 =	sadd.s32 s21, s3  }
0x9d: {  	[timem:s7], [sflag:s22] =	dma.local [hbm:s5], s20  }
0x9e: {  	_ =	swait.ge [sflag:s22], s20  }
0x9f: {  	s4 =	ssub.s32 $0x0, s20;
	[sflag:s22] =	ssyncset.done $0x0  }
0xa0: {  	[sflag:s22] =	ssyncadd.s32 s4;
	_ =	sdelay $0x1  }
0xa1: {  	s23 =	simm.s32 $0x1B8B  }
0xa2: {  	_ =	swait.ge [sflag:s23], $0x1  }
0xa3: {  	[sflag:s23] =	ssyncset.done $0x0  }
0xa4: {  	s25 =	simm.s32 $0x1B8E;
	s24 =	sld [smem:$0x3FFE];
	[sflag:s23] =	ssyncadd.s32 $0xFFFFFFFF  }
0xa5: {  	s26 =	simm.s32 $execute0_lowered;
	[smem:$0x3FD2] =	sst s25  }
0xa6: {  	s5 =	sshll.u32 s26, $0x1;
	_ =	strace $0x80000046;
	[dreg:$0x1] =	wrdreg $0xFFFFFFFF  }
0xa7: {  	s28 =	simm.s32 $_size_execute0_lowered;
	s3 =	sadd.s32 s3, s5;
	[dreg:$0x0] =	wrdreg $0x0  }
0xa8: {  	s5 =	sshll.u32 s28, $0x1;
	[dreg:$0x2] =	wrdreg s3  }
0xa9: {  	[dreg:$0x3] =	wrdreg s5  }
0xaa: {  	[dreg:$0x4] =	wrdreg $0xC0  }
0xab: {  	_ =	task [dreg:s7], $0x5FFFF  }
0xac: {  	[dreg:$0x1] =	wrdreg $0xFFFFFFFF  }
0xad: {  	[dreg:$0x0] =	wrdreg $0x60  }
0xae: {  	[dreg:$0x2] =	wrdreg s24  }
0xaf: {  	[dreg:$0x3] =	wrdreg s2  }
0xb0: {  	[dreg:$0x4] =	wrdreg $0x9  }
0xb1: {  	_ =	task.clear_ibuf [dreg:s7], $0x5FFFF;
	_ =	strace $0x90000046  }
0xb2: {  	s29 =	simm.s32 $0x9;
	_ =	strace $0x80000048  }
0xb3: {  	_ =	swait.ge [sflag:s29], $0x1  }
0xb4: {  	[sflag:s29] =	ssyncadd.s32 $0xFFFFFFFF  }
0xb5: {  	_ =	strace $0x90000048  }
0xb6: {  	_ =	sfence  }
0xb7: {  	s30 =	sld [smem:$0x0];
	_ =	sdelay $0x2  }
0xb8: {  	s31 =	sshll.u32 s1, $0xD;
	s1 =	sshrl.u32 s1, $0x2  }
0xb9: {  	s3 =	sand.u32 $0x4000, s31;
	s1 =	sadd.s32 s1, s30  }
0xba: {  	s0 =	sor.u32 s3, s0;
	s1 =	sshll.u32 s1, $0x11  }
0xbb: {  	s0 =	sor.u32 s1, s0  }
0xbc: {  	s0 =	sadd.s32 $0x8F2B, s0  }
0xbd: {  	[sflag:s0] =	ssyncadd.remote.s32 $0x1  }
0xbe: {  	_ =	sfence.sel $0xFFFF  }
0xbf: {  	[dreg:$0x0] =	wrdreg $0xFFFFFFFF;
	(pc) =	sbr.abs _section_cstart, $3  }
0xc0: {  	[dreg:$0x1] =	wrdreg $0xFFFFFFFF  }
0xc1: {  	_ =	task.clear_ibuf [dreg:s7], $0x2FFFF;
	_ =	strace $0x9FFFFFFF  }
0xc2: {  	(tm) =	ssettm $0x7FFFFFFF  }
0xc3: {  	_ =	shalt  }
tec
execute0_lowered:
.L_overlay_start_1:
0x0: {  	(tag) =	ssettag $0x1  }
0x1: {  	s0 =	rddreg [dreg:$0x0]  }
0x2: {  	s2 =	rddreg [dreg:$0x1];
	s1 =	srdreg.scid  }
0x3: {  	s4 =	stileid.u32;
	s3 =	simm.s32 $0x0;
	s28 =	simm.s32 $0x3100  }
0x4: {  	s29 =	simm.s32 $0x2;
	s30 =	simm.s32 $0x7100;
	s31 =	simm.s32 $0x3  }
0x5: {  	s1 =	sand.u32 $0x1, s1;
	s4 =	sshll.u32 s4, $0x1;
	[smem:$0x7FF] =	sst s3  }
0x6: {  	s5 =	sadd.s32 $0x6A00, s0;
	s6 =	sadd.s32 $0x68600, s0;
	s7 =	sor.u32 s1, s4  }
0x7: {  	v1 =	vlaneseq.u32;
	_ =	strace $0x80000047;
	s1 =	ssub.s32 $0x2, s1;
	s11 =	smul.u32 $0x1900, s7  }
0x8: {  	v0 =	vshrl.u32 v1, $0x3;
	s4 =	sadd.s32 $0x600, s0;
	s8 =	sshrl.u32 s1, $0x1;
	s20 =	smul.u32 $0x19000, s7  }
0x9: {  	v1 =	vmul.u32 $0x4, v1;
	v2 =	vor.u32 $0x2, v0;
	[tilespmem:$0x1FF50] =	vst v0;
	s10 =	smul.u32 $0xC8000, s7;
	s18 =	ssub.s32 s1, s8;
	s19 =	sshrl.u32 s11, $0x3  }
0xa: {  	[tilespmem:$0x1FF40] =	vst v2;
	s8 =	sor.u32 $0x80, s11;
	s9 =	sadd.s32 $0x100, s11;
	s14 =	sadd.s32 $0x180, s11  }
0xb: {  	v3 =	vor.u32 $0x4, v0;
	[tilespmem:$0x1FF70] =	vst v1;
	s23 =	sshrl.u32 s10, $0x3;
	s0 =	smax.u32 s18, $0x1;
	s1 =	sadd.s32 s4, s19  }
0xc: {  	v8 =	vor.u32 $0x6, v0;
	[tilespmem:$0x1FF80] =	vst v3;
	s12 =	sshrl.u32 s8, $0x3;
	s22 =	sshrl.u32 s9, $0x3;
	[dreg:$0xb] =	wrdreg s0  }
0xd: {  	v0 =	vor.u32 $0x42, v1;
	[tilespmem:$0x1FFC0] =	vst v8;
	s24 =	sshll.u32 s8, $0x4;
	[dreg:$0x3] =	wrdreg s1;
	s21 =	sadd.s32 s4, s12  }
0xe: {  	v4 =	vor.u32 $0x1, v1;
	[tilespmem:$0x1FF60] =	vst v0;
	s11 =	sshrl.u32 s14, $0x3;
	s1 =	sadd.s32 s2, s20;
	[dreg:$0x4] =	wrdreg s21  }
0xf: {  	v5 =	vor.u32 $0x2, v1;
	[tilespmem:$0x1FF90] =	vst v4;
	s0 =	simm.s32 $0x4;
	s7 =	sadd.s32 s2, s24;
	[dreg:$0x5] =	wrdreg s1  }
0x10: {  	v6 =	vor.u32 $0x3, v1;
	[tilespmem:$0x1FFA0] =	vst v5;
	s25 =	sadd.s32 s4, s11;
	s1 =	sadd.s32 s4, s22;
	[dreg:$0x7] =	wrdreg s7  }
0x11: {  	v9 =	vor.u32 $0x40, v1;
	[tilespmem:$0x1FFB0] =	vst v6;
	s20 =	simm.s32 $0x5;
	[dreg:$0x6] =	wrdreg s1;
	s1 =	sadd.s32 s2, s23  }
0x12: {  	v10 =	vor.u32 $0x41, v1;
	[tilespmem:$0x1FFD0] =	vst v9;
	[dreg:$0x8] =	wrdreg s25;
	s21 =	simm.s32 $0x80;
	s26 =	sadd.s32 $0x18000, s1  }
0x13: {  	v11 =	vor.u32 $0x43, v1;
	[tilespmem:$0x1FFE0] =	vst v10;
	s25 =	simm.s32 $0x2900;
	s1 =	sadd.s32 $0x18800, s1;
	[dreg:$0x9] =	wrdreg s26  }
0x14: {  	[tilespmem:$0x1FFF0] =	vst v11;
	s7 =	simm.s32 $0x0;
	[dreg:$0xa] =	wrdreg s1;
	s26 =	simm.s32 $0x1  }
.LBB2_1:
0x15: {  	[dreg:$0xc] =	wrdreg s7  }
0x16: {  	s1 =	rddreg [dreg:$0x3]  }
0x17: {  	[tilespmem:s3], [sflag:$0x5] =	stream.linear.gather [hbm4b:s1+s3], $0x80, $0x38;
	[tilespmem:$0xB100] =	vst v63  }
0x18: {  	_ =	swait.ge [sflag:s20], $0x80  }
0x19: {  	[sflag:s20] =	ssyncset.done $0x0  }
0x1a: {  	s17 =	simm.s32 $0x100;
	[sflag:s20] =	ssyncadd.s32 $0xFFFFFF80  }
0x1b: {  	[tilespmem:s17], [sflag:$0x1] =	stream.indirect.gather [hbm4b:s5+s21], $0x20, s3, s21, $0xb8;
	[tilespmem:$0xB100] =	vst v63  }
0x1c: {  	s18 =	simm.s32 $0x2100  }
0x1d: {  	[tilespmem:s18], [sflag:$0x1] =	stream.indirect.gather [hbm4b:s6+s21], $0x10, s3, s21, $0xb8;
	[tilespmem:$0xB100] =	vst v63  }
0x1e: {  	s19 =	rddreg [dreg:$0x4]  }
0x1f: {  	[tilespmem:s21], [sflag:$0x5] =	stream.linear.gather [hbm4b:s19+s3], $0x80, $0x38;
	[tilespmem:$0xB100] =	vst v63  }
0x20: {  	_ =	swait.ge [sflag:s20], $0x80  }
0x21: {  	[sflag:s20] =	ssyncset.done $0x0  }
0x22: {  	s22 =	simm.s32 $0x1100;
	[sflag:s20] =	ssyncadd.s32 $0xFFFFFF80  }
0x23: {  	[tilespmem:s22], [sflag:$0x2] =	stream.indirect.gather [hbm4b:s5+s21], $0x20, s21, s21, $0xb8;
	[tilespmem:$0xB100] =	vst v63  }
0x24: {  	_ = 	snop  }
0x25: {  	[tilespmem:s25], [sflag:$0x2] =	stream.indirect.gather [hbm4b:s6+s21], $0x10, s21, s21, $0xb8;
	[tilespmem:$0xB100] =	vst v63  }
0x26: {  	_ =	swait.ge [sflag:s26], $0x1000  }
0x27: {  	[sflag:s26] =	ssyncset.done $0x0  }
0x28: {  	s12 =	simm.s32 $0x200;
	[sflag:s26] =	ssyncadd.s32 $0xFFFFF000  }
0x29: {  	v0 =	vor.u32 s12, v1;
	_ =	swait.ge [sflag:s26], $0x800  }
0x2a: {  	[tilespmem:$0x1FE50] =	vst v0;
	v0 =	vor.u32 s12, v4  }
0x2b: {  	s16 =	simm.s32 $0x0;
	[sflag:s26] =	ssyncset.done $0x0;
	[tilespmem:$0x1FE60] =	vst v0;
	v0 =	vor.u32 s12, v5  }
0x2c: {  	s15 =	simm.s32 $0x80;
	s23 =	simm.s32 $0x80;
	[sflag:s26] =	ssyncadd.s32 $0xFFFFF800;
	[tilespmem:$0x1FE70] =	vst v0;
	v0 =	vor.u32 s16, v6  }
0x2d: {  	s7 =	simm.s32 $0x2140;
	s13 =	simm.s32 $0x100;
	v12 =	vld [tilespmem:s15+$0x160];
	[tilespmem:$0x1FDF0] =	vst v0;
	v0 =	vor.u32 s23, v6  }
0x2e: {  	v13 =	vld [tilespmem:s7+$0x30];
	[tilespmem:$0x1FE00] =	vst v0;
	v0 =	vor.u32 s13, v1  }
0x2f: {  	s17 =	simm.s32 $0x380;
	[tilespmem:$0x1FDC0] =	vst v0;
	v0 =	vor.u32 s13, v4  }
0x30: {  	v15 =	vor.u32 s17, v1;
	[tilespmem:$0x1FDD0] =	vst v0;
	v0 =	vor.u32 s13, v5  }
0x31: {  	s11 =	simm.s32 $0x180;
	v16 =	vor.u32 s17, v4;
	v25 =	vor.u32 s17, v5;
	v2 =	vld [tilespmem:$0x1FF50];
	[tilespmem:$0x1FDE0] =	vst v0;
	v0 =	vor.u32 s13, v6  }
0x32: {  	v43 =	vor.u32 s17, v6;
	[tilespmem:$0x1FE10] =	vst v0;
	v0 =	vor.u32 s11, v1;
	v14 =	vshll.u32 v12, $0x18  }
0x33: {  	v21 =	vshll.u32 v12, $0x10;
	v22 =	vshll.u32 v12, $0x8;
	v14 =	vshra.s32 v14, $0x18  }
0x34: {  	v17 =	vperm.xlane v13, v3;
	v21 =	vshra.s32 v21, $0x18;
	v14 =	vcvt.s32.f32 v14  }
0x35: {  	v12 =	vshra.s32 v12, $0x18;
	[tilespmem:$0x1FE20] =	vst v0;
	v22 =	vshra.s32 v22, $0x18;
	v21 =	vcvt.s32.f32 v21  }
0x36: {  	v24 =	vperm.xlane v13, v2;
	v23 =	vld [tilespmem:s15+$0x80];
	v22 =	vcvt.s32.f32 v22;
	v14 =	vsub.f32 v14, v17  }
0x37: {  	v12 =	vcvt.s32.f32 v12;
	v0 =	vor.u32 s11, v4;
	v26 =	vld [tilespmem:s15+$0xA0];
	v21 =	vsub.f32 v21, v17  }
0x38: {  	v27 =	vld [tilespmem:s15+$0xC0];
	[tilespmem:$0x1FE30] =	vst v0;
	v0 =	vor.u32 s11, v5;
	v22 =	vsub.f32 v22, v17;
	v14 =	vmul.f32 v14, v24  }
0x39: {  	v44 =	vld [tilespmem:s15+$0xE0];
	v12 =	vsub.f32 v12, v17;
	[tilespmem:$0x1FE40] =	vst v0;
	v21 =	vmul.f32 v21, v24  }
0x3a: {  	v42 =	vor.u32 s16, v1;
	v41 =	vor.u32 s16, v4;
	[tilespmem:v15+s28+$0x0] =	vst.idx.msk $0xffff, v14;
	v14 =	vmul.f32 v22, v24  }
0x3b: {  	v39 =	vor.u32 s16, v5;
	v40 =	vor.u32 s23, v1;
	v12 =	vmul.f32 v12, v24;
	[tilespmem:v16+s28+$0x0] =	vst.idx.msk $0xffff, v21  }
0x3c: {  	v38 =	vor.u32 s23, v4;
	v34 =	vor.u32 s23, v5;
	v45 =	vld [tilespmem:s15+$0x100];
	v17 =	vshll.u32 v23, $0x18;
	[tilespmem:v25+s28+$0x0] =	vst.idx.msk $0xffff, v14  }
0x3d: {  	v46 =	vld [tilespmem:s15+$0x120];
	v19 =	vshll.u32 v27, $0x18;
	v48 =	vshll.u32 v27, $0x8;
	v15 =	vshll.u32 v23, $0x10;
	[tilespmem:v43+s28+$0x0] =	vst.idx.msk $0xffff, v12  }
0x3e: {  	v22 =	vshll.u32 v23, $0x8;
	v24 =	vshll.u32 v26, $0x8;
	v37 =	vshll.u32 v44, $0x18;
	v12 =	vld [tilespmem:s15+$0x170]  }
0x3f: {  	v49 =	vshll.u32 v44, $0x10;
	v50 =	vshll.u32 v44, $0x8;
	v59 =	vshra.s32 v17, $0x18  }
0x40: {  	v19 =	vshra.s32 v19, $0x18;
	v44 =	vshra.s32 v44, $0x18;
	v16 =	vshll.u32 v26, $0x18  }
0x41: {  	v7 =	vmovc v5;
	v21 =	vshll.u32 v26, $0x10;
	v51 =	vshll.u32 v45, $0x18;
	v53 =	vshll.u32 v45, $0x8;
	v5 =	vld [tilespmem:$0x1FF40]  }
0x42: {  	v54 =	vshll.u32 v46, $0x18;
	v55 =	vshll.u32 v46, $0x10;
	v60 =	vshra.s32 v15, $0x18  }
0x43: {  	v0 =	vshra.s32 v16, $0x18;
	v16 =	vperm.xlane v13, v8;
	v15 =	vshll.u32 v12, $0x18  }
0x44: {  	v47 =	vld [tilespmem:s15+$0x140];
	v17 =	vshll.u32 v12, $0x10;
	v63 =	vshll.u32 v12, $0x8;
	v12 =	vshra.s32 v12, $0x18  }
0x45: {  	v14 =	vor.u32 s17, v9;
	v17 =	vshra.s32 v17, $0x18;
	v12 =	vcvt.s32.f32 v12  }
0x46: {  	v13 =	vperm.xlane v13, v5;
	v15 =	vshra.s32 v15, $0x18;
	v17 =	vcvt.s32.f32 v17  }
0x47: {  	v63 =	vshra.s32 v63, $0x18;
	v15 =	vcvt.s32.f32 v15;
	v12 =	vsub.f32 v12, v16  }
0x48: {  	v56 =	vshll.u32 v46, $0x8;
	[tilespmem:$0x1FE90] =	vst v14;
	v18 =	vcvt.s32.f32 v63;
	v14 =	vsub.f32 v17, v16  }
0x49: {  	v57 =	vshll.u32 v47, $0x18;
	v15 =	vsub.f32 v15, v16;
	v12 =	vmul.f32 v12, v13  }
0x4a: {  	v22 =	vshra.s32 v22, $0x18;
	v18 =	vsub.f32 v18, v16;
	v14 =	vmul.f32 v14, v13  }
0x4b: {  	v24 =	vshra.s32 v24, $0x18;
	v44 =	vcvt.s32.f32 v44;
	v15 =	vmul.f32 v15, v13;
	[tilespmem:$0x1FEC0] =	vst v12  }
0x4c: {  	v25 =	vshll.u32 v27, $0x10;
	v36 =	vshra.s32 v53, $0x18;
	[tilespmem:$0x1FEA0] =	vst v14;
	v14 =	vmul.f32 v18, v13  }
0x4d: {  	v53 =	vcvt.s32.f32 v60;
	v27 =	vshra.s32 v27, $0x18;
	v25 =	vshra.s32 v25, $0x18;
	[tilespmem:$0x1FE80] =	vst v15  }
0x4e: {  	v43 =	vshra.s32 v37, $0x18;
	v37 =	vshra.s32 v54, $0x18;
	v54 =	vcvt.s32.f32 v22;
	[tilespmem:$0x1FEB0] =	vst v14  }
0x4f: {  	v22 =	vshra.s32 v55, $0x18;
	v55 =	vcvt.s32.f32 v0;
	v27 =	vcvt.s32.f32 v27;
	v29 =	vld [tilespmem:s7+$0xFFFFFFC0]  }
0x50: {  	v21 =	vshra.s32 v21, $0x18;
	v35 =	vcvt.s32.f32 v25;
	v43 =	vcvt.s32.f32 v43;
	v30 =	vld [tilespmem:s7+$0xFFFFFFD0]  }
0x51: {  	v0 =	vcvt.s32.f32 v22;
	v13 =	vshra.s32 v50, $0x18;
	v50 =	vcvt.s32.f32 v36;
	v36 =	vld [tilespmem:s7+$0xFFFFFFE0]  }
0x52: {  	v17 =	vcvt.s32.f32 v19;
	v12 =	vshra.s32 v49, $0x18;
	v18 =	vshra.s32 v48, $0x18  }
0x53: {  	v48 =	vshra.s32 v51, $0x18;
	v51 =	vcvt.s32.f32 v59;
	v59 =	vcvt.s32.f32 v21;
	v63 =	vld [tilespmem:s7+$0xFFFFFFF0]  }
0x54: {  	v21 =	vshra.s32 v56, $0x18;
	v56 =	vcvt.s32.f32 v24;
	v25 =	vcvt.s32.f32 v12  }
0x55: {  	v58 =	vshll.u32 v47, $0x10;
	v24 =	vcvt.s32.f32 v18;
	v16 =	vperm.xlane v29, v3  }
0x56: {  	v61 =	vshll.u32 v47, $0x8;
	v15 =	vperm.xlane v30, v3;
	v14 =	vperm.xlane v36, v3  }
0x57: {  	v28 =	vcvt.s32.f32 v13;
	v51 =	vsub.f32 v51, v16;
	v18 =	vsub.f32 v53, v16  }
0x58: {  	v13 =	vperm.xlane v63, v3;
	v19 =	vsub.f32 v55, v15;
	v20 =	vsub.f32 v17, v14  }
0x59: {  	v12 =	vshra.s32 v47, $0x18;
	v60 =	vsub.f32 v35, v14;
	v24 =	vsub.f32 v24, v14  }
0x5a: {  	v43 =	vsub.f32 v43, v13;
	v27 =	vsub.f32 v27, v14;
	v14 =	vperm.xlane v29, v2  }
0x5b: {  	v47 =	vld [tilespmem:s7+$0x0];
	v25 =	vsub.f32 v25, v13;
	v22 =	vsub.f32 v44, v13;
	v44 =	vperm.xlane v30, v2  }
0x5c: {  	v53 =	vld [tilespmem:s7+$0x10];
	v28 =	vsub.f32 v28, v13;
	v13 =	vor.u32 s17, v11;
	v51 =	vmul.f32 v51, v14  }
0x5d: {  	v55 =	vld [tilespmem:s7+$0x20];
	v59 =	vsub.f32 v59, v15;
	[tilespmem:$0x1FED0] =	vst v13;
	v19 =	vmul.f32 v19, v44  }
0x5e: {  	v62 =	vld [tilespmem:$0x1FF60];
	v54 =	vsub.f32 v54, v16;
	v18 =	vmul.f32 v18, v14;
	[tilespmem:v42+s28+$0x0] =	vst.idx.msk $0xffff, v51  }
0x5f: {  	v56 =	vsub.f32 v56, v15;
	v59 =	vmul.f32 v59, v44;
	[tilespmem:v40+s28+$0x0] =	vst.idx.msk $0xffff, v19  }
0x60: {  	v54 =	vmul.f32 v54, v14;
	[tilespmem:v41+s28+$0x0] =	vst.idx.msk $0xffff, v18  }
0x61: {  	s18 =	simm.s32 $0x280;
	v56 =	vmul.f32 v56, v44;
	[tilespmem:v38+s28+$0x0] =	vst.idx.msk $0xffff, v59  }
0x62: {  	s24 =	simm.s32 $0x300;
	v31 =	vor.u32 s18, v1;
	v52 =	vshll.u32 v45, $0x10;
	[tilespmem:v39+s28+$0x0] =	vst.idx.msk $0xffff, v54  }
0x63: {  	v32 =	vshra.s32 v52, $0x18;
	v54 =	vor.u32 s24, v1;
	[tilespmem:v34+s28+$0x0] =	vst.idx.msk $0xffff, v56;
	v1 =	vor.u32 s16, v9  }
0x64: {  	v49 =	vcvt.s32.f32 v32;
	v48 =	vcvt.s32.f32 v48;
	[tilespmem:$0x1FEE0] =	vst v1;
	v1 =	vld [tilespmem:$0x1FDC0]  }
0x65: {  	v45 =	vshra.s32 v45, $0x18;
	v17 =	vcvt.s32.f32 v12;
	v12 =	vperm.xlane v47, v3  }
0x66: {  	v23 =	vshra.s32 v23, $0x18;
	v45 =	vcvt.s32.f32 v45  }
0x67: {  	v23 =	vcvt.s32.f32 v23;
	v48 =	vsub.f32 v48, v12;
	v49 =	vsub.f32 v49, v12  }
0x68: {  	v50 =	vsub.f32 v50, v12;
	v12 =	vsub.f32 v45, v12;
	v45 =	vperm.xlane v36, v2  }
0x69: {  	v16 =	vsub.f32 v23, v16;
	v23 =	vperm.xlane v53, v3  }
0x6a: {  	v20 =	vmul.f32 v20, v45  }
0x6b: {  	v39 =	vperm.xlane v53, v2;
	v0 =	vsub.f32 v0, v23  }
0x6c: {  	[tilespmem:v1+s28+$0x0] =	vst.idx.msk $0xffff, v20  }
0x6d: {  	v20 =	vmul.f32 v0, v39;
	v0 =	vld [tilespmem:$0x1FDD0];
	_ =	sdelay $0x5  }
0x6e: {  	v60 =	vmul.f32 v60, v45;
	_ =	sdelay $0x1  }
0x6f: {  	[tilespmem:v0+s28+$0x0] =	vst.idx.msk $0xffff, v60;
	v0 =	vor.u32 s16, v62  }
0x70: {  	[tilespmem:$0x1FEF0] =	vst v0;
	v0 =	vld [tilespmem:$0x1FDE0];
	_ =	sdelay $0x5  }
0x71: {  	v24 =	vmul.f32 v24, v45;
	_ =	sdelay $0x1  }
0x72: {  	[tilespmem:v0+s28+$0x0] =	vst.idx.msk $0xffff, v24;
	v0 =	vor.u32 s23, v9  }
0x73: {  	[tilespmem:$0x1FF00] =	vst v0;
	v0 =	vld [tilespmem:$0x1FDF0];
	_ =	sdelay $0x5  }
0x74: {  	v16 =	vmul.f32 v16, v14;
	_ =	sdelay $0x1  }
0x75: {  	[tilespmem:v0+s28+$0x0] =	vst.idx.msk $0xffff, v16;
	v0 =	vor.u32 s23, v10  }
0x76: {  	[tilespmem:$0x1FF10] =	vst v0;
	v0 =	vld [tilespmem:$0x1FE00]  }
0x77: {  	v26 =	vshra.s32 v26, $0x18  }
0x78: {  	v26 =	vcvt.s32.f32 v26;
	_ =	sdelay $0x1  }
0x79: {  	v15 =	vsub.f32 v26, v15;
	_ =	sdelay $0x1  }
0x7a: {  	v15 =	vmul.f32 v15, v44;
	_ =	sdelay $0x1  }
0x7b: {  	v27 =	vmul.f32 v27, v45;
	v45 =	vld [tilespmem:s15+$0x90];
	[tilespmem:v0+s28+$0x0] =	vst.idx.msk $0xffff, v15;
	v0 =	vor.u32 s23, v62  }
0x7c: {  	[tilespmem:$0x1FF20] =	vst v0;
	v0 =	vld [tilespmem:$0x1FE10];
	_ =	sdelay $0x1  }
0x7d: {  	v61 =	vshra.s32 v61, $0x18  }
0x7e: {  	v61 =	vcvt.s32.f32 v61  }
0x7f: {  	v26 =	vperm.xlane v55, v3;
	v41 =	vperm.xlane v47, v2;
	_ =	sdelay $0x1  }
0x80: {  	v61 =	vsub.f32 v61, v26;
	v56 =	vmul.f32 v50, v41;
	v50 =	vperm.xlane v55, v2;
	_ =	sdelay $0x1  }
0x81: {  	v24 =	vmul.f32 v61, v50;
	v61 =	vld [tilespmem:s15+$0xB0];
	[tilespmem:v0+s28+$0x0] =	vst.idx.msk $0xffff, v27;
	v0 =	vor.u32 s23, v11  }
0x82: {  	[tilespmem:$0x1FF30] =	vst v0;
	v0 =	vld [tilespmem:$0x1FE20]  }
0x83: {  	v46 =	vshra.s32 v46, $0x18;
	v52 =	vcvt.s32.f32 v37  }
0x84: {  	v46 =	vcvt.s32.f32 v46;
	v21 =	vcvt.s32.f32 v21  }
0x85: {  	v52 =	vsub.f32 v52, v23  }
0x86: {  	v21 =	vsub.f32 v21, v23;
	v23 =	vsub.f32 v46, v23;
	v46 =	vperm.xlane v63, v2;
	_ =	sdelay $0x1  }
0x87: {  	v42 =	vmul.f32 v43, v46;
	_ =	sdelay $0x1  }
0x88: {  	[tilespmem:v0+s28+$0x0] =	vst.idx.msk $0xffff, v42  }
0x89: {  	v1 =	vld [tilespmem:$0x1FE30];
	_ =	sdelay $0x5  }
0x8a: {  	v25 =	vmul.f32 v25, v46;
	_ =	sdelay $0x1  }
0x8b: {  	[tilespmem:v1+s28+$0x0] =	vst.idx.msk $0xffff, v25  }
0x8c: {  	v57 =	vshra.s32 v57, $0x18;
	v1 =	vld [tilespmem:$0x1FE40]  }
0x8d: {  	v58 =	vshra.s32 v58, $0x18;
	v57 =	vcvt.s32.f32 v57  }
0x8e: {  	v58 =	vcvt.s32.f32 v58  }
0x8f: {  	v57 =	vsub.f32 v57, v26  }
0x90: {  	v58 =	vsub.f32 v58, v26;
	v17 =	vsub.f32 v17, v26;
	v26 =	vor.u32 s11, v6;
	_ =	sdelay $0x1  }
0x91: {  	v28 =	vmul.f32 v28, v46  }
0x92: {  	v22 =	vmul.f32 v22, v46  }
0x93: {  	[tilespmem:v1+s28+$0x0] =	vst.idx.msk $0xffff, v28  }
0x94: {  	[tilespmem:v26+s28+$0x0] =	vst.idx.msk $0xffff, v22  }
0x95: {  	v1 =	vld [tilespmem:$0x1FE50];
	_ =	sdelay $0x5  }
0x96: {  	v48 =	vmul.f32 v48, v41;
	_ =	sdelay $0x1  }
0x97: {  	[tilespmem:v1+s28+$0x0] =	vst.idx.msk $0xffff, v48  }
0x98: {  	v1 =	vld [tilespmem:$0x1FE60];
	_ =	sdelay $0x2  }
0x99: {  	v37 =	vor.u32 s24, v6;
	v32 =	vor.u32 s18, v6  }
0x9a: {  	v35 =	vor.u32 s24, v4;
	v51 =	vor.u32 s18, v7;
	v40 =	vor.u32 s24, v7  }
0x9b: {  	v38 =	vor.u32 s12, v6;
	v59 =	vmul.f32 v49, v41;
	v41 =	vmul.f32 v12, v41  }
0x9c: {  	v43 =	vor.u32 s18, v4;
	v52 =	vmul.f32 v52, v39;
	v57 =	vmul.f32 v57, v50  }
0x9d: {  	v58 =	vmul.f32 v58, v50;
	v46 =	vperm.xlane v29, v8;
	v16 =	vshll.u32 v45, $0x18  }
0x9e: {  	v19 =	vmul.f32 v17, v50;
	v16 =	vshra.s32 v16, $0x18;
	v15 =	vshll.u32 v45, $0x10;
	v34 =	vld [tilespmem:s15+$0xD0];
	[tilespmem:v1+s28+$0x0] =	vst.idx.msk $0xffff, v59  }
0x9f: {  	v16 =	vcvt.s32.f32 v16;
	v15 =	vshra.s32 v15, $0x18;
	v14 =	vshll.u32 v61, $0x10;
	v1 =	vld [tilespmem:$0x1FE70]  }
0xa0: {  	v15 =	vcvt.s32.f32 v15;
	v13 =	vshll.u32 v61, $0x8;
	v14 =	vshra.s32 v14, $0x18  }
0xa1: {  	v13 =	vshra.s32 v13, $0x18;
	v27 =	vperm.xlane v30, v8;
	v14 =	vcvt.s32.f32 v14  }
0xa2: {  	v60 =	vmul.f32 v21, v39;
	v16 =	vsub.f32 v16, v46;
	v13 =	vcvt.s32.f32 v13;
	v48 =	vld [tilespmem:s15+$0xF0]  }
0xa3: {  	v39 =	vmul.f32 v23, v39;
	v15 =	vsub.f32 v15, v46;
	v14 =	vsub.f32 v14, v27  }
0xa4: {  	v13 =	vsub.f32 v13, v27;
	v12 =	vshll.u32 v34, $0x10;
	v22 =	vshll.u32 v45, $0x8;
	[tilespmem:v31+s28+$0x0] =	vst.idx.msk $0xffff, v52  }
0xa5: {  	v44 =	vshll.u32 v34, $0x8;
	v26 =	vshll.u32 v61, $0x18;
	v22 =	vshra.s32 v22, $0x18;
	[tilespmem:v54+s28+$0x0] =	vst.idx.msk $0xffff, v57  }
0xa6: {  	v18 =	vshra.s32 v12, $0x18;
	v26 =	vshra.s32 v26, $0x18;
	v22 =	vcvt.s32.f32 v22;
	[tilespmem:v43+s28+$0x0] =	vst.idx.msk $0xffff, v20  }
0xa7: {  	v0 =	vperm.xlane v63, v8;
	v26 =	vcvt.s32.f32 v26;
	v12 =	vshll.u32 v48, $0x10;
	[tilespmem:v1+s28+$0x0] =	vst.idx.msk $0xffff, v56  }
0xa8: {  	v22 =	vsub.f32 v22, v46;
	v12 =	vshra.s32 v12, $0x18;
	v31 =	vshll.u32 v48, $0x8;
	[tilespmem:v38+s28+$0x0] =	vst.idx.msk $0xffff, v41  }
0xa9: {  	v12 =	vcvt.s32.f32 v12;
	v20 =	vshra.s32 v31, $0x18;
	v31 =	vshra.s32 v45, $0x18;
	[tilespmem:v35+s28+$0x0] =	vst.idx.msk $0xffff, v58;
	v41 =	vld [tilespmem:s15+$0x110]  }
0xaa: {  	v26 =	vsub.f32 v26, v27;
	v43 =	vshra.s32 v61, $0x18;
	[tilespmem:v51+s28+$0x0] =	vst.idx.msk $0xffff, v60;
	v31 =	vcvt.s32.f32 v31  }
0xab: {  	v59 =	vshll.u32 v34, $0x18;
	v23 =	vsub.f32 v12, v0;
	v54 =	vcvt.s32.f32 v43;
	[tilespmem:v40+s28+$0x0] =	vst.idx.msk $0xffff, v24  }
0xac: {  	v20 =	vcvt.s32.f32 v20;
	[tilespmem:v32+s28+$0x0] =	vst.idx.msk $0xffff, v39;
	v32 =	vshra.s32 v48, $0x18;
	v31 =	vsub.f32 v31, v46  }
0xad: {  	[tilespmem:v37+s28+$0x0] =	vst.idx.msk $0xffff, v19;
	v32 =	vcvt.s32.f32 v32;
	v56 =	vshra.s32 v44, $0x18;
	v44 =	vshll.u32 v48, $0x18  }
0xae: {  	v38 =	vshra.s32 v59, $0x18;
	v52 =	vshra.s32 v44, $0x18;
	v1 =	vld [tilespmem:$0x1FE90];
	v59 =	vshll.u32 v41, $0x10  }
0xaf: {  	v61 =	vshll.u32 v41, $0x8;
	v45 =	vshra.s32 v59, $0x18;
	v59 =	vcvt.s32.f32 v52  }
0xb0: {  	v27 =	vsub.f32 v54, v27;
	v54 =	vsub.f32 v32, v0;
	v51 =	vshra.s32 v61, $0x18  }
0xb1: {  	v61 =	vcvt.s32.f32 v51;
	v51 =	vsub.f32 v20, v0;
	v46 =	vsub.f32 v59, v0;
	v0 =	vld [tilespmem:$0x1FE80];
	_ =	sdelay $0x4  }
0xb2: {  	[tilespmem:v1+s28+$0x0] =	vst.idx.msk $0xffff, v0  }
0xb3: {  	v33 =	vor.u32 s17, v10;
	v0 =	vld [tilespmem:$0x1FEA0];
	_ =	sdelay $0x4  }
0xb4: {  	[tilespmem:v33+s28+$0x0] =	vst.idx.msk $0xffff, v0  }
0xb5: {  	v3 =	vor.u32 s17, v62;
	v1 =	vld [tilespmem:$0x1FEB0];
	_ =	sdelay $0x4  }
0xb6: {  	v60 =	vld [tilespmem:s15+$0x130];
	[tilespmem:v3+s28+$0x0] =	vst.idx.msk $0xffff, v1  }
0xb7: {  	v2 =	vld [tilespmem:$0x1FED0];
	_ =	sdelay $0x2  }
0xb8: {  	v1 =	vld [tilespmem:$0x1FEC0]  }
0xb9: {  	v35 =	vld [tilespmem:s15+$0x150]  }
0xba: {  	v25 =	vperm.xlane v47, v8;
	v24 =	vshll.u32 v60, $0x18;
	v39 =	vshll.u32 v41, $0x18  }
0xbb: {  	v19 =	vshll.u32 v60, $0x10;
	v57 =	vshll.u32 v60, $0x8;
	v39 =	vshra.s32 v39, $0x18  }
0xbc: {  	v41 =	vshra.s32 v41, $0x18;
	v39 =	vcvt.s32.f32 v39;
	v45 =	vcvt.s32.f32 v45  }
0xbd: {  	v40 =	vshra.s32 v60, $0x18;
	v58 =	vcvt.s32.f32 v56;
	v20 =	vcvt.s32.f32 v41;
	[tilespmem:v2+s28+$0x0] =	vst.idx.msk $0xffff, v1  }
0xbe: {  	v60 =	vshll.u32 v35, $0x18;
	v52 =	vsub.f32 v39, v25;
	v44 =	vsub.f32 v45, v25;
	v1 =	vld [tilespmem:$0x1FEE0]  }
0xbf: {  	v48 =	vsub.f32 v61, v25;
	v56 =	vsub.f32 v20, v25;
	v25 =	vshra.s32 v60, $0x18  }
0xc0: {  	v28 =	vperm.xlane v55, v8;
	v25 =	vcvt.s32.f32 v25;
	_ =	sdelay $0x1  }
0xc1: {  	v4 =	vor.u32 s16, v10;
	v59 =	vsub.f32 v25, v28;
	v25 =	vperm.xlane v29, v5;
	_ =	sdelay $0x1  }
0xc2: {  	v16 =	vmul.f32 v16, v25  }
0xc3: {  	v15 =	vmul.f32 v15, v25  }
0xc4: {  	[tilespmem:v1+s28+$0x0] =	vst.idx.msk $0xffff, v16  }
0xc5: {  	v42 =	vperm.xlane v36, v8;
	[tilespmem:v4+s28+$0x0] =	vst.idx.msk $0xffff, v15  }
0xc6: {  	v17 =	vperm.xlane v53, v8;
	v24 =	vshra.s32 v24, $0x18;
	v37 =	vshra.s32 v57, $0x18;
	v3 =	vld [tilespmem:$0x1FEF0]  }
0xc7: {  	v43 =	vsub.f32 v58, v42;
	v24 =	vcvt.s32.f32 v24;
	v41 =	vshll.u32 v35, $0x10  }
0xc8: {  	v32 =	vshra.s32 v41, $0x18;
	v20 =	vshll.u32 v35, $0x8;
	v60 =	vcvt.s32.f32 v37  }
0xc9: {  	v35 =	vshra.s32 v35, $0x18;
	v32 =	vcvt.s32.f32 v32;
	v20 =	vshra.s32 v20, $0x18  }
0xca: {  	v6 =	vsub.f32 v24, v17;
	v24 =	vcvt.s32.f32 v35;
	v20 =	vcvt.s32.f32 v20  }
0xcb: {  	v58 =	vsub.f32 v60, v17;
	v29 =	vsub.f32 v32, v28  }
0xcc: {  	v60 =	vsub.f32 v20, v28;
	v28 =	vsub.f32 v24, v28;
	v24 =	vmul.f32 v22, v25;
	_ =	sdelay $0x1  }
0xcd: {  	[tilespmem:v3+s28+$0x0] =	vst.idx.msk $0xffff, v24  }
0xce: {  	v4 =	vld [tilespmem:$0x1FF00];
	_ =	sdelay $0x3  }
0xcf: {  	v20 =	vperm.xlane v30, v5;
	_ =	sdelay $0x1  }
0xd0: {  	v0 =	vmul.f32 v31, v25;
	v25 =	vmul.f32 v26, v20;
	_ =	sdelay $0x1  }
0xd1: {  	[tilespmem:v4+s28+$0x0] =	vst.idx.msk $0xffff, v25  }
0xd2: {  	v4 =	vld [tilespmem:$0x1FF10];
	_ =	sdelay $0x3  }
0xd3: {  	v18 =	vcvt.s32.f32 v18;
	v34 =	vshra.s32 v34, $0x18;
	v38 =	vcvt.s32.f32 v38  }
0xd4: {  	v50 =	vor.u32 s13, v9;
	v34 =	vcvt.s32.f32 v34  }
0xd5: {  	v21 =	vsub.f32 v18, v42;
	v38 =	vsub.f32 v38, v42;
	v14 =	vmul.f32 v14, v20  }
0xd6: {  	v42 =	vsub.f32 v34, v42;
	v34 =	vperm.xlane v53, v5;
	v61 =	vcvt.s32.f32 v40  }
0xd7: {  	v7 =	vor.u32 s16, v11;
	v22 =	vperm.xlane v36, v5;
	v36 =	vperm.xlane v47, v5;
	[tilespmem:v4+s28+$0x0] =	vst.idx.msk $0xffff, v14  }
0xd8: {  	v49 =	vor.u32 s13, v10;
	v15 =	vperm.xlane v63, v5;
	v63 =	vperm.xlane v55, v5;
	v5 =	vld [tilespmem:$0x1FF20]  }
0xd9: {  	v18 =	vsub.f32 v61, v17;
	v61 =	vor.u32 s11, v9;
	v16 =	vmul.f32 v38, v22  }
0xda: {  	v37 =	vor.u32 s13, v62  }
0xdb: {  	v30 =	vmul.f32 v21, v22;
	[tilespmem:v50+s28+$0x0] =	vst.idx.msk $0xffff, v16  }
0xdc: {  	v19 =	vshra.s32 v19, $0x18;
	v14 =	vmul.f32 v46, v15;
	[tilespmem:v7+s28+$0x0] =	vst.idx.msk $0xffff, v0  }
0xdd: {  	v19 =	vcvt.s32.f32 v19;
	v12 =	vmul.f32 v43, v22;
	[tilespmem:v49+s28+$0x0] =	vst.idx.msk $0xffff, v30  }
0xde: {  	v8 =	vor.u32 s18, v11;
	v13 =	vmul.f32 v13, v20;
	[tilespmem:v61+s28+$0x0] =	vst.idx.msk $0xffff, v14  }
0xdf: {  	v57 =	vor.u32 s13, v11;
	v19 =	vsub.f32 v19, v17;
	v40 =	vor.u32 s24, v62;
	[tilespmem:v37+s28+$0x0] =	vst.idx.msk $0xffff, v12  }
0xe0: {  	v35 =	vor.u32 s11, v11;
	v53 =	vmul.f32 v18, v34;
	v17 =	vmul.f32 v27, v20;
	[tilespmem:v5+s28+$0x0] =	vst.idx.msk $0xffff, v13  }
0xe1: {  	v32 =	vor.u32 s11, v62;
	v39 =	vmul.f32 v42, v22;
	v21 =	vmul.f32 v52, v36;
	v0 =	vld [tilespmem:$0x1FF30]  }
0xe2: {  	v43 =	vmul.f32 v44, v36;
	v52 =	vmul.f32 v6, v34;
	v33 =	vor.u32 s11, v10  }
0xe3: {  	v2 =	vor.u32 s18, v10;
	v1 =	vor.u32 s18, v9;
	v38 =	vor.u32 s24, v11  }
0xe4: {  	v55 =	vmul.f32 v56, v36;
	v56 =	vor.u32 s12, v11;
	v41 =	vmul.f32 v23, v15  }
0xe5: {  	v31 =	vmul.f32 v51, v15;
	v27 =	vmul.f32 v54, v15;
	v54 =	vor.u32 s12, v10  }
0xe6: {  	v3 =	vor.u32 s18, v62;
	v4 =	vor.u32 s24, v9;
	v46 =	vmul.f32 v60, v63  }
0xe7: {  	v50 =	vmul.f32 v48, v36;
	v16 =	vmul.f32 v29, v63;
	v30 =	vor.u32 s12, v9  }
0xe8: {  	v15 =	vor.u32 s24, v10;
	v10 =	vmovc v4;
	v14 =	vmul.f32 v59, v63;
	v49 =	vmul.f32 v28, v63  }
0xe9: {  	s11 =	simm.s32 $0x0;
	v36 =	vor.u32 s12, v62;
	s12 =	simm.s32 $0x600;
	v12 =	vmul.f32 v58, v34;
	v13 =	vmul.f32 v19, v34;
	[tilespmem:v0+s28+$0x0] =	vst.idx.msk $0xffff, v17  }
.LBB2_2:
0xea: {  	[tilespmem:v57+s28+$0x0] =	vst.idx.msk $0xffff, v39  }
0xeb: {  	[tilespmem:v33+s28+$0x0] =	vst.idx.msk $0xffff, v41  }
0xec: {  	s15 =	sshra.s32 s12, $0x2;
	[tilespmem:v30+s28+$0x0] =	vst.idx.msk $0xffff, v21  }
0xed: {  	v20 =	vld [tilespmem:s15+$0x140];
	[tilespmem:v10+s28+$0x0] =	vst.idx.msk $0xffff, v14  }
0xee: {  	v29 =	vld [tilespmem:$0x1FF70];
	[tilespmem:v32+s28+$0x0] =	vst.idx.msk $0xffff, v31  }
0xef: {  	v45 =	vld [tilespmem:$0x1FF90];
	[tilespmem:v54+s28+$0x0] =	vst.idx.msk $0xffff, v43  }
0xf0: {  	v44 =	vld [tilespmem:$0x1FFA0];
	[tilespmem:v15+s28+$0x0] =	vst.idx.msk $0xffff, v16  }
0xf1: {  	[tilespmem:v35+s28+$0x0] =	vst.idx.msk $0xffff, v27  }
0xf2: {  	[tilespmem:v36+s28+$0x0] =	vst.idx.msk $0xffff, v50  }
0xf3: {  	v50 =	vld [tilespmem:s15+$0x120];
	[tilespmem:v1+s28+$0x0] =	vst.idx.msk $0xffff, v52;
	v0 =	vor.u32 s12, v29  }
0xf4: {  	v6 =	vld [tilespmem:$0x1FFB0];
	[tilespmem:$0x1FC90] =	vst v0;
	v0 =	vor.u32 s12, v45  }
0xf5: {  	s19 =	sadd.s32 $0xFFFFFE00, s12;
	[tilespmem:$0x1FCA0] =	vst v0;
	v0 =	vor.u32 s12, v44  }
0xf6: {  	[tilespmem:$0x1FCB0] =	vst v0;
	v0 =	vor.u32 s19, v29  }
0xf7: {  	[tilespmem:$0x1FBA0] =	vst v0;
	v0 =	vor.u32 s19, v45  }
0xf8: {  	[tilespmem:$0x1FBB0] =	vst v0;
	v0 =	vor.u32 s19, v44  }
0xf9: {  	s1 =	sadd.s32 $0xFFFFFE80, s12;
	[tilespmem:$0x1FBC0] =	vst v0;
	v0 =	vor.u32 s19, v6  }
0xfa: {  	[tilespmem:$0x1FC30] =	vst v0;
	v0 =	vor.u32 s1, v29  }
0xfb: {  	[tilespmem:$0x1FBD0] =	vst v0;
	v0 =	vor.u32 s1, v45  }
0xfc: {  	[tilespmem:$0x1FBE0] =	vst v0;
	v0 =	vor.u32 s1, v44  }
0xfd: {  	s18 =	sadd.s32 $0xFFFFFF00, s12;
	[tilespmem:$0x1FBF0] =	vst v0;
	v0 =	vor.u32 s1, v6  }
0xfe: {  	v4 =	vld [tilespmem:$0x1FF80];
	[tilespmem:$0x1FC40] =	vst v0;
	v0 =	vor.u32 s18, v29  }
0xff: {  	s7 =	sadd.s32 $0x80, s7;
	v57 =	vld [tilespmem:s15+$0x160];
	[tilespmem:$0x1FC00] =	vst v0;
	v0 =	vor.u32 s18, v45  }
0x100: {  	v51 =	vld [tilespmem:s7+$0x30];
	[tilespmem:$0x1FC10] =	vst v0;
	v0 =	vor.u32 s18, v44  }
0x101: {  	s17 =	sadd.s32 $0xFFFFFF80, s12;
	[tilespmem:$0x1FC20] =	vst v0;
	v0 =	vor.u32 s18, v6  }
0x102: {  	s22 =	sadd.s32 $0x180, s12;
	v11 =	vld [tilespmem:$0x1FFF0];
	[tilespmem:$0x1FC50] =	vst v0;
	v0 =	vor.u32 s17, v29  }
0x103: {  	v7 =	vld [tilespmem:$0x1FF50];
	v58 =	vor.u32 s22, v29;
	v59 =	vor.u32 s22, v45;
	[tilespmem:$0x1FC60] =	vst v0;
	v0 =	vor.u32 s17, v45  }
0x104: {  	v23 =	vld [tilespmem:s15+$0x80];
	v39 =	vor.u32 s22, v44;
	v33 =	vshll.u32 v57, $0x18;
	[tilespmem:$0x1FC70] =	vst v0;
	v0 =	vor.u32 s17, v44  }
0x105: {  	v60 =	vperm.xlane v51, v4;
	v41 =	vshll.u32 v57, $0x10;
	v34 =	vshra.s32 v33, $0x18;
	[tilespmem:$0x1FC80] =	vst v0;
	v0 =	vld [tilespmem:s7+$0xFFFFFFD0]  }
0x106: {  	v48 =	vld [tilespmem:s15+$0x100];
	[tilespmem:v56+s28+$0x0] =	vst.idx.msk $0xffff, v55;
	v62 =	vshll.u32 v57, $0x8;
	v61 =	vshra.s32 v41, $0x18;
	v47 =	vcvt.s32.f32 v34  }
0x107: {  	[tilespmem:v2+s28+$0x0] =	vst.idx.msk $0xffff, v13;
	v16 =	vor.u32 s22, v11;
	v54 =	vshra.s32 v62, $0x18;
	v37 =	vcvt.s32.f32 v61  }
0x108: {  	s13 =	sadd.s32 $0x100, s12;
	v10 =	vld [tilespmem:$0x1FFD0];
	[tilespmem:v3+s28+$0x0] =	vst.idx.msk $0xffff, v12;
	v63 =	vperm.xlane v51, v7;
	v54 =	vcvt.s32.f32 v54;
	v22 =	vsub.f32 v47, v60  }
0x109: {  	v35 =	vld [tilespmem:s15+$0xA0];
	v1 =	vor.u32 s13, v45;
	v13 =	vshra.s32 v57, $0x18;
	[tilespmem:v8+s28+$0x0] =	vst.idx.msk $0xffff, v53;
	v24 =	vsub.f32 v37, v60  }
0x10a: {  	v41 =	vcvt.s32.f32 v13;
	v25 =	vsub.f32 v54, v60;
	v22 =	vmul.f32 v22, v63;
	[tilespmem:$0x1FB60] =	vst v0;
	v0 =	vld [tilespmem:s7+$0xFFFFFFE0]  }
0x10b: {  	v43 =	vld [tilespmem:s15+$0xE0];
	v32 =	vshll.u32 v23, $0x10;
	[tilespmem:$0x1FCC0] =	vst v1;
	v47 =	vor.u32 s22, v6;
	v24 =	vmul.f32 v24, v63  }
0x10c: {  	v42 =	vld [tilespmem:s15+$0xC0];
	v19 =	vshll.u32 v20, $0x8;
	v26 =	vsub.f32 v41, v60;
	[tilespmem:v58+s28+$0x0] =	vst.idx.msk $0xffff, v22;
	v22 =	vmul.f32 v25, v63  }
0x10d: {  	v17 =	vor.u32 s22, v10;
	v1 =	vor.u32 s13, v44;
	v33 =	vshll.u32 v23, $0x8;
	v62 =	vld [tilespmem:$0x1FFE0];
	[tilespmem:v59+s28+$0x0] =	vst.idx.msk $0xffff, v24  }
0x10e: {  	v56 =	vshra.s32 v32, $0x18;
	v57 =	vshra.s32 v33, $0x18;
	v33 =	vld [tilespmem:$0x1FF60];
	v24 =	vmul.f32 v26, v63;
	[tilespmem:v39+s28+$0x0] =	vst.idx.msk $0xffff, v22  }
0x10f: {  	v34 =	vshll.u32 v35, $0x10;
	v52 =	vshll.u32 v35, $0x8;
	v21 =	vshll.u32 v50, $0x10;
	[tilespmem:$0x1FB70] =	vst v0;
	v0 =	vld [tilespmem:s7+$0x10]  }
0x110: {  	v55 =	vshll.u32 v43, $0x18;
	v61 =	vshll.u32 v43, $0x10;
	v53 =	vshll.u32 v48, $0x18;
	[tilespmem:v47+s28+$0x0] =	vst.idx.msk $0xffff, v24  }
0x111: {  	v27 =	vshll.u32 v48, $0x10;
	v41 =	vshll.u32 v50, $0x8;
	v54 =	vshll.u32 v23, $0x18;
	v63 =	vld [tilespmem:s15+$0x170]  }
0x112: {  	v52 =	vshra.s32 v52, $0x18;
	v60 =	vshll.u32 v42, $0x10;
	v54 =	vshra.s32 v54, $0x18  }
0x113: {  	v9 =	vld [tilespmem:$0x1FFC0];
	v18 =	vor.u32 s22, v62;
	v15 =	vor.u32 s22, v33;
	v25 =	vshll.u32 v35, $0x18  }
0x114: {  	v58 =	vshra.s32 v34, $0x18;
	v35 =	vshra.s32 v35, $0x18;
	v26 =	vshll.u32 v20, $0x10;
	[tilespmem:$0x1FB80] =	vst v0;
	v0 =	vld [tilespmem:s7+$0x20]  }
0x115: {  	v25 =	vshra.s32 v25, $0x18;
	v35 =	vcvt.s32.f32 v35;
	v22 =	vshll.u32 v42, $0x8  }
0x116: {  	v5 =	vld [tilespmem:$0x1FF40];
	v37 =	vcvt.s32.f32 v25;
	v24 =	vshll.u32 v43, $0x8;
	v12 =	vshll.u32 v63, $0x18  }
0x117: {  	v47 =	vshll.u32 v20, $0x18;
	v20 =	vshra.s32 v20, $0x18;
	v12 =	vshra.s32 v12, $0x18  }
0x118: {  	v13 =	vshll.u32 v63, $0x10;
	v14 =	vcvt.s32.f32 v12;
	v12 =	vshll.u32 v63, $0x8  }
0x119: {  	v13 =	vshra.s32 v13, $0x18;
	v12 =	vshra.s32 v12, $0x18;
	[tilespmem:$0x1FB90] =	vst v0;
	v0 =	vperm.xlane v51, v9  }
0x11a: {  	v13 =	vcvt.s32.f32 v13;
	v63 =	vshra.s32 v63, $0x18;
	v12 =	vcvt.s32.f32 v12  }
0x11b: {  	v63 =	vcvt.s32.f32 v63;
	v51 =	vperm.xlane v51, v5;
	v14 =	vsub.f32 v14, v0  }
0x11c: {  	[tilespmem:v40+s28+$0x0] =	vst.idx.msk $0xffff, v46;
	v40 =	vshll.u32 v48, $0x8;
	v13 =	vsub.f32 v13, v0;
	v12 =	vsub.f32 v12, v0  }
0x11d: {  	v0 =	vsub.f32 v63, v0;
	v63 =	vcvt.s32.f32 v56;
	v14 =	vmul.f32 v14, v51  }
0x11e: {  	v46 =	vshll.u32 v50, $0x18;
	v13 =	vmul.f32 v13, v51;
	v12 =	vmul.f32 v12, v51  }
0x11f: {  	s16 =	sadd.s32 $0x80, s12;
	v0 =	vmul.f32 v0, v51;
	[tilespmem:v17+s28+$0x0] =	vst.idx.msk $0xffff, v14;
	v14 =	vshra.s32 v22, $0x18;
	v17 =	vshra.s32 v55, $0x18  }
0x120: {  	v22 =	vshra.s32 v53, $0x18;
	v55 =	vor.u32 s16, v45;
	v53 =	vor.u32 s16, v6  }
0x121: {  	v8 =	vld [tilespmem:s7+$0xFFFFFFF0];
	v45 =	vcvt.s32.f32 v20;
	[tilespmem:v18+s28+$0x0] =	vst.idx.msk $0xffff, v13;
	v13 =	vshra.s32 v61, $0x18;
	v18 =	vshra.s32 v24, $0x18  }
0x122: {  	v3 =	vld [tilespmem:s7+$0x0];
	v24 =	vshra.s32 v40, $0x18;
	v40 =	vcvt.s32.f32 v58;
	v58 =	vor.u32 s12, v6  }
0x123: {  	[tilespmem:v15+s28+$0x0] =	vst.idx.msk $0xffff, v12;
	v15 =	vshra.s32 v27, $0x18;
	v27 =	vshra.s32 v46, $0x18;
	v46 =	vshra.s32 v48, $0x18  }
0x124: {  	v48 =	vshra.s32 v50, $0x18;
	v50 =	vor.u32 s17, v6;
	[tilespmem:v16+s28+$0x0] =	vst.idx.msk $0xffff, v0;
	v0 =	vshra.s32 v21, $0x18  }
0x125: {  	v36 =	vcvt.s32.f32 v27;
	v27 =	vcvt.s32.f32 v0;
	v0 =	vor.u32 s13, v6;
	v6 =	vld [tilespmem:$0x1FB60]  }
0x126: {  	v59 =	vshll.u32 v42, $0x18;
	v20 =	vperm.xlane v8, v7;
	v28 =	vcvt.s32.f32 v13  }
0x127: {  	[tilespmem:v38+s28+$0x0] =	vst.idx.msk $0xffff, v49;
	v12 =	vperm.xlane v8, v4;
	v13 =	vperm.xlane v3, v4;
	v21 =	vshra.s32 v47, $0x18  }
0x128: {  	v38 =	vshra.s32 v42, $0x18;
	v56 =	vmovc v8;
	v8 =	vmovc v3;
	v32 =	vcvt.s32.f32 v21;
	v21 =	vperm.xlane v3, v7;
	v3 =	vld [tilespmem:$0x1FBD0]  }
0x129: {  	v42 =	vshra.s32 v43, $0x18;
	v61 =	vcvt.s32.f32 v54;
	v16 =	vshra.s32 v41, $0x18  }
0x12a: {  	v54 =	vor.u32 s16, v44;
	v44 =	vcvt.s32.f32 v16;
	v16 =	vperm.xlane v6, v4  }
0x12b: {  	v43 =	vcvt.s32.f32 v52;
	v52 =	vor.u32 s13, v29;
	v51 =	vor.u32 s16, v29  }
0x12c: {  	v29 =	vcvt.s32.f32 v22;
	v22 =	vperm.xlane v6, v7;
	v37 =	vsub.f32 v37, v16  }
0x12d: {  	v40 =	vsub.f32 v40, v16  }
0x12e: {  	v43 =	vsub.f32 v43, v16;
	v16 =	vsub.f32 v35, v16;
	v35 =	vmul.f32 v37, v22;
	_ =	sdelay $0x1  }
0x12f: {  	[tilespmem:v3+s28+$0x0] =	vst.idx.msk $0xffff, v35;
	v3 =	vor.u32 s18, v62  }
0x130: {  	[tilespmem:$0x1FD60] =	vst v3;
	v3 =	vld [tilespmem:$0x1FBE0];
	_ =	sdelay $0x1  }
0x131: {  	[tilespmem:$0x1FCE0] =	vst v0;
	v0 =	vor.u32 s19, v10  }
0x132: {  	v2 =	vld [tilespmem:s7+$0xFFFFFFC0];
	v39 =	vcvt.s32.f32 v17;
	[tilespmem:$0x1FCF0] =	vst v0;
	v0 =	vor.u32 s19, v62  }
0x133: {  	v49 =	vmovc v33;
	v34 =	vcvt.s32.f32 v18;
	[tilespmem:$0x1FD00] =	vst v0;
	v0 =	vor.u32 s19, v33;
	v33 =	vcvt.s32.f32 v42  }
0x134: {  	v39 =	vsub.f32 v39, v12;
	v28 =	vsub.f32 v28, v12  }
0x135: {  	v34 =	vsub.f32 v34, v12;
	v12 =	vsub.f32 v33, v12;
	v33 =	vmul.f32 v40, v22  }
0x136: {  	[tilespmem:$0x1FCD0] =	vst v1  }
0x137: {  	v1 =	vmov v2;
	v17 =	vperm.xlane v2, v4;
	v2 =	vld [tilespmem:$0x1FB70];
	[tilespmem:v3+s28+$0x0] =	vst.idx.msk $0xffff, v33;
	v3 =	vor.u32 s18, v49  }
0x138: {  	[tilespmem:$0x1FD70] =	vst v3;
	v3 =	vld [tilespmem:$0x1FBF0]  }
0x139: {  	[tilespmem:$0x1FD10] =	vst v0;
	v0 =	vor.u32 s19, v11  }
0x13a: {  	[tilespmem:$0x1FD90] =	vst v0;
	v0 =	vor.u32 s1, v10  }
0x13b: {  	v38 =	vcvt.s32.f32 v38;
	[tilespmem:$0x1FD20] =	vst v0;
	v0 =	vor.u32 s1, v62  }
0x13c: {  	v42 =	vcvt.s32.f32 v46;
	[tilespmem:$0x1FD30] =	vst v0;
	v0 =	vperm.xlane v2, v4;
	_ =	sdelay $0x1  }
0x13d: {  	v37 =	vsub.f32 v38, v0;
	v38 =	vsub.f32 v42, v13;
	v42 =	vmul.f32 v43, v22;
	_ =	sdelay $0x1  }
0x13e: {  	[tilespmem:v3+s28+$0x0] =	vst.idx.msk $0xffff, v42;
	v3 =	vld [tilespmem:$0x1FC00]  }
0x13f: {  	v59 =	vshra.s32 v59, $0x18  }
0x140: {  	v60 =	vshra.s32 v60, $0x18;
	v59 =	vcvt.s32.f32 v59  }
0x141: {  	v23 =	vshra.s32 v23, $0x18;
	v60 =	vcvt.s32.f32 v60;
	v30 =	vcvt.s32.f32 v14  }
0x142: {  	v47 =	vcvt.s32.f32 v23;
	v23 =	vperm.xlane v2, v7;
	v59 =	vsub.f32 v59, v0;
	_ =	sdelay $0x1  }
0x143: {  	v60 =	vsub.f32 v60, v0;
	v30 =	vsub.f32 v30, v0;
	v0 =	vld [tilespmem:$0x1FBA0];
	v43 =	vmul.f32 v59, v23;
	_ =	sdelay $0x1  }
0x144: {  	[tilespmem:v3+s28+$0x0] =	vst.idx.msk $0xffff, v43;
	v3 =	vor.u32 s17, v10  }
0x145: {  	[tilespmem:$0x1FD80] =	vst v3;
	v3 =	vld [tilespmem:$0x1FC10]  }
0x146: {  	v18 =	vcvt.s32.f32 v24;
	v24 =	vperm.xlane v1, v7;
	v61 =	vsub.f32 v61, v17;
	_ =	sdelay $0x1  }
0x147: {  	v61 =	vmul.f32 v61, v24;
	_ =	sdelay $0x1  }
0x148: {  	[tilespmem:v0+s28+$0x0] =	vst.idx.msk $0xffff, v61;
	v0 =	vor.u32 s1, v49  }
0x149: {  	v61 =	vmul.f32 v60, v23;
	[tilespmem:$0x1FD40] =	vst v0;
	v0 =	vld [tilespmem:$0x1FBB0];
	_ =	sdelay $0x1  }
0x14a: {  	[tilespmem:v3+s28+$0x0] =	vst.idx.msk $0xffff, v61;
	v3 =	vld [tilespmem:$0x1FC20];
	_ =	sdelay $0x1  }
0x14b: {  	v63 =	vsub.f32 v63, v17;
	_ =	sdelay $0x1  }
0x14c: {  	v63 =	vmul.f32 v63, v24;
	_ =	sdelay $0x1  }
0x14d: {  	v30 =	vmul.f32 v30, v23;
	[tilespmem:v0+s28+$0x0] =	vst.idx.msk $0xffff, v63;
	v0 =	vor.u32 s1, v11  }
0x14e: {  	[tilespmem:$0x1FDB0] =	vst v0;
	v0 =	vld [tilespmem:$0x1FBC0]  }
0x14f: {  	[tilespmem:v3+s28+$0x0] =	vst.idx.msk $0xffff, v30;
	v3 =	vld [tilespmem:$0x1FC30]  }
0x150: {  	v57 =	vcvt.s32.f32 v57;
	_ =	sdelay $0x1  }
0x151: {  	v57 =	vsub.f32 v57, v17  }
0x152: {  	v47 =	vsub.f32 v47, v17  }
0x153: {  	v57 =	vmul.f32 v57, v24  }
0x154: {  	v24 =	vmul.f32 v47, v24  }
0x155: {  	[tilespmem:v0+s28+$0x0] =	vst.idx.msk $0xffff, v57  }
0x156: {  	[tilespmem:v3+s28+$0x0] =	vst.idx.msk $0xffff, v24;
	v3 =	vld [tilespmem:$0x1FC40];
	_ =	sdelay $0x5  }
0x157: {  	v16 =	vmul.f32 v16, v22;
	_ =	sdelay $0x1  }
0x158: {  	[tilespmem:v3+s28+$0x0] =	vst.idx.msk $0xffff, v16;
	v3 =	vld [tilespmem:$0x1FC50];
	_ =	sdelay $0x3  }
0x159: {  	v26 =	vshra.s32 v26, $0x18  }
0x15a: {  	v19 =	vshra.s32 v19, $0x18;
	v41 =	vcvt.s32.f32 v26  }
0x15b: {  	v26 =	vcvt.s32.f32 v19;
	v19 =	vld [tilespmem:$0x1FB80];
	v22 =	vmul.f32 v37, v23  }
0x15c: {  	v46 =	vld [tilespmem:$0x1FB90]  }
0x15d: {  	[tilespmem:v3+s28+$0x0] =	vst.idx.msk $0xffff, v22;
	v3 =	vld [tilespmem:$0x1FC60];
	_ =	sdelay $0x1  }
0x15e: {  	v31 =	vcvt.s32.f32 v15  }
0x15f: {  	v25 =	vsub.f32 v18, v13;
	v39 =	vmul.f32 v39, v20  }
0x160: {  	v31 =	vsub.f32 v31, v13;
	v14 =	vperm.xlane v19, v4;
	v18 =	vperm.xlane v19, v7  }
0x161: {  	v29 =	vsub.f32 v29, v13;
	v15 =	vperm.xlane v46, v4;
	v4 =	vmovc v19;
	v19 =	vperm.xlane v46, v7  }
0x162: {  	v13 =	vmul.f32 v31, v21;
	v31 =	vperm.xlane v2, v9;
	v0 =	vor.u32 s18, v10  }
0x163: {  	v41 =	vsub.f32 v41, v15;
	v59 =	vperm.xlane v8, v9;
	v60 =	vperm.xlane v4, v9;
	[tilespmem:$0x1FD50] =	vst v0  }
0x164: {  	v0 =	vmul.f32 v29, v21;
	v29 =	vperm.xlane v6, v9;
	[tilespmem:v3+s28+$0x0] =	vst.idx.msk $0xffff, v39;
	v3 =	vor.u32 s16, v49  }
0x165: {  	v7 =	vmov v46;
	v43 =	vmul.f32 v41, v19;
	v41 =	vperm.xlane v1, v9;
	[tilespmem:$0x1FDA0] =	vst v3;
	v3 =	vld [tilespmem:$0x1FC70]  }
0x166: {  	v61 =	vperm.xlane v7, v9;
	v30 =	vperm.xlane v56, v9;
	v9 =	vld [tilespmem:$0x1FC80];
	_ =	sdelay $0x4  }
0x167: {  	v28 =	vmul.f32 v28, v20  }
0x168: {  	v34 =	vmul.f32 v34, v20  }
0x169: {  	v36 =	vsub.f32 v36, v14;
	[tilespmem:v3+s28+$0x0] =	vst.idx.msk $0xffff, v28  }
0x16a: {  	v48 =	vcvt.s32.f32 v48;
	v27 =	vsub.f32 v27, v14;
	[tilespmem:v9+s28+$0x0] =	vst.idx.msk $0xffff, v34;
	v9 =	vld [tilespmem:$0x1FC90]  }
0x16b: {  	v44 =	vsub.f32 v44, v14;
	v36 =	vmul.f32 v36, v18  }
0x16c: {  	v17 =	vmul.f32 v27, v18;
	v40 =	vsub.f32 v48, v14  }
0x16d: {  	[tilespmem:v51+s28+$0x0] =	vst.idx.msk $0xffff, v36;
	v42 =	vmul.f32 v44, v18  }
0x16e: {  	[tilespmem:v55+s28+$0x0] =	vst.idx.msk $0xffff, v17;
	v18 =	vmul.f32 v40, v18  }
0x16f: {  	[tilespmem:v54+s28+$0x0] =	vst.idx.msk $0xffff, v42  }
0x170: {  	[tilespmem:v53+s28+$0x0] =	vst.idx.msk $0xffff, v18  }
0x171: {  	v42 =	vld [tilespmem:s15+$0x130]  }
0x172: {  	[tilespmem:v9+s28+$0x0] =	vst.idx.msk $0xffff, v0;
	v9 =	vld [tilespmem:$0x1FCA0]  }
0x173: {  	v28 =	vperm.xlane v1, v5;
	v1 =	vld [tilespmem:$0x1FCC0]  }
0x174: {  	v32 =	vsub.f32 v32, v15;
	v23 =	vld [tilespmem:s15+$0x90];
	_ =	sdelay $0x1  }
0x175: {  	v44 =	vmul.f32 v32, v19  }
0x176: {  	v32 =	vor.u32 s17, v49;
	v55 =	vshll.u32 v42, $0x10;
	v24 =	vor.u32 s16, v11  }
0x177: {  	v48 =	vmovc v49;
	[tilespmem:v52+s28+$0x0] =	vst.idx.msk $0xffff, v44;
	v22 =	vor.u32 s16, v62;
	v49 =	vshra.s32 v55, $0x18;
	v55 =	vperm.xlane v2, v5  }
0x178: {  	v2 =	vmovc v22;
	v22 =	vperm.xlane v8, v5;
	v8 =	vmovc v24;
	v24 =	vperm.xlane v4, v5;
	v4 =	vld [tilespmem:$0x1FCF0];
	v34 =	vshll.u32 v23, $0x18  }
0x179: {  	[tilespmem:v9+s28+$0x0] =	vst.idx.msk $0xffff, v13;
	v13 =	vshra.s32 v34, $0x18  }
0x17a: {  	[tilespmem:v1+s28+$0x0] =	vst.idx.msk $0xffff, v43;
	v1 =	vld [tilespmem:$0x1FCD0];
	v13 =	vcvt.s32.f32 v13  }
0x17b: {  	v26 =	vsub.f32 v26, v15  }
0x17c: {  	v12 =	vmul.f32 v12, v20;
	v15 =	vsub.f32 v45, v15;
	v13 =	vsub.f32 v13, v41  }
0x17d: {  	v14 =	vmul.f32 v25, v21;
	v25 =	vmul.f32 v26, v19;
	v16 =	vld [tilespmem:s15+$0xB0]  }
0x17e: {  	v15 =	vmul.f32 v15, v19;
	v19 =	vld [tilespmem:s15+$0xD0];
	v13 =	vmul.f32 v13, v28  }
0x17f: {  	[tilespmem:v50+s28+$0x0] =	vst.idx.msk $0xffff, v12;
	v9 =	vld [tilespmem:$0x1FCB0]  }
0x180: {  	v37 =	vshll.u32 v23, $0x10;
	[tilespmem:v4+s28+$0x0] =	vst.idx.msk $0xffff, v13;
	v4 =	vld [tilespmem:$0x1FD00]  }
0x181: {  	v47 =	vld [tilespmem:s15+$0xF0];
	v34 =	vshra.s32 v37, $0x18  }
0x182: {  	v21 =	vmul.f32 v38, v21;
	v54 =	vshll.u32 v42, $0x18;
	[tilespmem:v1+s28+$0x0] =	vst.idx.msk $0xffff, v25;
	v1 =	vld [tilespmem:$0x1FCE0];
	v18 =	vcvt.s32.f32 v34  }
0x183: {  	v38 =	vshll.u32 v23, $0x8;
	v63 =	vshll.u32 v16, $0x8;
	v45 =	vshll.u32 v19, $0x10  }
0x184: {  	v39 =	vshll.u32 v16, $0x10;
	v12 =	vshll.u32 v16, $0x18;
	v18 =	vsub.f32 v18, v41  }
0x185: {  	v16 =	vshra.s32 v16, $0x18;
	v12 =	vshra.s32 v12, $0x18;
	v37 =	vshra.s32 v38, $0x18  }
0x186: {  	v38 =	vshra.s32 v63, $0x18;
	v63 =	vshll.u32 v47, $0x18;
	v18 =	vmul.f32 v18, v28  }
0x187: {  	v12 =	vcvt.s32.f32 v12;
	v17 =	vshra.s32 v63, $0x18;
	v25 =	vcvt.s32.f32 v37;
	[tilespmem:v9+s28+$0x0] =	vst.idx.msk $0xffff, v14  }
0x188: {  	v16 =	vcvt.s32.f32 v16;
	v34 =	vshra.s32 v47, $0x18;
	v17 =	vcvt.s32.f32 v17;
	[tilespmem:v4+s28+$0x0] =	vst.idx.msk $0xffff, v18;
	v4 =	vld [tilespmem:$0x1FD10]  }
0x189: {  	v12 =	vsub.f32 v12, v29;
	v34 =	vcvt.s32.f32 v34;
	v25 =	vsub.f32 v25, v41;
	[tilespmem:v58+s28+$0x0] =	vst.idx.msk $0xffff, v21  }
0x18a: {  	v17 =	vsub.f32 v17, v30;
	[tilespmem:v1+s28+$0x0] =	vst.idx.msk $0xffff, v15;
	v15 =	vcvt.s32.f32 v38;
	v14 =	vshra.s32 v39, $0x18;
	v39 =	vld [tilespmem:s15+$0x110]  }
0x18b: {  	v21 =	vshra.s32 v45, $0x18;
	v45 =	vshll.u32 v47, $0x10;
	v58 =	vshll.u32 v47, $0x8  }
0x18c: {  	v14 =	vcvt.s32.f32 v14;
	v36 =	vshra.s32 v45, $0x18;
	v40 =	vshra.s32 v58, $0x18  }
0x18d: {  	v15 =	vsub.f32 v15, v29;
	v36 =	vcvt.s32.f32 v36;
	v40 =	vcvt.s32.f32 v40  }
0x18e: {  	v14 =	vsub.f32 v14, v29;
	v29 =	vsub.f32 v16, v29;
	v16 =	vmul.f32 v25, v28  }
0x18f: {  	v25 =	vsub.f32 v34, v30;
	v36 =	vsub.f32 v36, v30;
	v63 =	vshll.u32 v39, $0x18  }
0x190: {  	v3 =	vmovc v10;
	v52 =	vshll.u32 v39, $0x10;
	v53 =	vshll.u32 v39, $0x8;
	v37 =	vshra.s32 v39, $0x18;
	[tilespmem:v4+s28+$0x0] =	vst.idx.msk $0xffff, v16;
	v4 =	vld [tilespmem:$0x1FD20]  }
0x191: {  	v39 =	vshra.s32 v54, $0x18;
	v54 =	vsub.f32 v40, v30;
	v30 =	vor.u32 s12, v3;
	v3 =	vld [tilespmem:$0x1FD30]  }
0x192: {  	v1 =	vld [tilespmem:$0x1FD40];
	_ =	sdelay $0x1  }
0x193: {  	v27 =	vperm.xlane v6, v5;
	_ =	sdelay $0x1  }
0x194: {  	v12 =	vmul.f32 v12, v27  }
0x195: {  	v13 =	vmul.f32 v14, v27  }
0x196: {  	v14 =	vmul.f32 v15, v27;
	[tilespmem:v4+s28+$0x0] =	vst.idx.msk $0xffff, v12  }
0x197: {  	[tilespmem:v3+s28+$0x0] =	vst.idx.msk $0xffff, v13  }
0x198: {  	v0 =	vshll.u32 v19, $0x18;
	[tilespmem:v1+s28+$0x0] =	vst.idx.msk $0xffff, v14;
	v1 =	vld [tilespmem:$0x1FD50]  }
0x199: {  	v0 =	vshra.s32 v0, $0x18  }
0x19a: {  	v0 =	vcvt.s32.f32 v0;
	_ =	sdelay $0x1  }
0x19b: {  	v0 =	vsub.f32 v0, v31;
	_ =	sdelay $0x1  }
0x19c: {  	v0 =	vmul.f32 v0, v55;
	_ =	sdelay $0x1  }
0x19d: {  	[tilespmem:v1+s28+$0x0] =	vst.idx.msk $0xffff, v0;
	v0 =	vld [tilespmem:$0x1FD60]  }
0x19e: {  	v20 =	vshll.u32 v19, $0x8;
	v3 =	vld [tilespmem:$0x1FD70]  }
0x19f: {  	v20 =	vshra.s32 v20, $0x18;
	v21 =	vcvt.s32.f32 v21  }
0x1a0: {  	v20 =	vcvt.s32.f32 v20  }
0x1a1: {  	v21 =	vsub.f32 v21, v31  }
0x1a2: {  	v20 =	vsub.f32 v20, v31  }
0x1a3: {  	v18 =	vmul.f32 v21, v55  }
0x1a4: {  	v20 =	vmul.f32 v20, v55;
	v38 =	vld [tilespmem:s15+$0x150]  }
0x1a5: {  	[tilespmem:v0+s28+$0x0] =	vst.idx.msk $0xffff, v18  }
0x1a6: {  	v46 =	vor.u32 s16, v10;
	v35 =	vor.u32 s17, v11;
	v26 =	vperm.xlane v7, v5;
	[tilespmem:v3+s28+$0x0] =	vst.idx.msk $0xffff, v20;
	v3 =	vld [tilespmem:$0x1FD80]  }
0x1a7: {  	v33 =	vor.u32 s17, v62;
	v57 =	vor.u32 s18, v11;
	v23 =	vshra.s32 v23, $0x18  }
0x1a8: {  	v49 =	vcvt.s32.f32 v49;
	v23 =	vcvt.s32.f32 v23;
	v58 =	vshll.u32 v42, $0x8  }
0x1a9: {  	v19 =	vshra.s32 v19, $0x18;
	v50 =	vshra.s32 v58, $0x18;
	v58 =	vshll.u32 v38, $0x8  }
0x1aa: {  	v47 =	vshra.s32 v53, $0x18;
	v53 =	vshra.s32 v58, $0x18;
	v58 =	vperm.xlane v56, v5  }
0x1ab: {  	v49 =	vsub.f32 v49, v60;
	v10 =	vor.u32 s13, v10;
	v19 =	vcvt.s32.f32 v19  }
0x1ac: {  	v23 =	vsub.f32 v23, v41;
	v42 =	vshra.s32 v42, $0x18;
	v17 =	vmul.f32 v17, v58  }
0x1ad: {  	v19 =	vsub.f32 v19, v31;
	v42 =	vcvt.s32.f32 v42;
	v50 =	vcvt.s32.f32 v50  }
0x1ae: {  	v45 =	vshll.u32 v38, $0x10;
	v15 =	vor.u32 s13, v62;
	v40 =	vor.u32 s13, v48;
	[tilespmem:v3+s28+$0x0] =	vst.idx.msk $0xffff, v17;
	v3 =	vld [tilespmem:$0x1FD90]  }
0x1af: {  	v43 =	vshra.s32 v63, $0x18;
	v44 =	vshra.s32 v52, $0x18;
	v63 =	vshll.u32 v38, $0x18  }
0x1b0: {  	v52 =	vshra.s32 v45, $0x18;
	v38 =	vshra.s32 v38, $0x18;
	v39 =	vcvt.s32.f32 v39  }
0x1b1: {  	v37 =	vcvt.s32.f32 v37;
	v45 =	vsub.f32 v50, v60;
	v43 =	vcvt.s32.f32 v43  }
0x1b2: {  	v56 =	vor.u32 s12, v11;
	v44 =	vcvt.s32.f32 v44;
	v47 =	vcvt.s32.f32 v47  }
0x1b3: {  	v51 =	vshra.s32 v63, $0x18;
	v52 =	vcvt.s32.f32 v52;
	v53 =	vcvt.s32.f32 v53  }
0x1b4: {  	v38 =	vcvt.s32.f32 v38;
	v39 =	vsub.f32 v39, v60;
	v0 =	vmul.f32 v23, v28  }
0x1b5: {  	v34 =	vsub.f32 v37, v59;
	v41 =	vmul.f32 v36, v58;
	v31 =	vmul.f32 v54, v58  }
0x1b6: {  	v51 =	vcvt.s32.f32 v51;
	v43 =	vsub.f32 v43, v59;
	v44 =	vsub.f32 v44, v59;
	[tilespmem:v3+s28+$0x0] =	vst.idx.msk $0xffff, v0;
	v0 =	vld [tilespmem:$0x1FDB0]  }
0x1b7: {  	v47 =	vsub.f32 v47, v59;
	v63 =	vsub.f32 v52, v61;
	v52 =	vmul.f32 v39, v24  }
0x1b8: {  	s11 =	sadd.s32 $0x8, s11;
	v53 =	vsub.f32 v53, v61;
	v39 =	vmul.f32 v19, v55;
	v55 =	vmul.f32 v34, v22  }
0x1b9: {  	p0 =	slt.u32 s11, $0x78;
	v51 =	vsub.f32 v51, v61;
	v21 =	vmul.f32 v43, v22;
	v43 =	vmul.f32 v44, v22  }
.Ltmp0:
0x1ba: {  	v61 =	vsub.f32 v38, v61;
	v50 =	vmul.f32 v47, v22;
	v16 =	vmul.f32 v63, v26;
	(pc) =	sbr.rel @p0 .LBB2_2-.Ltmp0, $4  }
0x1bb: {  	v60 =	vsub.f32 v42, v60;
	v12 =	vmul.f32 v45, v24;
	v13 =	vmul.f32 v49, v24  }
0x1bc: {  	v54 =	vor.u32 s12, v62;
	v49 =	vmul.f32 v61, v26;
	v18 =	vmul.f32 v29, v27  }
0x1bd: {  	v36 =	vor.u32 s12, v48;
	v14 =	vmul.f32 v51, v26;
	v1 =	vmovc v46;
	v46 =	vmul.f32 v53, v26  }
0x1be: {  	s12 =	sadd.s32 $0x400, s12;
	v38 =	vor.u32 s13, v11;
	v53 =	vmul.f32 v60, v24;
	v27 =	vmul.f32 v25, v58;
	v3 =	vld [tilespmem:$0x1FDA0];
	[tilespmem:v0+s28+$0x0] =	vst.idx.msk $0xffff, v18  }
0x1bf: {  	_ =	sdelay $0x3  }
0x1c0: {  	[tilespmem:v57+s28+$0x0] =	vst.idx.msk $0xffff, v39  }
0x1c1: {  	[tilespmem:v33+s28+$0x0] =	vst.idx.msk $0xffff, v41  }
0x1c2: {  	[tilespmem:v30+s28+$0x0] =	vst.idx.msk $0xffff, v21  }
0x1c3: {  	[tilespmem:v1+s28+$0x0] =	vst.idx.msk $0xffff, v52  }
0x1c4: {  	[tilespmem:v10+s28+$0x0] =	vst.idx.msk $0xffff, v14  }
0x1c5: {  	[tilespmem:v32+s28+$0x0] =	vst.idx.msk $0xffff, v31  }
0x1c6: {  	[tilespmem:v54+s28+$0x0] =	vst.idx.msk $0xffff, v43  }
0x1c7: {  	[tilespmem:v2+s28+$0x0] =	vst.idx.msk $0xffff, v13  }
0x1c8: {  	[tilespmem:v15+s28+$0x0] =	vst.idx.msk $0xffff, v16  }
0x1c9: {  	[tilespmem:v35+s28+$0x0] =	vst.idx.msk $0xffff, v27  }
0x1ca: {  	[tilespmem:v36+s28+$0x0] =	vst.idx.msk $0xffff, v50  }
0x1cb: {  	[tilespmem:v40+s28+$0x0] =	vst.idx.msk $0xffff, v46  }
0x1cc: {  	[tilespmem:v56+s28+$0x0] =	vst.idx.msk $0xffff, v55  }
0x1cd: {  	[tilespmem:v38+s28+$0x0] =	vst.idx.msk $0xffff, v49  }
0x1ce: {  	[tilespmem:v3+s28+$0x0] =	vst.idx.msk $0xffff, v12  }
0x1cf: {  	[tilespmem:v8+s28+$0x0] =	vst.idx.msk $0xffff, v53  }
0x1d0: {  	s1 =	rddreg [dreg:$0x5]  }
0x1d1: {  	[hbm4b:s1+s3] =	stream.linear.scatter [tilespmem:s28], [sflag:$0x3], $0x4000, $0x38;
	[tilespmem:$0xB100] =	vst v63  }
0x1d2: {  	s18 =	rddreg [dreg:$0x6]  }
0x1d3: {  	[tilespmem:s3], [sflag:$0x5] =	stream.linear.gather [hbm4b:s18+s3], $0x80, $0x38;
	[tilespmem:$0xB100] =	vst v63  }
0x1d4: {  	_ =	swait.ge [sflag:s20], $0x80  }
0x1d5: {  	[sflag:s20] =	ssyncset.done $0x0  }
0x1d6: {  	s19 =	simm.s32 $0x100;
	[sflag:s20] =	ssyncadd.s32 $0xFFFFFF80  }
0x1d7: {  	[tilespmem:s19], [sflag:$0x1] =	stream.indirect.gather [hbm4b:s5+s21], $0x20, s3, s21, $0xb8;
	[tilespmem:$0xB100] =	vst v63  }
0x1d8: {  	s22 =	simm.s32 $0x2100  }
0x1d9: {  	[tilespmem:s22], [sflag:$0x1] =	stream.indirect.gather [hbm4b:s6+s21], $0x10, s3, s21, $0xb8;
	[tilespmem:$0xB100] =	vst v63  }
0x1da: {  	_ =	swait.ge [sflag:s29], $0x1000  }
0x1db: {  	[sflag:s29] =	ssyncset.done $0x0  }
0x1dc: {  	[sflag:s29] =	ssyncadd.s32 $0xFFFFF000  }
0x1dd: {  	_ =	swait.ge [sflag:s29], $0x800  }
0x1de: {  	v33 =	vld [tilespmem:$0x1FF70]  }
0x1df: {  	v3 =	vld [tilespmem:$0x1FF90]  }
0x1e0: {  	v7 =	vld [tilespmem:$0x1FFA0]  }
0x1e1: {  	v6 =	vld [tilespmem:$0x1FFB0]  }
0x1e2: {  	s12 =	simm.s32 $0x200  }
0x1e3: {  	v0 =	vor.u32 s12, v33  }
0x1e4: {  	[tilespmem:$0x1FA90] =	vst v0;
	v0 =	vor.u32 s12, v3  }
0x1e5: {  	s16 =	simm.s32 $0x0;
	[sflag:s29] =	ssyncset.done $0x0;
	[tilespmem:$0x1FAA0] =	vst v0;
	v0 =	vor.u32 s12, v7  }
0x1e6: {  	s15 =	simm.s32 $0x80;
	s23 =	simm.s32 $0x80;
	[sflag:s29] =	ssyncadd.s32 $0xFFFFF800;
	v1 =	vor.u32 s16, v6;
	[tilespmem:$0x1FAB0] =	vst v0  }
0x1e7: {  	s7 =	simm.s32 $0x2940;
	s13 =	simm.s32 $0x100;
	v0 =	vld [tilespmem:s15+$0x1160];
	[tilespmem:$0x1FA30] =	vst v1;
	v1 =	vor.u32 s23, v6  }
0x1e8: {  	v12 =	vld [tilespmem:s7+$0x30];
	[tilespmem:$0x1FA40] =	vst v1;
	v1 =	vor.u32 s13, v3  }
0x1e9: {  	[tilespmem:$0x1FA10] =	vst v1;
	v1 =	vor.u32 s13, v7  }
0x1ea: {  	s11 =	simm.s32 $0x180;
	[tilespmem:$0x1FA20] =	vst v1;
	v1 =	vor.u32 s13, v6  }
0x1eb: {  	[tilespmem:$0x1FA50] =	vst v1;
	v1 =	vor.u32 s11, v33  }
0x1ec: {  	[tilespmem:$0x1FA60] =	vst v1;
	v1 =	vld [tilespmem:$0x1FF80]  }
0x1ed: {  	s17 =	simm.s32 $0x380  }
0x1ee: {  	v2 =	vld [tilespmem:$0x1FF50];
	v14 =	vor.u32 s17, v33;
	v15 =	vor.u32 s17, v3  }
0x1ef: {  	v24 =	vor.u32 s17, v7;
	v4 =	vor.u32 s11, v3;
	v13 =	vshll.u32 v0, $0x18  }
0x1f0: {  	v17 =	vshll.u32 v0, $0x10;
	v21 =	vshll.u32 v0, $0x8;
	v13 =	vshra.s32 v13, $0x18  }
0x1f1: {  	v17 =	vshra.s32 v17, $0x18;
	v13 =	vcvt.s32.f32 v13;
	v16 =	vperm.xlane v12, v1  }
0x1f2: {  	v0 =	vshra.s32 v0, $0x18;
	v22 =	vld [tilespmem:s15+$0x1080];
	v21 =	vshra.s32 v21, $0x18;
	v17 =	vcvt.s32.f32 v17  }
0x1f3: {  	v23 =	vperm.xlane v12, v2;
	v26 =	vld [tilespmem:s15+$0x10A0];
	v21 =	vcvt.s32.f32 v21;
	v13 =	vsub.f32 v13, v16  }
0x1f4: {  	v0 =	vcvt.s32.f32 v0;
	v27 =	vld [tilespmem:s15+$0x10C0];
	[tilespmem:$0x1FA70] =	vst v4;
	v4 =	vor.u32 s11, v7;
	v17 =	vsub.f32 v17, v16  }
0x1f5: {  	v25 =	vor.u32 s17, v6;
	v43 =	vld [tilespmem:s15+$0x10E0];
	[tilespmem:$0x1FA80] =	vst v4;
	v21 =	vsub.f32 v21, v16;
	v13 =	vmul.f32 v13, v23  }
0x1f6: {  	v44 =	vld [tilespmem:s15+$0x1100];
	v0 =	vsub.f32 v0, v16;
	v17 =	vmul.f32 v17, v23  }
0x1f7: {  	v42 =	vor.u32 s16, v33;
	v41 =	vor.u32 s16, v3;
	v45 =	vld [tilespmem:s15+$0x1120];
	[tilespmem:v14+s30+$0x0] =	vst.idx.msk $0xffff, v13;
	v13 =	vmul.f32 v21, v23  }
0x1f8: {  	v39 =	vor.u32 s16, v7;
	v37 =	vshll.u32 v26, $0x8;
	v0 =	vmul.f32 v0, v23;
	[tilespmem:v15+s30+$0x0] =	vst.idx.msk $0xffff, v17  }
0x1f9: {  	v47 =	vshll.u32 v27, $0x10;
	v48 =	vshll.u32 v27, $0x8;
	v16 =	vshll.u32 v22, $0x18;
	[tilespmem:v24+s30+$0x0] =	vst.idx.msk $0xffff, v13  }
0x1fa: {  	v18 =	vshll.u32 v43, $0x18;
	v49 =	vshll.u32 v43, $0x8;
	v46 =	vshra.s32 v37, $0x18;
	[tilespmem:v25+s30+$0x0] =	vst.idx.msk $0xffff, v0  }
0x1fb: {  	v37 =	vshra.s32 v48, $0x18;
	v50 =	vshll.u32 v44, $0x18;
	v51 =	vshll.u32 v44, $0x10;
	v13 =	vld [tilespmem:s15+$0x1170]  }
0x1fc: {  	v52 =	vshll.u32 v44, $0x8;
	v54 =	vshll.u32 v45, $0x10;
	v58 =	vshra.s32 v16, $0x18  }
0x1fd: {  	v18 =	vshra.s32 v18, $0x18;
	v46 =	vcvt.s32.f32 v46;
	v44 =	vshra.s32 v44, $0x18;
	v8 =	vld [tilespmem:$0x1FFC0]  }
0x1fe: {  	v48 =	vshra.s32 v51, $0x18;
	v19 =	vcvt.s32.f32 v18;
	v44 =	vcvt.s32.f32 v44  }
0x1ff: {  	v48 =	vcvt.s32.f32 v48;
	v14 =	vshll.u32 v22, $0x10;
	v21 =	vshll.u32 v22, $0x8;
	v5 =	vld [tilespmem:$0x1FF40]  }
0x200: {  	v15 =	vshll.u32 v26, $0x18;
	v59 =	vshra.s32 v14, $0x18;
	v14 =	vshll.u32 v13, $0x18  }
0x201: {  	v17 =	vshll.u32 v26, $0x10;
	v61 =	vshra.s32 v15, $0x18;
	v14 =	vshra.s32 v14, $0x18  }
0x202: {  	v16 =	vperm.xlane v12, v8;
	v15 =	vshll.u32 v13, $0x10;
	v14 =	vcvt.s32.f32 v14  }
0x203: {  	v63 =	vshra.s32 v17, $0x18;
	v17 =	vshll.u32 v13, $0x8;
	v15 =	vshra.s32 v15, $0x18  }
0x204: {  	v0 =	vperm.xlane v12, v5;
	v12 =	vcvt.s32.f32 v15;
	v14 =	vsub.f32 v14, v16  }
0x205: {  	v21 =	vshra.s32 v21, $0x18;
	v15 =	vshra.s32 v17, $0x18;
	v17 =	vshra.s32 v13, $0x18  }
0x206: {  	v15 =	vcvt.s32.f32 v15;
	v12 =	vsub.f32 v12, v16;
	v11 =	vmul.f32 v14, v0  }
0x207: {  	v26 =	vshra.s32 v26, $0x18;
	v24 =	vshll.u32 v27, $0x18;
	v13 =	vcvt.s32.f32 v17  }
0x208: {  	v23 =	vld [tilespmem:s15+$0x1140];
	v53 =	vcvt.s32.f32 v21;
	v14 =	vsub.f32 v15, v16;
	[tilespmem:$0x1FAC0] =	vst v11;
	v11 =	vmul.f32 v12, v0  }
0x209: {  	v21 =	vshra.s32 v54, $0x18;
	v27 =	vshra.s32 v27, $0x18;
	v12 =	vsub.f32 v13, v16  }
0x20a: {  	v26 =	vcvt.s32.f32 v26;
	v25 =	vshll.u32 v43, $0x10;
	[tilespmem:$0x1FAD0] =	vst v11;
	v11 =	vmul.f32 v14, v0  }
0x20b: {  	v54 =	vcvt.s32.f32 v61;
	v43 =	vshra.s32 v43, $0x18;
	v0 =	vmul.f32 v12, v0  }
0x20c: {  	v40 =	vor.u32 s23, v33;
	v27 =	vcvt.s32.f32 v27;
	v43 =	vcvt.s32.f32 v43;
	[tilespmem:$0x1FAE0] =	vst v11  }
0x20d: {  	[tilespmem:$0x1FB00] =	vst v0;
	v0 =	vshra.s32 v25, $0x18;
	v25 =	vshra.s32 v50, $0x18;
	v50 =	vcvt.s32.f32 v58  }
0x20e: {  	v38 =	vor.u32 s23, v3;
	v58 =	vcvt.s32.f32 v63;
	v63 =	vcvt.s32.f32 v25;
	v25 =	vld [tilespmem:s7+$0xFFFFFFC0]  }
0x20f: {  	v35 =	vshll.u32 v23, $0x18;
	v13 =	vshra.s32 v24, $0x18;
	v24 =	vshra.s32 v47, $0x18  }
0x210: {  	v47 =	vcvt.s32.f32 v37;
	v37 =	vshra.s32 v22, $0x18;
	v20 =	vcvt.s32.f32 v13;
	v28 =	vld [tilespmem:s7+$0xFFFFFFD0]  }
0x211: {  	v56 =	vshra.s32 v35, $0x18;
	v35 =	vcvt.s32.f32 v24;
	v61 =	vcvt.s32.f32 v37;
	v30 =	vld [tilespmem:s7+$0xFFFFFFE0]  }
0x212: {  	v12 =	vshra.s32 v49, $0x18;
	v49 =	vshra.s32 v52, $0x18;
	v52 =	vcvt.s32.f32 v59  }
0x213: {  	v57 =	vshll.u32 v23, $0x10;
	v24 =	vcvt.s32.f32 v12;
	v37 =	vld [tilespmem:s7+$0xFFFFFFF0];
	v15 =	vperm.xlane v25, v1  }
0x214: {  	v60 =	vshll.u32 v23, $0x8;
	v49 =	vcvt.s32.f32 v49;
	v11 =	vld [tilespmem:$0x1FF60];
	v22 =	vcvt.s32.f32 v0  }
0x215: {  	v0 =	vshra.s32 v23, $0x18;
	v31 =	vld [tilespmem:s7+$0x0];
	v14 =	vperm.xlane v28, v1;
	v17 =	vsub.f32 v50, v15  }
0x216: {  	v13 =	vperm.xlane v30, v1;
	v52 =	vsub.f32 v52, v15;
	v50 =	vld [tilespmem:s7+$0x10];
	v53 =	vsub.f32 v53, v15  }
0x217: {  	v16 =	vcvt.s32.f32 v0;
	v18 =	vsub.f32 v54, v14;
	v54 =	vld [tilespmem:s7+$0x20];
	v58 =	vsub.f32 v58, v14  }
0x218: {  	v12 =	vperm.xlane v37, v1;
	v20 =	vsub.f32 v20, v13;
	v59 =	vsub.f32 v35, v13  }
0x219: {  	v47 =	vsub.f32 v47, v13;
	v13 =	vsub.f32 v27, v13;
	v27 =	vperm.xlane v25, v2  }
0x21a: {  	v0 =	vperm.xlane v31, v1;
	v46 =	vsub.f32 v46, v14;
	v14 =	vsub.f32 v26, v14  }
0x21b: {  	v23 =	vsub.f32 v43, v12;
	v43 =	vperm.xlane v28, v2;
	v17 =	vmul.f32 v17, v27  }
0x21c: {  	v9 =	vld [tilespmem:$0x1FFD0];
	v35 =	vperm.xlane v50, v1;
	v26 =	vperm.xlane v54, v1;
	v1 =	vor.u32 s17, v11  }
0x21d: {  	v4 =	vld [tilespmem:$0x1FFE0];
	v63 =	vsub.f32 v63, v0;
	v48 =	vsub.f32 v48, v0;
	v18 =	vmul.f32 v18, v43;
	[tilespmem:$0x1FAF0] =	vst v1  }
0x21e: {  	v34 =	vor.u32 s23, v7;
	v49 =	vsub.f32 v49, v0;
	v52 =	vmul.f32 v52, v27;
	v1 =	vld [tilespmem:$0x1FFF0];
	[tilespmem:v42+s30+$0x0] =	vst.idx.msk $0xffff, v17  }
0x21f: {  	v0 =	vsub.f32 v44, v0;
	v58 =	vmul.f32 v58, v43;
	[tilespmem:v40+s30+$0x0] =	vst.idx.msk $0xffff, v18  }
0x220: {  	v36 =	vor.u32 s13, v33;
	v44 =	vperm.xlane v30, v2;
	v53 =	vmul.f32 v53, v27;
	[tilespmem:v41+s30+$0x0] =	vst.idx.msk $0xffff, v52  }
0x221: {  	s18 =	simm.s32 $0x280;
	v46 =	vmul.f32 v46, v43;
	[tilespmem:v38+s30+$0x0] =	vst.idx.msk $0xffff, v58  }
0x222: {  	s24 =	simm.s32 $0x300;
	v29 =	vor.u32 s18, v33;
	v20 =	vmul.f32 v20, v44;
	v42 =	vor.u32 s18, v3;
	[tilespmem:v39+s30+$0x0] =	vst.idx.msk $0xffff, v53  }
0x223: {  	v53 =	vor.u32 s24, v33;
	v33 =	vor.u32 s24, v3;
	[tilespmem:v34+s30+$0x0] =	vst.idx.msk $0xffff, v46;
	v3 =	vor.u32 s16, v9  }
0x224: {  	v15 =	vsub.f32 v61, v15;
	[tilespmem:$0x1FB10] =	vst v3  }
0x225: {  	v61 =	vperm.xlane v37, v2;
	v17 =	vperm.xlane v31, v2;
	[tilespmem:v36+s30+$0x0] =	vst.idx.msk $0xffff, v20  }
0x226: {  	v39 =	vperm.xlane v50, v2;
	v36 =	vperm.xlane v54, v2;
	v2 =	vld [tilespmem:$0x1FA10];
	_ =	sdelay $0x5  }
0x227: {  	v59 =	vmul.f32 v59, v44;
	v3 =	vor.u32 s16, v4  }
0x228: {  	[tilespmem:$0x1FB20] =	vst v3  }
0x229: {  	[tilespmem:v2+s30+$0x0] =	vst.idx.msk $0xffff, v59;
	v2 =	vor.u32 s16, v11  }
0x22a: {  	[tilespmem:$0x1FB30] =	vst v2;
	v2 =	vld [tilespmem:$0x1FA20];
	_ =	sdelay $0x5  }
0x22b: {  	v47 =	vmul.f32 v47, v44;
	_ =	sdelay $0x1  }
0x22c: {  	[tilespmem:v2+s30+$0x0] =	vst.idx.msk $0xffff, v47;
	v2 =	vor.u32 s23, v9  }
0x22d: {  	[tilespmem:$0x1FB40] =	vst v2;
	v2 =	vld [tilespmem:$0x1FA30];
	_ =	sdelay $0x5  }
0x22e: {  	v27 =	vmul.f32 v15, v27;
	_ =	sdelay $0x1  }
0x22f: {  	[tilespmem:v2+s30+$0x0] =	vst.idx.msk $0xffff, v27  }
0x230: {  	v27 =	vmul.f32 v0, v17;
	v0 =	vld [tilespmem:$0x1FA40];
	_ =	sdelay $0x5  }
0x231: {  	v14 =	vmul.f32 v14, v43;
	_ =	sdelay $0x1  }
0x232: {  	[tilespmem:v0+s30+$0x0] =	vst.idx.msk $0xffff, v14  }
0x233: {  	v0 =	vld [tilespmem:$0x1FA50];
	_ =	sdelay $0x3  }
0x234: {  	v56 =	vcvt.s32.f32 v56;
	_ =	sdelay $0x1  }
0x235: {  	v13 =	vmul.f32 v13, v44;
	v56 =	vsub.f32 v56, v26  }
0x236: {  	v44 =	vld [tilespmem:s15+$0x1090]  }
0x237: {  	v43 =	vmul.f32 v56, v36;
	v56 =	vld [tilespmem:s15+$0x10B0];
	[tilespmem:v0+s30+$0x0] =	vst.idx.msk $0xffff, v13;
	v0 =	vor.u32 s23, v1  }
0x238: {  	[tilespmem:$0x1FB50] =	vst v0;
	v0 =	vld [tilespmem:$0x1FA60];
	_ =	sdelay $0x3  }
0x239: {  	v19 =	vsub.f32 v19, v12;
	_ =	sdelay $0x1  }
0x23a: {  	v19 =	vmul.f32 v19, v61;
	_ =	sdelay $0x1  }
0x23b: {  	[tilespmem:v0+s30+$0x0] =	vst.idx.msk $0xffff, v19  }
0x23c: {  	v0 =	vld [tilespmem:$0x1FA70];
	_ =	sdelay $0x3  }
0x23d: {  	v22 =	vsub.f32 v22, v12;
	_ =	sdelay $0x1  }
0x23e: {  	v22 =	vmul.f32 v22, v61;
	_ =	sdelay $0x1  }
0x23f: {  	[tilespmem:v0+s30+$0x0] =	vst.idx.msk $0xffff, v22  }
0x240: {  	v0 =	vld [tilespmem:$0x1FA80];
	_ =	sdelay $0x3  }
0x241: {  	v24 =	vsub.f32 v24, v12;
	v15 =	vor.u32 s11, v6;
	_ =	sdelay $0x1  }
0x242: {  	v24 =	vmul.f32 v24, v61  }
0x243: {  	v23 =	vmul.f32 v23, v61  }
0x244: {  	[tilespmem:v0+s30+$0x0] =	vst.idx.msk $0xffff, v24  }
0x245: {  	[tilespmem:v15+s30+$0x0] =	vst.idx.msk $0xffff, v23  }
0x246: {  	v0 =	vld [tilespmem:$0x1FA90];
	_ =	sdelay $0x5  }
0x247: {  	v18 =	vmul.f32 v63, v17;
	_ =	sdelay $0x1  }
0x248: {  	[tilespmem:v0+s30+$0x0] =	vst.idx.msk $0xffff, v18  }
0x249: {  	v0 =	vld [tilespmem:$0x1FAA0]  }
0x24a: {  	v32 =	vshll.u32 v45, $0x18  }
0x24b: {  	v55 =	vshll.u32 v45, $0x8;
	v32 =	vshra.s32 v32, $0x18  }
0x24c: {  	v45 =	vshra.s32 v45, $0x18;
	v55 =	vshra.s32 v55, $0x18;
	v51 =	vcvt.s32.f32 v32  }
0x24d: {  	v45 =	vcvt.s32.f32 v45;
	v55 =	vcvt.s32.f32 v55  }
0x24e: {  	v21 =	vcvt.s32.f32 v21;
	v57 =	vshra.s32 v57, $0x18;
	v51 =	vsub.f32 v51, v35  }
0x24f: {  	v60 =	vshra.s32 v60, $0x18;
	v57 =	vcvt.s32.f32 v57;
	v48 =	vmul.f32 v48, v17  }
0x250: {  	v60 =	vcvt.s32.f32 v60;
	v21 =	vsub.f32 v21, v35;
	v51 =	vmul.f32 v51, v39  }
0x251: {  	v32 =	vor.u32 s18, v7;
	v55 =	vsub.f32 v55, v35;
	v57 =	vsub.f32 v57, v26;
	[tilespmem:v0+s30+$0x0] =	vst.idx.msk $0xffff, v48  }
0x252: {  	v60 =	vsub.f32 v60, v26;
	v63 =	vor.u32 s24, v7;
	v20 =	vmul.f32 v21, v39;
	v2 =	vld [tilespmem:$0x1FAB0];
	[tilespmem:v29+s30+$0x0] =	vst.idx.msk $0xffff, v51  }
0x253: {  	v52 =	vor.u32 s18, v6;
	v34 =	vmul.f32 v55, v39;
	v55 =	vmul.f32 v57, v36;
	[tilespmem:v53+s30+$0x0] =	vst.idx.msk $0xffff, v43  }
0x254: {  	v45 =	vsub.f32 v45, v35;
	v58 =	vor.u32 s24, v6;
	[tilespmem:v42+s30+$0x0] =	vst.idx.msk $0xffff, v20  }
0x255: {  	v26 =	vsub.f32 v16, v26;
	v47 =	vmul.f32 v60, v36;
	[tilespmem:v33+s30+$0x0] =	vst.idx.msk $0xffff, v55  }
0x256: {  	v38 =	vor.u32 s12, v6;
	v39 =	vmul.f32 v45, v39;
	[tilespmem:v32+s30+$0x0] =	vst.idx.msk $0xffff, v34  }
0x257: {  	v26 =	vmul.f32 v26, v36;
	[tilespmem:v63+s30+$0x0] =	vst.idx.msk $0xffff, v47  }
0x258: {  	v49 =	vmul.f32 v49, v17;
	[tilespmem:v52+s30+$0x0] =	vst.idx.msk $0xffff, v39  }
0x259: {  	[tilespmem:v58+s30+$0x0] =	vst.idx.msk $0xffff, v26  }
0x25a: {  	[tilespmem:v2+s30+$0x0] =	vst.idx.msk $0xffff, v49  }
0x25b: {  	[tilespmem:v38+s30+$0x0] =	vst.idx.msk $0xffff, v27  }
0x25c: {  	v62 =	vor.u32 s17, v9;
	v2 =	vld [tilespmem:$0x1FAC0];
	_ =	sdelay $0x2  }
0x25d: {  	v10 =	vor.u32 s17, v4;
	v61 =	vperm.xlane v50, v8;
	v16 =	vshll.u32 v44, $0x18  }
0x25e: {  	v45 =	vperm.xlane v25, v8;
	v36 =	vperm.xlane v28, v8;
	v16 =	vshra.s32 v16, $0x18  }
0x25f: {  	v60 =	vperm.xlane v37, v8;
	v16 =	vcvt.s32.f32 v16;
	v14 =	vshll.u32 v44, $0x10;
	[tilespmem:v62+s30+$0x0] =	vst.idx.msk $0xffff, v2  }
0x260: {  	v14 =	vshra.s32 v14, $0x18;
	v12 =	vshll.u32 v56, $0x8;
	v13 =	vshll.u32 v56, $0x10;
	v2 =	vld [tilespmem:$0x1FAD0]  }
0x261: {  	v14 =	vcvt.s32.f32 v14;
	v12 =	vshra.s32 v12, $0x18;
	v13 =	vshra.s32 v13, $0x18  }
0x262: {  	v35 =	vor.u32 s17, v1;
	v12 =	vcvt.s32.f32 v12;
	v13 =	vcvt.s32.f32 v13;
	v18 =	vld [tilespmem:s15+$0x10F0]  }
0x263: {  	v16 =	vsub.f32 v16, v45;
	v14 =	vsub.f32 v14, v45;
	v57 =	vld [tilespmem:s15+$0x10D0];
	v15 =	vshll.u32 v44, $0x8  }
0x264: {  	v12 =	vsub.f32 v12, v36;
	v13 =	vsub.f32 v13, v36;
	v15 =	vshra.s32 v15, $0x18  }
0x265: {  	v19 =	vperm.xlane v30, v8;
	v23 =	vshll.u32 v56, $0x18;
	v15 =	vcvt.s32.f32 v15;
	[tilespmem:v10+s30+$0x0] =	vst.idx.msk $0xffff, v2  }
0x266: {  	v22 =	vperm.xlane v31, v8;
	v24 =	vperm.xlane v54, v8;
	v23 =	vshra.s32 v23, $0x18;
	v6 =	vld [tilespmem:$0x1FAF0]  }
0x267: {  	v23 =	vcvt.s32.f32 v23;
	v15 =	vsub.f32 v15, v45;
	v29 =	vshll.u32 v18, $0x8  }
0x268: {  	v0 =	vshll.u32 v57, $0x10;
	v20 =	vshra.s32 v29, $0x18;
	v29 =	vshra.s32 v44, $0x18;
	v44 =	vld [tilespmem:s15+$0x1130]  }
0x269: {  	v23 =	vsub.f32 v23, v36;
	v17 =	vshra.s32 v0, $0x18;
	v0 =	vshll.u32 v18, $0x10;
	v2 =	vld [tilespmem:$0x1FAE0]  }
0x26a: {  	v48 =	vshll.u32 v57, $0x18;
	v0 =	vshra.s32 v0, $0x18;
	v42 =	vshra.s32 v56, $0x18;
	v38 =	vld [tilespmem:s15+$0x1110]  }
0x26b: {  	v32 =	vshra.s32 v57, $0x18;
	v29 =	vcvt.s32.f32 v29;
	v49 =	vshll.u32 v57, $0x8  }
0x26c: {  	v0 =	vcvt.s32.f32 v0;
	v27 =	vshra.s32 v48, $0x18;
	v48 =	vshra.s32 v49, $0x18  }
0x26d: {  	v20 =	vcvt.s32.f32 v20;
	v29 =	vsub.f32 v29, v45;
	v48 =	vcvt.s32.f32 v48  }
0x26e: {  	v21 =	vsub.f32 v0, v60;
	v49 =	vshll.u32 v18, $0x18;
	v63 =	vshll.u32 v44, $0x18;
	[tilespmem:v6+s30+$0x0] =	vst.idx.msk $0xffff, v2  }
0x26f: {  	v49 =	vshra.s32 v49, $0x18;
	v45 =	vsub.f32 v48, v19;
	v34 =	vshll.u32 v38, $0x18;
	v2 =	vld [tilespmem:$0x1FB00]  }
0x270: {  	v33 =	vld [tilespmem:s15+$0x1150];
	v57 =	vshll.u32 v38, $0x10;
	v56 =	vshll.u32 v38, $0x8;
	v38 =	vshra.s32 v38, $0x18  }
0x271: {  	v34 =	vshra.s32 v34, $0x18;
	v39 =	vshra.s32 v57, $0x18;
	v51 =	vshra.s32 v56, $0x18  }
0x272: {  	v57 =	vcvt.s32.f32 v42;
	v42 =	vshra.s32 v63, $0x18;
	v56 =	vcvt.s32.f32 v49  }
0x273: {  	v49 =	vsub.f32 v20, v60;
	v20 =	vcvt.s32.f32 v38;
	v34 =	vcvt.s32.f32 v34  }
0x274: {  	v39 =	vcvt.s32.f32 v39;
	v58 =	vcvt.s32.f32 v51;
	v36 =	vsub.f32 v57, v36;
	[tilespmem:v35+s30+$0x0] =	vst.idx.msk $0xffff, v2  }
0x275: {  	v57 =	vshll.u32 v33, $0x18;
	v0 =	vsub.f32 v20, v22;
	v38 =	vsub.f32 v34, v22;
	v2 =	vld [tilespmem:$0x1FB10]  }
0x276: {  	v51 =	vsub.f32 v39, v22;
	v48 =	vsub.f32 v58, v22;
	v22 =	vshra.s32 v57, $0x18  }
0x277: {  	v57 =	vcvt.s32.f32 v42;
	v22 =	vcvt.s32.f32 v22;
	_ =	sdelay $0x1  }
0x278: {  	v34 =	vsub.f32 v57, v61;
	v57 =	vsub.f32 v22, v24;
	v22 =	vperm.xlane v25, v5;
	_ =	sdelay $0x1  }
0x279: {  	v16 =	vmul.f32 v16, v22;
	_ =	sdelay $0x1  }
0x27a: {  	[tilespmem:v2+s30+$0x0] =	vst.idx.msk $0xffff, v16  }
0x27b: {  	v6 =	vld [tilespmem:$0x1FB20];
	_ =	sdelay $0x5  }
0x27c: {  	v14 =	vmul.f32 v14, v22;
	_ =	sdelay $0x1  }
0x27d: {  	v40 =	vor.u32 s13, v9;
	v17 =	vcvt.s32.f32 v17;
	[tilespmem:v6+s30+$0x0] =	vst.idx.msk $0xffff, v14  }
0x27e: {  	v46 =	vor.u32 s13, v4;
	v7 =	vor.u32 s16, v1;
	v32 =	vcvt.s32.f32 v32;
	v8 =	vld [tilespmem:$0x1FB30]  }
0x27f: {  	v52 =	vsub.f32 v17, v19;
	v18 =	vshra.s32 v18, $0x18;
	v26 =	vshll.u32 v44, $0x10  }
0x280: {  	v47 =	vshll.u32 v44, $0x8;
	v26 =	vshra.s32 v26, $0x18;
	v27 =	vcvt.s32.f32 v27  }
0x281: {  	v44 =	vshra.s32 v44, $0x18;
	v18 =	vcvt.s32.f32 v18;
	v26 =	vcvt.s32.f32 v26  }
0x282: {  	v43 =	vshra.s32 v47, $0x18;
	v27 =	vsub.f32 v27, v19;
	v19 =	vsub.f32 v32, v19  }
0x283: {  	v18 =	vsub.f32 v18, v60;
	v53 =	vsub.f32 v26, v61;
	v63 =	vshll.u32 v33, $0x10  }
0x284: {  	v47 =	vsub.f32 v56, v60;
	v20 =	vshll.u32 v33, $0x8;
	v15 =	vmul.f32 v15, v22  }
0x285: {  	v56 =	vshra.s32 v63, $0x18;
	v60 =	vcvt.s32.f32 v44;
	v58 =	vcvt.s32.f32 v43  }
0x286: {  	v20 =	vshra.s32 v20, $0x18;
	v29 =	vmul.f32 v29, v22;
	v22 =	vperm.xlane v30, v5;
	[tilespmem:v8+s30+$0x0] =	vst.idx.msk $0xffff, v15  }
0x287: {  	v32 =	vcvt.s32.f32 v56;
	v20 =	vcvt.s32.f32 v20;
	v42 =	vsub.f32 v60, v61;
	v10 =	vld [tilespmem:$0x1FB40]  }
0x288: {  	v60 =	vor.u32 s13, v11;
	v56 =	vsub.f32 v58, v61;
	v16 =	vmul.f32 v27, v22  }
0x289: {  	v61 =	vsub.f32 v20, v24;
	v20 =	vperm.xlane v28, v5;
	v28 =	vor.u32 s11, v9  }
0x28a: {  	v25 =	vmul.f32 v52, v22;
	v15 =	vperm.xlane v37, v5;
	[tilespmem:v40+s30+$0x0] =	vst.idx.msk $0xffff, v16  }
0x28b: {  	v41 =	vor.u32 s23, v4;
	v14 =	vmul.f32 v45, v22;
	[tilespmem:v7+s30+$0x0] =	vst.idx.msk $0xffff, v29  }
0x28c: {  	v59 =	vor.u32 s23, v11;
	v33 =	vshra.s32 v33, $0x18;
	v62 =	vmul.f32 v47, v15;
	[tilespmem:v46+s30+$0x0] =	vst.idx.msk $0xffff, v25  }
0x28d: {  	v26 =	vcvt.s32.f32 v33;
	v58 =	vsub.f32 v32, v24;
	v23 =	vmul.f32 v23, v20;
	[tilespmem:v60+s30+$0x0] =	vst.idx.msk $0xffff, v14  }
0x28e: {  	v3 =	vor.u32 s13, v1;
	v13 =	vmul.f32 v13, v20;
	v12 =	vmul.f32 v12, v20;
	[tilespmem:v28+s30+$0x0] =	vst.idx.msk $0xffff, v62  }
0x28f: {  	v33 =	vor.u32 s11, v4;
	v39 =	vmul.f32 v19, v22;
	v19 =	vperm.xlane v31, v5;
	[tilespmem:v10+s30+$0x0] =	vst.idx.msk $0xffff, v23  }
0x290: {  	v63 =	vsub.f32 v26, v24;
	v32 =	vor.u32 s11, v11;
	v17 =	vmul.f32 v36, v20;
	[tilespmem:v41+s30+$0x0] =	vst.idx.msk $0xffff, v13  }
0x291: {  	v30 =	vor.u32 s12, v9;
	v36 =	vor.u32 s12, v11;
	v43 =	vmul.f32 v51, v19;
	[tilespmem:v59+s30+$0x0] =	vst.idx.msk $0xffff, v12  }
0x292: {  	v55 =	vmul.f32 v0, v19;
	v35 =	vor.u32 s11, v1;
	v2 =	vor.u32 s18, v9;
	v0 =	vld [tilespmem:$0x1FB50]  }
0x293: {  	v6 =	vor.u32 s18, v4;
	v8 =	vor.u32 s18, v11;
	v37 =	vperm.xlane v54, v5  }
0x294: {  	v54 =	vor.u32 s12, v4;
	v31 =	vmul.f32 v49, v15;
	v27 =	vmul.f32 v18, v15  }
0x295: {  	v40 =	vor.u32 s24, v11;
	v16 =	vmul.f32 v58, v37;
	v46 =	vmul.f32 v61, v37  }
0x296: {  	v49 =	vmul.f32 v63, v37;
	v14 =	vmul.f32 v57, v37;
	v10 =	vor.u32 s18, v1  }
0x297: {  	v23 =	vperm.xlane v50, v5;
	v5 =	vor.u32 s24, v9;
	v50 =	vmul.f32 v48, v19  }
0x298: {  	v41 =	vmul.f32 v21, v15;
	v15 =	vor.u32 s24, v4;
	v21 =	vmul.f32 v38, v19  }
0x299: {  	v38 =	vor.u32 s24, v1;
	v52 =	vmul.f32 v34, v23;
	v13 =	vmul.f32 v53, v23  }
0x29a: {  	s11 =	simm.s32 $0x0;
	v12 =	vmul.f32 v56, v23;
	v53 =	vmul.f32 v42, v23;
	v56 =	vor.u32 s12, v1;
	s12 =	simm.s32 $0x600;
	[tilespmem:v0+s30+$0x0] =	vst.idx.msk $0xffff, v17  }
.LBB2_4:
0x29b: {  	[tilespmem:v30+s30+$0x0] =	vst.idx.msk $0xffff, v21  }
0x29c: {  	[tilespmem:v3+s30+$0x0] =	vst.idx.msk $0xffff, v39  }
0x29d: {  	[tilespmem:v33+s30+$0x0] =	vst.idx.msk $0xffff, v41  }
0x29e: {  	s15 =	sshra.s32 s12, $0x2;
	[tilespmem:v54+s30+$0x0] =	vst.idx.msk $0xffff, v43  }
0x29f: {  	v20 =	vld [tilespmem:s15+$0x1140];
	[tilespmem:v5+s30+$0x0] =	vst.idx.msk $0xffff, v14  }
0x2a0: {  	v28 =	vld [tilespmem:$0x1FF70];
	[tilespmem:v32+s30+$0x0] =	vst.idx.msk $0xffff, v31  }
0x2a1: {  	v4 =	vld [tilespmem:$0x1FF90];
	[tilespmem:v36+s30+$0x0] =	vst.idx.msk $0xffff, v50  }
0x2a2: {  	v50 =	vld [tilespmem:s15+$0x1120];
	[tilespmem:v2+s30+$0x0] =	vst.idx.msk $0xffff, v52  }
0x2a3: {  	v7 =	vld [tilespmem:$0x1FFA0];
	[tilespmem:v15+s30+$0x0] =	vst.idx.msk $0xffff, v16  }
0x2a4: {  	v48 =	vld [tilespmem:s15+$0x1100];
	[tilespmem:v56+s30+$0x0] =	vst.idx.msk $0xffff, v55  }
0x2a5: {  	[tilespmem:v6+s30+$0x0] =	vst.idx.msk $0xffff, v13  }
0x2a6: {  	[tilespmem:v8+s30+$0x0] =	vst.idx.msk $0xffff, v12  }
0x2a7: {  	v0 =	vor.u32 s12, v28;
	[tilespmem:v10+s30+$0x0] =	vst.idx.msk $0xffff, v53  }
0x2a8: {  	v37 =	vld [tilespmem:$0x1FFB0];
	[tilespmem:$0x1F8F0] =	vst v0;
	v0 =	vor.u32 s12, v4  }
0x2a9: {  	s19 =	sadd.s32 $0xFFFFFE00, s12;
	s7 =	sadd.s32 $0x80, s7;
	[tilespmem:$0x1F900] =	vst v0;
	v0 =	vor.u32 s12, v7  }
0x2aa: {  	v51 =	vld [tilespmem:s7+$0x30];
	[tilespmem:$0x1F910] =	vst v0;
	v0 =	vor.u32 s19, v28  }
0x2ab: {  	v3 =	vld [tilespmem:$0x1FF80];
	[tilespmem:$0x1F800] =	vst v0;
	v0 =	vor.u32 s19, v4  }
0x2ac: {  	v2 =	vld [tilespmem:$0x1FF50];
	[tilespmem:$0x1F810] =	vst v0;
	v0 =	vor.u32 s19, v7  }
0x2ad: {  	s1 =	sadd.s32 $0xFFFFFE80, s12;
	v1 =	vor.u32 s19, v37;
	[tilespmem:$0x1F820] =	vst v0;
	v0 =	vld [tilespmem:s15+$0x1160]  }
0x2ae: {  	[tilespmem:$0x1F890] =	vst v1;
	v1 =	vor.u32 s1, v28  }
0x2af: {  	s22 =	sadd.s32 $0x180, s12;
	v5 =	vld [tilespmem:s7+$0x0];
	[tilespmem:$0x1F830] =	vst v1;
	v1 =	vor.u32 s1, v4  }
0x2b0: {  	v57 =	vor.u32 s22, v28;
	v58 =	vor.u32 s22, v4;
	[tilespmem:$0x1F840] =	vst v1;
	v1 =	vor.u32 s1, v7  }
0x2b1: {  	s18 =	sadd.s32 $0xFFFFFF00, s12;
	v45 =	vor.u32 s22, v7;
	v59 =	vperm.xlane v51, v3;
	[tilespmem:$0x1F850] =	vst v1;
	v1 =	vor.u32 s1, v37  }
0x2b2: {  	v41 =	vperm.xlane v51, v2;
	[tilespmem:$0x1F8A0] =	vst v1;
	v1 =	vor.u32 s18, v28;
	v62 =	vshll.u32 v0, $0x18  }
0x2b3: {  	[tilespmem:$0x1F860] =	vst v1;
	v1 =	vor.u32 s18, v4;
	v32 =	vshll.u32 v0, $0x10;
	v63 =	vshra.s32 v62, $0x18  }
0x2b4: {  	[tilespmem:$0x1F7D0] =	vst v5;
	v5 =	vld [tilespmem:s7+$0x10];
	v39 =	vshll.u32 v0, $0x8;
	v34 =	vshra.s32 v32, $0x18;
	v33 =	vcvt.s32.f32 v63  }
0x2b5: {  	[tilespmem:$0x1F870] =	vst v1;
	v1 =	vor.u32 s18, v7;
	v54 =	vshra.s32 v39, $0x18;
	v44 =	vcvt.s32.f32 v34  }
0x2b6: {  	v11 =	vld [tilespmem:$0x1FF60];
	[tilespmem:v35+s30+$0x0] =	vst.idx.msk $0xffff, v27;
	v0 =	vshra.s32 v0, $0x18;
	v54 =	vcvt.s32.f32 v54;
	v22 =	vsub.f32 v33, v59  }
0x2b7: {  	v23 =	vld [tilespmem:s15+$0x1080];
	[tilespmem:$0x1F880] =	vst v1;
	v1 =	vor.u32 s18, v37;
	v0 =	vcvt.s32.f32 v0;
	v24 =	vsub.f32 v44, v59  }
0x2b8: {  	v42 =	vld [tilespmem:s15+$0x10C0];
	v47 =	vor.u32 s22, v37;
	[tilespmem:$0x1F8B0] =	vst v1;
	v25 =	vsub.f32 v54, v59;
	v22 =	vmul.f32 v22, v41  }
0x2b9: {  	v35 =	vld [tilespmem:s15+$0x10A0];
	[tilespmem:$0x1F7E0] =	vst v5;
	v0 =	vsub.f32 v0, v59;
	v24 =	vmul.f32 v24, v41  }
0x2ba: {  	v43 =	vld [tilespmem:s15+$0x10E0];
	[tilespmem:v57+s30+$0x0] =	vst.idx.msk $0xffff, v22;
	v22 =	vmul.f32 v25, v41  }
0x2bb: {  	v10 =	vld [tilespmem:$0x1FFD0];
	v0 =	vmul.f32 v0, v41;
	[tilespmem:v58+s30+$0x0] =	vst.idx.msk $0xffff, v24  }
0x2bc: {  	s17 =	sadd.s32 $0xFFFFFF80, s12;
	v5 =	vld [tilespmem:s7+$0x20];
	[tilespmem:v45+s30+$0x0] =	vst.idx.msk $0xffff, v22  }
0x2bd: {  	v1 =	vor.u32 s17, v28;
	v62 =	vld [tilespmem:$0x1FFE0];
	[tilespmem:v47+s30+$0x0] =	vst.idx.msk $0xffff, v0  }
0x2be: {  	v15 =	vor.u32 s22, v11;
	[tilespmem:$0x1F8C0] =	vst v1;
	v1 =	vor.u32 s17, v4;
	v63 =	vld [tilespmem:s15+$0x1170]  }
0x2bf: {  	v8 =	vld [tilespmem:$0x1FFC0];
	v56 =	vshll.u32 v23, $0x10;
	v52 =	vshll.u32 v42, $0x18;
	[tilespmem:$0x1F8D0] =	vst v1;
	v1 =	vor.u32 s17, v7  }
0x2c0: {  	v56 =	vshra.s32 v56, $0x18;
	v61 =	vshll.u32 v48, $0x10;
	v52 =	vshra.s32 v52, $0x18;
	[tilespmem:$0x1F8E0] =	vst v1;
	v1 =	vld [tilespmem:s7+$0xFFFFFFD0]  }
0x2c1: {  	s13 =	sadd.s32 $0x100, s12;
	v21 =	vshll.u32 v43, $0x8;
	v17 =	vor.u32 s22, v10;
	[tilespmem:v40+s30+$0x0] =	vst.idx.msk $0xffff, v46;
	v40 =	vcvt.s32.f32 v52  }
0x2c2: {  	v52 =	vor.u32 s13, v28;
	v32 =	vshll.u32 v43, $0x18;
	v34 =	vshll.u32 v48, $0x8;
	[tilespmem:$0x1F7F0] =	vst v5;
	v5 =	vld [tilespmem:$0x1FF40]  }
0x2c3: {  	v18 =	vor.u32 s22, v62;
	v24 =	vshll.u32 v35, $0x8;
	v12 =	vshll.u32 v63, $0x18  }
0x2c4: {  	v6 =	vld [tilespmem:s7+$0xFFFFFFC0];
	v0 =	vperm.xlane v51, v8;
	v13 =	vshll.u32 v63, $0x10;
	v12 =	vshra.s32 v12, $0x18  }
0x2c5: {  	[tilespmem:$0x1F7B0] =	vst v1;
	v1 =	vld [tilespmem:s7+$0xFFFFFFE0];
	v13 =	vshra.s32 v13, $0x18;
	v14 =	vcvt.s32.f32 v12;
	v12 =	vshll.u32 v63, $0x8  }
0x2c6: {  	v24 =	vshra.s32 v24, $0x18;
	v13 =	vcvt.s32.f32 v13;
	v12 =	vshra.s32 v12, $0x18  }
0x2c7: {  	v51 =	vperm.xlane v51, v5;
	v14 =	vsub.f32 v14, v0;
	v12 =	vcvt.s32.f32 v12  }
0x2c8: {  	v36 =	vcvt.s32.f32 v24;
	v63 =	vshra.s32 v63, $0x18;
	v13 =	vsub.f32 v13, v0  }
0x2c9: {  	v63 =	vcvt.s32.f32 v63;
	v14 =	vmul.f32 v14, v51;
	v12 =	vsub.f32 v12, v0  }
0x2ca: {  	v54 =	vshll.u32 v23, $0x18;
	[tilespmem:$0x1F7C0] =	vst v1;
	v1 =	vld [tilespmem:s7+$0xFFFFFFF0];
	v24 =	vperm.xlane v6, v2;
	v13 =	vmul.f32 v13, v51  }
0x2cb: {  	v33 =	vshll.u32 v48, $0x18;
	v0 =	vsub.f32 v63, v0;
	[tilespmem:v17+s30+$0x0] =	vst.idx.msk $0xffff, v14;
	v12 =	vmul.f32 v12, v51  }
0x2cc: {  	s16 =	sadd.s32 $0x80, s12;
	v17 =	vshra.s32 v32, $0x18;
	[tilespmem:v18+s30+$0x0] =	vst.idx.msk $0xffff, v13;
	v18 =	vshra.s32 v21, $0x18;
	v21 =	vshra.s32 v33, $0x18  }
0x2cd: {  	v63 =	vcvt.s32.f32 v56;
	v56 =	vor.u32 s16, v28;
	v39 =	vcvt.s32.f32 v17  }
0x2ce: {  	v17 =	vperm.xlane v6, v3;
	[tilespmem:v15+s30+$0x0] =	vst.idx.msk $0xffff, v12;
	v12 =	vshra.s32 v61, $0x18;
	v28 =	vcvt.s32.f32 v21  }
0x2cf: {  	v15 =	vshra.s32 v34, $0x18;
	v34 =	vcvt.s32.f32 v12;
	v12 =	vperm.xlane v1, v3;
	v21 =	vmovc v1;
	v1 =	vmovc v6;
	v6 =	vld [tilespmem:$0x1F800]  }
0x2d0: {  	v54 =	vshra.s32 v54, $0x18  }
0x2d1: {  	v61 =	vcvt.s32.f32 v54;
	_ =	sdelay $0x1  }
0x2d2: {  	v61 =	vsub.f32 v61, v17;
	_ =	sdelay $0x1  }
0x2d3: {  	v61 =	vmul.f32 v61, v24;
	_ =	sdelay $0x1  }
0x2d4: {  	[tilespmem:v6+s30+$0x0] =	vst.idx.msk $0xffff, v61;
	v6 =	vor.u32 s1, v11  }
0x2d5: {  	[tilespmem:$0x1F9A0] =	vst v6;
	v6 =	vld [tilespmem:$0x1F810];
	_ =	sdelay $0x2  }
0x2d6: {  	v9 =	vld [tilespmem:$0x1FFF0]  }
0x2d7: {  	v63 =	vsub.f32 v63, v17;
	_ =	sdelay $0x1  }
0x2d8: {  	v63 =	vmul.f32 v63, v24;
	_ =	sdelay $0x1  }
0x2d9: {  	[tilespmem:v6+s30+$0x0] =	vst.idx.msk $0xffff, v63;
	v6 =	vor.u32 s1, v9  }
0x2da: {  	v16 =	vor.u32 s22, v9;
	v59 =	vshll.u32 v23, $0x8;
	[tilespmem:$0x1FA00] =	vst v6;
	v6 =	vld [tilespmem:$0x1F820]  }
0x2db: {  	v59 =	vshra.s32 v59, $0x18  }
0x2dc: {  	v59 =	vcvt.s32.f32 v59  }
0x2dd: {  	v0 =	vmul.f32 v0, v51  }
0x2de: {  	v59 =	vsub.f32 v59, v17  }
0x2df: {  	[tilespmem:v16+s30+$0x0] =	vst.idx.msk $0xffff, v0;
	v0 =	vor.u32 s13, v4  }
0x2e0: {  	v54 =	vor.u32 s16, v7;
	[tilespmem:$0x1F920] =	vst v0;
	v0 =	vor.u32 s13, v7;
	v7 =	vld [tilespmem:$0x1F7B0];
	v59 =	vmul.f32 v59, v24;
	_ =	sdelay $0x1  }
0x2e1: {  	v27 =	vshll.u32 v50, $0x10;
	v25 =	vshll.u32 v35, $0x18;
	[tilespmem:v6+s30+$0x0] =	vst.idx.msk $0xffff, v59;
	v6 =	vor.u32 s18, v10  }
0x2e2: {  	v41 =	vshll.u32 v50, $0x18;
	v25 =	vshra.s32 v25, $0x18;
	v22 =	vshll.u32 v42, $0x8;
	[tilespmem:$0x1F9B0] =	vst v6;
	v6 =	vld [tilespmem:$0x1F830]  }
0x2e3: {  	v14 =	vshra.s32 v22, $0x18;
	v33 =	vcvt.s32.f32 v25;
	v16 =	vshra.s32 v27, $0x18  }
0x2e4: {  	v22 =	vshra.s32 v41, $0x18;
	v31 =	vcvt.s32.f32 v16;
	v16 =	vperm.xlane v7, v3  }
0x2e5: {  	v41 =	vcvt.s32.f32 v22;
	[tilespmem:$0x1F930] =	vst v0;
	v0 =	vor.u32 s13, v37  }
0x2e6: {  	[tilespmem:$0x1F940] =	vst v0;
	v0 =	vor.u32 s19, v10;
	v22 =	vperm.xlane v7, v2;
	v33 =	vsub.f32 v33, v16  }
0x2e7: {  	v58 =	vshll.u32 v42, $0x10;
	[tilespmem:$0x1F950] =	vst v0;
	v0 =	vor.u32 s19, v62  }
0x2e8: {  	v58 =	vshra.s32 v58, $0x18;
	[tilespmem:$0x1F960] =	vst v0;
	v0 =	vor.u32 s19, v11;
	v33 =	vmul.f32 v33, v22  }
0x2e9: {  	v60 =	vshll.u32 v43, $0x10;
	v46 =	vshra.s32 v43, $0x18;
	v43 =	vcvt.s32.f32 v58;
	v58 =	vld [tilespmem:$0x1F7C0];
	[tilespmem:$0x1F970] =	vst v0  }
0x2ea: {  	v57 =	vshll.u32 v35, $0x10;
	[tilespmem:v6+s30+$0x0] =	vst.idx.msk $0xffff, v33;
	v6 =	vor.u32 s18, v62  }
0x2eb: {  	v57 =	vshra.s32 v57, $0x18;
	v0 =	vor.u32 s19, v9;
	[tilespmem:$0x1F9C0] =	vst v6;
	v6 =	vld [tilespmem:$0x1F840]  }
0x2ec: {  	v35 =	vshra.s32 v35, $0x18;
	v57 =	vcvt.s32.f32 v57;
	[tilespmem:$0x1F9F0] =	vst v0;
	v0 =	vor.u32 s1, v10  }
0x2ed: {  	v42 =	vshra.s32 v42, $0x18;
	v35 =	vcvt.s32.f32 v35;
	[tilespmem:$0x1F980] =	vst v0;
	v0 =	vor.u32 s1, v62  }
0x2ee: {  	v42 =	vcvt.s32.f32 v42;
	v57 =	vsub.f32 v57, v16;
	[tilespmem:$0x1F990] =	vst v0;
	v0 =	vperm.xlane v58, v3  }
0x2ef: {  	v29 =	vcvt.s32.f32 v14;
	v36 =	vsub.f32 v36, v16;
	v16 =	vsub.f32 v35, v16  }
0x2f0: {  	v40 =	vsub.f32 v40, v0;
	v43 =	vsub.f32 v43, v0  }
0x2f1: {  	v29 =	vsub.f32 v29, v0;
	v35 =	vsub.f32 v42, v0;
	v0 =	vmul.f32 v57, v22;
	_ =	sdelay $0x1  }
0x2f2: {  	[tilespmem:v6+s30+$0x0] =	vst.idx.msk $0xffff, v0;
	v6 =	vld [tilespmem:$0x1F860];
	_ =	sdelay $0x2  }
0x2f3: {  	v23 =	vshra.s32 v23, $0x18;
	v47 =	vshll.u32 v20, $0x18  }
0x2f4: {  	[tilespmem:v38+s30+$0x0] =	vst.idx.msk $0xffff, v49;
	v38 =	vshra.s32 v47, $0x18;
	v47 =	vcvt.s32.f32 v23;
	v23 =	vperm.xlane v58, v2;
	_ =	sdelay $0x1  }
0x2f5: {  	v40 =	vmul.f32 v40, v23;
	_ =	sdelay $0x1  }
0x2f6: {  	[tilespmem:v6+s30+$0x0] =	vst.idx.msk $0xffff, v40;
	v6 =	vor.u32 s17, v10  }
0x2f7: {  	[tilespmem:$0x1F9E0] =	vst v6;
	v6 =	vld [tilespmem:$0x1F870];
	_ =	sdelay $0x5  }
0x2f8: {  	v43 =	vmul.f32 v43, v23;
	_ =	sdelay $0x1  }
0x2f9: {  	[tilespmem:v6+s30+$0x0] =	vst.idx.msk $0xffff, v43;
	v6 =	vld [tilespmem:$0x1F880];
	_ =	sdelay $0x5  }
0x2fa: {  	v29 =	vmul.f32 v29, v23;
	_ =	sdelay $0x1  }
0x2fb: {  	[tilespmem:v6+s30+$0x0] =	vst.idx.msk $0xffff, v29;
	v6 =	vld [tilespmem:$0x1F890];
	_ =	sdelay $0x3  }
0x2fc: {  	v47 =	vsub.f32 v47, v17;
	_ =	sdelay $0x1  }
0x2fd: {  	v24 =	vmul.f32 v47, v24;
	v0 =	vor.u32 s18, v11  }
0x2fe: {  	[tilespmem:$0x1F9D0] =	vst v0;
	v0 =	vld [tilespmem:$0x1F850]  }
0x2ff: {  	[tilespmem:v6+s30+$0x0] =	vst.idx.msk $0xffff, v24;
	v6 =	vld [tilespmem:$0x1F8A0];
	_ =	sdelay $0x2  }
0x300: {  	v49 =	vld [tilespmem:$0x1F7E0]  }
0x301: {  	v55 =	vor.u32 s16, v4;
	v53 =	vor.u32 s16, v37;
	v26 =	vshll.u32 v20, $0x10  }
0x302: {  	v19 =	vshll.u32 v20, $0x8;
	v26 =	vshra.s32 v26, $0x18;
	v36 =	vmul.f32 v36, v22  }
0x303: {  	v19 =	vshra.s32 v19, $0x18;
	v48 =	vshra.s32 v48, $0x18;
	v16 =	vmul.f32 v16, v22  }
0x304: {  	v48 =	vcvt.s32.f32 v48;
	v45 =	vshll.u32 v50, $0x8;
	v20 =	vshra.s32 v20, $0x18;
	[tilespmem:v0+s30+$0x0] =	vst.idx.msk $0xffff, v36  }
0x305: {  	v51 =	vor.u32 s17, v37;
	v13 =	vshra.s32 v60, $0x18;
	v14 =	vperm.xlane v49, v3;
	[tilespmem:v6+s30+$0x0] =	vst.idx.msk $0xffff, v16;
	v6 =	vld [tilespmem:$0x1F8B0]  }
0x306: {  	v60 =	vshra.s32 v50, $0x18;
	v30 =	vcvt.s32.f32 v13;
	v32 =	vcvt.s32.f32 v18;
	v4 =	vld [tilespmem:$0x1F7D0]  }
0x307: {  	v50 =	vor.u32 s12, v37;
	v60 =	vcvt.s32.f32 v60;
	v18 =	vcvt.s32.f32 v15  }
0x308: {  	v27 =	vshra.s32 v45, $0x18;
	v45 =	vcvt.s32.f32 v20;
	v37 =	vcvt.s32.f32 v46;
	v46 =	vld [tilespmem:$0x1F7F0]  }
0x309: {  	v41 =	vsub.f32 v41, v14;
	v44 =	vcvt.s32.f32 v27;
	v27 =	vcvt.s32.f32 v38  }
0x30a: {  	v38 =	vcvt.s32.f32 v26;
	v20 =	vperm.xlane v21, v2;
	v39 =	vsub.f32 v39, v12  }
0x30b: {  	v60 =	vsub.f32 v60, v14;
	v13 =	vperm.xlane v4, v3;
	v22 =	vmul.f32 v35, v23  }
0x30c: {  	v30 =	vsub.f32 v30, v12;
	v31 =	vsub.f32 v31, v14;
	v39 =	vmul.f32 v39, v20  }
0x30d: {  	v26 =	vcvt.s32.f32 v19;
	v15 =	vperm.xlane v46, v3;
	v28 =	vsub.f32 v28, v13;
	[tilespmem:v6+s30+$0x0] =	vst.idx.msk $0xffff, v22;
	v6 =	vld [tilespmem:$0x1F8C0]  }
0x30e: {  	v25 =	vsub.f32 v18, v13;
	v18 =	vperm.xlane v49, v2;
	v19 =	vperm.xlane v46, v2  }
0x30f: {  	v3 =	vmovc v21;
	v21 =	vperm.xlane v4, v2;
	v27 =	vsub.f32 v27, v15;
	v38 =	vsub.f32 v38, v15  }
0x310: {  	v2 =	vmovc v46;
	v26 =	vsub.f32 v26, v15;
	v15 =	vsub.f32 v45, v15;
	v45 =	vmul.f32 v30, v20  }
0x311: {  	v34 =	vsub.f32 v34, v13;
	v30 =	vperm.xlane v3, v8;
	v61 =	vperm.xlane v2, v8  }
0x312: {  	v42 =	vsub.f32 v48, v13;
	v13 =	vmul.f32 v25, v21;
	v57 =	vmul.f32 v41, v18  }
0x313: {  	v44 =	vsub.f32 v44, v14;
	v25 =	vmul.f32 v31, v18;
	v41 =	vperm.xlane v1, v8  }
0x314: {  	v31 =	vperm.xlane v58, v8;
	v59 =	vperm.xlane v4, v8  }
0x315: {  	v14 =	vld [tilespmem:$0x1F8D0];
	v36 =	vmul.f32 v44, v18;
	v18 =	vmul.f32 v60, v18;
	[tilespmem:v6+s30+$0x0] =	vst.idx.msk $0xffff, v39;
	v6 =	vor.u32 s16, v11  }
0x316: {  	v60 =	vperm.xlane v49, v8;
	v29 =	vperm.xlane v7, v8;
	v8 =	vmov v6;
	v6 =	vld [tilespmem:$0x1F8E0];
	_ =	sdelay $0x3  }
0x317: {  	v32 =	vsub.f32 v32, v12;
	_ =	sdelay $0x1  }
0x318: {  	v37 =	vsub.f32 v37, v12;
	v48 =	vmul.f32 v32, v20  }
0x319: {  	v12 =	vmul.f32 v28, v21;
	v28 =	vperm.xlane v1, v5;
	v1 =	vld [tilespmem:$0x1F920];
	[tilespmem:v14+s30+$0x0] =	vst.idx.msk $0xffff, v45  }
0x31a: {  	[tilespmem:v6+s30+$0x0] =	vst.idx.msk $0xffff, v48;
	v6 =	vld [tilespmem:$0x1F8F0];
	_ =	sdelay $0x3  }
0x31b: {  	v0 =	vmul.f32 v27, v19  }
0x31c: {  	v38 =	vmul.f32 v38, v19  }
0x31d: {  	[tilespmem:v52+s30+$0x0] =	vst.idx.msk $0xffff, v0  }
0x31e: {  	[tilespmem:v1+s30+$0x0] =	vst.idx.msk $0xffff, v38;
	v1 =	vld [tilespmem:$0x1F930]  }
0x31f: {  	[tilespmem:v6+s30+$0x0] =	vst.idx.msk $0xffff, v12;
	v6 =	vld [tilespmem:$0x1F900];
	_ =	sdelay $0x4  }
0x320: {  	v40 =	vmul.f32 v26, v19  }
0x321: {  	v34 =	vmul.f32 v34, v21  }
0x322: {  	[tilespmem:v1+s30+$0x0] =	vst.idx.msk $0xffff, v40;
	v1 =	vld [tilespmem:$0x1F940]  }
0x323: {  	[tilespmem:v6+s30+$0x0] =	vst.idx.msk $0xffff, v34;
	v6 =	vld [tilespmem:$0x1F910]  }
0x324: {  	v23 =	vmul.f32 v37, v20;
	v37 =	vld [tilespmem:s15+$0x1090]  }
0x325: {  	v16 =	vld [tilespmem:s15+$0x10B0]  }
0x326: {  	[tilespmem:v56+s30+$0x0] =	vst.idx.msk $0xffff, v57  }
0x327: {  	[tilespmem:v55+s30+$0x0] =	vst.idx.msk $0xffff, v25  }
0x328: {  	v15 =	vmul.f32 v15, v19;
	[tilespmem:v54+s30+$0x0] =	vst.idx.msk $0xffff, v36  }
0x329: {  	v21 =	vmul.f32 v42, v21;
	[tilespmem:v53+s30+$0x0] =	vst.idx.msk $0xffff, v18;
	v42 =	vshll.u32 v37, $0x10;
	v43 =	vshll.u32 v37, $0x8  }
0x32a: {  	v24 =	vmovc v49;
	v47 =	vshll.u32 v16, $0x10;
	v49 =	vshll.u32 v16, $0x8;
	v19 =	vld [tilespmem:s15+$0x10D0];
	v39 =	vshll.u32 v37, $0x18;
	[tilespmem:v51+s30+$0x0] =	vst.idx.msk $0xffff, v23  }
0x32b: {  	v23 =	vshll.u32 v16, $0x18;
	v63 =	vld [tilespmem:s15+$0x10F0];
	v34 =	vshra.s32 v39, $0x18;
	v39 =	vshra.s32 v42, $0x18;
	[tilespmem:v6+s30+$0x0] =	vst.idx.msk $0xffff, v13  }
0x32c: {  	v42 =	vshra.s32 v43, $0x18;
	v18 =	vcvt.s32.f32 v34;
	v34 =	vcvt.s32.f32 v39;
	v39 =	vld [tilespmem:s15+$0x1130];
	[tilespmem:v50+s30+$0x0] =	vst.idx.msk $0xffff, v21  }
0x32d: {  	[tilespmem:v1+s30+$0x0] =	vst.idx.msk $0xffff, v15;
	v43 =	vshra.s32 v49, $0x18;
	v13 =	vshra.s32 v23, $0x18;
	v23 =	vshra.s32 v47, $0x18;
	v44 =	vld [tilespmem:s15+$0x1110]  }
0x32e: {  	v15 =	vsub.f32 v18, v41;
	v18 =	vcvt.s32.f32 v23;
	v23 =	vcvt.s32.f32 v43;
	v43 =	vld [tilespmem:s15+$0x1150];
	_ =	sdelay $0x1  }
0x32f: {  	v36 =	vshra.s32 v37, $0x18;
	v51 =	vshll.u32 v19, $0x8;
	v45 =	vshll.u32 v63, $0x10  }
0x330: {  	v37 =	vshra.s32 v63, $0x18;
	v47 =	vshll.u32 v63, $0x18;
	v21 =	vshra.s32 v51, $0x18  }
0x331: {  	v51 =	vshll.u32 v63, $0x8;
	v63 =	vshll.u32 v39, $0x10;
	v50 =	vshll.u32 v44, $0x10  }
0x332: {  	v38 =	vshra.s32 v50, $0x18;
	v50 =	vshra.s32 v63, $0x18;
	v63 =	vshll.u32 v43, $0x10  }
0x333: {  	v54 =	vshra.s32 v63, $0x18;
	v63 =	vperm.xlane v4, v5;
	v4 =	vld [tilespmem:$0x1F950];
	_ =	sdelay $0x5  }
0x334: {  	v15 =	vmul.f32 v15, v28;
	_ =	sdelay $0x1  }
0x335: {  	[tilespmem:v4+s30+$0x0] =	vst.idx.msk $0xffff, v15;
	v4 =	vld [tilespmem:$0x1F960];
	_ =	sdelay $0x3  }
0x336: {  	v17 =	vor.u32 s16, v10;
	v26 =	vperm.xlane v2, v5;
	v34 =	vsub.f32 v34, v41  }
0x337: {  	v27 =	vperm.xlane v7, v5;
	v16 =	vshra.s32 v16, $0x18;
	v40 =	vcvt.s32.f32 v42  }
0x338: {  	v22 =	vor.u32 s16, v62;
	v16 =	vcvt.s32.f32 v16;
	v34 =	vmul.f32 v34, v28  }
0x339: {  	v40 =	vsub.f32 v40, v41;
	v57 =	vshll.u32 v39, $0x18;
	v13 =	vcvt.s32.f32 v13  }
0x33a: {  	v6 =	vmovc v22;
	v22 =	vperm.xlane v24, v5;
	v25 =	vshra.s32 v47, $0x18;
	v47 =	vshra.s32 v45, $0x18;
	[tilespmem:v4+s30+$0x0] =	vst.idx.msk $0xffff, v34;
	v4 =	vld [tilespmem:$0x1F970]  }
0x33b: {  	v21 =	vcvt.s32.f32 v21;
	v13 =	vsub.f32 v13, v29;
	v18 =	vsub.f32 v18, v29  }
0x33c: {  	v49 =	vshra.s32 v51, $0x18;
	v23 =	vsub.f32 v23, v29;
	v29 =	vsub.f32 v16, v29  }
0x33d: {  	v16 =	vmul.f32 v40, v28;
	v21 =	vsub.f32 v21, v31;
	v13 =	vmul.f32 v13, v27  }
0x33e: {  	v45 =	vshll.u32 v43, $0x8;
	v0 =	vshll.u32 v44, $0x18;
	v56 =	vshll.u32 v44, $0x8  }
0x33f: {  	v42 =	vshra.s32 v44, $0x18;
	v44 =	vshra.s32 v57, $0x18;
	v57 =	vshll.u32 v43, $0x18  }
0x340: {  	v55 =	vshra.s32 v45, $0x18;
	v0 =	vshra.s32 v0, $0x18;
	v51 =	vshra.s32 v56, $0x18  }
0x341: {  	v56 =	vshll.u32 v39, $0x8;
	v39 =	vshra.s32 v39, $0x18;
	v44 =	vcvt.s32.f32 v44  }
0x342: {  	v53 =	vshra.s32 v57, $0x18;
	v55 =	vcvt.s32.f32 v55;
	v42 =	vcvt.s32.f32 v42;
	[tilespmem:v4+s30+$0x0] =	vst.idx.msk $0xffff, v16;
	v4 =	vld [tilespmem:$0x1F980]  }
0x343: {  	v43 =	vshra.s32 v43, $0x18;
	v57 =	vperm.xlane v58, v5;
	v0 =	vcvt.s32.f32 v0  }
0x344: {  	v52 =	vshra.s32 v56, $0x18;
	v38 =	vcvt.s32.f32 v38;
	v51 =	vcvt.s32.f32 v51  }
0x345: {  	v50 =	vcvt.s32.f32 v50;
	v53 =	vcvt.s32.f32 v53;
	v44 =	vsub.f32 v44, v60  }
0x346: {  	v39 =	vcvt.s32.f32 v39;
	v55 =	vsub.f32 v55, v61;
	v42 =	vsub.f32 v42, v59  }
0x347: {  	v52 =	vcvt.s32.f32 v52;
	v0 =	vsub.f32 v0, v59;
	v56 =	vsub.f32 v38, v59  }
0x348: {  	v54 =	vcvt.s32.f32 v54;
	v51 =	vsub.f32 v51, v59;
	v24 =	vsub.f32 v50, v60  }
0x349: {  	v43 =	vcvt.s32.f32 v43;
	v53 =	vsub.f32 v53, v61;
	v59 =	vsub.f32 v39, v60  }
0x34a: {  	v2 =	vmov v17;
	v45 =	vsub.f32 v52, v60;
	v17 =	vsub.f32 v54, v61;
	[tilespmem:v4+s30+$0x0] =	vst.idx.msk $0xffff, v13;
	v4 =	vld [tilespmem:$0x1F990]  }
0x34b: {  	v60 =	vsub.f32 v43, v61;
	v61 =	vmul.f32 v21, v57;
	v21 =	vmul.f32 v0, v63;
	v0 =	vld [tilespmem:$0x1F9A0];
	_ =	sdelay $0x4  }
0x34c: {  	v18 =	vmul.f32 v18, v27  }
0x34d: {  	v23 =	vmul.f32 v23, v27  }
0x34e: {  	[tilespmem:v4+s30+$0x0] =	vst.idx.msk $0xffff, v18  }
0x34f: {  	v12 =	vshll.u32 v19, $0x18;
	[tilespmem:v0+s30+$0x0] =	vst.idx.msk $0xffff, v23;
	v0 =	vld [tilespmem:$0x1F9B0]  }
0x350: {  	v12 =	vshra.s32 v12, $0x18  }
0x351: {  	v12 =	vcvt.s32.f32 v12;
	_ =	sdelay $0x1  }
0x352: {  	v12 =	vsub.f32 v12, v31;
	_ =	sdelay $0x1  }
0x353: {  	v12 =	vmul.f32 v12, v57;
	_ =	sdelay $0x1  }
0x354: {  	v20 =	vshll.u32 v19, $0x10;
	[tilespmem:v0+s30+$0x0] =	vst.idx.msk $0xffff, v12;
	v0 =	vld [tilespmem:$0x1F9C0]  }
0x355: {  	v1 =	vld [tilespmem:$0x1F9D0];
	v20 =	vshra.s32 v20, $0x18  }
0x356: {  	v20 =	vcvt.s32.f32 v20;
	_ =	sdelay $0x1  }
0x357: {  	v20 =	vsub.f32 v20, v31;
	_ =	sdelay $0x1  }
0x358: {  	v20 =	vmul.f32 v20, v57;
	_ =	sdelay $0x1  }
0x359: {  	[tilespmem:v0+s30+$0x0] =	vst.idx.msk $0xffff, v20  }
0x35a: {  	[tilespmem:v1+s30+$0x0] =	vst.idx.msk $0xffff, v61;
	v1 =	vld [tilespmem:$0x1F9E0];
	_ =	sdelay $0x1  }
0x35b: {  	v25 =	vcvt.s32.f32 v25;
	_ =	sdelay $0x1  }
0x35c: {  	v25 =	vsub.f32 v25, v30;
	v58 =	vperm.xlane v3, v5;
	_ =	sdelay $0x1  }
0x35d: {  	v25 =	vmul.f32 v25, v58;
	_ =	sdelay $0x1  }
0x35e: {  	[tilespmem:v1+s30+$0x0] =	vst.idx.msk $0xffff, v25;
	v1 =	vld [tilespmem:$0x1F9F0];
	_ =	sdelay $0x1  }
0x35f: {  	v36 =	vcvt.s32.f32 v36  }
0x360: {  	v46 =	vor.u32 s18, v9  }
0x361: {  	v32 =	vor.u32 s17, v11;
	v35 =	vor.u32 s17, v9;
	v3 =	vmovc v46;
	v46 =	vsub.f32 v36, v41  }
0x362: {  	v19 =	vshra.s32 v19, $0x18;
	v47 =	vcvt.s32.f32 v47;
	v49 =	vcvt.s32.f32 v49  }
0x363: {  	v33 =	vor.u32 s17, v62;
	v19 =	vcvt.s32.f32 v19;
	v0 =	vmul.f32 v46, v28  }
0x364: {  	v37 =	vcvt.s32.f32 v37;
	v47 =	vsub.f32 v47, v30;
	v49 =	vsub.f32 v49, v30  }
0x365: {  	v14 =	vor.u32 s16, v9;
	v48 =	vor.u32 s13, v10;
	v19 =	vsub.f32 v19, v31;
	[tilespmem:v1+s30+$0x0] =	vst.idx.msk $0xffff, v0;
	v0 =	vld [tilespmem:$0x1FA00]  }
0x366: {  	v37 =	vsub.f32 v37, v30;
	v41 =	vmul.f32 v47, v58;
	v31 =	vmul.f32 v49, v58  }
0x367: {  	s11 =	sadd.s32 $0x8, s11;
	v40 =	vor.u32 s13, v11;
	v39 =	vmul.f32 v19, v57;
	v52 =	vmul.f32 v44, v22  }
0x368: {  	p0 =	slt.u32 s11, $0x78;
	v30 =	vor.u32 s12, v10;
	v43 =	vmul.f32 v56, v63;
	v50 =	vmul.f32 v51, v63  }
.Ltmp1:
0x369: {  	v10 =	vmovc v14;
	v36 =	vor.u32 s12, v11;
	v14 =	vmul.f32 v53, v26;
	v53 =	vmul.f32 v59, v22;
	(pc) =	sbr.rel @p0 .LBB2_4-.Ltmp1, $4  }
0x36a: {  	v38 =	vor.u32 s13, v9;
	v49 =	vmul.f32 v60, v26;
	v16 =	vmul.f32 v17, v26  }
0x36b: {  	v54 =	vor.u32 s12, v62;
	v17 =	vmul.f32 v29, v27;
	v27 =	vmul.f32 v37, v58  }
0x36c: {  	v5 =	vmovc v48;
	v56 =	vor.u32 s12, v9;
	v13 =	vmul.f32 v24, v22;
	v12 =	vmul.f32 v45, v22  }
0x36d: {  	s12 =	sadd.s32 $0x400, s12;
	v15 =	vor.u32 s13, v62;
	v46 =	vmul.f32 v55, v26;
	v55 =	vmul.f32 v42, v63;
	[tilespmem:v0+s30+$0x0] =	vst.idx.msk $0xffff, v17  }
0x36e: {  	_ =	sdelay $0x3  }
0x36f: {  	[tilespmem:v3+s30+$0x0] =	vst.idx.msk $0xffff, v39  }
0x370: {  	[tilespmem:v33+s30+$0x0] =	vst.idx.msk $0xffff, v41  }
0x371: {  	[tilespmem:v30+s30+$0x0] =	vst.idx.msk $0xffff, v21  }
0x372: {  	[tilespmem:v2+s30+$0x0] =	vst.idx.msk $0xffff, v52  }
0x373: {  	[tilespmem:v5+s30+$0x0] =	vst.idx.msk $0xffff, v14  }
0x374: {  	[tilespmem:v32+s30+$0x0] =	vst.idx.msk $0xffff, v31  }
0x375: {  	[tilespmem:v54+s30+$0x0] =	vst.idx.msk $0xffff, v43  }
0x376: {  	[tilespmem:v6+s30+$0x0] =	vst.idx.msk $0xffff, v13  }
0x377: {  	[tilespmem:v15+s30+$0x0] =	vst.idx.msk $0xffff, v16  }
0x378: {  	[tilespmem:v35+s30+$0x0] =	vst.idx.msk $0xffff, v27  }
0x379: {  	[tilespmem:v36+s30+$0x0] =	vst.idx.msk $0xffff, v50  }
0x37a: {  	[tilespmem:v8+s30+$0x0] =	vst.idx.msk $0xffff, v12  }
0x37b: {  	[tilespmem:v40+s30+$0x0] =	vst.idx.msk $0xffff, v46  }
0x37c: {  	[tilespmem:v56+s30+$0x0] =	vst.idx.msk $0xffff, v55  }
0x37d: {  	[tilespmem:v10+s30+$0x0] =	vst.idx.msk $0xffff, v53  }
0x37e: {  	[tilespmem:v38+s30+$0x0] =	vst.idx.msk $0xffff, v49  }
0x37f: {  	s1 =	rddreg [dreg:$0x7]  }
0x380: {  	[hbm4b:s1+s3] =	stream.linear.scatter [tilespmem:s30], [sflag:$0x4], $0x4000, $0x38;
	[tilespmem:$0xB100] =	vst v63  }
0x381: {  	s23 =	rddreg [dreg:$0x8]  }
0x382: {  	[tilespmem:s21], [sflag:$0x5] =	stream.linear.gather [hbm4b:s23+s3], $0x80, $0x38;
	[tilespmem:$0xB100] =	vst v63  }
0x383: {  	_ =	swait.ge [sflag:s20], $0x80  }
0x384: {  	[sflag:s20] =	ssyncset.done $0x0  }
0x385: {  	s24 =	simm.s32 $0x1100;
	[sflag:s20] =	ssyncadd.s32 $0xFFFFFF80  }
0x386: {  	[tilespmem:s24], [sflag:$0x2] =	stream.indirect.gather [hbm4b:s5+s21], $0x20, s21, s21, $0xb8;
	[tilespmem:$0xB100] =	vst v63  }
0x387: {  	s7 =	simm.s32 $0x1  }
0x388: {  	[tilespmem:s25], [sflag:$0x2] =	stream.indirect.gather [hbm4b:s6+s21], $0x10, s21, s21, $0xb8;
	[tilespmem:$0xB100] =	vst v63  }
.LBB2_6:
0x389: {  	_ =	swait.ge [sflag:s26], $0x1000  }
0x38a: {  	[sflag:s26] =	ssyncset.done $0x0  }
0x38b: {  	[sflag:s26] =	ssyncadd.s32 $0xFFFFF000  }
0x38c: {  	_ =	swait.ge [sflag:s26], $0x800  }
0x38d: {  	[sflag:s26] =	ssyncset.done $0x0  }
0x38e: {  	[sflag:s26] =	ssyncadd.s32 $0xFFFFF800  }
0x38f: {  	_ =	swait.ge [sflag:s31], $0x4000  }
0x390: {  	v1 =	vld [tilespmem:$0x1FF70]  }
0x391: {  	v2 =	vld [tilespmem:$0x1FF90]  }
0x392: {  	v3 =	vld [tilespmem:$0x1FFA0]  }
0x393: {  	v5 =	vld [tilespmem:$0x1FFB0]  }
0x394: {  	s13 =	simm.s32 $0x200  }
0x395: {  	v0 =	vor.u32 s13, v1  }
0x396: {  	v33 =	vor.u32 s13, v2;
	[tilespmem:$0x1F6D0] =	vst v0  }
0x397: {  	s17 =	simm.s32 $0x0;
	[sflag:s31] =	ssyncset.done $0x0;
	v34 =	vor.u32 s13, v3;
	[tilespmem:$0x1F6E0] =	vst v33  }
0x398: {  	s16 =	simm.s32 $0x80;
	s1 =	simm.s32 $0x80;
	[sflag:s31] =	ssyncadd.s32 $0xFFFFC000;
	v4 =	vor.u32 s17, v5;
	[tilespmem:$0x1F6F0] =	vst v34  }
0x399: {  	s11 =	simm.s32 $0x2140;
	s15 =	simm.s32 $0x100;
	v0 =	vld [tilespmem:s16+$0x160];
	[tilespmem:$0x1F670] =	vst v4;
	v4 =	vor.u32 s1, v5  }
0x39a: {  	v12 =	vld [tilespmem:s11+$0x30];
	[tilespmem:$0x1F680] =	vst v4;
	v4 =	vor.u32 s15, v2  }
0x39b: {  	[tilespmem:$0x1F650] =	vst v4;
	v4 =	vor.u32 s15, v3  }
0x39c: {  	s12 =	simm.s32 $0x180;
	[tilespmem:$0x1F660] =	vst v4;
	v4 =	vor.u32 s15, v5  }
0x39d: {  	[tilespmem:$0x1F690] =	vst v4;
	v4 =	vor.u32 s12, v1  }
0x39e: {  	[tilespmem:$0x1F6A0] =	vst v4;
	v4 =	vld [tilespmem:$0x1FF80]  }
0x39f: {  	s18 =	simm.s32 $0x380;
	v6 =	vld [tilespmem:$0x1FF50];
	v42 =	vor.u32 s17, v1;
	v41 =	vor.u32 s17, v2;
	v39 =	vor.u32 s17, v3  }
0x3a0: {  	v40 =	vor.u32 s1, v1;
	v14 =	vor.u32 s18, v1;
	v15 =	vor.u32 s18, v2  }
0x3a1: {  	v7 =	vor.u32 s12, v2;
	v13 =	vshll.u32 v0, $0x18;
	v17 =	vshll.u32 v0, $0x10  }
0x3a2: {  	v21 =	vshll.u32 v0, $0x8;
	v0 =	vshra.s32 v0, $0x18;
	v13 =	vshra.s32 v13, $0x18  }
0x3a3: {  	v17 =	vshra.s32 v17, $0x18;
	v22 =	vld [tilespmem:s16+$0x80];
	v13 =	vcvt.s32.f32 v13;
	v16 =	vperm.xlane v12, v4  }
0x3a4: {  	v23 =	vperm.xlane v12, v6;
	v21 =	vshra.s32 v21, $0x18;
	v26 =	vld [tilespmem:s16+$0xA0];
	v17 =	vcvt.s32.f32 v17  }
0x3a5: {  	v27 =	vld [tilespmem:s16+$0xC0];
	[tilespmem:$0x1F6B0] =	vst v7;
	v7 =	vor.u32 s12, v3;
	v21 =	vcvt.s32.f32 v21;
	v13 =	vsub.f32 v13, v16  }
0x3a6: {  	v24 =	vor.u32 s18, v3;
	v0 =	vcvt.s32.f32 v0;
	v43 =	vld [tilespmem:s16+$0xE0];
	[tilespmem:$0x1F6C0] =	vst v7;
	v17 =	vsub.f32 v17, v16  }
0x3a7: {  	v25 =	vor.u32 s18, v5;
	v44 =	vld [tilespmem:s16+$0x100];
	v21 =	vsub.f32 v21, v16;
	v13 =	vmul.f32 v13, v23  }
0x3a8: {  	v38 =	vor.u32 s1, v2;
	v45 =	vld [tilespmem:s16+$0x120];
	v0 =	vsub.f32 v0, v16;
	v17 =	vmul.f32 v17, v23  }
0x3a9: {  	v34 =	vor.u32 s1, v3;
	v46 =	vshll.u32 v26, $0x8;
	[tilespmem:v14+s28+$0x0] =	vst.idx.msk $0xffff, v13;
	v13 =	vmul.f32 v21, v23  }
0x3aa: {  	v47 =	vshll.u32 v27, $0x10;
	v48 =	vshll.u32 v27, $0x8;
	v0 =	vmul.f32 v0, v23;
	[tilespmem:v15+s28+$0x0] =	vst.idx.msk $0xffff, v17  }
0x3ab: {  	v16 =	vshll.u32 v22, $0x18;
	v18 =	vshll.u32 v43, $0x18;
	v49 =	vshll.u32 v43, $0x8;
	[tilespmem:v24+s28+$0x0] =	vst.idx.msk $0xffff, v13  }
0x3ac: {  	v46 =	vshra.s32 v46, $0x18;
	v33 =	vshra.s32 v48, $0x18;
	v50 =	vshll.u32 v44, $0x18;
	[tilespmem:v25+s28+$0x0] =	vst.idx.msk $0xffff, v0  }
0x3ad: {  	v51 =	vshll.u32 v44, $0x10;
	v52 =	vshll.u32 v44, $0x8;
	v53 =	vshll.u32 v45, $0x18;
	v13 =	vld [tilespmem:s16+$0x170]  }
0x3ae: {  	v54 =	vshll.u32 v45, $0x10;
	v58 =	vshra.s32 v16, $0x18;
	v18 =	vshra.s32 v18, $0x18;
	v9 =	vld [tilespmem:$0x1FFD0]  }
0x3af: {  	v46 =	vcvt.s32.f32 v46;
	v44 =	vshra.s32 v44, $0x18;
	v19 =	vcvt.s32.f32 v18;
	v7 =	vld [tilespmem:$0x1FFC0]  }
0x3b0: {  	v44 =	vcvt.s32.f32 v44;
	v14 =	vshll.u32 v22, $0x10;
	v21 =	vshll.u32 v22, $0x8  }
0x3b1: {  	v15 =	vshll.u32 v26, $0x18;
	v17 =	vshll.u32 v26, $0x10;
	v59 =	vshra.s32 v14, $0x18;
	v8 =	vld [tilespmem:$0x1FF40]  }
0x3b2: {  	v21 =	vshra.s32 v21, $0x18;
	v24 =	vshll.u32 v27, $0x18;
	v61 =	vshra.s32 v15, $0x18  }
0x3b3: {  	v23 =	vld [tilespmem:s16+$0x140];
	v63 =	vshra.s32 v17, $0x18;
	v14 =	vshll.u32 v13, $0x18;
	v10 =	vor.u32 s18, v9  }
0x3b4: {  	v16 =	vperm.xlane v12, v7;
	v15 =	vshll.u32 v13, $0x10;
	v14 =	vshra.s32 v14, $0x18;
	[tilespmem:$0x1F700] =	vst v10;
	v10 =	vld [tilespmem:$0x1FFE0]  }
0x3b5: {  	v17 =	vshll.u32 v13, $0x8;
	v15 =	vshra.s32 v15, $0x18;
	v14 =	vcvt.s32.f32 v14  }
0x3b6: {  	v35 =	vperm.xlane v12, v8;
	v12 =	vcvt.s32.f32 v15;
	v15 =	vshra.s32 v17, $0x18  }
0x3b7: {  	v17 =	vshra.s32 v13, $0x18;
	v15 =	vcvt.s32.f32 v15;
	v14 =	vsub.f32 v14, v16  }
0x3b8: {  	v27 =	vshra.s32 v27, $0x18;
	v13 =	vcvt.s32.f32 v17;
	v12 =	vsub.f32 v12, v16  }
0x3b9: {  	v11 =	vor.u32 s18, v10;
	v37 =	vmul.f32 v14, v35;
	v14 =	vsub.f32 v15, v16  }
0x3ba: {  	v25 =	vshll.u32 v43, $0x10;
	v62 =	vmul.f32 v12, v35;
	v12 =	vsub.f32 v13, v16;
	[tilespmem:$0x1F720] =	vst v11  }
0x3bb: {  	v43 =	vshra.s32 v43, $0x18;
	v27 =	vcvt.s32.f32 v27;
	[tilespmem:$0x1F710] =	vst v37;
	v32 =	vmul.f32 v14, v35  }
0x3bc: {  	v43 =	vcvt.s32.f32 v43;
	v56 =	vshll.u32 v23, $0x18;
	[tilespmem:$0x1F730] =	vst v62;
	v0 =	vmul.f32 v12, v35  }
0x3bd: {  	v57 =	vshll.u32 v23, $0x10;
	v13 =	vshra.s32 v24, $0x18;
	v24 =	vshra.s32 v47, $0x18;
	[tilespmem:$0x1F740] =	vst v32  }
0x3be: {  	v47 =	vcvt.s32.f32 v33;
	v35 =	vshra.s32 v25, $0x18;
	v25 =	vshra.s32 v50, $0x18;
	[tilespmem:$0x1F750] =	vst v0  }
0x3bf: {  	v33 =	vshra.s32 v22, $0x18;
	v22 =	vcvt.s32.f32 v35;
	v35 =	vcvt.s32.f32 v25;
	v25 =	vld [tilespmem:s11+$0xFFFFFFC0]  }
0x3c0: {  	v60 =	vshll.u32 v23, $0x8;
	v11 =	vshra.s32 v52, $0x18;
	v52 =	vcvt.s32.f32 v59;
	v30 =	vld [tilespmem:s11+$0xFFFFFFE0]  }
0x3c1: {  	v20 =	vcvt.s32.f32 v13;
	v59 =	vcvt.s32.f32 v24;
	v37 =	vshra.s32 v51, $0x18;
	v28 =	vld [tilespmem:s11+$0xFFFFFFD0]  }
0x3c2: {  	v12 =	vshra.s32 v49, $0x18;
	v50 =	vcvt.s32.f32 v58;
	v48 =	vcvt.s32.f32 v37;
	v37 =	vld [tilespmem:s11+$0xFFFFFFF0]  }
0x3c3: {  	v58 =	vcvt.s32.f32 v63;
	v49 =	vcvt.s32.f32 v11;
	v11 =	vshra.s32 v23, $0x18  }
0x3c4: {  	v24 =	vcvt.s32.f32 v12;
	v32 =	vshra.s32 v53, $0x18;
	v15 =	vperm.xlane v25, v4  }
0x3c5: {  	v53 =	vcvt.s32.f32 v21;
	v21 =	vshra.s32 v54, $0x18;
	v13 =	vperm.xlane v30, v4  }
0x3c6: {  	v54 =	vcvt.s32.f32 v61;
	v31 =	vld [tilespmem:s11+$0x0];
	v14 =	vperm.xlane v28, v4;
	v17 =	vsub.f32 v50, v15  }
0x3c7: {  	v12 =	vperm.xlane v37, v4;
	v20 =	vsub.f32 v20, v13;
	v59 =	vsub.f32 v59, v13  }
0x3c8: {  	v47 =	vsub.f32 v47, v13;
	v13 =	vsub.f32 v27, v13;
	v27 =	vperm.xlane v25, v6  }
0x3c9: {  	v18 =	vsub.f32 v54, v14;
	v23 =	vsub.f32 v43, v12;
	v43 =	vperm.xlane v28, v6  }
0x3ca: {  	v51 =	vcvt.s32.f32 v32;
	v52 =	vsub.f32 v52, v15;
	v17 =	vmul.f32 v17, v27  }
0x3cb: {  	v62 =	vld [tilespmem:$0x1FF60];
	v32 =	vperm.xlane v31, v4;
	v58 =	vsub.f32 v58, v14;
	v18 =	vmul.f32 v18, v43  }
0x3cc: {  	v16 =	vcvt.s32.f32 v11;
	v11 =	vld [tilespmem:$0x1FFF0];
	v53 =	vsub.f32 v53, v15;
	v52 =	vmul.f32 v52, v27;
	[tilespmem:v42+s28+$0x0] =	vst.idx.msk $0xffff, v17  }
0x3cd: {  	v46 =	vsub.f32 v46, v14;
	v58 =	vmul.f32 v58, v43;
	[tilespmem:v40+s28+$0x0] =	vst.idx.msk $0xffff, v18  }
0x3ce: {  	v36 =	vor.u32 s15, v1;
	v0 =	vsub.f32 v44, v32;
	v53 =	vmul.f32 v53, v27;
	[tilespmem:v41+s28+$0x0] =	vst.idx.msk $0xffff, v52  }
0x3cf: {  	v44 =	vperm.xlane v30, v6;
	v46 =	vmul.f32 v46, v43;
	[tilespmem:v38+s28+$0x0] =	vst.idx.msk $0xffff, v58  }
0x3d0: {  	[tilespmem:v39+s28+$0x0] =	vst.idx.msk $0xffff, v53  }
0x3d1: {  	v50 =	vld [tilespmem:s11+$0x10];
	v20 =	vmul.f32 v20, v44;
	[tilespmem:v34+s28+$0x0] =	vst.idx.msk $0xffff, v46;
	v34 =	vor.u32 s17, v9  }
0x3d2: {  	v54 =	vld [tilespmem:s11+$0x20];
	[tilespmem:$0x1F760] =	vst v34  }
0x3d3: {  	v55 =	vshll.u32 v45, $0x8;
	[tilespmem:v36+s28+$0x0] =	vst.idx.msk $0xffff, v20  }
0x3d4: {  	v55 =	vshra.s32 v55, $0x18;
	v41 =	vld [tilespmem:$0x1F650]  }
0x3d5: {  	v55 =	vcvt.s32.f32 v55;
	v26 =	vshra.s32 v26, $0x18  }
0x3d6: {  	v26 =	vcvt.s32.f32 v26;
	v56 =	vshra.s32 v56, $0x18;
	v57 =	vshra.s32 v57, $0x18  }
0x3d7: {  	v56 =	vcvt.s32.f32 v56;
	v57 =	vcvt.s32.f32 v57  }
0x3d8: {  	v61 =	vcvt.s32.f32 v33;
	v33 =	vperm.xlane v50, v4  }
0x3d9: {  	v14 =	vsub.f32 v26, v14;
	v59 =	vmul.f32 v59, v44;
	v26 =	vperm.xlane v54, v4  }
0x3da: {  	v40 =	vor.u32 s17, v10;
	v39 =	vperm.xlane v50, v6;
	v55 =	vsub.f32 v55, v33  }
0x3db: {  	v56 =	vsub.f32 v56, v26;
	v57 =	vsub.f32 v57, v26;
	v36 =	vperm.xlane v54, v6;
	[tilespmem:$0x1F770] =	vst v40  }
0x3dc: {  	v34 =	vmul.f32 v55, v39;
	v55 =	vor.u32 s17, v11;
	[tilespmem:v41+s28+$0x0] =	vst.idx.msk $0xffff, v59  }
0x3dd: {  	[tilespmem:$0x1F790] =	vst v55;
	v55 =	vmul.f32 v56, v36;
	v56 =	vmul.f32 v57, v36;
	v57 =	vld [tilespmem:$0x1F660];
	_ =	sdelay $0x5  }
0x3de: {  	v47 =	vmul.f32 v47, v44;
	v46 =	vor.u32 s17, v62  }
0x3df: {  	[tilespmem:$0x1F780] =	vst v46  }
0x3e0: {  	s19 =	simm.s32 $0x280;
	s24 =	simm.s32 $0x300;
	[tilespmem:v57+s28+$0x0] =	vst.idx.msk $0xffff, v47  }
0x3e1: {  	v29 =	vor.u32 s19, v1;
	v53 =	vor.u32 s24, v1;
	v1 =	vld [tilespmem:$0x1F670];
	_ =	sdelay $0x3  }
0x3e2: {  	v15 =	vsub.f32 v61, v15;
	_ =	sdelay $0x1  }
0x3e3: {  	v27 =	vmul.f32 v15, v27;
	_ =	sdelay $0x1  }
0x3e4: {  	[tilespmem:v1+s28+$0x0] =	vst.idx.msk $0xffff, v27  }
0x3e5: {  	v59 =	vld [tilespmem:$0x1F680];
	_ =	sdelay $0x5  }
0x3e6: {  	v14 =	vmul.f32 v14, v43  }
0x3e7: {  	v17 =	vperm.xlane v31, v6  }
0x3e8: {  	[tilespmem:v59+s28+$0x0] =	vst.idx.msk $0xffff, v14  }
0x3e9: {  	v27 =	vmul.f32 v0, v17;
	v0 =	vld [tilespmem:$0x1F690];
	_ =	sdelay $0x4  }
0x3ea: {  	v19 =	vsub.f32 v19, v12  }
0x3eb: {  	v22 =	vsub.f32 v22, v12;
	v61 =	vperm.xlane v37, v6;
	v13 =	vmul.f32 v13, v44  }
0x3ec: {  	v24 =	vsub.f32 v24, v12  }
0x3ed: {  	v19 =	vmul.f32 v19, v61;
	v22 =	vmul.f32 v22, v61;
	[tilespmem:v0+s28+$0x0] =	vst.idx.msk $0xffff, v13  }
0x3ee: {  	v24 =	vmul.f32 v24, v61;
	v23 =	vmul.f32 v23, v61;
	v61 =	vld [tilespmem:$0x1F6A0]  }
0x3ef: {  	v60 =	vshra.s32 v60, $0x18  }
0x3f0: {  	v60 =	vcvt.s32.f32 v60;
	_ =	sdelay $0x1  }
0x3f1: {  	v60 =	vsub.f32 v60, v26;
	_ =	sdelay $0x1  }
0x3f2: {  	v47 =	vmul.f32 v60, v36;
	v60 =	vor.u32 s1, v11;
	v44 =	vld [tilespmem:s16+$0x90]  }
0x3f3: {  	v57 =	vld [tilespmem:s16+$0xB0];
	[tilespmem:$0x1F7A0] =	vst v60  }
0x3f4: {  	[tilespmem:v61+s28+$0x0] =	vst.idx.msk $0xffff, v19  }
0x3f5: {  	v0 =	vld [tilespmem:$0x1F6B0];
	_ =	sdelay $0x7  }
0x3f6: {  	[tilespmem:v0+s28+$0x0] =	vst.idx.msk $0xffff, v22  }
0x3f7: {  	v0 =	vld [tilespmem:$0x1F6C0];
	_ =	sdelay $0x3  }
0x3f8: {  	v15 =	vor.u32 s12, v5;
	_ =	sdelay $0x3  }
0x3f9: {  	[tilespmem:v0+s28+$0x0] =	vst.idx.msk $0xffff, v24  }
0x3fa: {  	[tilespmem:v15+s28+$0x0] =	vst.idx.msk $0xffff, v23  }
0x3fb: {  	v0 =	vld [tilespmem:$0x1F6D0];
	_ =	sdelay $0x3  }
0x3fc: {  	v63 =	vsub.f32 v35, v32;
	_ =	sdelay $0x1  }
0x3fd: {  	v45 =	vshra.s32 v45, $0x18;
	v18 =	vmul.f32 v63, v17  }
0x3fe: {  	v45 =	vcvt.s32.f32 v45  }
0x3ff: {  	v21 =	vcvt.s32.f32 v21;
	v48 =	vsub.f32 v48, v32;
	v49 =	vsub.f32 v49, v32;
	[tilespmem:v0+s28+$0x0] =	vst.idx.msk $0xffff, v18  }
0x400: {  	v32 =	vor.u32 s19, v3;
	v42 =	vor.u32 s19, v2;
	v52 =	vor.u32 s19, v5;
	v0 =	vld [tilespmem:$0x1F6E0]  }
0x401: {  	v58 =	vor.u32 s24, v5;
	v51 =	vsub.f32 v51, v33;
	v21 =	vsub.f32 v21, v33  }
0x402: {  	v38 =	vor.u32 s13, v5;
	v48 =	vmul.f32 v48, v17;
	v45 =	vsub.f32 v45, v33  }
0x403: {  	v26 =	vsub.f32 v16, v26;
	v51 =	vmul.f32 v51, v39;
	v20 =	vmul.f32 v21, v39  }
0x404: {  	v39 =	vmul.f32 v45, v39;
	v16 =	vshll.u32 v44, $0x18;
	v14 =	vshll.u32 v44, $0x10  }
0x405: {  	v45 =	vperm.xlane v25, v7;
	v16 =	vshra.s32 v16, $0x18;
	v14 =	vshra.s32 v14, $0x18  }
0x406: {  	v63 =	vor.u32 s24, v3;
	v16 =	vcvt.s32.f32 v16;
	v14 =	vcvt.s32.f32 v14  }
0x407: {  	v49 =	vmul.f32 v49, v17;
	v33 =	vor.u32 s24, v2;
	v26 =	vmul.f32 v26, v36;
	v59 =	vld [tilespmem:s16+$0xD0]  }
0x408: {  	v16 =	vsub.f32 v16, v45;
	v14 =	vsub.f32 v14, v45;
	v15 =	vshll.u32 v44, $0x8;
	v18 =	vld [tilespmem:s16+$0xF0];
	[tilespmem:v0+s28+$0x0] =	vst.idx.msk $0xffff, v48  }
0x409: {  	v12 =	vshll.u32 v57, $0x8;
	v60 =	vperm.xlane v37, v7;
	v15 =	vshra.s32 v15, $0x18;
	v1 =	vld [tilespmem:$0x1F6F0];
	[tilespmem:v29+s28+$0x0] =	vst.idx.msk $0xffff, v51  }
0x40a: {  	v13 =	vshll.u32 v57, $0x10;
	v19 =	vperm.xlane v30, v7;
	v15 =	vcvt.s32.f32 v15;
	[tilespmem:v53+s28+$0x0] =	vst.idx.msk $0xffff, v55  }
0x40b: {  	v22 =	vperm.xlane v31, v7;
	v24 =	vperm.xlane v54, v7;
	v23 =	vshll.u32 v57, $0x18;
	[tilespmem:v42+s28+$0x0] =	vst.idx.msk $0xffff, v20  }
0x40c: {  	v15 =	vsub.f32 v15, v45;
	v48 =	vshll.u32 v59, $0x18;
	v0 =	vshll.u32 v59, $0x10;
	[tilespmem:v33+s28+$0x0] =	vst.idx.msk $0xffff, v56  }
0x40d: {  	v17 =	vshra.s32 v0, $0x18;
	v0 =	vshll.u32 v18, $0x10;
	v29 =	vshll.u32 v18, $0x8;
	[tilespmem:v32+s28+$0x0] =	vst.idx.msk $0xffff, v34  }
0x40e: {  	v0 =	vshra.s32 v0, $0x18;
	v20 =	vshra.s32 v29, $0x18;
	v29 =	vshra.s32 v44, $0x18;
	[tilespmem:v63+s28+$0x0] =	vst.idx.msk $0xffff, v47  }
0x40f: {  	v17 =	vcvt.s32.f32 v17;
	v32 =	vshra.s32 v59, $0x18;
	v29 =	vcvt.s32.f32 v29;
	[tilespmem:v52+s28+$0x0] =	vst.idx.msk $0xffff, v39  }
0x410: {  	v42 =	vshra.s32 v57, $0x18;
	v0 =	vcvt.s32.f32 v0;
	[tilespmem:v58+s28+$0x0] =	vst.idx.msk $0xffff, v26;
	v32 =	vcvt.s32.f32 v32  }
0x411: {  	v17 =	vsub.f32 v17, v19;
	v29 =	vsub.f32 v29, v45;
	[tilespmem:v1+s28+$0x0] =	vst.idx.msk $0xffff, v49;
	v1 =	vshll.u32 v59, $0x8  }
0x412: {  	v49 =	vshll.u32 v18, $0x18;
	v18 =	vshra.s32 v18, $0x18;
	v59 =	vld [tilespmem:s16+$0x130];
	[tilespmem:v38+s28+$0x0] =	vst.idx.msk $0xffff, v27;
	v27 =	vshra.s32 v48, $0x18  }
0x413: {  	v33 =	vld [tilespmem:s16+$0x150];
	v48 =	vshra.s32 v1, $0x18;
	v18 =	vcvt.s32.f32 v18;
	v27 =	vcvt.s32.f32 v27  }
0x414: {  	v0 =	vsub.f32 v0, v60;
	v49 =	vshra.s32 v49, $0x18;
	v38 =	vld [tilespmem:s16+$0x110];
	v55 =	vcvt.s32.f32 v48  }
0x415: {  	v56 =	vcvt.s32.f32 v49;
	v18 =	vsub.f32 v18, v60;
	v27 =	vsub.f32 v27, v19  }
0x416: {  	v20 =	vcvt.s32.f32 v20;
	v47 =	vsub.f32 v55, v19;
	v19 =	vsub.f32 v32, v19  }
0x417: {  	v48 =	vsub.f32 v56, v60;
	v52 =	vshll.u32 v59, $0x18;
	v26 =	vshll.u32 v59, $0x10  }
0x418: {  	v53 =	vshll.u32 v59, $0x8;
	v44 =	vshra.s32 v59, $0x18;
	v59 =	vshll.u32 v33, $0x10  }
0x419: {  	v45 =	vshra.s32 v53, $0x18;
	v2 =	vshll.u32 v38, $0x18;
	v57 =	vshll.u32 v38, $0x10  }
0x41a: {  	v1 =	vshll.u32 v38, $0x8;
	v38 =	vshra.s32 v38, $0x18;
	v34 =	vshra.s32 v2, $0x18  }
0x41b: {  	v39 =	vshra.s32 v57, $0x18;
	v51 =	vshra.s32 v1, $0x18;
	v2 =	vcvt.s32.f32 v42  }
0x41c: {  	v42 =	vshra.s32 v52, $0x18;
	v34 =	vcvt.s32.f32 v34;
	v39 =	vcvt.s32.f32 v39  }
0x41d: {  	v58 =	vcvt.s32.f32 v51;
	v51 =	vsub.f32 v20, v60;
	v60 =	vshra.s32 v59, $0x18  }
0x41e: {  	v20 =	vcvt.s32.f32 v38;
	v32 =	vcvt.s32.f32 v60;
	v38 =	vsub.f32 v34, v22  }
0x41f: {  	v57 =	vshll.u32 v33, $0x18;
	v52 =	vsub.f32 v39, v22;
	v49 =	vsub.f32 v58, v22  }
0x420: {  	v53 =	vsub.f32 v20, v22;
	v22 =	vshra.s32 v57, $0x18;
	v57 =	vsub.f32 v32, v24;
	v32 =	vld [tilespmem:$0x1F700];
	_ =	sdelay $0x1  }
0x421: {  	v36 =	vperm.xlane v28, v7;
	v12 =	vshra.s32 v12, $0x18  }
0x422: {  	v12 =	vcvt.s32.f32 v12;
	v13 =	vshra.s32 v13, $0x18;
	v23 =	vshra.s32 v23, $0x18;
	v3 =	vld [tilespmem:$0x1F710]  }
0x423: {  	v13 =	vcvt.s32.f32 v13;
	v23 =	vcvt.s32.f32 v23  }
0x424: {  	v12 =	vsub.f32 v12, v36  }
0x425: {  	v13 =	vsub.f32 v13, v36;
	v61 =	vperm.xlane v50, v7;
	v23 =	vsub.f32 v23, v36  }
0x426: {  	v1 =	vcvt.s32.f32 v45;
	v36 =	vsub.f32 v2, v36;
	v2 =	vcvt.s32.f32 v44  }
0x427: {  	[tilespmem:v32+s28+$0x0] =	vst.idx.msk $0xffff, v3  }
0x428: {  	v55 =	vsub.f32 v1, v61;
	v1 =	vsub.f32 v2, v61;
	v2 =	vld [tilespmem:$0x1F720];
	_ =	sdelay $0x2  }
0x429: {  	v3 =	vld [tilespmem:$0x1F730];
	_ =	sdelay $0x4  }
0x42a: {  	[tilespmem:v2+s28+$0x0] =	vst.idx.msk $0xffff, v3  }
0x42b: {  	v4 =	vor.u32 s18, v62;
	v2 =	vld [tilespmem:$0x1F740];
	_ =	sdelay $0x4  }
0x42c: {  	[tilespmem:v4+s28+$0x0] =	vst.idx.msk $0xffff, v2  }
0x42d: {  	v35 =	vor.u32 s18, v11;
	v2 =	vld [tilespmem:$0x1F750];
	_ =	sdelay $0x4  }
0x42e: {  	[tilespmem:v35+s28+$0x0] =	vst.idx.msk $0xffff, v2  }
0x42f: {  	v2 =	vld [tilespmem:$0x1F760];
	_ =	sdelay $0x1  }
0x430: {  	v22 =	vcvt.s32.f32 v22;
	_ =	sdelay $0x1  }
0x431: {  	v56 =	vsub.f32 v22, v24;
	v22 =	vperm.xlane v25, v8;
	_ =	sdelay $0x1  }
0x432: {  	v16 =	vmul.f32 v16, v22;
	_ =	sdelay $0x1  }
0x433: {  	[tilespmem:v2+s28+$0x0] =	vst.idx.msk $0xffff, v16  }
0x434: {  	v2 =	vld [tilespmem:$0x1F770];
	_ =	sdelay $0x5  }
0x435: {  	v20 =	vshll.u32 v33, $0x8;
	v14 =	vmul.f32 v14, v22  }
0x436: {  	v20 =	vshra.s32 v20, $0x18  }
0x437: {  	v20 =	vcvt.s32.f32 v20;
	[tilespmem:v2+s28+$0x0] =	vst.idx.msk $0xffff, v14  }
0x438: {  	v21 =	vor.u32 s15, v9;
	v46 =	vor.u32 s1, v9;
	v2 =	vld [tilespmem:$0x1F780]  }
0x439: {  	v59 =	vsub.f32 v20, v24;
	v20 =	vperm.xlane v28, v8;
	v15 =	vmul.f32 v15, v22  }
0x43a: {  	v41 =	vor.u32 s1, v10;
	v29 =	vmul.f32 v29, v22;
	v22 =	vperm.xlane v30, v8  }
0x43b: {  	v23 =	vmul.f32 v23, v20  }
0x43c: {  	v43 =	vor.u32 s15, v10;
	v16 =	vmul.f32 v27, v22  }
0x43d: {  	v40 =	vor.u32 s1, v62;
	v13 =	vmul.f32 v13, v20;
	[tilespmem:v46+s28+$0x0] =	vst.idx.msk $0xffff, v23  }
0x43e: {  	v58 =	vor.u32 s15, v62;
	[tilespmem:v21+s28+$0x0] =	vst.idx.msk $0xffff, v16  }
0x43f: {  	v28 =	vor.u32 s12, v9;
	v17 =	vmul.f32 v17, v22;
	[tilespmem:v41+s28+$0x0] =	vst.idx.msk $0xffff, v13  }
0x440: {  	v12 =	vmul.f32 v12, v20;
	[tilespmem:v2+s28+$0x0] =	vst.idx.msk $0xffff, v15;
	v15 =	vperm.xlane v37, v8  }
0x441: {  	v14 =	vmul.f32 v47, v22;
	[tilespmem:v43+s28+$0x0] =	vst.idx.msk $0xffff, v17  }
0x442: {  	[tilespmem:v40+s28+$0x0] =	vst.idx.msk $0xffff, v12;
	v34 =	vmul.f32 v48, v15  }
0x443: {  	v63 =	vcvt.s32.f32 v42;
	[tilespmem:v58+s28+$0x0] =	vst.idx.msk $0xffff, v14  }
0x444: {  	[tilespmem:v28+s28+$0x0] =	vst.idx.msk $0xffff, v34  }
0x445: {  	v44 =	vsub.f32 v63, v61;
	v63 =	vld [tilespmem:$0x1F790];
	_ =	sdelay $0x1  }
0x446: {  	v26 =	vshra.s32 v26, $0x18  }
0x447: {  	v26 =	vcvt.s32.f32 v26  }
0x448: {  	v33 =	vshra.s32 v33, $0x18  }
0x449: {  	v5 =	vor.u32 s15, v11;
	v45 =	vsub.f32 v26, v61;
	v26 =	vcvt.s32.f32 v33  }
0x44a: {  	v6 =	vor.u32 s12, v62;
	v42 =	vor.u32 s12, v10;
	v33 =	vperm.xlane v54, v8  }
0x44b: {  	v60 =	vsub.f32 v26, v24;
	v25 =	vor.u32 s19, v11;
	v26 =	vor.u32 s24, v9  }
0x44c: {  	v24 =	vor.u32 s19, v62;
	v39 =	vmul.f32 v19, v22;
	v19 =	vperm.xlane v31, v8;
	[tilespmem:v63+s28+$0x0] =	vst.idx.msk $0xffff, v29  }
0x44d: {  	v30 =	vor.u32 s13, v9;
	v61 =	vmul.f32 v36, v20;
	v41 =	vmul.f32 v0, v15;
	v0 =	vld [tilespmem:$0x1F7A0]  }
0x44e: {  	v20 =	vor.u32 s19, v9;
	v36 =	vor.u32 s13, v62;
	v49 =	vmul.f32 v49, v19  }
0x44f: {  	v54 =	vmul.f32 v53, v19;
	v4 =	vor.u32 s19, v10;
	v23 =	vperm.xlane v50, v8  }
0x450: {  	v35 =	vor.u32 s12, v11;
	v21 =	vmul.f32 v38, v19;
	v46 =	vmul.f32 v52, v19  }
0x451: {  	v38 =	vor.u32 s24, v11;
	v16 =	vmul.f32 v57, v33;
	v43 =	vmul.f32 v59, v33  }
0x452: {  	v50 =	vor.u32 s13, v10;
	v52 =	vmul.f32 v44, v23;
	v13 =	vmul.f32 v45, v23  }
0x453: {  	v40 =	vor.u32 s24, v62;
	v12 =	vmul.f32 v55, v23;
	v53 =	vmul.f32 v1, v23  }
0x454: {  	v14 =	vmul.f32 v56, v33;
	v55 =	vor.u32 s13, v11;
	v31 =	vmul.f32 v51, v15  }
0x455: {  	s12 =	simm.s32 $0x0;
	s13 =	simm.s32 $0x600;
	v27 =	vmul.f32 v18, v15;
	v15 =	vor.u32 s24, v10;
	v48 =	vmul.f32 v60, v33;
	[tilespmem:v0+s28+$0x0] =	vst.idx.msk $0xffff, v61  }
.LBB2_7:
0x456: {  	[tilespmem:v42+s28+$0x0] =	vst.idx.msk $0xffff, v41  }
0x457: {  	[tilespmem:v5+s28+$0x0] =	vst.idx.msk $0xffff, v39  }
0x458: {  	[tilespmem:v6+s28+$0x0] =	vst.idx.msk $0xffff, v31  }
0x459: {  	[tilespmem:v30+s28+$0x0] =	vst.idx.msk $0xffff, v21  }
0x45a: {  	v17 =	vld [tilespmem:$0x1FF70];
	[tilespmem:v35+s28+$0x0] =	vst.idx.msk $0xffff, v27  }
0x45b: {  	s16 =	sshra.s32 s13, $0x2;
	v18 =	vld [tilespmem:$0x1FF90];
	[tilespmem:v50+s28+$0x0] =	vst.idx.msk $0xffff, v46  }
0x45c: {  	v50 =	vld [tilespmem:s16+$0x120];
	[tilespmem:v20+s28+$0x0] =	vst.idx.msk $0xffff, v52  }
0x45d: {  	v20 =	vld [tilespmem:s16+$0x140];
	[tilespmem:v26+s28+$0x0] =	vst.idx.msk $0xffff, v14  }
0x45e: {  	v28 =	vld [tilespmem:$0x1FFA0];
	[tilespmem:v36+s28+$0x0] =	vst.idx.msk $0xffff, v49  }
0x45f: {  	[tilespmem:v4+s28+$0x0] =	vst.idx.msk $0xffff, v13  }
0x460: {  	v29 =	vld [tilespmem:$0x1FFB0];
	[tilespmem:v15+s28+$0x0] =	vst.idx.msk $0xffff, v16  }
0x461: {  	v49 =	vld [tilespmem:s16+$0x100];
	[tilespmem:v55+s28+$0x0] =	vst.idx.msk $0xffff, v54  }
0x462: {  	s11 =	sadd.s32 $0x80, s11;
	[tilespmem:v24+s28+$0x0] =	vst.idx.msk $0xffff, v12  }
0x463: {  	s22 =	sadd.s32 $0xFFFFFE00, s13;
	v13 =	vld [tilespmem:s11+$0x20];
	[tilespmem:v40+s28+$0x0] =	vst.idx.msk $0xffff, v43;
	v0 =	vor.u32 s13, v17;
	v34 =	vor.u32 s13, v18;
	v37 =	vor.u32 s13, v28  }
0x464: {  	s1 =	sadd.s32 $0xFFFFFE80, s13;
	v23 =	vld [tilespmem:s16+$0x80];
	v44 =	vor.u32 s22, v17;
	v45 =	vor.u32 s22, v18;
	v47 =	vor.u32 s22, v28;
	[tilespmem:v25+s28+$0x0] =	vst.idx.msk $0xffff, v53  }
0x465: {  	s19 =	sadd.s32 $0xFFFFFF00, s13;
	v42 =	vld [tilespmem:s16+$0xC0];
	v1 =	vor.u32 s22, v29;
	v51 =	vor.u32 s1, v17;
	v56 =	vor.u32 s1, v18;
	[tilespmem:$0x1F540] =	vst v0  }
0x466: {  	v57 =	vor.u32 s1, v28;
	v58 =	vor.u32 s1, v29;
	v59 =	vor.u32 s19, v17;
	[tilespmem:$0x1F480] =	vst v51  }
0x467: {  	s18 =	sadd.s32 $0xFFFFFF80, s13;
	v27 =	vld [tilespmem:$0x1FF80];
	v60 =	vor.u32 s19, v18;
	v61 =	vor.u32 s19, v28;
	v62 =	vor.u32 s19, v29;
	[tilespmem:$0x1F490] =	vst v56  }
0x468: {  	s23 =	sadd.s32 $0x180, s13;
	v15 =	vld [tilespmem:$0x1FFE0];
	v63 =	vor.u32 s18, v17;
	v9 =	vor.u32 s18, v18;
	v10 =	vor.u32 s18, v28;
	[tilespmem:$0x1F4A0] =	vst v57  }
0x469: {  	v0 =	vld [tilespmem:s16+$0x160];
	[tilespmem:$0x1F500] =	vst v62;
	v56 =	vor.u32 s23, v17;
	v57 =	vor.u32 s23, v18;
	v62 =	vor.u32 s23, v28  }
0x46a: {  	v51 =	vld [tilespmem:s11+$0x30];
	[tilespmem:$0x1F510] =	vst v63;
	v63 =	vor.u32 s23, v29;
	v54 =	vshll.u32 v23, $0x18;
	v52 =	vshll.u32 v42, $0x18  }
0x46b: {  	[tilespmem:v38+s28+$0x0] =	vst.idx.msk $0xffff, v48;
	v43 =	vshll.u32 v50, $0x18;
	v38 =	vshll.u32 v50, $0x8;
	v48 =	vshll.u32 v20, $0x18  }
0x46c: {  	[tilespmem:$0x1F4C0] =	vst v60;
	v60 =	vld [tilespmem:$0x1FF50];
	v54 =	vshra.s32 v54, $0x18;
	v2 =	vshll.u32 v20, $0x8;
	v12 =	vshra.s32 v50, $0x18  }
0x46d: {  	[tilespmem:$0x1F560] =	vst v37;
	v5 =	vor.u32 s23, v15;
	v52 =	vshra.s32 v52, $0x18;
	v2 =	vshra.s32 v2, $0x18  }
0x46e: {  	s15 =	sadd.s32 $0x100, s13;
	v14 =	vld [tilespmem:$0x1FFC0];
	[tilespmem:$0x1F4F0] =	vst v58;
	v53 =	vshll.u32 v49, $0x18;
	v40 =	vshll.u32 v49, $0x8;
	v16 =	vcvt.s32.f32 v52  }
0x46f: {  	[tilespmem:$0x1F520] =	vst v9;
	v9 =	vld [tilespmem:$0x1FF40];
	v52 =	vor.u32 s15, v17;
	v11 =	vshll.u32 v0, $0x18;
	v58 =	vperm.xlane v51, v27  }
0x470: {  	[tilespmem:$0x1F4B0] =	vst v59;
	v37 =	vld [tilespmem:$0x1FF60];
	v59 =	vshll.u32 v0, $0x10;
	v39 =	vshll.u32 v0, $0x8;
	v32 =	vshra.s32 v11, $0x18  }
0x471: {  	[tilespmem:$0x1F550] =	vst v34;
	v41 =	vperm.xlane v51, v60;
	v34 =	vshra.s32 v59, $0x18;
	v33 =	vcvt.s32.f32 v32  }
0x472: {  	v0 =	vshra.s32 v0, $0x18;
	v55 =	vshra.s32 v39, $0x18;
	v59 =	vcvt.s32.f32 v34  }
0x473: {  	v46 =	vld [tilespmem:s16+$0xE0];
	[tilespmem:$0x1F4D0] =	vst v61;
	v6 =	vperm.xlane v51, v14;
	v61 =	vcvt.s32.f32 v55;
	v22 =	vsub.f32 v33, v58  }
0x474: {  	v35 =	vld [tilespmem:s16+$0xA0];
	v51 =	vperm.xlane v51, v9;
	v0 =	vcvt.s32.f32 v0;
	v24 =	vsub.f32 v59, v58  }
0x475: {  	v36 =	vor.u32 s23, v37;
	v11 =	vld [tilespmem:s11+$0x0];
	v25 =	vsub.f32 v61, v58;
	v22 =	vmul.f32 v22, v41  }
0x476: {  	v9 =	vshra.s32 v40, $0x18;
	v39 =	vld [tilespmem:$0x1FFD0];
	v0 =	vsub.f32 v0, v58;
	v24 =	vmul.f32 v24, v41  }
0x477: {  	v40 =	vshra.s32 v43, $0x18;
	v43 =	vor.u32 s22, v37;
	v32 =	vld [tilespmem:s11+$0x10];
	[tilespmem:v56+s28+$0x0] =	vst.idx.msk $0xffff, v22;
	v22 =	vmul.f32 v25, v41  }
0x478: {  	v40 =	vcvt.s32.f32 v40;
	v55 =	vshll.u32 v46, $0x18;
	v0 =	vmul.f32 v0, v41;
	[tilespmem:v57+s28+$0x0] =	vst.idx.msk $0xffff, v24  }
0x479: {  	v58 =	vshll.u32 v23, $0x10;
	v59 =	vshll.u32 v23, $0x8;
	v33 =	vshll.u32 v35, $0x10;
	[tilespmem:v62+s28+$0x0] =	vst.idx.msk $0xffff, v22  }
0x47a: {  	v61 =	vshll.u32 v49, $0x10;
	v23 =	vshra.s32 v23, $0x18;
	v58 =	vshra.s32 v58, $0x18;
	[tilespmem:v63+s28+$0x0] =	vst.idx.msk $0xffff, v0  }
0x47b: {  	v59 =	vshra.s32 v59, $0x18;
	v3 =	vshra.s32 v33, $0x18;
	[tilespmem:$0x1F430] =	vst v11;
	v11 =	vshll.u32 v46, $0x10;
	v63 =	vld [tilespmem:s16+$0x170]  }
0x47c: {  	v4 =	vor.u32 s23, v39;
	v59 =	vcvt.s32.f32 v59;
	[tilespmem:$0x1F440] =	vst v32;
	v32 =	vshll.u32 v20, $0x10;
	v41 =	vld [tilespmem:$0x1FFF0]  }
0x47d: {  	[tilespmem:$0x1F4E0] =	vst v1;
	v20 =	vshra.s32 v20, $0x18;
	v25 =	vshll.u32 v35, $0x18;
	v1 =	vshra.s32 v32, $0x18  }
0x47e: {  	v20 =	vcvt.s32.f32 v20;
	v57 =	vshll.u32 v42, $0x10;
	v22 =	vshll.u32 v42, $0x8  }
0x47f: {  	v62 =	vshll.u32 v50, $0x10;
	v42 =	vshra.s32 v42, $0x18;
	v0 =	vshll.u32 v46, $0x8  }
0x480: {  	v46 =	vshra.s32 v46, $0x18;
	v0 =	vshra.s32 v0, $0x18;
	v33 =	vshll.u32 v63, $0x18  }
0x481: {  	[tilespmem:$0x1F530] =	vst v10;
	v10 =	vor.u32 s23, v41;
	v7 =	vshll.u32 v63, $0x10;
	v56 =	vshra.s32 v33, $0x18  }
0x482: {  	v8 =	vshll.u32 v63, $0x8;
	v7 =	vshra.s32 v7, $0x18;
	v56 =	vcvt.s32.f32 v56  }
0x483: {  	v63 =	vshra.s32 v63, $0x18;
	v8 =	vshra.s32 v8, $0x18;
	v7 =	vcvt.s32.f32 v7  }
0x484: {  	v63 =	vcvt.s32.f32 v63;
	v8 =	vcvt.s32.f32 v8;
	v56 =	vsub.f32 v56, v6  }
0x485: {  	v50 =	vor.u32 s22, v41;
	v33 =	vcvt.s32.f32 v23;
	v7 =	vsub.f32 v7, v6  }
0x486: {  	v8 =	vsub.f32 v8, v6;
	v6 =	vsub.f32 v63, v6;
	v56 =	vmul.f32 v56, v51  }
0x487: {  	v63 =	vshra.s32 v57, $0x18;
	v57 =	vor.u32 s18, v29;
	v7 =	vmul.f32 v7, v51  }
0x488: {  	s17 =	sadd.s32 $0x80, s13;
	[tilespmem:v4+s28+$0x0] =	vst.idx.msk $0xffff, v56;
	v4 =	vmul.f32 v8, v51;
	v8 =	vshra.s32 v22, $0x18;
	v22 =	vshra.s32 v55, $0x18  }
0x489: {  	v56 =	vor.u32 s17, v17;
	v55 =	vor.u32 s17, v18;
	[tilespmem:v5+s28+$0x0] =	vst.idx.msk $0xffff, v7;
	v5 =	vmul.f32 v6, v51  }
0x48a: {  	[tilespmem:$0x1F460] =	vst v45;
	v45 =	vld [tilespmem:s11+$0xFFFFFFC0];
	v6 =	vshra.s32 v11, $0x18;
	v7 =	vshra.s32 v53, $0x18;
	v11 =	vcvt.s32.f32 v3  }
0x48b: {  	[tilespmem:$0x1F470] =	vst v47;
	v47 =	vld [tilespmem:s11+$0xFFFFFFF0];
	v8 =	vcvt.s32.f32 v8;
	v32 =	vcvt.s32.f32 v22;
	v53 =	vor.u32 s17, v29  }
0x48c: {  	v34 =	vld [tilespmem:s11+$0xFFFFFFE0];
	v22 =	vcvt.s32.f32 v0;
	v3 =	vor.u32 s15, v29;
	[tilespmem:v36+s28+$0x0] =	vst.idx.msk $0xffff, v4;
	v4 =	vshra.s32 v61, $0x18  }
0x48d: {  	[tilespmem:$0x1F450] =	vst v44;
	v44 =	vld [tilespmem:s11+$0xFFFFFFD0];
	v61 =	vcvt.s32.f32 v54;
	v54 =	vor.u32 s17, v28;
	v19 =	vcvt.s32.f32 v6  }
0x48e: {  	v21 =	vcvt.s32.f32 v7;
	v36 =	vcvt.s32.f32 v1;
	[tilespmem:v10+s28+$0x0] =	vst.idx.msk $0xffff, v5;
	v10 =	vshra.s32 v38, $0x18  }
0x48f: {  	v0 =	vmovc v39;
	v6 =	vperm.xlane v45, v27;
	v31 =	vcvt.s32.f32 v10;
	v10 =	vor.u32 s22, v39  }
0x490: {  	v51 =	vor.u32 s1, v0;
	v1 =	vperm.xlane v47, v27;
	v5 =	vshra.s32 v62, $0x18  }
0x491: {  	[tilespmem:$0x1F630] =	vst v50;
	v50 =	vmovc v34;
	v38 =	vshra.s32 v48, $0x18;
	v48 =	vshra.s32 v49, $0x18;
	v30 =	vcvt.s32.f32 v5  }
0x492: {  	v5 =	vperm.xlane v44, v27;
	[tilespmem:$0x1F5A0] =	vst v10;
	v10 =	vmovc v44;
	v44 =	vmov v0;
	v0 =	vperm.xlane v34, v27;
	v34 =	vld [tilespmem:$0x1F440]  }
0x493: {  	[tilespmem:$0x1F5C0] =	vst v43;
	v62 =	vcvt.s32.f32 v58;
	v26 =	vcvt.s32.f32 v4;
	v58 =	vor.u32 s15, v18  }
0x494: {  	[tilespmem:$0x1F590] =	vst v3;
	v18 =	vcvt.s32.f32 v9;
	v9 =	vor.u32 s15, v28;
	v28 =	vcvt.s32.f32 v2  }
0x495: {  	v4 =	vperm.xlane v13, v27;
	[tilespmem:$0x1F570] =	vst v58;
	v58 =	vor.u32 s13, v29;
	v38 =	vcvt.s32.f32 v38  }
0x496: {  	[tilespmem:$0x1F580] =	vst v9;
	v39 =	vor.u32 s22, v15;
	v29 =	vcvt.s32.f32 v46;
	v46 =	vmovc v13;
	v13 =	vperm.xlane v45, v60  }
0x497: {  	v43 =	vld [tilespmem:$0x1F430];
	v9 =	vor.u32 s1, v15;
	[tilespmem:$0x1F5B0] =	vst v39;
	v39 =	vcvt.s32.f32 v42;
	v3 =	vperm.xlane v34, v27  }
0x498: {  	v49 =	vmovc v15;
	[tilespmem:$0x1F5D0] =	vst v51;
	v42 =	vcvt.s32.f32 v12;
	v15 =	vsub.f32 v11, v5;
	v38 =	vsub.f32 v38, v4  }
0x499: {  	v51 =	vmovc v47;
	v12 =	vperm.xlane v50, v60;
	v17 =	vsub.f32 v8, v0;
	v23 =	vsub.f32 v30, v3  }
0x49a: {  	[tilespmem:$0x1F5E0] =	vst v9;
	v9 =	vperm.xlane v51, v60;
	v30 =	vsub.f32 v36, v4;
	v36 =	vsub.f32 v28, v4  }
0x49b: {  	v47 =	vmovc v45;
	v11 =	vperm.xlane v10, v60;
	v28 =	vsub.f32 v29, v1;
	v29 =	vsub.f32 v42, v3;
	v42 =	vld [tilespmem:$0x1F450]  }
0x49c: {  	v45 =	vmovc v10;
	v10 =	vperm.xlane v43, v60;
	v40 =	vsub.f32 v40, v3;
	v31 =	vsub.f32 v31, v3;
	v3 =	vld [tilespmem:$0x1F4B0]  }
0x49d: {  	v8 =	vperm.xlane v46, v60;
	v7 =	vperm.xlane v34, v60;
	v60 =	vsub.f32 v20, v4;
	v4 =	vld [tilespmem:$0x1F4C0]  }
0x49e: {  	v24 =	vshll.u32 v35, $0x8;
	v25 =	vshra.s32 v25, $0x18;
	v35 =	vshra.s32 v35, $0x18  }
0x49f: {  	v24 =	vshra.s32 v24, $0x18;
	v63 =	vcvt.s32.f32 v63;
	v61 =	vsub.f32 v61, v6  }
0x4a0: {  	v25 =	vcvt.s32.f32 v25;
	v24 =	vcvt.s32.f32 v24;
	v16 =	vsub.f32 v16, v0  }
0x4a1: {  	v2 =	vperm.xlane v43, v27;
	v61 =	vmul.f32 v61, v13;
	v63 =	vsub.f32 v63, v0  }
0x4a2: {  	v59 =	vsub.f32 v59, v6;
	v62 =	vsub.f32 v62, v6;
	v16 =	vmul.f32 v16, v12  }
0x4a3: {  	v48 =	vcvt.s32.f32 v48;
	v6 =	vsub.f32 v33, v6;
	v20 =	vmul.f32 v63, v12;
	[tilespmem:v42+s28+$0x0] =	vst.idx.msk $0xffff, v61  }
0x4a4: {  	v35 =	vcvt.s32.f32 v35;
	v25 =	vsub.f32 v25, v5;
	v24 =	vsub.f32 v24, v5;
	v61 =	vld [tilespmem:$0x1F460];
	[tilespmem:v3+s28+$0x0] =	vst.idx.msk $0xffff, v16  }
0x4a5: {  	v33 =	vsub.f32 v48, v2;
	v48 =	vor.u32 s1, v37;
	v27 =	vsub.f32 v32, v1;
	[tilespmem:v4+s28+$0x0] =	vst.idx.msk $0xffff, v20;
	v4 =	vld [tilespmem:$0x1F4D0]  }
0x4a6: {  	v32 =	vsub.f32 v35, v5;
	v5 =	vmul.f32 v25, v11;
	v25 =	vsub.f32 v39, v0;
	v39 =	vld [tilespmem:$0x1F480]  }
0x4a7: {  	[tilespmem:$0x1F5F0] =	vst v48;
	v48 =	vld [tilespmem:$0x1F490];
	_ =	sdelay $0x2  }
0x4a8: {  	v59 =	vmul.f32 v59, v13;
	v62 =	vmul.f32 v62, v13;
	v63 =	vld [tilespmem:$0x1F470]  }
0x4a9: {  	v22 =	vsub.f32 v22, v1;
	v0 =	vmul.f32 v15, v11;
	v15 =	vmul.f32 v17, v12  }
0x4aa: {  	v13 =	vmul.f32 v6, v13;
	v24 =	vmul.f32 v24, v11;
	[tilespmem:v61+s28+$0x0] =	vst.idx.msk $0xffff, v62;
	v61 =	vld [tilespmem:$0x1F4A0]  }
0x4ab: {  	v38 =	vmul.f32 v38, v8;
	v40 =	vmul.f32 v40, v7;
	[tilespmem:v4+s28+$0x0] =	vst.idx.msk $0xffff, v15;
	v4 =	vld [tilespmem:$0x1F4E0]  }
0x4ac: {  	v17 =	vmul.f32 v23, v7;
	v23 =	vmul.f32 v36, v8;
	[tilespmem:v39+s28+$0x0] =	vst.idx.msk $0xffff, v5  }
0x4ad: {  	v35 =	vor.u32 s19, v44;
	[tilespmem:v48+s28+$0x0] =	vst.idx.msk $0xffff, v0;
	v0 =	vmul.f32 v31, v7;
	v7 =	vmul.f32 v29, v7  }
0x4ae: {  	[tilespmem:$0x1F600] =	vst v35;
	v29 =	vperm.xlane v45, v14;
	v31 =	vperm.xlane v50, v14;
	v62 =	vor.u32 s1, v41  }
0x4af: {  	v35 =	vor.u32 s18, v41;
	v16 =	vmul.f32 v30, v8;
	v8 =	vmul.f32 v60, v8;
	[tilespmem:$0x1F640] =	vst v62;
	v15 =	vld [tilespmem:$0x1F510]  }
0x4b0: {  	v30 =	vperm.xlane v51, v14;
	v60 =	vperm.xlane v34, v14;
	[tilespmem:v63+s28+$0x0] =	vst.idx.msk $0xffff, v59;
	v59 =	vor.u32 s19, v37  }
0x4b1: {  	v5 =	vor.u32 s19, v41;
	v62 =	vmul.f32 v22, v9;
	v22 =	vmovc v41;
	v41 =	vperm.xlane v47, v14;
	[tilespmem:$0x1F620] =	vst v59  }
0x4b2: {  	v59 =	vperm.xlane v43, v14;
	[tilespmem:v61+s28+$0x0] =	vst.idx.msk $0xffff, v24;
	v61 =	vperm.xlane v46, v14;
	v14 =	vld [tilespmem:$0x1FF40]  }
0x4b3: {  	[tilespmem:v4+s28+$0x0] =	vst.idx.msk $0xffff, v13;
	v4 =	vld [tilespmem:$0x1F4F0];
	_ =	sdelay $0x1  }
0x4b4: {  	v19 =	vsub.f32 v19, v1;
	v27 =	vmul.f32 v27, v9;
	_ =	sdelay $0x1  }
0x4b5: {  	v19 =	vmul.f32 v19, v9;
	v9 =	vmul.f32 v28, v9;
	[tilespmem:v15+s28+$0x0] =	vst.idx.msk $0xffff, v27;
	v15 =	vld [tilespmem:$0x1F520]  }
0x4b6: {  	v28 =	vperm.xlane v47, v14;
	v27 =	vperm.xlane v45, v14;
	v45 =	vmov v14;
	v14 =	vld [tilespmem:$0x1F530]  }
0x4b7: {  	v11 =	vmul.f32 v32, v11;
	[tilespmem:v56+s28+$0x0] =	vst.idx.msk $0xffff, v40  }
0x4b8: {  	v56 =	vld [tilespmem:$0x1F590];
	[tilespmem:v55+s28+$0x0] =	vst.idx.msk $0xffff, v17  }
0x4b9: {  	[tilespmem:v4+s28+$0x0] =	vst.idx.msk $0xffff, v11;
	v4 =	vld [tilespmem:$0x1F500]  }
0x4ba: {  	[tilespmem:v54+s28+$0x0] =	vst.idx.msk $0xffff, v0;
	v54 =	vld [tilespmem:$0x1F580]  }
0x4bb: {  	v13 =	vld [tilespmem:s16+$0x90]  }
0x4bc: {  	v21 =	vsub.f32 v21, v2;
	[tilespmem:v53+s28+$0x0] =	vst.idx.msk $0xffff, v7;
	v53 =	vld [tilespmem:$0x1F570]  }
0x4bd: {  	v26 =	vsub.f32 v26, v2;
	[tilespmem:v15+s28+$0x0] =	vst.idx.msk $0xffff, v19;
	v11 =	vld [tilespmem:s16+$0xB0]  }
0x4be: {  	v18 =	vsub.f32 v18, v2;
	v21 =	vmul.f32 v21, v10;
	[tilespmem:v14+s28+$0x0] =	vst.idx.msk $0xffff, v62;
	v62 =	vld [tilespmem:$0x1F540]  }
0x4bf: {  	v12 =	vmul.f32 v25, v12;
	v48 =	vor.u32 s18, v44;
	v3 =	vmovc v44;
	v20 =	vor.u32 s17, v44;
	v44 =	vmovc v50;
	v50 =	vld [tilespmem:$0x1F550]  }
0x4c0: {  	v18 =	vmul.f32 v18, v10;
	v39 =	vmovc v51;
	v42 =	vor.u32 s19, v49;
	v51 =	vld [tilespmem:$0x1F560];
	v19 =	vshll.u32 v13, $0x8;
	[tilespmem:v57+s28+$0x0] =	vst.idx.msk $0xffff, v9  }
0x4c1: {  	v63 =	vmul.f32 v26, v10;
	v10 =	vmul.f32 v33, v10;
	v19 =	vshra.s32 v19, $0x18;
	v36 =	vld [tilespmem:s16+$0xF0];
	[tilespmem:v4+s28+$0x0] =	vst.idx.msk $0xffff, v12  }
0x4c2: {  	[tilespmem:v52+s28+$0x0] =	vst.idx.msk $0xffff, v38;
	v19 =	vcvt.s32.f32 v19;
	v14 =	vshll.u32 v13, $0x18;
	v9 =	vshll.u32 v11, $0x18;
	v12 =	vld [tilespmem:s16+$0xD0]  }
0x4c3: {  	[tilespmem:$0x1F610] =	vst v42;
	v32 =	vshll.u32 v11, $0x10;
	v33 =	vshll.u32 v11, $0x8;
	v11 =	vshra.s32 v11, $0x18  }
0x4c4: {  	v42 =	vor.u32 s18, v49;
	[tilespmem:v53+s28+$0x0] =	vst.idx.msk $0xffff, v16;
	v14 =	vshra.s32 v14, $0x18;
	v11 =	vcvt.s32.f32 v11  }
0x4c5: {  	[tilespmem:v54+s28+$0x0] =	vst.idx.msk $0xffff, v23;
	v19 =	vsub.f32 v19, v41;
	v7 =	vcvt.s32.f32 v14;
	v9 =	vshra.s32 v9, $0x18  }
0x4c6: {  	v4 =	vor.u32 s17, v49;
	v9 =	vcvt.s32.f32 v9;
	v11 =	vsub.f32 v11, v29;
	[tilespmem:v62+s28+$0x0] =	vst.idx.msk $0xffff, v21  }
0x4c7: {  	v14 =	vshra.s32 v36, $0x18;
	[tilespmem:v50+s28+$0x0] =	vst.idx.msk $0xffff, v63;
	v21 =	vshll.u32 v12, $0x18;
	v47 =	vshll.u32 v12, $0x10  }
0x4c8: {  	v2 =	vmovc v49;
	v49 =	vshll.u32 v12, $0x8;
	[tilespmem:v51+s28+$0x0] =	vst.idx.msk $0xffff, v18;
	v18 =	vshra.s32 v32, $0x18;
	v32 =	vshra.s32 v33, $0x18  }
0x4c9: {  	[tilespmem:v56+s28+$0x0] =	vst.idx.msk $0xffff, v8;
	v12 =	vshra.s32 v12, $0x18;
	v8 =	vcvt.s32.f32 v18;
	v18 =	vcvt.s32.f32 v32  }
0x4ca: {  	v9 =	vsub.f32 v9, v29;
	v14 =	vcvt.s32.f32 v14;
	v12 =	vcvt.s32.f32 v12  }
0x4cb: {  	v8 =	vsub.f32 v8, v29;
	v18 =	vsub.f32 v18, v29  }
0x4cc: {  	v29 =	vsub.f32 v12, v31;
	v12 =	vmul.f32 v19, v28;
	v19 =	vsub.f32 v14, v30;
	v14 =	vld [tilespmem:$0x1F5A0];
	_ =	sdelay $0x1  }
0x4cd: {  	v0 =	vshra.s32 v13, $0x18;
	v15 =	vshll.u32 v13, $0x10  }
0x4ce: {  	v0 =	vcvt.s32.f32 v0;
	v15 =	vshra.s32 v15, $0x18  }
0x4cf: {  	v13 =	vcvt.s32.f32 v15;
	v7 =	vsub.f32 v7, v41  }
0x4d0: {  	v6 =	vor.u32 s18, v37;
	v26 =	vor.u32 s15, v3;
	v0 =	vsub.f32 v0, v41;
	v15 =	vld [tilespmem:s16+$0x130]  }
0x4d1: {  	v25 =	vor.u32 s17, v22;
	v13 =	vsub.f32 v13, v41;
	v7 =	vmul.f32 v7, v28  }
0x4d2: {  	v1 =	vmovc v37;
	v24 =	vor.u32 s17, v37;
	v0 =	vmul.f32 v0, v28;
	v37 =	vshll.u32 v36, $0x8  }
0x4d3: {  	v13 =	vmul.f32 v13, v28;
	v62 =	vshll.u32 v36, $0x18;
	v55 =	vshra.s32 v37, $0x18;
	[tilespmem:v14+s28+$0x0] =	vst.idx.msk $0xffff, v7;
	v14 =	vld [tilespmem:$0x1F5B0]  }
0x4d4: {  	v9 =	vmul.f32 v9, v27;
	v63 =	vshll.u32 v36, $0x10;
	v17 =	vshra.s32 v62, $0x18  }
0x4d5: {  	v62 =	vshll.u32 v15, $0x8;
	v55 =	vcvt.s32.f32 v55;
	v40 =	vshra.s32 v63, $0x18;
	[tilespmem:v58+s28+$0x0] =	vst.idx.msk $0xffff, v10;
	v32 =	vld [tilespmem:s16+$0x150]  }
0x4d6: {  	v51 =	vshra.s32 v62, $0x18;
	v17 =	vcvt.s32.f32 v17;
	v10 =	vshra.s32 v21, $0x18;
	v57 =	vld [tilespmem:s16+$0x110]  }
0x4d7: {  	v21 =	vshra.s32 v47, $0x18;
	v33 =	vshra.s32 v49, $0x18;
	v58 =	vshll.u32 v15, $0x10  }
0x4d8: {  	v40 =	vcvt.s32.f32 v40;
	v51 =	vcvt.s32.f32 v51;
	v55 =	vsub.f32 v55, v30  }
0x4d9: {  	v10 =	vcvt.s32.f32 v10;
	v21 =	vcvt.s32.f32 v21;
	v17 =	vsub.f32 v17, v30  }
0x4da: {  	v56 =	vsub.f32 v40, v30;
	v63 =	vshll.u32 v32, $0x18;
	v37 =	vshll.u32 v32, $0x10  }
0x4db: {  	v47 =	vshll.u32 v57, $0x18;
	v49 =	vshll.u32 v57, $0x10;
	v50 =	vshll.u32 v57, $0x8;
	[tilespmem:v14+s28+$0x0] =	vst.idx.msk $0xffff, v13;
	v13 =	vld [tilespmem:$0x1F5C0]  }
0x4dc: {  	v23 =	vshra.s32 v57, $0x18;
	v57 =	vshll.u32 v15, $0x18;
	v53 =	vshra.s32 v37, $0x18  }
0x4dd: {  	v16 =	vshra.s32 v47, $0x18;
	v36 =	vshra.s32 v49, $0x18;
	v38 =	vshra.s32 v50, $0x18  }
0x4de: {  	v49 =	vshra.s32 v57, $0x18;
	v47 =	vshll.u32 v32, $0x8;
	v38 =	vcvt.s32.f32 v38  }
0x4df: {  	v54 =	vshra.s32 v47, $0x18;
	v37 =	vmovc v45;
	v47 =	vperm.xlane v44, v45;
	v45 =	vperm.xlane v39, v45  }
0x4e0: {  	v49 =	vcvt.s32.f32 v49;
	v44 =	vperm.xlane v43, v37;
	v57 =	vsub.f32 v38, v59  }
0x4e1: {  	v52 =	vshra.s32 v63, $0x18;
	v50 =	vshra.s32 v58, $0x18;
	v41 =	vmul.f32 v56, v45;
	v56 =	vld [tilespmem:$0x1F600]  }
0x4e2: {  	v52 =	vcvt.s32.f32 v52;
	v58 =	vsub.f32 v49, v60;
	v49 =	vmul.f32 v57, v44;
	v57 =	vld [tilespmem:$0x1F610]  }
0x4e3: {  	v33 =	vcvt.s32.f32 v33;
	v51 =	vsub.f32 v51, v60;
	v10 =	vsub.f32 v10, v31;
	[tilespmem:v13+s28+$0x0] =	vst.idx.msk $0xffff, v12;
	v12 =	vld [tilespmem:$0x1F5D0]  }
0x4e4: {  	v15 =	vshra.s32 v15, $0x18;
	v53 =	vcvt.s32.f32 v53;
	v63 =	vsub.f32 v52, v61;
	v52 =	vld [tilespmem:$0x1F5E0]  }
0x4e5: {  	v32 =	vshra.s32 v32, $0x18;
	v23 =	vcvt.s32.f32 v23;
	v15 =	vcvt.s32.f32 v15  }
0x4e6: {  	v21 =	vsub.f32 v21, v31;
	v32 =	vcvt.s32.f32 v32;
	v54 =	vcvt.s32.f32 v54  }
0x4e7: {  	v33 =	vsub.f32 v33, v31;
	v62 =	vperm.xlane v34, v37;
	v10 =	vmul.f32 v10, v47  }
0x4e8: {  	v37 =	vperm.xlane v46, v37;
	v53 =	vsub.f32 v53, v61;
	v14 =	vmul.f32 v21, v47  }
0x4e9: {  	v16 =	vcvt.s32.f32 v16;
	v32 =	vsub.f32 v32, v61;
	v54 =	vsub.f32 v54, v61;
	v61 =	vld [tilespmem:$0x1F630];
	[tilespmem:v56+s28+$0x0] =	vst.idx.msk $0xffff, v10  }
0x4ea: {  	v40 =	vor.u32 s15, v1;
	v7 =	vmul.f32 v8, v27;
	v31 =	vmul.f32 v55, v45;
	v55 =	vld [tilespmem:$0x1F5F0];
	[tilespmem:v57+s28+$0x0] =	vst.idx.msk $0xffff, v14  }
0x4eb: {  	v30 =	vor.u32 s13, v3;
	v36 =	vcvt.s32.f32 v36;
	v14 =	vmul.f32 v63, v37;
	v63 =	vld [tilespmem:$0x1F640];
	[tilespmem:v12+s28+$0x0] =	vst.idx.msk $0xffff, v9  }
0x4ec: {  	v50 =	vcvt.s32.f32 v50;
	v23 =	vsub.f32 v23, v59;
	[tilespmem:v52+s28+$0x0] =	vst.idx.msk $0xffff, v7;
	v52 =	vmul.f32 v58, v62;
	v58 =	vld [tilespmem:$0x1F620]  }
0x4ed: {  	v16 =	vsub.f32 v16, v59;
	v36 =	vsub.f32 v36, v59;
	v8 =	vmul.f32 v18, v27  }
0x4ee: {  	s12 =	sadd.s32 $0x8, s12;
	v39 =	vsub.f32 v50, v60;
	v18 =	vmul.f32 v33, v47;
	v17 =	vmul.f32 v17, v45  }
0x4ef: {  	p0 =	slt.u32 s12, $0x78;
	v59 =	vsub.f32 v15, v60;
	v60 =	vmul.f32 v11, v27;
	v27 =	vmul.f32 v19, v45  }
.Ltmp2:
0x4f0: {  	v15 =	vor.u32 s15, v2;
	v46 =	vmul.f32 v36, v44;
	[tilespmem:v48+s28+$0x0] =	vst.idx.msk $0xffff, v17;
	v48 =	vmul.f32 v32, v37;
	(pc) =	sbr.rel @p0 .LBB2_7-.Ltmp2, $4  }
0x4f1: {  	v38 =	vor.u32 s15, v22;
	v43 =	vmul.f32 v54, v37;
	v54 =	vmul.f32 v23, v44;
	[tilespmem:v61+s28+$0x0] =	vst.idx.msk $0xffff, v0  }
0x4f2: {  	v50 =	vor.u32 s13, v2;
	v21 =	vmul.f32 v16, v44;
	v16 =	vmul.f32 v53, v37;
	[tilespmem:v55+s28+$0x0] =	vst.idx.msk $0xffff, v8  }
0x4f3: {  	v36 =	vor.u32 s13, v1;
	v53 =	vmul.f32 v59, v62;
	v13 =	vmul.f32 v39, v62;
	[tilespmem:v63+s28+$0x0] =	vst.idx.msk $0xffff, v60  }
0x4f4: {  	v39 =	vmul.f32 v29, v47;
	v12 =	vmul.f32 v51, v62;
	v55 =	vor.u32 s13, v22;
	s13 =	sadd.s32 $0x400, s13;
	[tilespmem:v58+s28+$0x0] =	vst.idx.msk $0xffff, v18  }
0x4f5: {  	_ =	sdelay $0x3  }
0x4f6: {  	[tilespmem:v42+s28+$0x0] =	vst.idx.msk $0xffff, v41  }
0x4f7: {  	[tilespmem:v30+s28+$0x0] =	vst.idx.msk $0xffff, v21  }
0x4f8: {  	[tilespmem:v20+s28+$0x0] =	vst.idx.msk $0xffff, v52  }
0x4f9: {  	[tilespmem:v26+s28+$0x0] =	vst.idx.msk $0xffff, v14  }
0x4fa: {  	[tilespmem:v5+s28+$0x0] =	vst.idx.msk $0xffff, v39  }
0x4fb: {  	[tilespmem:v6+s28+$0x0] =	vst.idx.msk $0xffff, v31  }
0x4fc: {  	[tilespmem:v50+s28+$0x0] =	vst.idx.msk $0xffff, v46  }
0x4fd: {  	[tilespmem:v4+s28+$0x0] =	vst.idx.msk $0xffff, v13  }
0x4fe: {  	[tilespmem:v15+s28+$0x0] =	vst.idx.msk $0xffff, v16  }
0x4ff: {  	[tilespmem:v35+s28+$0x0] =	vst.idx.msk $0xffff, v27  }
0x500: {  	[tilespmem:v36+s28+$0x0] =	vst.idx.msk $0xffff, v49  }
0x501: {  	[tilespmem:v24+s28+$0x0] =	vst.idx.msk $0xffff, v12  }
0x502: {  	s1 =	sshll.u32 s7, $0xF;
	[tilespmem:v40+s28+$0x0] =	vst.idx.msk $0xffff, v43  }
0x503: {  	s1 =	sadd.s32 s10, s1;
	[tilespmem:v55+s28+$0x0] =	vst.idx.msk $0xffff, v54  }
0x504: {  	s11 =	sshll.u32 s7, $0x8;
	s1 =	sshrl.u32 s1, $0x3;
	[tilespmem:v25+s28+$0x0] =	vst.idx.msk $0xffff, v53  }
0x505: {  	s15 =	sadd.s32 s11, s9;
	[tilespmem:v38+s28+$0x0] =	vst.idx.msk $0xffff, v48;
	s1 =	sadd.s32 s2, s1  }
0x506: {  	[hbm4b:s1+s3] =	stream.linear.scatter [tilespmem:s28], [sflag:$0x3], $0x4000, $0x38;
	[tilespmem:$0xB100] =	vst v63  }
0x507: {  	s1 =	sshrl.u32 s15, $0x3  }
0x508: {  	s1 =	sadd.s32 s4, s1  }
0x509: {  	[tilespmem:s3], [sflag:$0x5] =	stream.linear.gather [hbm4b:s1+s3], $0x80, $0x38;
	[tilespmem:$0xB100] =	vst v63  }
0x50a: {  	_ =	swait.ge [sflag:s20], $0x80  }
0x50b: {  	[sflag:s20] =	ssyncset.done $0x0  }
0x50c: {  	s16 =	simm.s32 $0x100;
	[sflag:s20] =	ssyncadd.s32 $0xFFFFFF80  }
0x50d: {  	[tilespmem:s16], [sflag:$0x1] =	stream.indirect.gather [hbm4b:s5+s21], $0x20, s3, s21, $0xb8;
	[tilespmem:$0xB100] =	vst v63  }
0x50e: {  	s17 =	simm.s32 $0x2100  }
0x50f: {  	[tilespmem:s17], [sflag:$0x1] =	stream.indirect.gather [hbm4b:s6+s21], $0x10, s3, s21, $0xb8;
	[tilespmem:$0xB100] =	vst v63  }
0x510: {  	_ =	swait.ge [sflag:s29], $0x1000  }
0x511: {  	[sflag:s29] =	ssyncset.done $0x0  }
0x512: {  	[sflag:s29] =	ssyncadd.s32 $0xFFFFF000  }
0x513: {  	_ =	swait.ge [sflag:s29], $0x800  }
0x514: {  	[sflag:s29] =	ssyncset.done $0x0  }
0x515: {  	[sflag:s29] =	ssyncadd.s32 $0xFFFFF800  }
0x516: {  	_ =	swait.ge [sflag:s0], $0x4000  }
0x517: {  	v41 =	vld [tilespmem:$0x1FF70]  }
0x518: {  	v20 =	vld [tilespmem:$0x1FF90]  }
0x519: {  	v26 =	vld [tilespmem:$0x1FFA0]  }
0x51a: {  	v19 =	vld [tilespmem:$0x1FFB0]  }
0x51b: {  	v13 =	vld [tilespmem:$0x1FF80]  }
0x51c: {  	[sflag:s0] =	ssyncset.done $0x0;
	v11 =	vld [tilespmem:$0x1FFD0]  }
0x51d: {  	s13 =	simm.s32 $0x80;
	s15 =	simm.s32 $0x200;
	v56 =	vld [tilespmem:$0x1FFE0];
	[sflag:s0] =	ssyncadd.s32 $0xFFFFC000  }
0x51e: {  	s12 =	simm.s32 $0x2940;
	v0 =	vld [tilespmem:s13+$0x1160];
	v2 =	vor.u32 s15, v41  }
0x51f: {  	v1 =	vld [tilespmem:s12+$0x30];
	v47 =	vor.u32 s15, v20;
	[tilespmem:$0x1F320] =	vst v2  }
0x520: {  	s18 =	simm.s32 $0x0;
	v22 =	vld [tilespmem:$0x1FF60];
	v48 =	vor.u32 s15, v26;
	[tilespmem:$0x1F330] =	vst v47  }
0x521: {  	v23 =	vld [tilespmem:$0x1FFF0];
	v49 =	vor.u32 s18, v20;
	[tilespmem:$0x1F340] =	vst v48  }
0x522: {  	s16 =	simm.s32 $0x380;
	v12 =	vld [tilespmem:$0x1FF50];
	v50 =	vor.u32 s18, v26;
	[tilespmem:$0x1F2F0] =	vst v49  }
0x523: {  	v24 =	vor.u32 s18, v41;
	v51 =	vor.u32 s18, v19;
	v3 =	vor.u32 s16, v41;
	[tilespmem:$0x1F300] =	vst v50  }
0x524: {  	v53 =	vor.u32 s16, v20;
	v9 =	vor.u32 s16, v26;
	v14 =	vor.u32 s16, v11;
	[tilespmem:$0x1F310] =	vst v51  }
0x525: {  	v10 =	vor.u32 s16, v19;
	v15 =	vor.u32 s16, v56;
	v16 =	vor.u32 s16, v22;
	[tilespmem:$0x1F350] =	vst v14  }
0x526: {  	[tilespmem:$0x1F370] =	vst v16;
	v16 =	vor.u32 s16, v23;
	v52 =	vshll.u32 v0, $0x18;
	v54 =	vperm.xlane v1, v13  }
0x527: {  	[tilespmem:$0x1F360] =	vst v15;
	v55 =	vshll.u32 v0, $0x10;
	v7 =	vshll.u32 v0, $0x8;
	v8 =	vperm.xlane v1, v12  }
0x528: {  	[tilespmem:$0x1F380] =	vst v16;
	v0 =	vshra.s32 v0, $0x18;
	v2 =	vshra.s32 v52, $0x18;
	v6 =	vshra.s32 v55, $0x18  }
0x529: {  	v7 =	vshra.s32 v7, $0x18;
	v14 =	vmovc v11;
	v0 =	vcvt.s32.f32 v0;
	v11 =	vld [tilespmem:s13+$0x1080];
	v2 =	vcvt.s32.f32 v2  }
0x52a: {  	v15 =	vmovc v56;
	v32 =	vld [tilespmem:s13+$0x10A0];
	v6 =	vcvt.s32.f32 v6;
	v7 =	vcvt.s32.f32 v7;
	v57 =	vor.u32 s18, v14  }
0x52b: {  	v16 =	vor.u32 s18, v15;
	v0 =	vsub.f32 v0, v54;
	[tilespmem:$0x1F390] =	vst v57;
	v2 =	vsub.f32 v2, v54  }
0x52c: {  	v6 =	vsub.f32 v6, v54;
	v7 =	vsub.f32 v7, v54;
	v5 =	vld [tilespmem:s13+$0x10C0];
	[tilespmem:$0x1F3A0] =	vst v16;
	v16 =	vor.u32 s18, v22  }
0x52d: {  	[tilespmem:$0x1F3B0] =	vst v16;
	v16 =	vor.u32 s18, v23;
	v0 =	vmul.f32 v0, v8;
	v2 =	vmul.f32 v2, v8  }
0x52e: {  	v6 =	vmul.f32 v6, v8;
	v58 =	vmul.f32 v7, v8;
	v59 =	vshll.u32 v11, $0x18  }
0x52f: {  	v60 =	vshll.u32 v11, $0x10;
	v61 =	vshll.u32 v11, $0x8;
	v62 =	vshll.u32 v32, $0x18  }
0x530: {  	v28 =	vshll.u32 v32, $0x10;
	v29 =	vshll.u32 v32, $0x8;
	v11 =	vshra.s32 v11, $0x18  }
0x531: {  	[tilespmem:$0x1F410] =	vst v16;
	v32 =	vshra.s32 v32, $0x18;
	v7 =	vshra.s32 v60, $0x18;
	v8 =	vshra.s32 v61, $0x18  }
0x532: {  	v33 =	vld [tilespmem:s13+$0x10E0];
	v56 =	vshra.s32 v29, $0x18;
	v11 =	vcvt.s32.f32 v11;
	[tilespmem:v3+s30+$0x0] =	vst.idx.msk $0xffff, v2;
	v7 =	vcvt.s32.f32 v7  }
0x533: {  	v4 =	vld [tilespmem:s13+$0x1120];
	v8 =	vcvt.s32.f32 v8;
	[tilespmem:v53+s30+$0x0] =	vst.idx.msk $0xffff, v6;
	v34 =	vshll.u32 v5, $0x8;
	v6 =	vshra.s32 v59, $0x18  }
0x534: {  	[tilespmem:v9+s30+$0x0] =	vst.idx.msk $0xffff, v58;
	v9 =	vshra.s32 v62, $0x18;
	v62 =	vshra.s32 v28, $0x18;
	v34 =	vshra.s32 v34, $0x18  }
0x535: {  	v3 =	vld [tilespmem:s13+$0x1100];
	v6 =	vcvt.s32.f32 v6;
	[tilespmem:v10+s30+$0x0] =	vst.idx.msk $0xffff, v0;
	v0 =	vshll.u32 v5, $0x18;
	v9 =	vcvt.s32.f32 v9  }
0x536: {  	v2 =	vld [tilespmem:s13+$0x1140];
	v10 =	vshll.u32 v5, $0x10;
	v53 =	vcvt.s32.f32 v62;
	v55 =	vcvt.s32.f32 v34  }
0x537: {  	v5 =	vshra.s32 v5, $0x18;
	v35 =	vshll.u32 v33, $0x18;
	v63 =	vshll.u32 v33, $0x10  }
0x538: {  	v37 =	vshll.u32 v33, $0x8;
	v43 =	vshll.u32 v4, $0x18;
	v47 =	vshll.u32 v4, $0x10  }
0x539: {  	v36 =	vld [tilespmem:s12+$0xFFFFFFE0];
	v48 =	vshll.u32 v4, $0x8;
	v0 =	vshra.s32 v0, $0x18;
	v10 =	vshra.s32 v10, $0x18  }
0x53a: {  	v30 =	vld [tilespmem:s13+$0x1170];
	v57 =	vshra.s32 v33, $0x18;
	v5 =	vcvt.s32.f32 v5;
	v38 =	vshll.u32 v3, $0x18  }
0x53b: {  	v16 =	vld [tilespmem:$0x1FFC0];
	v39 =	vshll.u32 v3, $0x10;
	v40 =	vshll.u32 v3, $0x8;
	v49 =	vshll.u32 v2, $0x18  }
0x53c: {  	v50 =	vshll.u32 v2, $0x10;
	v51 =	vshll.u32 v2, $0x8;
	v35 =	vshra.s32 v35, $0x18  }
0x53d: {  	v0 =	vcvt.s32.f32 v0;
	v10 =	vcvt.s32.f32 v10;
	v2 =	vshra.s32 v2, $0x18  }
0x53e: {  	v57 =	vcvt.s32.f32 v57;
	v62 =	vshra.s32 v50, $0x18;
	v2 =	vcvt.s32.f32 v2  }
0x53f: {  	v49 =	vshra.s32 v49, $0x18;
	v58 =	vcvt.s32.f32 v62;
	v62 =	vperm.xlane v36, v13  }
0x540: {  	v21 =	vld [tilespmem:$0x1FF40];
	v31 =	vshll.u32 v30, $0x18;
	v59 =	vshll.u32 v30, $0x10;
	v60 =	vperm.xlane v1, v16  }
0x541: {  	v61 =	vshll.u32 v30, $0x8;
	v30 =	vshra.s32 v30, $0x18;
	v0 =	vsub.f32 v0, v62  }
0x542: {  	v10 =	vsub.f32 v10, v62;
	v31 =	vshra.s32 v31, $0x18;
	v52 =	vshra.s32 v59, $0x18  }
0x543: {  	v54 =	vshra.s32 v61, $0x18;
	v28 =	vcvt.s32.f32 v30;
	v31 =	vcvt.s32.f32 v31  }
0x544: {  	v55 =	vsub.f32 v55, v62;
	v52 =	vcvt.s32.f32 v52;
	v54 =	vcvt.s32.f32 v54  }
0x545: {  	v1 =	vperm.xlane v1, v21;
	v28 =	vsub.f32 v28, v60;
	v31 =	vsub.f32 v31, v60  }
0x546: {  	v61 =	vshra.s32 v48, $0x18;
	v48 =	vld [tilespmem:s12+$0xFFFFFFD0];
	v52 =	vsub.f32 v52, v60;
	v54 =	vsub.f32 v54, v60  }
0x547: {  	v5 =	vsub.f32 v5, v62;
	v28 =	vmul.f32 v28, v1;
	v31 =	vmul.f32 v31, v1  }
0x548: {  	v60 =	vshra.s32 v47, $0x18;
	v30 =	vmul.f32 v52, v1;
	v29 =	vmul.f32 v54, v1  }
0x549: {  	v17 =	vld [tilespmem:s12+$0xFFFFFFF0];
	v1 =	vshra.s32 v63, $0x18;
	v63 =	vshra.s32 v37, $0x18;
	v37 =	vshra.s32 v38, $0x18  }
0x54a: {  	v38 =	vshra.s32 v39, $0x18;
	v54 =	vcvt.s32.f32 v56;
	v56 =	vcvt.s32.f32 v35  }
0x54b: {  	v47 =	vld [tilespmem:s12+$0xFFFFFFC0];
	v39 =	vshra.s32 v40, $0x18;
	v52 =	vcvt.s32.f32 v61;
	v61 =	vperm.xlane v48, v13  }
0x54c: {  	v1 =	vcvt.s32.f32 v1;
	v50 =	vcvt.s32.f32 v63;
	v63 =	vshra.s32 v51, $0x18  }
0x54d: {  	v40 =	vshra.s32 v43, $0x18;
	v35 =	vld [tilespmem:s12+$0x20];
	v51 =	vcvt.s32.f32 v32;
	v59 =	vcvt.s32.f32 v63  }
0x54e: {  	v33 =	vld [tilespmem:s12+$0x0];
	v9 =	vsub.f32 v9, v61;
	v53 =	vsub.f32 v53, v61;
	v63 =	vperm.xlane v17, v13  }
0x54f: {  	v43 =	vcvt.s32.f32 v60;
	v32 =	vld [tilespmem:s12+$0x10];
	v54 =	vsub.f32 v54, v61;
	v51 =	vsub.f32 v51, v61  }
0x550: {  	v60 =	vperm.xlane v47, v13;
	v56 =	vsub.f32 v56, v63;
	v18 =	vsub.f32 v1, v63  }
0x551: {  	v49 =	vcvt.s32.f32 v49;
	v50 =	vsub.f32 v50, v63;
	v57 =	vsub.f32 v57, v63  }
0x552: {  	v6 =	vsub.f32 v6, v60;
	v7 =	vsub.f32 v7, v60;
	v62 =	vperm.xlane v35, v13  }
0x553: {  	v34 =	vperm.xlane v47, v12;
	v8 =	vsub.f32 v8, v60;
	v11 =	vsub.f32 v11, v60  }
0x554: {  	s19 =	simm.s32 $0x80;
	v60 =	vperm.xlane v33, v13;
	v61 =	vperm.xlane v32, v13;
	v49 =	vsub.f32 v49, v62  }
0x555: {  	v58 =	vsub.f32 v58, v62;
	v63 =	vmul.f32 v11, v34;
	v11 =	vor.u32 s19, v14  }
0x556: {  	v59 =	vsub.f32 v59, v62;
	v13 =	vsub.f32 v2, v62;
	v62 =	vor.u32 s19, v15;
	[tilespmem:$0x1F3C0] =	vst v11  }
0x557: {  	[tilespmem:$0x1F3D0] =	vst v62;
	v11 =	vor.u32 s19, v22  }
0x558: {  	v6 =	vmul.f32 v6, v34;
	v62 =	vor.u32 s19, v23;
	[tilespmem:$0x1F3E0] =	vst v11  }
0x559: {  	[tilespmem:$0x1F420] =	vst v62  }
0x55a: {  	[tilespmem:v24+s30+$0x0] =	vst.idx.msk $0xffff, v6  }
0x55b: {  	v6 =	vld [tilespmem:$0x1F2F0];
	_ =	sdelay $0x5  }
0x55c: {  	v7 =	vmul.f32 v7, v34;
	_ =	sdelay $0x1  }
0x55d: {  	[tilespmem:v6+s30+$0x0] =	vst.idx.msk $0xffff, v7  }
0x55e: {  	v3 =	vshra.s32 v3, $0x18;
	v37 =	vcvt.s32.f32 v37;
	v38 =	vcvt.s32.f32 v38;
	v6 =	vld [tilespmem:$0x1F300]  }
0x55f: {  	v42 =	vor.u32 s19, v41;
	v3 =	vcvt.s32.f32 v3;
	v39 =	vcvt.s32.f32 v39  }
0x560: {  	v25 =	vor.u32 s19, v20;
	v37 =	vsub.f32 v37, v60;
	v38 =	vsub.f32 v38, v60  }
0x561: {  	v39 =	vsub.f32 v39, v60;
	v60 =	vsub.f32 v3, v60;
	v3 =	vperm.xlane v48, v12  }
0x562: {  	s22 =	simm.s32 $0x100;
	v45 =	vor.u32 s19, v26;
	v4 =	vshra.s32 v4, $0x18;
	v40 =	vcvt.s32.f32 v40  }
0x563: {  	v46 =	vor.u32 s22, v41;
	v4 =	vcvt.s32.f32 v4;
	v9 =	vmul.f32 v9, v3  }
0x564: {  	v8 =	vmul.f32 v8, v34;
	v40 =	vsub.f32 v40, v61;
	v43 =	vsub.f32 v43, v61  }
0x565: {  	v34 =	vmov v14;
	v52 =	vsub.f32 v52, v61;
	v61 =	vsub.f32 v4, v61;
	[tilespmem:v42+s30+$0x0] =	vst.idx.msk $0xffff, v9  }
0x566: {  	v4 =	vperm.xlane v36, v12;
	v53 =	vmul.f32 v53, v3;
	v62 =	vor.u32 s22, v34;
	[tilespmem:v6+s30+$0x0] =	vst.idx.msk $0xffff, v8  }
0x567: {  	v44 =	vor.u32 s22, v20;
	v54 =	vmul.f32 v54, v3;
	v3 =	vmul.f32 v51, v3;
	v51 =	vmovc v15;
	[tilespmem:$0x1F3F0] =	vst v62  }
0x568: {  	v2 =	vor.u32 s22, v26;
	v62 =	vor.u32 s22, v51;
	[tilespmem:v25+s30+$0x0] =	vst.idx.msk $0xffff, v53  }
0x569: {  	v1 =	vmul.f32 v0, v4;
	[tilespmem:$0x1F400] =	vst v62  }
0x56a: {  	v15 =	vmul.f32 v10, v4;
	[tilespmem:v45+s30+$0x0] =	vst.idx.msk $0xffff, v54  }
0x56b: {  	v27 =	vor.u32 s19, v19;
	v14 =	vmul.f32 v55, v4;
	[tilespmem:v46+s30+$0x0] =	vst.idx.msk $0xffff, v1  }
0x56c: {  	s17 =	simm.s32 $0x180;
	v10 =	vor.u32 s22, v19;
	[tilespmem:v44+s30+$0x0] =	vst.idx.msk $0xffff, v15  }
0x56d: {  	v55 =	vor.u32 s17, v41;
	[tilespmem:v2+s30+$0x0] =	vst.idx.msk $0xffff, v14  }
0x56e: {  	v0 =	vperm.xlane v17, v12;
	v7 =	vor.u32 s17, v20;
	v2 =	vld [tilespmem:$0x1F310]  }
0x56f: {  	v5 =	vmul.f32 v5, v4;
	v8 =	vor.u32 s17, v26  }
0x570: {  	v56 =	vmul.f32 v56, v0;
	v54 =	vor.u32 s17, v19;
	[tilespmem:v27+s30+$0x0] =	vst.idx.msk $0xffff, v3  }
0x571: {  	v42 =	vmul.f32 v18, v0;
	[tilespmem:v10+s30+$0x0] =	vst.idx.msk $0xffff, v5  }
0x572: {  	v50 =	vmul.f32 v50, v0;
	[tilespmem:v55+s30+$0x0] =	vst.idx.msk $0xffff, v56  }
0x573: {  	v0 =	vmul.f32 v57, v0;
	[tilespmem:v7+s30+$0x0] =	vst.idx.msk $0xffff, v42  }
0x574: {  	[tilespmem:v8+s30+$0x0] =	vst.idx.msk $0xffff, v50  }
0x575: {  	[tilespmem:v54+s30+$0x0] =	vst.idx.msk $0xffff, v0  }
0x576: {  	[tilespmem:v2+s30+$0x0] =	vst.idx.msk $0xffff, v63  }
0x577: {  	v2 =	vld [tilespmem:$0x1F320];
	_ =	sdelay $0x3  }
0x578: {  	v6 =	vperm.xlane v33, v12;
	_ =	sdelay $0x1  }
0x579: {  	v37 =	vmul.f32 v37, v6;
	_ =	sdelay $0x1  }
0x57a: {  	[tilespmem:v2+s30+$0x0] =	vst.idx.msk $0xffff, v37  }
0x57b: {  	v2 =	vld [tilespmem:$0x1F330];
	_ =	sdelay $0x5  }
0x57c: {  	v1 =	vmul.f32 v38, v6;
	v44 =	vperm.xlane v35, v12;
	v3 =	vld [tilespmem:s13+$0x10B0]  }
0x57d: {  	s23 =	simm.s32 $0x280;
	v45 =	vperm.xlane v32, v12;
	v24 =	vld [tilespmem:s13+$0x10D0]  }
0x57e: {  	v9 =	vor.u32 s23, v26;
	v12 =	vmul.f32 v58, v44;
	v58 =	vmul.f32 v59, v44;
	v59 =	vld [tilespmem:s13+$0x1090];
	[tilespmem:v2+s30+$0x0] =	vst.idx.msk $0xffff, v1  }
0x57f: {  	v38 =	vmul.f32 v39, v6;
	v39 =	vor.u32 s23, v41;
	v40 =	vmul.f32 v40, v45;
	v2 =	vld [tilespmem:$0x1F340]  }
0x580: {  	s24 =	simm.s32 $0x300;
	v46 =	vor.u32 s23, v20;
	v43 =	vmul.f32 v43, v45;
	v52 =	vmul.f32 v52, v45;
	v57 =	vld [tilespmem:s13+$0x10F0]  }
0x581: {  	v49 =	vmul.f32 v49, v44;
	v10 =	vmul.f32 v61, v45;
	v55 =	vor.u32 s24, v41  }
0x582: {  	v5 =	vor.u32 s23, v19;
	v56 =	vperm.xlane v47, v16;
	v47 =	vperm.xlane v47, v21  }
0x583: {  	v45 =	vperm.xlane v48, v21;
	v50 =	vshll.u32 v3, $0x18;
	v54 =	vshll.u32 v3, $0x10  }
0x584: {  	v41 =	vmovc v21;
	v21 =	vshra.s32 v50, $0x18;
	v63 =	vshll.u32 v24, $0x8;
	v0 =	vshll.u32 v59, $0x8  }
0x585: {  	v0 =	vshra.s32 v0, $0x18;
	v1 =	vshra.s32 v63, $0x18;
	v63 =	vshll.u32 v57, $0x10;
	[tilespmem:v39+s30+$0x0] =	vst.idx.msk $0xffff, v40  }
0x586: {  	v0 =	vcvt.s32.f32 v0;
	v50 =	vshra.s32 v63, $0x18;
	v63 =	vor.u32 s24, v20;
	[tilespmem:v55+s30+$0x0] =	vst.idx.msk $0xffff, v49  }
0x587: {  	v7 =	vor.u32 s15, v19;
	[tilespmem:v2+s30+$0x0] =	vst.idx.msk $0xffff, v38;
	v38 =	vshra.s32 v54, $0x18;
	v2 =	vshll.u32 v57, $0x8  }
0x588: {  	[tilespmem:v46+s30+$0x0] =	vst.idx.msk $0xffff, v43;
	v54 =	vshra.s32 v2, $0x18;
	v2 =	vsub.f32 v0, v56;
	v0 =	vor.u32 s24, v26  }
0x589: {  	v39 =	vor.u32 s24, v19;
	[tilespmem:v9+s30+$0x0] =	vst.idx.msk $0xffff, v52  }
0x58a: {  	v6 =	vmul.f32 v60, v6;
	[tilespmem:v5+s30+$0x0] =	vst.idx.msk $0xffff, v10  }
0x58b: {  	[tilespmem:v63+s30+$0x0] =	vst.idx.msk $0xffff, v12  }
0x58c: {  	v44 =	vmul.f32 v13, v44;
	[tilespmem:v7+s30+$0x0] =	vst.idx.msk $0xffff, v6  }
0x58d: {  	[tilespmem:v0+s30+$0x0] =	vst.idx.msk $0xffff, v58  }
0x58e: {  	[tilespmem:v39+s30+$0x0] =	vst.idx.msk $0xffff, v44  }
0x58f: {  	v12 =	vld [tilespmem:$0x1F350];
	_ =	sdelay $0x7  }
0x590: {  	[tilespmem:v12+s30+$0x0] =	vst.idx.msk $0xffff, v31  }
0x591: {  	v12 =	vld [tilespmem:$0x1F360];
	_ =	sdelay $0x7  }
0x592: {  	[tilespmem:v12+s30+$0x0] =	vst.idx.msk $0xffff, v30  }
0x593: {  	v12 =	vld [tilespmem:$0x1F370];
	_ =	sdelay $0x7  }
0x594: {  	[tilespmem:v12+s30+$0x0] =	vst.idx.msk $0xffff, v29  }
0x595: {  	v12 =	vld [tilespmem:$0x1F380];
	_ =	sdelay $0x3  }
0x596: {  	v18 =	vor.u32 s22, v22  }
0x597: {  	v25 =	vor.u32 s22, v23;
	v62 =	vor.u32 s17, v23;
	v14 =	vor.u32 s17, v22  }
0x598: {  	v11 =	vmovc v23;
	v42 =	vperm.xlane v48, v16;
	v23 =	vshll.u32 v3, $0x8;
	v3 =	vshra.s32 v3, $0x18  }
0x599: {  	v60 =	vshll.u32 v24, $0x10;
	v3 =	vcvt.s32.f32 v3;
	v8 =	vshll.u32 v59, $0x18  }
0x59a: {  	v21 =	vcvt.s32.f32 v21;
	v48 =	vshll.u32 v59, $0x10;
	v8 =	vshra.s32 v8, $0x18;
	[tilespmem:v12+s30+$0x0] =	vst.idx.msk $0xffff, v28  }
0x59b: {  	v53 =	vmovc v22;
	v61 =	vshll.u32 v57, $0x18;
	v22 =	vshra.s32 v48, $0x18;
	v8 =	vcvt.s32.f32 v8;
	v12 =	vld [tilespmem:$0x1F390]  }
0x59c: {  	v3 =	vsub.f32 v3, v42;
	v59 =	vshra.s32 v59, $0x18;
	v22 =	vcvt.s32.f32 v22  }
0x59d: {  	v37 =	vshll.u32 v24, $0x18;
	v24 =	vshra.s32 v24, $0x18;
	v8 =	vsub.f32 v8, v56  }
0x59e: {  	v48 =	vshra.s32 v61, $0x18;
	v24 =	vcvt.s32.f32 v24;
	v40 =	vperm.xlane v36, v16  }
0x59f: {  	v59 =	vcvt.s32.f32 v59;
	v61 =	vsub.f32 v22, v56;
	v8 =	vmul.f32 v8, v47  }
0x5a0: {  	v46 =	vperm.xlane v33, v16;
	v10 =	vsub.f32 v24, v40;
	v7 =	vshra.s32 v37, $0x18;
	v37 =	vld [tilespmem:s13+$0x1110]  }
0x5a1: {  	v6 =	vshra.s32 v23, $0x18;
	v23 =	vshra.s32 v60, $0x18;
	v38 =	vcvt.s32.f32 v38  }
0x5a2: {  	v56 =	vsub.f32 v59, v56;
	v6 =	vcvt.s32.f32 v6;
	v23 =	vcvt.s32.f32 v23  }
0x5a3: {  	v52 =	vcvt.s32.f32 v50;
	v59 =	vsub.f32 v21, v42;
	v38 =	vsub.f32 v38, v42;
	[tilespmem:v12+s30+$0x0] =	vst.idx.msk $0xffff, v8  }
0x5a4: {  	v6 =	vsub.f32 v6, v42;
	v43 =	vsub.f32 v23, v40;
	v23 =	vperm.xlane v17, v16;
	v12 =	vld [tilespmem:$0x1F3A0]  }
0x5a5: {  	v60 =	vshll.u32 v37, $0x18;
	v22 =	vshll.u32 v37, $0x10;
	v21 =	vshll.u32 v37, $0x8  }
0x5a6: {  	v24 =	vshra.s32 v37, $0x18;
	v42 =	vshra.s32 v60, $0x18;
	v60 =	vshra.s32 v22, $0x18  }
0x5a7: {  	v13 =	vshra.s32 v21, $0x18;
	v42 =	vcvt.s32.f32 v42;
	v50 =	vcvt.s32.f32 v60  }
0x5a8: {  	v5 =	vsub.f32 v52, v23;
	v52 =	vcvt.s32.f32 v13;
	v60 =	vcvt.s32.f32 v24  }
0x5a9: {  	v42 =	vsub.f32 v42, v46;
	v49 =	vsub.f32 v50, v46  }
0x5aa: {  	v20 =	vmovc v17;
	v17 =	vsub.f32 v52, v46;
	v46 =	vsub.f32 v60, v46;
	v60 =	vmul.f32 v61, v47;
	_ =	sdelay $0x1  }
0x5ab: {  	[tilespmem:v12+s30+$0x0] =	vst.idx.msk $0xffff, v60  }
0x5ac: {  	v12 =	vld [tilespmem:$0x1F3B0];
	_ =	sdelay $0x5  }
0x5ad: {  	v2 =	vmul.f32 v2, v47;
	_ =	sdelay $0x1  }
0x5ae: {  	[tilespmem:v12+s30+$0x0] =	vst.idx.msk $0xffff, v2  }
0x5af: {  	v12 =	vld [tilespmem:$0x1F3C0];
	_ =	sdelay $0x5  }
0x5b0: {  	v30 =	vmul.f32 v59, v45;
	_ =	sdelay $0x1  }
0x5b1: {  	[tilespmem:v12+s30+$0x0] =	vst.idx.msk $0xffff, v30  }
0x5b2: {  	v12 =	vld [tilespmem:$0x1F3D0];
	_ =	sdelay $0x5  }
0x5b3: {  	v38 =	vmul.f32 v38, v45;
	_ =	sdelay $0x1  }
0x5b4: {  	[tilespmem:v12+s30+$0x0] =	vst.idx.msk $0xffff, v38  }
0x5b5: {  	v59 =	vld [tilespmem:$0x1F3E0]  }
0x5b6: {  	v1 =	vcvt.s32.f32 v1;
	v7 =	vcvt.s32.f32 v7;
	_ =	sdelay $0x1  }
0x5b7: {  	v1 =	vsub.f32 v1, v40;
	v57 =	vshra.s32 v57, $0x18;
	v7 =	vsub.f32 v7, v40;
	v40 =	vld [tilespmem:s13+$0x1130]  }
0x5b8: {  	v57 =	vcvt.s32.f32 v57  }
0x5b9: {  	v9 =	vcvt.s32.f32 v48  }
0x5ba: {  	v48 =	vsub.f32 v57, v23;
	v57 =	vperm.xlane v32, v16;
	v6 =	vmul.f32 v6, v45  }
0x5bb: {  	v50 =	vperm.xlane v35, v16;
	v16 =	vperm.xlane v20, v41  }
0x5bc: {  	v58 =	vshll.u32 v40, $0x8;
	[tilespmem:v59+s30+$0x0] =	vst.idx.msk $0xffff, v6  }
0x5bd: {  	v0 =	vshra.s32 v58, $0x18;
	v58 =	vperm.xlane v35, v41;
	v35 =	vmul.f32 v5, v16;
	v5 =	vld [tilespmem:$0x1F3F0];
	_ =	sdelay $0x2  }
0x5be: {  	v27 =	vshra.s32 v40, $0x18  }
0x5bf: {  	v26 =	vcvt.s32.f32 v27;
	v27 =	vperm.xlane v36, v41;
	_ =	sdelay $0x1  }
0x5c0: {  	v7 =	vmul.f32 v7, v27;
	_ =	sdelay $0x1  }
0x5c1: {  	[tilespmem:v5+s30+$0x0] =	vst.idx.msk $0xffff, v7  }
0x5c2: {  	v5 =	vld [tilespmem:$0x1F400];
	_ =	sdelay $0x1  }
0x5c3: {  	v4 =	vor.u32 s17, v34  }
0x5c4: {  	v9 =	vsub.f32 v9, v23;
	_ =	sdelay $0x1  }
0x5c5: {  	v9 =	vmul.f32 v9, v16  }
0x5c6: {  	v63 =	vld [tilespmem:s13+$0x1150];
	v43 =	vmul.f32 v43, v27  }
0x5c7: {  	v3 =	vmul.f32 v3, v45;
	v1 =	vmul.f32 v1, v27;
	[tilespmem:v4+s30+$0x0] =	vst.idx.msk $0xffff, v9  }
0x5c8: {  	v44 =	vmul.f32 v56, v47;
	v55 =	vshll.u32 v40, $0x18;
	v52 =	vshll.u32 v40, $0x10;
	[tilespmem:v5+s30+$0x0] =	vst.idx.msk $0xffff, v43  }
0x5c9: {  	v61 =	vshra.s32 v55, $0x18;
	v0 =	vcvt.s32.f32 v0;
	v52 =	vshra.s32 v52, $0x18;
	[tilespmem:v18+s30+$0x0] =	vst.idx.msk $0xffff, v1  }
0x5ca: {  	v39 =	vcvt.s32.f32 v61;
	v31 =	vcvt.s32.f32 v52;
	v60 =	vld [tilespmem:$0x1F410]  }
0x5cb: {  	v26 =	vsub.f32 v26, v57;
	v0 =	vsub.f32 v0, v57;
	v55 =	vshll.u32 v63, $0x8  }
0x5cc: {  	v36 =	vsub.f32 v39, v57;
	v40 =	vsub.f32 v31, v57;
	v29 =	vshll.u32 v63, $0x18  }
0x5cd: {  	v31 =	vmul.f32 v10, v27;
	v56 =	vshra.s32 v29, $0x18;
	v28 =	vshll.u32 v63, $0x10  }
0x5ce: {  	v10 =	vcvt.s32.f32 v56;
	v19 =	vshra.s32 v28, $0x18;
	v8 =	vshra.s32 v55, $0x18  }
0x5cf: {  	v57 =	vshra.s32 v63, $0x18;
	v19 =	vcvt.s32.f32 v19;
	v8 =	vcvt.s32.f32 v8  }
0x5d0: {  	v20 =	vperm.xlane v33, v41;
	v10 =	vsub.f32 v10, v50;
	v2 =	vcvt.s32.f32 v57  }
0x5d1: {  	v29 =	vperm.xlane v32, v41;
	v27 =	vsub.f32 v19, v50;
	v8 =	vsub.f32 v8, v50  }
0x5d2: {  	v54 =	vcvt.s32.f32 v54;
	v2 =	vsub.f32 v2, v50;
	v50 =	vmul.f32 v49, v20;
	[tilespmem:v60+s30+$0x0] =	vst.idx.msk $0xffff, v44  }
0x5d3: {  	v15 =	vor.u32 s17, v51;
	v49 =	vmul.f32 v17, v20;
	v17 =	vmul.f32 v0, v29;
	v0 =	vld [tilespmem:$0x1F420]  }
0x5d4: {  	v37 =	vsub.f32 v54, v23;
	v23 =	vor.u32 s23, v53;
	v54 =	vor.u32 s15, v51  }
0x5d5: {  	v21 =	vor.u32 s23, v34;
	v22 =	vor.u32 s23, v51;
	v24 =	vor.u32 s23, v11  }
0x5d6: {  	v61 =	vor.u32 s24, v51;
	v33 =	vmul.f32 v37, v16;
	v47 =	vmul.f32 v48, v16  }
0x5d7: {  	v39 =	vor.u32 s24, v53;
	v52 =	vmul.f32 v36, v29;
	v36 =	vmul.f32 v40, v29  }
0x5d8: {  	v56 =	vor.u32 s15, v11;
	v28 =	vmul.f32 v42, v20;
	v55 =	vmul.f32 v46, v20  }
0x5d9: {  	v63 =	vor.u32 s24, v11;
	v45 =	vmul.f32 v8, v58;
	v20 =	vmul.f32 v27, v58  }
0x5da: {  	v48 =	vmul.f32 v2, v58;
	v30 =	vor.u32 s24, v34;
	v34 =	vor.u32 s15, v34;
	v12 =	vmovc v53  }
0x5db: {  	s13 =	simm.s32 $0x0;
	v53 =	vmul.f32 v26, v29;
	v16 =	vor.u32 s15, v12;
	s15 =	simm.s32 $0x600;
	v18 =	vmul.f32 v10, v58;
	[tilespmem:v0+s30+$0x0] =	vst.idx.msk $0xffff, v3  }
.LBB2_9:
0x5dc: {  	[tilespmem:v15+s30+$0x0] =	vst.idx.msk $0xffff, v35  }
0x5dd: {  	[tilespmem:v25+s30+$0x0] =	vst.idx.msk $0xffff, v31  }
0x5de: {  	v26 =	vld [tilespmem:$0x1FF70];
	[tilespmem:v14+s30+$0x0] =	vst.idx.msk $0xffff, v33  }
0x5df: {  	v32 =	vld [tilespmem:$0x1FF90];
	[tilespmem:v34+s30+$0x0] =	vst.idx.msk $0xffff, v28  }
0x5e0: {  	v13 =	vld [tilespmem:$0x1FFA0];
	[tilespmem:v62+s30+$0x0] =	vst.idx.msk $0xffff, v47  }
0x5e1: {  	s17 =	sshra.s32 s15, $0x2;
	v15 =	vld [tilespmem:$0x1FFB0];
	[tilespmem:v54+s30+$0x0] =	vst.idx.msk $0xffff, v50  }
0x5e2: {  	v50 =	vld [tilespmem:s17+$0x1120];
	[tilespmem:v21+s30+$0x0] =	vst.idx.msk $0xffff, v52  }
0x5e3: {  	v21 =	vld [tilespmem:s17+$0x1140];
	[tilespmem:v30+s30+$0x0] =	vst.idx.msk $0xffff, v18  }
0x5e4: {  	[tilespmem:v16+s30+$0x0] =	vst.idx.msk $0xffff, v49  }
0x5e5: {  	v27 =	vld [tilespmem:$0x1FF80];
	[tilespmem:v22+s30+$0x0] =	vst.idx.msk $0xffff, v36  }
0x5e6: {  	s23 =	sadd.s32 $0xFFFFFE00, s15;
	v19 =	vld [tilespmem:$0x1FF50];
	[tilespmem:v61+s30+$0x0] =	vst.idx.msk $0xffff, v20;
	v0 =	vor.u32 s15, v26;
	v5 =	vor.u32 s15, v32;
	v6 =	vor.u32 s15, v13  }
0x5e7: {  	s22 =	sadd.s32 $0xFFFFFE80, s15;
	v49 =	vld [tilespmem:s17+$0x1100];
	[tilespmem:v56+s30+$0x0] =	vst.idx.msk $0xffff, v55;
	v7 =	vor.u32 s23, v26;
	v8 =	vor.u32 s23, v32;
	v9 =	vor.u32 s23, v13  }
0x5e8: {  	s1 =	sadd.s32 $0xFFFFFF00, s15;
	s12 =	sadd.s32 $0x80, s12;
	v10 =	vld [tilespmem:s17+$0x1160];
	[tilespmem:v23+s30+$0x0] =	vst.idx.msk $0xffff, v17;
	v1 =	vor.u32 s23, v15;
	v11 =	vor.u32 s22, v26;
	v35 =	vor.u32 s22, v32  }
0x5e9: {  	v51 =	vld [tilespmem:s12+$0x30];
	v37 =	vor.u32 s22, v13;
	v38 =	vor.u32 s22, v15;
	v40 =	vor.u32 s1, v26;
	[tilespmem:v24+s30+$0x0] =	vst.idx.msk $0xffff, v53  }
0x5ea: {  	s19 =	sadd.s32 $0xFFFFFF80, s15;
	v14 =	vld [tilespmem:s17+$0x1080];
	v41 =	vor.u32 s1, v32;
	v42 =	vor.u32 s1, v13;
	v43 =	vor.u32 s1, v15;
	[tilespmem:$0x1F200] =	vst v0  }
0x5eb: {  	s24 =	sadd.s32 $0x180, s15;
	v44 =	vor.u32 s19, v26;
	v46 =	vor.u32 s19, v32;
	v47 =	vor.u32 s19, v13;
	[tilespmem:$0x1F210] =	vst v5  }
0x5ec: {  	v2 =	vor.u32 s24, v26;
	v3 =	vor.u32 s24, v32;
	v57 =	vor.u32 s24, v13;
	[tilespmem:$0x1F220] =	vst v6  }
0x5ed: {  	v58 =	vor.u32 s24, v15;
	v56 =	vor.u32 s19, v15;
	[tilespmem:$0x1F110] =	vst v7;
	v54 =	vshll.u32 v10, $0x18  }
0x5ee: {  	[tilespmem:$0x1F1A0] =	vst v1;
	v4 =	vperm.xlane v51, v27;
	v5 =	vshll.u32 v10, $0x10;
	v6 =	vshll.u32 v10, $0x8  }
0x5ef: {  	[tilespmem:$0x1F140] =	vst v11;
	v7 =	vperm.xlane v51, v19;
	v0 =	vshra.s32 v10, $0x18;
	v10 =	vshll.u32 v14, $0x18  }
0x5f0: {  	[tilespmem:$0x1F150] =	vst v35;
	v59 =	vshll.u32 v14, $0x10;
	v11 =	vshll.u32 v14, $0x8;
	v14 =	vshra.s32 v14, $0x18  }
0x5f1: {  	v36 =	vld [tilespmem:$0x1FFF0];
	[tilespmem:$0x1F190] =	vst v42;
	v1 =	vshra.s32 v54, $0x18;
	v5 =	vshra.s32 v5, $0x18;
	v6 =	vshra.s32 v6, $0x18  }
0x5f2: {  	v35 =	vld [tilespmem:s12+$0x20];
	[tilespmem:v39+s30+$0x0] =	vst.idx.msk $0xffff, v45;
	v0 =	vcvt.s32.f32 v0;
	v45 =	vshll.u32 v50, $0x18;
	v52 =	vshll.u32 v50, $0x10  }
0x5f3: {  	v17 =	vld [tilespmem:$0x1FFD0];
	[tilespmem:v63+s30+$0x0] =	vst.idx.msk $0xffff, v48;
	v42 =	vshll.u32 v50, $0x8;
	v48 =	vshll.u32 v21, $0x18;
	v53 =	vshll.u32 v21, $0x10  }
0x5f4: {  	[tilespmem:$0x1F160] =	vst v37;
	v37 =	vld [tilespmem:s17+$0x10A0];
	v10 =	vshra.s32 v10, $0x18;
	v54 =	vshll.u32 v21, $0x8;
	v1 =	vcvt.s32.f32 v1  }
0x5f5: {  	[tilespmem:$0x1F1F0] =	vst v47;
	v47 =	vld [tilespmem:s17+$0x10E0];
	v11 =	vshra.s32 v11, $0x18;
	v5 =	vcvt.s32.f32 v5;
	v6 =	vcvt.s32.f32 v6  }
0x5f6: {  	[tilespmem:$0x1F120] =	vst v8;
	v8 =	vld [tilespmem:s12+$0xFFFFFFE0];
	v34 =	vor.u32 s24, v36;
	v42 =	vshra.s32 v42, $0x18;
	v10 =	vcvt.s32.f32 v10  }
0x5f7: {  	[tilespmem:$0x1F130] =	vst v9;
	v9 =	vld [tilespmem:s12+$0xFFFFFFF0];
	v0 =	vsub.f32 v0, v4;
	v23 =	vshll.u32 v49, $0x10;
	v39 =	vshll.u32 v49, $0x8  }
0x5f8: {  	[tilespmem:$0x1F180] =	vst v41;
	v41 =	vld [tilespmem:s17+$0x10C0];
	v33 =	vor.u32 s24, v17;
	v1 =	vsub.f32 v1, v4;
	v5 =	vsub.f32 v5, v4  }
0x5f9: {  	[tilespmem:$0x1F1B0] =	vst v38;
	v6 =	vsub.f32 v6, v4;
	v4 =	vshra.s32 v59, $0x18;
	v39 =	vshra.s32 v39, $0x18  }
0x5fa: {  	[tilespmem:$0x1F170] =	vst v40;
	v61 =	vshll.u32 v37, $0x18;
	v62 =	vshll.u32 v37, $0x10;
	v0 =	vmul.f32 v0, v7  }
0x5fb: {  	[tilespmem:$0x1F0F0] =	vst v8;
	v8 =	vshll.u32 v47, $0x18;
	v22 =	vshll.u32 v47, $0x10;
	v16 =	vcvt.s32.f32 v4  }
0x5fc: {  	[tilespmem:$0x1F100] =	vst v9;
	v9 =	vshll.u32 v49, $0x18;
	v4 =	vcvt.s32.f32 v11;
	v1 =	vmul.f32 v1, v7  }
0x5fd: {  	v18 =	vld [tilespmem:$0x1FFE0];
	[tilespmem:$0x1F1C0] =	vst v43;
	v5 =	vmul.f32 v5, v7;
	v60 =	vmul.f32 v6, v7;
	v7 =	vshll.u32 v41, $0x10  }
0x5fe: {  	[tilespmem:$0x1F1D0] =	vst v44;
	v38 =	vld [tilespmem:s12+$0xFFFFFFC0];
	v6 =	vshra.s32 v62, $0x18;
	v8 =	vshra.s32 v8, $0x18;
	v22 =	vshra.s32 v22, $0x18  }
0x5ff: {  	v9 =	vshra.s32 v9, $0x18;
	v30 =	vcvt.s32.f32 v6;
	v6 =	vor.u32 s23, v36;
	[tilespmem:v2+s30+$0x0] =	vst.idx.msk $0xffff, v1  }
0x600: {  	s18 =	sadd.s32 $0x80, s15;
	v62 =	vshra.s32 v50, $0x18;
	v31 =	vcvt.s32.f32 v8;
	v8 =	vor.u32 s22, v17;
	[tilespmem:$0x1F2D0] =	vst v6  }
0x601: {  	v44 =	vld [tilespmem:s12+$0x0];
	v50 =	vor.u32 s18, v15;
	v7 =	vshra.s32 v7, $0x18;
	v22 =	vcvt.s32.f32 v22;
	[tilespmem:$0x1F290] =	vst v8  }
0x602: {  	v29 =	vld [tilespmem:$0x1FFC0];
	v25 =	vcvt.s32.f32 v9;
	v9 =	vor.u32 s22, v18;
	v1 =	vshll.u32 v41, $0x8;
	[tilespmem:v3+s30+$0x0] =	vst.idx.msk $0xffff, v5  }
0x603: {  	v40 =	vld [tilespmem:$0x1FF40];
	v2 =	vshra.s32 v61, $0x18;
	v61 =	vor.u32 s24, v12;
	v6 =	vperm.xlane v38, v27;
	[tilespmem:v57+s30+$0x0] =	vst.idx.msk $0xffff, v60  }
0x604: {  	v43 =	vld [tilespmem:s12+$0x10];
	v8 =	vperm.xlane v35, v19;
	v3 =	vshll.u32 v37, $0x8;
	v5 =	vshll.u32 v41, $0x18;
	[tilespmem:v58+s30+$0x0] =	vst.idx.msk $0xffff, v0  }
0x605: {  	v1 =	vshra.s32 v1, $0x18;
	v37 =	vshra.s32 v37, $0x18;
	v41 =	vshra.s32 v41, $0x18;
	v24 =	vld [tilespmem:s17+$0x1170]  }
0x606: {  	v11 =	vcvt.s32.f32 v2;
	v2 =	vperm.xlane v44, v27;
	v57 =	vor.u32 s24, v18  }
0x607: {  	v3 =	vshra.s32 v3, $0x18;
	v5 =	vshra.s32 v5, $0x18;
	v41 =	vcvt.s32.f32 v41  }
0x608: {  	v0 =	vshll.u32 v47, $0x8;
	v58 =	vperm.xlane v51, v29;
	v51 =	vperm.xlane v51, v40  }
0x609: {  	v47 =	vshra.s32 v47, $0x18;
	v28 =	vcvt.s32.f32 v3;
	v12 =	vcvt.s32.f32 v5  }
0x60a: {  	v5 =	vld [tilespmem:$0x1FF60];
	v3 =	vperm.xlane v43, v27;
	v0 =	vshra.s32 v0, $0x18;
	v63 =	vshll.u32 v24, $0x18  }
0x60b: {  	[tilespmem:$0x1F1E0] =	vst v46;
	v46 =	vld [tilespmem:s12+$0xFFFFFFD0];
	v47 =	vcvt.s32.f32 v47;
	v59 =	vshll.u32 v24, $0x10;
	v55 =	vshra.s32 v63, $0x18  }
0x60c: {  	v60 =	vshll.u32 v24, $0x8;
	v59 =	vshra.s32 v59, $0x18;
	v55 =	vcvt.s32.f32 v55  }
0x60d: {  	v20 =	vcvt.s32.f32 v0;
	v60 =	vshra.s32 v60, $0x18;
	v59 =	vcvt.s32.f32 v59  }
0x60e: {  	v24 =	vshra.s32 v24, $0x18;
	v60 =	vcvt.s32.f32 v60;
	v55 =	vsub.f32 v55, v58  }
0x60f: {  	v0 =	vor.u32 s23, v5;
	v24 =	vcvt.s32.f32 v24;
	v59 =	vsub.f32 v59, v58  }
0x610: {  	v5 =	vperm.xlane v46, v27;
	v60 =	vsub.f32 v60, v58;
	v55 =	vmul.f32 v55, v51  }
0x611: {  	s16 =	sadd.s32 $0x100, s15;
	v63 =	vcvt.s32.f32 v39;
	v24 =	vsub.f32 v24, v58;
	v59 =	vmul.f32 v59, v51  }
0x612: {  	v39 =	vor.u32 s16, v13;
	v28 =	vsub.f32 v28, v5;
	[tilespmem:v33+s30+$0x0] =	vst.idx.msk $0xffff, v55;
	v33 =	vmul.f32 v60, v51  }
0x613: {  	v58 =	vshra.s32 v48, $0x18;
	v48 =	vor.u32 s18, v32;
	v24 =	vmul.f32 v24, v51;
	[tilespmem:v57+s30+$0x0] =	vst.idx.msk $0xffff, v59  }
0x614: {  	v60 =	vshra.s32 v54, $0x18;
	v59 =	vshra.s32 v53, $0x18;
	v53 =	vor.u32 s23, v18;
	[tilespmem:v61+s30+$0x0] =	vst.idx.msk $0xffff, v33  }
0x615: {  	v55 =	vor.u32 s18, v26;
	v51 =	vor.u32 s16, v26;
	v26 =	vcvt.s32.f32 v37;
	[tilespmem:$0x1F270] =	vst v53  }
0x616: {  	v37 =	vcvt.s32.f32 v62;
	v53 =	vld [tilespmem:$0x1F0F0];
	[tilespmem:v34+s30+$0x0] =	vst.idx.msk $0xffff, v24;
	v24 =	vshra.s32 v52, $0x18;
	v52 =	vor.u32 s23, v17  }
0x617: {  	v57 =	vor.u32 s15, v15;
	v61 =	vshra.s32 v49, $0x18;
	v33 =	vcvt.s32.f32 v7;
	[tilespmem:$0x1F260] =	vst v52;
	v52 =	vld [tilespmem:$0x1F100]  }
0x618: {  	[tilespmem:$0x1F280] =	vst v0;
	v49 =	vor.u32 s18, v13;
	v7 =	vcvt.s32.f32 v1;
	v13 =	vperm.xlane v38, v19  }
0x619: {  	[tilespmem:$0x1F240] =	vst v39;
	v34 =	vor.u32 s16, v32;
	v32 =	vcvt.s32.f32 v42;
	v42 =	vor.u32 s16, v15  }
0x61a: {  	v61 =	vcvt.s32.f32 v61;
	v15 =	vsub.f32 v4, v6;
	v4 =	vperm.xlane v35, v27;
	[tilespmem:$0x1F230] =	vst v34  }
0x61b: {  	[tilespmem:$0x1F250] =	vst v42;
	v34 =	vcvt.s32.f32 v14;
	v14 =	vsub.f32 v10, v6;
	v0 =	vperm.xlane v53, v27  }
0x61c: {  	v42 =	vmovc v17;
	v17 =	vsub.f32 v30, v5;
	v1 =	vperm.xlane v52, v27;
	v27 =	vsub.f32 v11, v5  }
0x61d: {  	v54 =	vmovc v18;
	v11 =	vperm.xlane v46, v19;
	v18 =	vsub.f32 v12, v0;
	v5 =	vsub.f32 v26, v5  }
0x61e: {  	v39 =	vmovc v35;
	v35 =	vld [tilespmem:$0x1F110];
	v10 =	vperm.xlane v44, v19;
	v31 =	vsub.f32 v31, v1;
	v22 =	vsub.f32 v22, v1  }
0x61f: {  	v20 =	vsub.f32 v20, v1;
	v26 =	vmul.f32 v27, v11;
	v27 =	vsub.f32 v41, v0;
	v41 =	vld [tilespmem:$0x1F120]  }
0x620: {  	v62 =	vsub.f32 v47, v1;
	v1 =	vmul.f32 v17, v11;
	v17 =	vsub.f32 v61, v2;
	v61 =	vld [tilespmem:$0x1F130]  }
0x621: {  	v12 =	vperm.xlane v53, v19;
	v30 =	vsub.f32 v33, v0;
	v33 =	vsub.f32 v7, v0  }
0x622: {  	[tilespmem:$0x1F2A0] =	vst v9;
	v9 =	vperm.xlane v52, v19;
	v7 =	vperm.xlane v43, v19;
	v19 =	vsub.f32 v37, v3;
	v37 =	vld [tilespmem:$0x1FF60]  }
0x623: {  	v16 =	vsub.f32 v16, v6  }
0x624: {  	v14 =	vmul.f32 v14, v13  }
0x625: {  	v16 =	vmul.f32 v16, v13  }
0x626: {  	v15 =	vmul.f32 v15, v13;
	[tilespmem:v35+s30+$0x0] =	vst.idx.msk $0xffff, v14;
	v35 =	vld [tilespmem:$0x1F140]  }
0x627: {  	v0 =	vor.u32 s22, v37;
	v37 =	vld [tilespmem:$0x1F150];
	[tilespmem:v41+s30+$0x0] =	vst.idx.msk $0xffff, v16  }
0x628: {  	[tilespmem:v61+s30+$0x0] =	vst.idx.msk $0xffff, v15;
	v61 =	vld [tilespmem:$0x1F160];
	_ =	sdelay $0x3  }
0x629: {  	v21 =	vshra.s32 v21, $0x18  }
0x62a: {  	v21 =	vcvt.s32.f32 v21  }
0x62b: {  	v32 =	vsub.f32 v32, v3;
	v28 =	vmul.f32 v28, v11;
	[tilespmem:v35+s30+$0x0] =	vst.idx.msk $0xffff, v26  }
0x62c: {  	v6 =	vsub.f32 v34, v6;
	v34 =	vsub.f32 v21, v4;
	[tilespmem:v37+s30+$0x0] =	vst.idx.msk $0xffff, v1  }
0x62d: {  	v21 =	vmul.f32 v33, v12;
	v33 =	vor.u32 s1, v42;
	[tilespmem:v61+s30+$0x0] =	vst.idx.msk $0xffff, v28;
	v28 =	vmul.f32 v32, v7;
	v32 =	vld [tilespmem:$0x1F170]  }
0x62e: {  	[tilespmem:$0x1F2C0] =	vst v33;
	v33 =	vld [tilespmem:$0x1F180];
	_ =	sdelay $0x1  }
0x62f: {  	v18 =	vmul.f32 v18, v12;
	v14 =	vmul.f32 v30, v12  }
0x630: {  	v5 =	vmul.f32 v5, v11;
	v11 =	vmul.f32 v27, v12;
	v12 =	vld [tilespmem:$0x1FF60];
	_ =	sdelay $0x3  }
0x631: {  	[tilespmem:v32+s30+$0x0] =	vst.idx.msk $0xffff, v18  }
0x632: {  	[tilespmem:v33+s30+$0x0] =	vst.idx.msk $0xffff, v14;
	v14 =	vor.u32 s19, v12;
	v12 =	vld [tilespmem:$0x1F1A0];
	_ =	sdelay $0x3  }
0x633: {  	v6 =	vmul.f32 v6, v13;
	v13 =	vld [tilespmem:$0x1F200];
	_ =	sdelay $0x3  }
0x634: {  	v25 =	vsub.f32 v25, v2;
	[tilespmem:v12+s30+$0x0] =	vst.idx.msk $0xffff, v6;
	v12 =	vld [tilespmem:$0x1F1B0];
	_ =	sdelay $0x1  }
0x635: {  	[tilespmem:$0x1F2B0] =	vst v0;
	v0 =	vmul.f32 v25, v10;
	_ =	sdelay $0x1  }
0x636: {  	[tilespmem:v13+s30+$0x0] =	vst.idx.msk $0xffff, v0;
	v13 =	vld [tilespmem:$0x1F210]  }
0x637: {  	v23 =	vshra.s32 v23, $0x18  }
0x638: {  	v23 =	vcvt.s32.f32 v23  }
0x639: {  	v35 =	vld [tilespmem:$0x1F190]  }
0x63a: {  	v23 =	vsub.f32 v23, v2;
	[tilespmem:v12+s30+$0x0] =	vst.idx.msk $0xffff, v5;
	v12 =	vld [tilespmem:$0x1F1C0];
	_ =	sdelay $0x1  }
0x63b: {  	v26 =	vmul.f32 v23, v10;
	_ =	sdelay $0x1  }
0x63c: {  	[tilespmem:v13+s30+$0x0] =	vst.idx.msk $0xffff, v26;
	v13 =	vld [tilespmem:$0x1F220];
	_ =	sdelay $0x2  }
0x63d: {  	[tilespmem:v35+s30+$0x0] =	vst.idx.msk $0xffff, v21  }
0x63e: {  	v63 =	vsub.f32 v63, v2;
	[tilespmem:v12+s30+$0x0] =	vst.idx.msk $0xffff, v11;
	v12 =	vld [tilespmem:$0x1F1D0];
	_ =	sdelay $0x1  }
0x63f: {  	v63 =	vmul.f32 v63, v10;
	_ =	sdelay $0x1  }
0x640: {  	[tilespmem:v13+s30+$0x0] =	vst.idx.msk $0xffff, v63;
	v13 =	vld [tilespmem:$0x1F230]  }
0x641: {  	v58 =	vcvt.s32.f32 v58  }
0x642: {  	v59 =	vcvt.s32.f32 v59;
	v16 =	vmul.f32 v31, v9  }
0x643: {  	v45 =	vshra.s32 v45, $0x18;
	v58 =	vsub.f32 v58, v4  }
0x644: {  	v45 =	vcvt.s32.f32 v45;
	v59 =	vsub.f32 v59, v4;
	[tilespmem:v12+s30+$0x0] =	vst.idx.msk $0xffff, v16;
	v12 =	vld [tilespmem:$0x1FF60]  }
0x645: {  	v60 =	vcvt.s32.f32 v60;
	v2 =	vmul.f32 v58, v8  }
0x646: {  	v24 =	vcvt.s32.f32 v24;
	v18 =	vmul.f32 v59, v8  }
0x647: {  	v60 =	vsub.f32 v60, v4;
	[tilespmem:v51+s30+$0x0] =	vst.idx.msk $0xffff, v2  }
0x648: {  	v45 =	vsub.f32 v45, v3;
	v24 =	vsub.f32 v24, v3;
	[tilespmem:v13+s30+$0x0] =	vst.idx.msk $0xffff, v18;
	v13 =	vld [tilespmem:$0x1F240]  }
0x649: {  	v3 =	vmul.f32 v60, v8;
	v60 =	vperm.xlane v43, v29;
	v23 =	vor.u32 s18, v12;
	v12 =	vld [tilespmem:$0x1F1E0]  }
0x64a: {  	v43 =	vperm.xlane v43, v40;
	v45 =	vmul.f32 v45, v7  }
0x64b: {  	v47 =	vor.u32 s22, v36;
	v58 =	vperm.xlane v38, v29;
	v30 =	vmul.f32 v22, v9  }
0x64c: {  	v20 =	vmul.f32 v20, v9;
	v25 =	vor.u32 s1, v36;
	v6 =	vmul.f32 v17, v10;
	v10 =	vld [tilespmem:s17+$0x1090]  }
0x64d: {  	v41 =	vor.u32 s1, v54;
	v9 =	vmul.f32 v62, v9;
	v31 =	vperm.xlane v46, v40  }
0x64e: {  	v62 =	vor.u32 s19, v36;
	v1 =	vmul.f32 v24, v7;
	v7 =	vmul.f32 v19, v7;
	v11 =	vld [tilespmem:s17+$0x10D0]  }
0x64f: {  	v37 =	vor.u32 s19, v42;
	v61 =	vperm.xlane v39, v29;
	v5 =	vmul.f32 v34, v8;
	v8 =	vld [tilespmem:s17+$0x10B0]  }
0x650: {  	v24 =	vor.u32 s18, v36;
	v59 =	vperm.xlane v44, v29;
	v32 =	vperm.xlane v38, v40;
	[tilespmem:v13+s30+$0x0] =	vst.idx.msk $0xffff, v3;
	v13 =	vld [tilespmem:$0x1F250]  }
0x651: {  	v44 =	vperm.xlane v44, v40;
	v33 =	vperm.xlane v46, v29;
	v17 =	vshll.u32 v10, $0x8;
	[tilespmem:v12+s30+$0x0] =	vst.idx.msk $0xffff, v30;
	v12 =	vld [tilespmem:$0x1F1F0]  }
0x652: {  	[tilespmem:v55+s30+$0x0] =	vst.idx.msk $0xffff, v45;
	v21 =	vor.u32 s18, v42;
	v35 =	vperm.xlane v53, v29;
	v17 =	vshra.s32 v17, $0x18  }
0x653: {  	[tilespmem:v57+s30+$0x0] =	vst.idx.msk $0xffff, v6;
	v34 =	vperm.xlane v52, v29;
	v3 =	vcvt.s32.f32 v17;
	v29 =	vshll.u32 v11, $0x10  }
0x654: {  	[tilespmem:v48+s30+$0x0] =	vst.idx.msk $0xffff, v1;
	v53 =	vperm.xlane v53, v40;
	v19 =	vshll.u32 v8, $0x10;
	v6 =	vshra.s32 v29, $0x18;
	v29 =	vld [tilespmem:s17+$0x1110]  }
0x655: {  	[tilespmem:v49+s30+$0x0] =	vst.idx.msk $0xffff, v28;
	v3 =	vsub.f32 v3, v58;
	v19 =	vshra.s32 v19, $0x18;
	v46 =	vshll.u32 v11, $0x8  }
0x656: {  	[tilespmem:v50+s30+$0x0] =	vst.idx.msk $0xffff, v7;
	v7 =	vcvt.s32.f32 v19;
	v26 =	vshra.s32 v46, $0x18;
	v6 =	vcvt.s32.f32 v6  }
0x657: {  	v3 =	vmul.f32 v3, v32;
	v16 =	vshll.u32 v10, $0x10;
	v26 =	vcvt.s32.f32 v26  }
0x658: {  	[tilespmem:v13+s30+$0x0] =	vst.idx.msk $0xffff, v5;
	v7 =	vsub.f32 v7, v33;
	v16 =	vshra.s32 v16, $0x18;
	v6 =	vsub.f32 v6, v35  }
0x659: {  	v13 =	vld [tilespmem:$0x1F260];
	v26 =	vsub.f32 v26, v35;
	v51 =	vshll.u32 v29, $0x18;
	[tilespmem:v12+s30+$0x0] =	vst.idx.msk $0xffff, v20;
	v12 =	vshll.u32 v10, $0x18  }
0x65a: {  	v28 =	vshll.u32 v29, $0x10;
	v2 =	vshra.s32 v51, $0x18;
	v12 =	vshra.s32 v12, $0x18  }
0x65b: {  	v18 =	vshra.s32 v28, $0x18;
	v2 =	vcvt.s32.f32 v2;
	v50 =	vcvt.s32.f32 v12  }
0x65c: {  	v17 =	vshra.s32 v29, $0x18;
	v6 =	vmul.f32 v6, v53;
	v18 =	vcvt.s32.f32 v18  }
0x65d: {  	v17 =	vcvt.s32.f32 v17;
	v2 =	vsub.f32 v2, v59;
	v5 =	vsub.f32 v50, v58  }
0x65e: {  	v18 =	vsub.f32 v18, v59;
	v30 =	vor.u32 s16, v42;
	v20 =	vshll.u32 v8, $0x8  }
0x65f: {  	v10 =	vshra.s32 v10, $0x18;
	[tilespmem:v56+s30+$0x0] =	vst.idx.msk $0xffff, v9;
	v9 =	vshll.u32 v8, $0x18;
	v5 =	vmul.f32 v5, v32  }
0x660: {  	v56 =	vshll.u32 v11, $0x18;
	v20 =	vshra.s32 v20, $0x18;
	v8 =	vshra.s32 v8, $0x18;
	v27 =	vld [tilespmem:s17+$0x10F0]  }
0x661: {  	v11 =	vshra.s32 v11, $0x18;
	v10 =	vcvt.s32.f32 v10;
	v9 =	vshra.s32 v9, $0x18;
	[tilespmem:v13+s30+$0x0] =	vst.idx.msk $0xffff, v5;
	v13 =	vld [tilespmem:$0x1F270]  }
0x662: {  	v0 =	vshra.s32 v56, $0x18;
	v12 =	vcvt.s32.f32 v16;
	v19 =	vcvt.s32.f32 v20  }
0x663: {  	v20 =	vld [tilespmem:s17+$0x1150];
	v11 =	vcvt.s32.f32 v11;
	v9 =	vcvt.s32.f32 v9;
	v10 =	vsub.f32 v10, v58  }
0x664: {  	v0 =	vcvt.s32.f32 v0;
	v12 =	vsub.f32 v12, v58;
	v19 =	vsub.f32 v19, v33  }
0x665: {  	v8 =	vcvt.s32.f32 v8;
	v11 =	vsub.f32 v11, v35;
	v9 =	vsub.f32 v9, v33  }
0x666: {  	v0 =	vsub.f32 v0, v35;
	v12 =	vmul.f32 v12, v32;
	v55 =	vshll.u32 v27, $0x18  }
0x667: {  	v56 =	vshll.u32 v27, $0x10;
	v57 =	vshll.u32 v27, $0x8;
	v16 =	vshra.s32 v27, $0x18  }
0x668: {  	v46 =	vshll.u32 v20, $0x10;
	v9 =	vmul.f32 v9, v31;
	v0 =	vmul.f32 v0, v53  }
0x669: {  	v4 =	vmovc v36;
	v63 =	vshra.s32 v55, $0x18;
	v36 =	vshra.s32 v56, $0x18;
	v38 =	vshra.s32 v57, $0x18;
	[tilespmem:v13+s30+$0x0] =	vst.idx.msk $0xffff, v12;
	v12 =	vld [tilespmem:$0x1FF60]  }
0x66a: {  	v55 =	vshll.u32 v29, $0x8;
	v50 =	vshra.s32 v46, $0x18;
	v16 =	vcvt.s32.f32 v16  }
0x66b: {  	v46 =	vperm.xlane v52, v40;
	v40 =	vperm.xlane v39, v40;
	v28 =	vshra.s32 v55, $0x18  }
0x66c: {  	v27 =	vld [tilespmem:s17+$0x1130];
	v1 =	vcvt.s32.f32 v63;
	v63 =	vshll.u32 v20, $0x18;
	v55 =	vshll.u32 v20, $0x8  }
0x66d: {  	v36 =	vcvt.s32.f32 v36;
	v38 =	vcvt.s32.f32 v38;
	v20 =	vshra.s32 v20, $0x18  }
0x66e: {  	v50 =	vcvt.s32.f32 v50;
	v49 =	vshra.s32 v63, $0x18;
	v39 =	vor.u32 s16, v12;
	v12 =	vld [tilespmem:$0x1F280]  }
0x66f: {  	v51 =	vshra.s32 v55, $0x18;
	v28 =	vcvt.s32.f32 v28;
	v58 =	vsub.f32 v16, v34  }
0x670: {  	v20 =	vcvt.s32.f32 v20;
	v1 =	vsub.f32 v1, v34;
	v36 =	vsub.f32 v36, v34  }
0x671: {  	v38 =	vsub.f32 v38, v34;
	v34 =	vor.u32 s15, v42;
	v29 =	vshll.u32 v27, $0x18  }
0x672: {  	v56 =	vshll.u32 v27, $0x10;
	v57 =	vshll.u32 v27, $0x8;
	v27 =	vshra.s32 v27, $0x18  }
0x673: {  	v29 =	vshra.s32 v29, $0x18;
	v45 =	vshra.s32 v56, $0x18;
	v27 =	vcvt.s32.f32 v27  }
0x674: {  	v42 =	vld [tilespmem:$0x1F2C0];
	v48 =	vshra.s32 v57, $0x18;
	v29 =	vcvt.s32.f32 v29;
	v45 =	vcvt.s32.f32 v45  }
0x675: {  	[tilespmem:$0x1F2E0] =	vst v47;
	v47 =	vld [tilespmem:$0x1FF60];
	v57 =	vsub.f32 v50, v61;
	v48 =	vcvt.s32.f32 v48;
	v27 =	vsub.f32 v27, v60  }
0x676: {  	v49 =	vcvt.s32.f32 v49;
	v29 =	vsub.f32 v29, v60;
	v45 =	vsub.f32 v45, v60;
	[tilespmem:v12+s30+$0x0] =	vst.idx.msk $0xffff, v3;
	v12 =	vld [tilespmem:$0x1F290]  }
0x677: {  	v48 =	vsub.f32 v48, v60;
	v60 =	vsub.f32 v20, v61;
	v20 =	vmul.f32 v57, v40;
	v57 =	vld [tilespmem:$0x1F2D0]  }
0x678: {  	v51 =	vcvt.s32.f32 v51;
	v52 =	vsub.f32 v28, v59;
	v35 =	vmul.f32 v36, v46;
	v36 =	vld [tilespmem:$0x1F2A0]  }
0x679: {  	v59 =	vsub.f32 v17, v59;
	v55 =	vsub.f32 v49, v61;
	v1 =	vmul.f32 v1, v46  }
0x67a: {  	v8 =	vsub.f32 v8, v33;
	v33 =	vmul.f32 v38, v46;
	v50 =	vmul.f32 v18, v44;
	v38 =	vld [tilespmem:$0x1F2B0]  }
0x67b: {  	v18 =	vmul.f32 v55, v40;
	[tilespmem:v37+s30+$0x0] =	vst.idx.msk $0xffff, v1;
	v55 =	vmul.f32 v59, v44;
	v59 =	vld [tilespmem:$0x1F2E0]  }
0x67c: {  	v47 =	vor.u32 s1, v47;
	v28 =	vmul.f32 v2, v44;
	v51 =	vsub.f32 v51, v61;
	[tilespmem:v42+s30+$0x0] =	vst.idx.msk $0xffff, v0  }
0x67d: {  	s13 =	sadd.s32 $0x8, s13;
	v22 =	vor.u32 s18, v54;
	v17 =	vmul.f32 v48, v43;
	v48 =	vmul.f32 v10, v32;
	[tilespmem:v41+s30+$0x0] =	vst.idx.msk $0xffff, v6  }
0x67e: {  	p0 =	slt.u32 s13, $0x78;
	v15 =	vor.u32 s19, v54;
	v56 =	vmul.f32 v7, v31;
	v7 =	vmul.f32 v19, v31;
	[tilespmem:v12+s30+$0x0] =	vst.idx.msk $0xffff, v9;
	v12 =	vld [tilespmem:$0x1FF60]  }
.Ltmp3:
0x67f: {  	v63 =	vor.u32 s16, v4;
	v49 =	vmul.f32 v52, v44;
	v3 =	vmul.f32 v26, v53;
	[tilespmem:v57+s30+$0x0] =	vst.idx.msk $0xffff, v48;
	(pc) =	sbr.rel @p0 .LBB2_9-.Ltmp3, $4  }
0x680: {  	v61 =	vor.u32 s16, v54;
	v52 =	vmul.f32 v29, v43;
	[tilespmem:v36+s30+$0x0] =	vst.idx.msk $0xffff, v56;
	v36 =	vmul.f32 v45, v43  }
0x681: {  	v54 =	vor.u32 s15, v54;
	[tilespmem:v47+s30+$0x0] =	vst.idx.msk $0xffff, v3;
	v45 =	vmul.f32 v51, v40;
	v51 =	vmul.f32 v8, v31  }
0x682: {  	v48 =	vmul.f32 v60, v40;
	v47 =	vmul.f32 v58, v46;
	v56 =	vor.u32 s15, v4;
	[tilespmem:v38+s30+$0x0] =	vst.idx.msk $0xffff, v7  }
0x683: {  	v31 =	vmul.f32 v11, v53;
	v53 =	vmul.f32 v27, v43;
	[tilespmem:v59+s30+$0x0] =	vst.idx.msk $0xffff, v51;
	v16 =	vor.u32 s15, v12;
	s15 =	sadd.s32 $0x400, s15  }
0x684: {  	_ =	sdelay $0x3  }
0x685: {  	[tilespmem:v15+s30+$0x0] =	vst.idx.msk $0xffff, v35  }
0x686: {  	[tilespmem:v34+s30+$0x0] =	vst.idx.msk $0xffff, v28  }
0x687: {  	[tilespmem:v21+s30+$0x0] =	vst.idx.msk $0xffff, v52  }
0x688: {  	[tilespmem:v30+s30+$0x0] =	vst.idx.msk $0xffff, v18  }
0x689: {  	[tilespmem:v25+s30+$0x0] =	vst.idx.msk $0xffff, v31  }
0x68a: {  	[tilespmem:v14+s30+$0x0] =	vst.idx.msk $0xffff, v33  }
0x68b: {  	[tilespmem:v54+s30+$0x0] =	vst.idx.msk $0xffff, v50  }
0x68c: {  	[tilespmem:v22+s30+$0x0] =	vst.idx.msk $0xffff, v36  }
0x68d: {  	[tilespmem:v61+s30+$0x0] =	vst.idx.msk $0xffff, v20  }
0x68e: {  	[tilespmem:v62+s30+$0x0] =	vst.idx.msk $0xffff, v47  }
0x68f: {  	[tilespmem:v16+s30+$0x0] =	vst.idx.msk $0xffff, v49  }
0x690: {  	[tilespmem:v23+s30+$0x0] =	vst.idx.msk $0xffff, v17  }
0x691: {  	s1 =	sadd.s32 s11, s8;
	[tilespmem:v39+s30+$0x0] =	vst.idx.msk $0xffff, v45  }
0x692: {  	s1 =	sshll.u32 s1, $0x4;
	[tilespmem:v56+s30+$0x0] =	vst.idx.msk $0xffff, v55  }
0x693: {  	s1 =	sand.u32 $0x1FFFF800, s1;
	[tilespmem:v24+s30+$0x0] =	vst.idx.msk $0xffff, v53  }
0x694: {  	s23 =	sadd.s32 s11, s14;
	[tilespmem:v63+s30+$0x0] =	vst.idx.msk $0xffff, v48;
	s1 =	sadd.s32 s2, s1  }
0x695: {  	[hbm4b:s1+s3] =	stream.linear.scatter [tilespmem:s30], [sflag:$0x4], $0x4000, $0x38;
	[tilespmem:$0xB100] =	vst v63  }
0x696: {  	s1 =	sshrl.u32 s23, $0x3  }
0x697: {  	s7 =	sadd.s32 $0x1, s7;
	s1 =	sadd.s32 s4, s1  }
0x698: {  	[tilespmem:s21], [sflag:$0x5] =	stream.linear.gather [hbm4b:s1+s3], $0x80, $0x38;
	[tilespmem:$0xB100] =	vst v63  }
0x699: {  	p0 =	sne.s32 s7, $0x18;
	_ =	swait.ge [sflag:s20], $0x80  }
.Ltmp4:
0x69a: {  	[sflag:s20] =	ssyncset.done $0x0;
	(pc) =	sbr.rel @p0 .LBB2_6-.Ltmp4, $4  }
0x69b: {  	s24 =	simm.s32 $0x1100;
	[sflag:s20] =	ssyncadd.s32 $0xFFFFFF80  }
0x69c: {  	[tilespmem:s24], [sflag:$0x2] =	stream.indirect.gather [hbm4b:s5+s21], $0x20, s21, s21, $0xb8;
	[tilespmem:$0xB100] =	vst v63  }
0x69d: {  	_ = 	snop  }
0x69e: {  	[tilespmem:s25], [sflag:$0x2] =	stream.indirect.gather [hbm4b:s6+s21], $0x10, s21, s21, $0xb8;
	[tilespmem:$0xB100] =	vst v63  }
0x69f: {  	_ =	swait.ge [sflag:s26], $0x1000  }
0x6a0: {  	[sflag:s26] =	ssyncset.done $0x0  }
0x6a1: {  	[sflag:s26] =	ssyncadd.s32 $0xFFFFF000  }
0x6a2: {  	_ =	swait.ge [sflag:s26], $0x800  }
0x6a3: {  	[sflag:s26] =	ssyncset.done $0x0  }
0x6a4: {  	[sflag:s26] =	ssyncadd.s32 $0xFFFFF800  }
0x6a5: {  	_ =	swait.ge [sflag:s31], $0x4000  }
0x6a6: {  	v56 =	vld [tilespmem:$0x1FF70]  }
0x6a7: {  	v18 =	vld [tilespmem:$0x1FF90]  }
0x6a8: {  	v20 =	vld [tilespmem:$0x1FFA0];
	_ =	sdelay $0x1  }
0x6a9: {  	s12 =	simm.s32 $0x200;
	v19 =	vld [tilespmem:$0x1FFB0]  }
0x6aa: {  	v0 =	vor.u32 s12, v56  }
0x6ab: {  	v47 =	vor.u32 s12, v18;
	[tilespmem:$0x1F030] =	vst v0  }
0x6ac: {  	[sflag:s31] =	ssyncset.done $0x0;
	v48 =	vor.u32 s12, v20;
	[tilespmem:$0x1F040] =	vst v47  }
0x6ad: {  	s16 =	simm.s32 $0x0;
	s15 =	simm.s32 $0x80;
	[sflag:s31] =	ssyncadd.s32 $0xFFFFC000;
	[tilespmem:$0x1F050] =	vst v48  }
0x6ae: {  	v1 =	vor.u32 s16, v19;
	v0 =	vld [tilespmem:s15+$0x160]  }
0x6af: {  	s7 =	simm.s32 $0x2140;
	v55 =	vld [tilespmem:$0x1FF80];
	[tilespmem:$0x1EFF0] =	vst v1  }
0x6b0: {  	v1 =	vld [tilespmem:s7+$0x30]  }
0x6b1: {  	s1 =	simm.s32 $0x80;
	s13 =	simm.s32 $0x100;
	s11 =	simm.s32 $0x180;
	v42 =	vor.u32 s16, v56;
	v41 =	vor.u32 s16, v18  }
0x6b2: {  	s17 =	simm.s32 $0x380;
	v15 =	vld [tilespmem:$0x1FF50];
	v2 =	vor.u32 s1, v19;
	v49 =	vor.u32 s13, v19;
	v50 =	vor.u32 s11, v56  }
0x6b3: {  	v3 =	vor.u32 s17, v56;
	v4 =	vor.u32 s17, v18;
	[tilespmem:$0x1F000] =	vst v2;
	v51 =	vshll.u32 v0, $0x18  }
0x6b4: {  	[tilespmem:$0x1F010] =	vst v49;
	v6 =	vshll.u32 v0, $0x10;
	v7 =	vshll.u32 v0, $0x8;
	v2 =	vshra.s32 v51, $0x18  }
0x6b5: {  	[tilespmem:$0x1F020] =	vst v50;
	v5 =	vperm.xlane v1, v55;
	v6 =	vshra.s32 v6, $0x18;
	v2 =	vcvt.s32.f32 v2  }
0x6b6: {  	v8 =	vld [tilespmem:s15+$0x80];
	v0 =	vshra.s32 v0, $0x18;
	v7 =	vshra.s32 v7, $0x18;
	v6 =	vcvt.s32.f32 v6  }
0x6b7: {  	v9 =	vperm.xlane v1, v15;
	v7 =	vcvt.s32.f32 v7;
	v2 =	vsub.f32 v2, v5  }
0x6b8: {  	v11 =	vor.u32 s17, v20;
	v10 =	vld [tilespmem:s15+$0xA0];
	v0 =	vcvt.s32.f32 v0;
	v6 =	vsub.f32 v6, v5  }
0x6b9: {  	v12 =	vor.u32 s17, v19;
	v21 =	vld [tilespmem:s15+$0xC0];
	v7 =	vsub.f32 v7, v5;
	v2 =	vmul.f32 v2, v9  }
0x6ba: {  	v40 =	vor.u32 s1, v56;
	v23 =	vld [tilespmem:s15+$0xE0];
	v0 =	vsub.f32 v0, v5;
	v6 =	vmul.f32 v6, v9  }
0x6bb: {  	v36 =	vor.u32 s13, v56;
	v13 =	vshll.u32 v8, $0x18;
	v52 =	vmul.f32 v7, v9;
	[tilespmem:v3+s28+$0x0] =	vst.idx.msk $0xffff, v2  }
0x6bc: {  	v53 =	vshll.u32 v8, $0x10;
	v14 =	vshll.u32 v8, $0x8;
	v0 =	vmul.f32 v0, v9;
	[tilespmem:v4+s28+$0x0] =	vst.idx.msk $0xffff, v6  }
0x6bd: {  	v54 =	vshll.u32 v10, $0x18;
	v60 =	vshll.u32 v10, $0x10;
	v28 =	vshll.u32 v10, $0x8;
	[tilespmem:v11+s28+$0x0] =	vst.idx.msk $0xffff, v52  }
0x6be: {  	v61 =	vshll.u32 v21, $0x18;
	v62 =	vshll.u32 v21, $0x10;
	v22 =	vshll.u32 v21, $0x8;
	[tilespmem:v12+s28+$0x0] =	vst.idx.msk $0xffff, v0  }
0x6bf: {  	v57 =	vshll.u32 v23, $0x18;
	v24 =	vshll.u32 v23, $0x10;
	v25 =	vshll.u32 v23, $0x8;
	v12 =	vld [tilespmem:s15+$0x170]  }
0x6c0: {  	v8 =	vshra.s32 v8, $0x18;
	v10 =	vshra.s32 v10, $0x18;
	v23 =	vshra.s32 v23, $0x18  }
0x6c1: {  	v49 =	vshra.s32 v13, $0x18;
	v51 =	vshra.s32 v14, $0x18;
	v58 =	vshra.s32 v28, $0x18;
	v0 =	vld [tilespmem:$0x1FFC0]  }
0x6c2: {  	v22 =	vshra.s32 v22, $0x18;
	v59 =	vshra.s32 v24, $0x18;
	v24 =	vshra.s32 v25, $0x18;
	v29 =	vld [tilespmem:$0x1FF40]  }
0x6c3: {  	v8 =	vcvt.s32.f32 v8;
	v10 =	vcvt.s32.f32 v10;
	v7 =	vshra.s32 v53, $0x18  }
0x6c4: {  	v9 =	vshra.s32 v60, $0x18;
	v7 =	vcvt.s32.f32 v7;
	v37 =	vld [tilespmem:$0x1FFE0];
	v13 =	vshll.u32 v12, $0x18  }
0x6c5: {  	v9 =	vcvt.s32.f32 v9;
	v6 =	vshra.s32 v54, $0x18;
	v13 =	vshra.s32 v13, $0x18  }
0x6c6: {  	v5 =	vld [tilespmem:s15+$0x100];
	v14 =	vperm.xlane v1, v0;
	v16 =	vshll.u32 v12, $0x10;
	v13 =	vcvt.s32.f32 v13  }
0x6c7: {  	v17 =	vshll.u32 v12, $0x8;
	v1 =	vperm.xlane v1, v29;
	v16 =	vshra.s32 v16, $0x18  }
0x6c8: {  	v3 =	vld [tilespmem:s15+$0x120];
	v12 =	vshra.s32 v12, $0x18;
	v16 =	vcvt.s32.f32 v16;
	v52 =	vsub.f32 v13, v14  }
0x6c9: {  	v30 =	vld [tilespmem:$0x1FFD0];
	v17 =	vshra.s32 v17, $0x18;
	v54 =	vcvt.s32.f32 v12;
	v12 =	vor.u32 s17, v37  }
0x6ca: {  	v4 =	vld [tilespmem:s15+$0x140];
	v53 =	vcvt.s32.f32 v17;
	[tilespmem:$0x1F080] =	vst v12;
	v16 =	vsub.f32 v16, v14;
	v12 =	vmul.f32 v52, v1  }
0x6cb: {  	v2 =	vshra.s32 v61, $0x18;
	v26 =	vshll.u32 v5, $0x18;
	v27 =	vshll.u32 v5, $0x10  }
0x6cc: {  	v43 =	vshll.u32 v5, $0x8;
	v63 =	vsub.f32 v53, v14;
	[tilespmem:$0x1F070] =	vst v12;
	v12 =	vmul.f32 v16, v1  }
0x6cd: {  	v2 =	vcvt.s32.f32 v2;
	v25 =	vshra.s32 v26, $0x18;
	v14 =	vsub.f32 v54, v14  }
0x6ce: {  	v26 =	vshra.s32 v27, $0x18;
	v13 =	vor.u32 s17, v30;
	[tilespmem:$0x1F090] =	vst v12;
	v12 =	vmul.f32 v63, v1  }
0x6cf: {  	v27 =	vshra.s32 v43, $0x18;
	v43 =	vcvt.s32.f32 v49;
	[tilespmem:$0x1F060] =	vst v13;
	v1 =	vmul.f32 v14, v1  }
0x6d0: {  	v5 =	vshra.s32 v5, $0x18;
	v49 =	vcvt.s32.f32 v51;
	v6 =	vcvt.s32.f32 v6;
	[tilespmem:$0x1F0A0] =	vst v12  }
0x6d1: {  	v11 =	vshra.s32 v62, $0x18;
	v51 =	vcvt.s32.f32 v58;
	v5 =	vcvt.s32.f32 v5;
	[tilespmem:$0x1F0C0] =	vst v1  }
0x6d2: {  	v47 =	vshll.u32 v4, $0x18;
	v48 =	vshll.u32 v4, $0x10;
	v54 =	vcvt.s32.f32 v25;
	v25 =	vld [tilespmem:s7+$0xFFFFFFC0]  }
0x6d3: {  	v50 =	vshll.u32 v4, $0x8;
	v4 =	vshra.s32 v4, $0x18;
	v53 =	vcvt.s32.f32 v24;
	v24 =	vld [tilespmem:s7+$0xFFFFFFD0]  }
0x6d4: {  	v11 =	vcvt.s32.f32 v11;
	v47 =	vshra.s32 v47, $0x18;
	v4 =	vcvt.s32.f32 v4  }
0x6d5: {  	v48 =	vshra.s32 v48, $0x18;
	v47 =	vcvt.s32.f32 v47;
	v52 =	vcvt.s32.f32 v22;
	v22 =	vld [tilespmem:s7+$0xFFFFFFE0]  }
0x6d6: {  	v50 =	vshra.s32 v50, $0x18;
	v48 =	vcvt.s32.f32 v48;
	v13 =	vcvt.s32.f32 v26;
	v28 =	vld [tilespmem:s7+$0xFFFFFFF0]  }
0x6d7: {  	v26 =	vshra.s32 v21, $0x18;
	v16 =	vcvt.s32.f32 v27;
	v58 =	vperm.xlane v25, v55  }
0x6d8: {  	v12 =	vshra.s32 v57, $0x18;
	v57 =	vcvt.s32.f32 v26;
	v60 =	vperm.xlane v24, v55  }
0x6d9: {  	v14 =	vcvt.s32.f32 v12;
	v21 =	vld [tilespmem:s7+$0x0];
	v43 =	vsub.f32 v43, v58;
	v7 =	vsub.f32 v7, v58  }
0x6da: {  	v61 =	vperm.xlane v22, v55;
	v49 =	vsub.f32 v49, v58;
	v6 =	vsub.f32 v6, v60  }
0x6db: {  	v26 =	vld [tilespmem:s7+$0x10];
	v62 =	vperm.xlane v28, v55;
	v9 =	vsub.f32 v9, v60;
	v51 =	vsub.f32 v51, v60  }
0x6dc: {  	v12 =	vcvt.s32.f32 v59;
	v27 =	vld [tilespmem:s7+$0x20];
	v2 =	vsub.f32 v2, v61;
	v11 =	vsub.f32 v11, v61  }
0x6dd: {  	v50 =	vcvt.s32.f32 v50;
	v52 =	vsub.f32 v52, v61;
	v1 =	vsub.f32 v14, v62  }
0x6de: {  	v63 =	vperm.xlane v21, v55;
	v14 =	vsub.f32 v12, v62;
	v8 =	vsub.f32 v8, v58  }
0x6df: {  	v17 =	vld [tilespmem:$0x1FF60];
	v59 =	vcvt.s32.f32 v23;
	v53 =	vsub.f32 v53, v62;
	v12 =	vsub.f32 v10, v60  }
0x6e0: {  	v58 =	vperm.xlane v26, v55;
	v54 =	vsub.f32 v54, v63;
	v57 =	vsub.f32 v57, v61;
	v10 =	vld [tilespmem:$0x1FFF0]  }
0x6e1: {  	v60 =	vperm.xlane v27, v55;
	v55 =	vsub.f32 v13, v63;
	v59 =	vsub.f32 v59, v62  }
0x6e2: {  	v61 =	vperm.xlane v25, v15;
	v23 =	vsub.f32 v16, v63;
	v5 =	vsub.f32 v5, v63  }
0x6e3: {  	v62 =	vperm.xlane v24, v15;
	v47 =	vsub.f32 v47, v60;
	v48 =	vsub.f32 v48, v60  }
0x6e4: {  	v50 =	vsub.f32 v50, v60;
	v4 =	vsub.f32 v4, v60;
	v60 =	vor.u32 s17, v17  }
0x6e5: {  	v63 =	vperm.xlane v22, v15;
	v43 =	vmul.f32 v43, v61;
	[tilespmem:$0x1F0B0] =	vst v60;
	v60 =	vor.u32 s17, v10  }
0x6e6: {  	v38 =	vor.u32 s1, v18;
	v6 =	vmul.f32 v6, v62;
	[tilespmem:$0x1F0D0] =	vst v60  }
0x6e7: {  	v35 =	vor.u32 s13, v18;
	v2 =	vmul.f32 v2, v63;
	[tilespmem:v42+s28+$0x0] =	vst.idx.msk $0xffff, v43  }
0x6e8: {  	v39 =	vor.u32 s16, v20;
	v7 =	vmul.f32 v7, v61;
	[tilespmem:v40+s28+$0x0] =	vst.idx.msk $0xffff, v6  }
0x6e9: {  	v31 =	vor.u32 s1, v20;
	v9 =	vmul.f32 v9, v62;
	[tilespmem:v36+s28+$0x0] =	vst.idx.msk $0xffff, v2  }
0x6ea: {  	v11 =	vmul.f32 v11, v63;
	[tilespmem:v41+s28+$0x0] =	vst.idx.msk $0xffff, v7  }
0x6eb: {  	v32 =	vor.u32 s13, v20;
	v49 =	vmul.f32 v49, v61;
	[tilespmem:v38+s28+$0x0] =	vst.idx.msk $0xffff, v9  }
0x6ec: {  	v51 =	vmul.f32 v51, v62;
	[tilespmem:v35+s28+$0x0] =	vst.idx.msk $0xffff, v11  }
0x6ed: {  	[tilespmem:v39+s28+$0x0] =	vst.idx.msk $0xffff, v49  }
0x6ee: {  	v52 =	vmul.f32 v52, v63;
	v40 =	vor.u32 s16, v10;
	[tilespmem:v31+s28+$0x0] =	vst.idx.msk $0xffff, v51  }
0x6ef: {  	[tilespmem:$0x1F0E0] =	vst v40  }
0x6f0: {  	[tilespmem:v32+s28+$0x0] =	vst.idx.msk $0xffff, v52  }
0x6f1: {  	v57 =	vmul.f32 v57, v63;
	v63 =	vld [tilespmem:$0x1EFF0];
	_ =	sdelay $0x2  }
0x6f2: {  	v46 =	vshll.u32 v3, $0x8  }
0x6f3: {  	v46 =	vshra.s32 v46, $0x18  }
0x6f4: {  	v46 =	vcvt.s32.f32 v46  }
0x6f5: {  	v61 =	vmul.f32 v8, v61  }
0x6f6: {  	v46 =	vsub.f32 v46, v58;
	v39 =	vperm.xlane v26, v15  }
0x6f7: {  	[tilespmem:v63+s28+$0x0] =	vst.idx.msk $0xffff, v61  }
0x6f8: {  	v35 =	vmul.f32 v46, v39;
	v46 =	vmul.f32 v12, v62;
	v12 =	vld [tilespmem:$0x1F000];
	_ =	sdelay $0x7  }
0x6f9: {  	[tilespmem:v12+s28+$0x0] =	vst.idx.msk $0xffff, v46  }
0x6fa: {  	v12 =	vld [tilespmem:$0x1F010];
	_ =	sdelay $0x5  }
0x6fb: {  	v44 =	vshll.u32 v3, $0x18  }
0x6fc: {  	v45 =	vshll.u32 v3, $0x10;
	v44 =	vshra.s32 v44, $0x18  }
0x6fd: {  	v3 =	vshra.s32 v3, $0x18;
	v45 =	vshra.s32 v45, $0x18;
	v44 =	vcvt.s32.f32 v44;
	[tilespmem:v12+s28+$0x0] =	vst.idx.msk $0xffff, v57  }
0x6fe: {  	v3 =	vcvt.s32.f32 v3;
	v45 =	vcvt.s32.f32 v45;
	v12 =	vld [tilespmem:$0x1F020]  }
0x6ff: {  	v44 =	vsub.f32 v44, v58  }
0x700: {  	v45 =	vsub.f32 v45, v58;
	v58 =	vsub.f32 v3, v58;
	v3 =	vperm.xlane v28, v15;
	_ =	sdelay $0x1  }
0x701: {  	v33 =	vor.u32 s11, v18;
	v13 =	vmul.f32 v1, v3  }
0x702: {  	v34 =	vor.u32 s11, v20;
	v1 =	vmul.f32 v14, v3;
	v36 =	vperm.xlane v27, v15  }
0x703: {  	v8 =	vor.u32 s11, v19;
	v41 =	vperm.xlane v21, v15;
	v49 =	vmul.f32 v53, v3  }
0x704: {  	v47 =	vmul.f32 v47, v36;
	v48 =	vmul.f32 v48, v36  }
0x705: {  	v3 =	vmul.f32 v59, v3;
	v4 =	vmul.f32 v4, v36;
	[tilespmem:v12+s28+$0x0] =	vst.idx.msk $0xffff, v13  }
0x706: {  	v15 =	vperm.xlane v22, v0;
	v32 =	vmul.f32 v50, v36;
	[tilespmem:v33+s28+$0x0] =	vst.idx.msk $0xffff, v1  }
0x707: {  	v36 =	vperm.xlane v24, v0;
	v46 =	vperm.xlane v25, v0;
	[tilespmem:v34+s28+$0x0] =	vst.idx.msk $0xffff, v49  }
0x708: {  	v57 =	vperm.xlane v28, v0;
	v1 =	vperm.xlane v21, v0;
	[tilespmem:v8+s28+$0x0] =	vst.idx.msk $0xffff, v3  }
0x709: {  	v33 =	vperm.xlane v26, v0;
	v34 =	vperm.xlane v27, v0;
	v0 =	vld [tilespmem:$0x1F030];
	_ =	sdelay $0x5  }
0x70a: {  	v6 =	vmul.f32 v54, v41;
	_ =	sdelay $0x1  }
0x70b: {  	[tilespmem:v0+s28+$0x0] =	vst.idx.msk $0xffff, v6  }
0x70c: {  	v0 =	vld [tilespmem:$0x1F040];
	_ =	sdelay $0x5  }
0x70d: {  	s18 =	simm.s32 $0x280;
	v55 =	vmul.f32 v55, v41  }
0x70e: {  	s24 =	simm.s32 $0x300;
	v16 =	vor.u32 s18, v56  }
0x70f: {  	v53 =	vor.u32 s24, v56;
	[tilespmem:v0+s28+$0x0] =	vst.idx.msk $0xffff, v55  }
0x710: {  	v42 =	vor.u32 s18, v18;
	v0 =	vld [tilespmem:$0x1F050]  }
0x711: {  	v14 =	vor.u32 s24, v18;
	v56 =	vmul.f32 v44, v39  }
0x712: {  	v60 =	vor.u32 s16, v37;
	v43 =	vor.u32 s18, v20;
	v51 =	vmul.f32 v23, v41;
	v50 =	vld [tilespmem:s15+$0xD0]  }
0x713: {  	v2 =	vor.u32 s1, v37;
	v5 =	vmul.f32 v5, v41;
	v45 =	vmul.f32 v45, v39;
	v41 =	vld [tilespmem:s15+$0x90];
	[tilespmem:v16+s28+$0x0] =	vst.idx.msk $0xffff, v56  }
0x714: {  	v7 =	vor.u32 s18, v19;
	v9 =	vor.u32 s12, v19;
	v52 =	vld [tilespmem:s15+$0xB0];
	[tilespmem:v53+s28+$0x0] =	vst.idx.msk $0xffff, v47  }
0x715: {  	v38 =	vor.u32 s24, v19;
	v11 =	vor.u32 s16, v17;
	v54 =	vor.u32 s24, v20;
	[tilespmem:v42+s28+$0x0] =	vst.idx.msk $0xffff, v45  }
0x716: {  	v31 =	vor.u32 s1, v17;
	v40 =	vor.u32 s13, v30;
	v23 =	vor.u32 s13, v10;
	[tilespmem:v14+s28+$0x0] =	vst.idx.msk $0xffff, v48  }
0x717: {  	v44 =	vor.u32 s16, v30;
	v62 =	vor.u32 s1, v30;
	v18 =	vshll.u32 v50, $0x8;
	[tilespmem:v43+s28+$0x0] =	vst.idx.msk $0xffff, v35  }
0x718: {  	v39 =	vmul.f32 v58, v39;
	v58 =	vshll.u32 v41, $0x10;
	v18 =	vshra.s32 v18, $0x18;
	[tilespmem:v0+s28+$0x0] =	vst.idx.msk $0xffff, v51  }
0x719: {  	v25 =	vperm.xlane v25, v29;
	v20 =	vshll.u32 v52, $0x8;
	v18 =	vcvt.s32.f32 v18;
	v6 =	vld [tilespmem:s15+$0xF0];
	[tilespmem:v9+s28+$0x0] =	vst.idx.msk $0xffff, v5  }
0x71a: {  	v59 =	vshll.u32 v52, $0x10;
	v19 =	vshll.u32 v50, $0x18;
	[tilespmem:v54+s28+$0x0] =	vst.idx.msk $0xffff, v32;
	v5 =	vshra.s32 v20, $0x18;
	v20 =	vld [tilespmem:s15+$0x110]  }
0x71b: {  	v18 =	vsub.f32 v18, v15;
	v49 =	vshll.u32 v41, $0x18;
	v3 =	vshll.u32 v41, $0x8;
	[tilespmem:v7+s28+$0x0] =	vst.idx.msk $0xffff, v39  }
0x71c: {  	v8 =	vshll.u32 v52, $0x18;
	v55 =	vshll.u32 v50, $0x10;
	[tilespmem:v38+s28+$0x0] =	vst.idx.msk $0xffff, v4;
	v9 =	vshra.s32 v19, $0x18  }
0x71d: {  	v35 =	vshra.s32 v50, $0x18;
	v19 =	vshra.s32 v55, $0x18;
	v9 =	vcvt.s32.f32 v9;
	v14 =	vld [tilespmem:$0x1F060]  }
0x71e: {  	v35 =	vcvt.s32.f32 v35;
	v0 =	vshll.u32 v6, $0x10;
	v19 =	vcvt.s32.f32 v19  }
0x71f: {  	v56 =	vshra.s32 v0, $0x18;
	v9 =	vsub.f32 v9, v15;
	v0 =	vshll.u32 v20, $0x10  }
0x720: {  	v19 =	vsub.f32 v19, v15;
	v39 =	vshra.s32 v0, $0x18;
	v0 =	vsub.f32 v35, v15;
	v15 =	vld [tilespmem:$0x1F070]  }
0x721: {  	v49 =	vshra.s32 v49, $0x18;
	v41 =	vshra.s32 v41, $0x18;
	v3 =	vshra.s32 v3, $0x18  }
0x722: {  	v8 =	vshra.s32 v8, $0x18;
	v3 =	vcvt.s32.f32 v3;
	v12 =	vshll.u32 v6, $0x8  }
0x723: {  	v13 =	vcvt.s32.f32 v41;
	v8 =	vcvt.s32.f32 v8;
	v12 =	vshra.s32 v12, $0x18  }
0x724: {  	v3 =	vsub.f32 v3, v46;
	v12 =	vcvt.s32.f32 v12;
	v43 =	vcvt.s32.f32 v49;
	v49 =	vld [tilespmem:s15+$0x130]  }
0x725: {  	v13 =	vsub.f32 v13, v46;
	v8 =	vsub.f32 v8, v36;
	v42 =	vshra.s32 v52, $0x18;
	[tilespmem:v14+s28+$0x0] =	vst.idx.msk $0xffff, v15  }
0x726: {  	v3 =	vmul.f32 v3, v25;
	v12 =	vsub.f32 v12, v57;
	v47 =	vcvt.s32.f32 v42;
	v14 =	vld [tilespmem:$0x1F080]  }
0x727: {  	v43 =	vsub.f32 v43, v46;
	v38 =	vld [tilespmem:s15+$0x150];
	v51 =	vshra.s32 v58, $0x18;
	v58 =	vshra.s32 v59, $0x18  }
0x728: {  	v55 =	vshll.u32 v6, $0x18;
	v45 =	vcvt.s32.f32 v51;
	v6 =	vshra.s32 v6, $0x18  }
0x729: {  	v48 =	vshll.u32 v49, $0x18;
	v51 =	vshll.u32 v49, $0x10;
	v55 =	vshra.s32 v55, $0x18;
	v15 =	vld [tilespmem:$0x1F090]  }
0x72a: {  	v5 =	vcvt.s32.f32 v5;
	v32 =	vshra.s32 v48, $0x18;
	v4 =	vshra.s32 v51, $0x18  }
0x72b: {  	v54 =	vcvt.s32.f32 v56;
	v6 =	vcvt.s32.f32 v6;
	v45 =	vsub.f32 v45, v46  }
0x72c: {  	v46 =	vshra.s32 v49, $0x18;
	v53 =	vcvt.s32.f32 v55;
	v55 =	vshll.u32 v38, $0x18  }
0x72d: {  	v4 =	vcvt.s32.f32 v4;
	v5 =	vsub.f32 v5, v36;
	v59 =	vshll.u32 v20, $0x18  }
0x72e: {  	v52 =	vshll.u32 v20, $0x8;
	v20 =	vshra.s32 v20, $0x18;
	v7 =	vshra.s32 v59, $0x18;
	[tilespmem:v14+s28+$0x0] =	vst.idx.msk $0xffff, v15  }
0x72f: {  	v50 =	vshra.s32 v52, $0x18;
	v7 =	vcvt.s32.f32 v7;
	v39 =	vcvt.s32.f32 v39;
	v15 =	vld [tilespmem:$0x1F0B0]  }
0x730: {  	v48 =	vsub.f32 v54, v57;
	v20 =	vcvt.s32.f32 v20;
	v56 =	vcvt.s32.f32 v50  }
0x731: {  	v52 =	vshll.u32 v49, $0x8;
	v7 =	vsub.f32 v7, v1;
	v51 =	vsub.f32 v39, v1  }
0x732: {  	v49 =	vsub.f32 v56, v1;
	v1 =	vsub.f32 v20, v1;
	v20 =	vshll.u32 v38, $0x8;
	v14 =	vld [tilespmem:$0x1F0A0]  }
0x733: {  	v6 =	vsub.f32 v6, v57;
	v59 =	vcvt.s32.f32 v58;
	v20 =	vshra.s32 v20, $0x18  }
0x734: {  	v58 =	vshll.u32 v38, $0x10;
	v35 =	vshra.s32 v55, $0x18;
	v20 =	vcvt.s32.f32 v20  }
0x735: {  	v55 =	vmul.f32 v45, v25;
	v45 =	vmul.f32 v13, v25;
	v42 =	vsub.f32 v59, v36  }
0x736: {  	v59 =	vshra.s32 v58, $0x18;
	v58 =	vsub.f32 v20, v34;
	v20 =	vperm.xlane v24, v29  }
0x737: {  	v61 =	vor.u32 s1, v10;
	v13 =	vperm.xlane v22, v29;
	v24 =	vmul.f32 v43, v25;
	[tilespmem:v15+s28+$0x0] =	vst.idx.msk $0xffff, v14  }
0x738: {  	v35 =	vcvt.s32.f32 v35;
	v36 =	vsub.f32 v47, v36;
	v8 =	vmul.f32 v8, v20;
	v16 =	vld [tilespmem:$0x1F0D0]  }
0x739: {  	v9 =	vmul.f32 v9, v13;
	v38 =	vshra.s32 v38, $0x18;
	v39 =	vcvt.s32.f32 v59;
	v14 =	vld [tilespmem:$0x1F0C0];
	[tilespmem:v44+s28+$0x0] =	vst.idx.msk $0xffff, v24  }
0x73a: {  	v47 =	vsub.f32 v53, v57;
	v56 =	vsub.f32 v35, v34;
	v50 =	vcvt.s32.f32 v38;
	[tilespmem:v62+s28+$0x0] =	vst.idx.msk $0xffff, v8  }
0x73b: {  	v46 =	vcvt.s32.f32 v46;
	v57 =	vsub.f32 v39, v34;
	v15 =	vmul.f32 v42, v20;
	[tilespmem:v40+s28+$0x0] =	vst.idx.msk $0xffff, v9  }
0x73c: {  	v59 =	vsub.f32 v50, v34;
	v34 =	vor.u32 s11, v30;
	v5 =	vmul.f32 v5, v20;
	[tilespmem:v60+s28+$0x0] =	vst.idx.msk $0xffff, v55  }
0x73d: {  	v63 =	vor.u32 s13, v37;
	v42 =	vmul.f32 v36, v20;
	v36 =	vperm.xlane v28, v29;
	[tilespmem:v2+s28+$0x0] =	vst.idx.msk $0xffff, v15  }
0x73e: {  	v32 =	vcvt.s32.f32 v32;
	v54 =	vor.u32 s13, v17;
	v4 =	vsub.f32 v4, v33;
	[tilespmem:v11+s28+$0x0] =	vst.idx.msk $0xffff, v3  }
0x73f: {  	v46 =	vsub.f32 v46, v33;
	v41 =	vshra.s32 v52, $0x18;
	v47 =	vmul.f32 v47, v36;
	[tilespmem:v31+s28+$0x0] =	vst.idx.msk $0xffff, v5  }
0x740: {  	v52 =	vsub.f32 v32, v33;
	v41 =	vcvt.s32.f32 v41;
	[tilespmem:v16+s28+$0x0] =	vst.idx.msk $0xffff, v14;
	v14 =	vmul.f32 v19, v13  }
0x741: {  	v22 =	vor.u32 s18, v37;
	v38 =	vperm.xlane v21, v29;
	[tilespmem:v34+s28+$0x0] =	vst.idx.msk $0xffff, v47;
	v16 =	vmul.f32 v18, v13  }
0x742: {  	v32 =	vor.u32 s11, v17;
	v35 =	vor.u32 s11, v10;
	v53 =	vsub.f32 v41, v33;
	[tilespmem:v63+s28+$0x0] =	vst.idx.msk $0xffff, v14  }
0x743: {  	v33 =	vor.u32 s11, v37;
	v39 =	vmul.f32 v0, v13;
	v21 =	vmul.f32 v7, v38;
	[tilespmem:v54+s28+$0x0] =	vst.idx.msk $0xffff, v16  }
0x744: {  	v50 =	vmul.f32 v49, v38;
	v25 =	vor.u32 s18, v10;
	v43 =	vmul.f32 v51, v38;
	v63 =	vld [tilespmem:$0x1F0E0]  }
0x745: {  	v20 =	vor.u32 s18, v30;
	v24 =	vor.u32 s18, v17;
	v8 =	vperm.xlane v26, v29  }
0x746: {  	v62 =	vor.u32 s24, v30;
	v41 =	vmul.f32 v48, v36;
	v55 =	vmul.f32 v1, v38  }
0x747: {  	v30 =	vor.u32 s12, v30;
	v11 =	vperm.xlane v27, v29;
	v31 =	vmul.f32 v12, v36  }
0x748: {  	v15 =	vor.u32 s24, v37;
	v27 =	vmul.f32 v6, v36;
	v52 =	vmul.f32 v52, v8  }
0x749: {  	v60 =	vor.u32 s24, v17;
	v12 =	vmul.f32 v53, v8;
	v53 =	vmul.f32 v46, v8  }
0x74a: {  	v38 =	vor.u32 s24, v10;
	v46 =	vmul.f32 v58, v11;
	v49 =	vmul.f32 v59, v11  }
0x74b: {  	v36 =	vor.u32 s12, v17;
	v13 =	vmul.f32 v4, v8;
	v14 =	vmul.f32 v56, v11;
	[tilespmem:v61+s28+$0x0] =	vst.idx.msk $0xffff, v42  }
0x74c: {  	s11 =	simm.s32 $0x0;
	v56 =	vor.u32 s12, v10;
	v54 =	vor.u32 s12, v37;
	v16 =	vmul.f32 v57, v11;
	s12 =	simm.s32 $0x600;
	[tilespmem:v63+s28+$0x0] =	vst.idx.msk $0xffff, v45  }
.LBB2_12:
0x74d: {  	[tilespmem:v23+s28+$0x0] =	vst.idx.msk $0xffff, v39  }
0x74e: {  	[tilespmem:v33+s28+$0x0] =	vst.idx.msk $0xffff, v41  }
0x74f: {  	[tilespmem:v30+s28+$0x0] =	vst.idx.msk $0xffff, v21  }
0x750: {  	v17 =	vld [tilespmem:$0x1FF70];
	[tilespmem:v32+s28+$0x0] =	vst.idx.msk $0xffff, v31  }
0x751: {  	v18 =	vld [tilespmem:$0x1FF90];
	[tilespmem:v54+s28+$0x0] =	vst.idx.msk $0xffff, v43  }
0x752: {  	v34 =	vld [tilespmem:$0x1FFA0];
	[tilespmem:v35+s28+$0x0] =	vst.idx.msk $0xffff, v27  }
0x753: {  	s15 =	sshra.s32 s12, $0x2;
	v19 =	vld [tilespmem:$0x1FFB0];
	[tilespmem:v36+s28+$0x0] =	vst.idx.msk $0xffff, v50  }
0x754: {  	v50 =	vld [tilespmem:s15+$0x120];
	[tilespmem:v20+s28+$0x0] =	vst.idx.msk $0xffff, v52  }
0x755: {  	v20 =	vld [tilespmem:s15+$0x140];
	[tilespmem:v62+s28+$0x0] =	vst.idx.msk $0xffff, v14  }
0x756: {  	[tilespmem:v22+s28+$0x0] =	vst.idx.msk $0xffff, v13  }
0x757: {  	s19 =	sadd.s32 $0xFFFFFE00, s12;
	[tilespmem:v15+s28+$0x0] =	vst.idx.msk $0xffff, v16;
	v0 =	vor.u32 s12, v17  }
0x758: {  	v26 =	vld [tilespmem:$0x1FF80];
	v5 =	vor.u32 s12, v18;
	v6 =	vor.u32 s12, v34;
	v7 =	vor.u32 s19, v17;
	[tilespmem:v24+s28+$0x0] =	vst.idx.msk $0xffff, v12  }
0x759: {  	s18 =	sadd.s32 $0xFFFFFE80, s12;
	s7 =	sadd.s32 $0x80, s7;
	v10 =	vld [tilespmem:s15+$0x160];
	v8 =	vor.u32 s19, v18;
	v9 =	vor.u32 s19, v34;
	v1 =	vor.u32 s19, v19;
	[tilespmem:$0x1EEB0] =	vst v0  }
0x75a: {  	s1 =	sadd.s32 $0xFFFFFF00, s12;
	v51 =	vld [tilespmem:s7+$0x30];
	v11 =	vor.u32 s18, v17;
	v33 =	vor.u32 s18, v18;
	v37 =	vor.u32 s18, v34;
	[tilespmem:$0x1EEC0] =	vst v5  }
0x75b: {  	s17 =	sadd.s32 $0xFFFFFF80, s12;
	v21 =	vld [tilespmem:$0x1FF50];
	v39 =	vor.u32 s18, v19;
	v40 =	vor.u32 s1, v17;
	v41 =	vor.u32 s1, v18;
	[tilespmem:$0x1EED0] =	vst v6  }
0x75c: {  	s22 =	sadd.s32 $0x180, s12;
	v23 =	vld [tilespmem:s15+$0x80];
	v42 =	vor.u32 s1, v34;
	v44 =	vor.u32 s1, v19;
	v45 =	vor.u32 s17, v17;
	[tilespmem:$0x1EDC0] =	vst v7  }
0x75d: {  	v47 =	vor.u32 s17, v18;
	v48 =	vor.u32 s17, v34;
	v2 =	vor.u32 s22, v17;
	[tilespmem:$0x1EDD0] =	vst v8  }
0x75e: {  	v3 =	vor.u32 s22, v18;
	v58 =	vor.u32 s22, v19;
	[tilespmem:$0x1EDE0] =	vst v9;
	v57 =	vshll.u32 v10, $0x18  }
0x75f: {  	[tilespmem:$0x1EE50] =	vst v1;
	v4 =	vperm.xlane v51, v26;
	v5 =	vshll.u32 v10, $0x10;
	v6 =	vshll.u32 v10, $0x8  }
0x760: {  	v35 =	vld [tilespmem:s15+$0xA0];
	[tilespmem:$0x1EDF0] =	vst v11;
	v7 =	vperm.xlane v51, v21;
	v0 =	vshra.s32 v10, $0x18;
	v8 =	vor.u32 s22, v34  }
0x761: {  	v14 =	vld [tilespmem:$0x1FFE0];
	[tilespmem:$0x1EE60] =	vst v39;
	v10 =	vshll.u32 v23, $0x18;
	v59 =	vshll.u32 v23, $0x10;
	v11 =	vshll.u32 v23, $0x8  }
0x762: {  	v43 =	vld [tilespmem:s15+$0xE0];
	[tilespmem:$0x1EE20] =	vst v40;
	v23 =	vshra.s32 v23, $0x18;
	v1 =	vshra.s32 v57, $0x18;
	v5 =	vshra.s32 v5, $0x18  }
0x763: {  	v16 =	vld [tilespmem:$0x1FFD0];
	[tilespmem:$0x1EE40] =	vst v42;
	v6 =	vshra.s32 v6, $0x18;
	v0 =	vcvt.s32.f32 v0;
	v10 =	vshra.s32 v10, $0x18  }
0x764: {  	[tilespmem:$0x1EEA0] =	vst v48;
	v48 =	vld [tilespmem:s15+$0x100];
	v11 =	vshra.s32 v11, $0x18;
	v1 =	vcvt.s32.f32 v1;
	v5 =	vcvt.s32.f32 v5  }
0x765: {  	[tilespmem:v25+s28+$0x0] =	vst.idx.msk $0xffff, v53;
	v9 =	vld [tilespmem:s7+$0xFFFFFFF0];
	v6 =	vcvt.s32.f32 v6;
	v62 =	vshll.u32 v35, $0x18;
	v63 =	vshll.u32 v35, $0x10  }
0x766: {  	[tilespmem:$0x1EE70] =	vst v44;
	v12 =	vld [tilespmem:s7+$0x10];
	v52 =	vshll.u32 v50, $0x10;
	v54 =	vshll.u32 v20, $0x8;
	v57 =	vor.u32 s22, v14  }
0x767: {  	v42 =	vld [tilespmem:s15+$0xC0];
	[tilespmem:$0x1EE80] =	vst v45;
	v13 =	vshra.s32 v50, $0x18;
	v10 =	vcvt.s32.f32 v10;
	v0 =	vsub.f32 v0, v4  }
0x768: {  	[tilespmem:v56+s28+$0x0] =	vst.idx.msk $0xffff, v55;
	v22 =	vshll.u32 v43, $0x10;
	v56 =	vor.u32 s22, v16;
	v1 =	vsub.f32 v1, v4  }
0x769: {  	[tilespmem:$0x1EE90] =	vst v47;
	v5 =	vsub.f32 v5, v4;
	v6 =	vsub.f32 v6, v4;
	v4 =	vshra.s32 v59, $0x18  }
0x76a: {  	[tilespmem:$0x1ED90] =	vst v9;
	v0 =	vmul.f32 v0, v7;
	v9 =	vshll.u32 v48, $0x18;
	v15 =	vcvt.s32.f32 v4  }
0x76b: {  	v40 =	vshll.u32 v48, $0x8;
	v4 =	vcvt.s32.f32 v11;
	v1 =	vmul.f32 v1, v7;
	[tilespmem:$0x1EDA0] =	vst v12  }
0x76c: {  	v5 =	vmul.f32 v5, v7;
	v61 =	vmul.f32 v6, v7;
	v12 =	vld [tilespmem:s7+$0x20];
	v7 =	vshll.u32 v42, $0x10;
	[tilespmem:v60+s28+$0x0] =	vst.idx.msk $0xffff, v46  }
0x76d: {  	s16 =	sadd.s32 $0x80, s12;
	v44 =	vld [tilespmem:s7+$0xFFFFFFC0];
	v46 =	vshll.u32 v50, $0x18;
	v6 =	vshra.s32 v63, $0x18;
	v9 =	vshra.s32 v9, $0x18;
	[tilespmem:v38+s28+$0x0] =	vst.idx.msk $0xffff, v49  }
0x76e: {  	v47 =	vld [tilespmem:s7+$0x0];
	v40 =	vshra.s32 v40, $0x18;
	v30 =	vcvt.s32.f32 v6;
	v6 =	vor.u32 s16, v19;
	[tilespmem:v2+s28+$0x0] =	vst.idx.msk $0xffff, v1  }
0x76f: {  	s13 =	sadd.s32 $0x100, s12;
	v36 =	vld [tilespmem:$0x1FF60];
	v38 =	vshll.u32 v50, $0x8;
	v49 =	vshll.u32 v20, $0x18;
	v7 =	vshra.s32 v7, $0x18;
	[tilespmem:$0x1EEE0] =	vst v6  }
0x770: {  	v39 =	vld [tilespmem:$0x1FF40];
	v50 =	vor.u32 s16, v18;
	v28 =	vcvt.s32.f32 v9;
	v9 =	vor.u32 s13, v18;
	[tilespmem:v3+s28+$0x0] =	vst.idx.msk $0xffff, v5  }
0x771: {  	v63 =	vld [tilespmem:$0x1FFC0];
	v1 =	vshll.u32 v42, $0x8;
	v2 =	vshra.s32 v62, $0x18;
	v62 =	vshra.s32 v43, $0x18;
	[tilespmem:v8+s28+$0x0] =	vst.idx.msk $0xffff, v61  }
0x772: {  	v45 =	vld [tilespmem:s7+$0xFFFFFFD0];
	v6 =	vperm.xlane v44, v26;
	v3 =	vshll.u32 v35, $0x8;
	v5 =	vshll.u32 v42, $0x18;
	[tilespmem:v58+s28+$0x0] =	vst.idx.msk $0xffff, v0  }
0x773: {  	v1 =	vshra.s32 v1, $0x18;
	v11 =	vcvt.s32.f32 v2;
	v2 =	vperm.xlane v47, v26;
	v25 =	vld [tilespmem:s15+$0x170]  }
0x774: {  	v8 =	vshll.u32 v43, $0x18;
	v61 =	vor.u32 s22, v36;
	v3 =	vshra.s32 v3, $0x18  }
0x775: {  	v5 =	vshra.s32 v5, $0x18;
	v31 =	vcvt.s32.f32 v1;
	v0 =	vshll.u32 v43, $0x8  }
0x776: {  	v58 =	vperm.xlane v51, v63;
	v51 =	vperm.xlane v51, v39;
	v8 =	vshra.s32 v8, $0x18  }
0x777: {  	[tilespmem:$0x1EDB0] =	vst v12;
	v29 =	vcvt.s32.f32 v3;
	v12 =	vcvt.s32.f32 v5;
	v43 =	vor.u32 s19, v14  }
0x778: {  	[tilespmem:$0x1EE30] =	vst v41;
	v41 =	vld [tilespmem:s7+$0xFFFFFFE0];
	v5 =	vperm.xlane v45, v26;
	v0 =	vshra.s32 v0, $0x18;
	v32 =	vshll.u32 v25, $0x18  }
0x779: {  	[tilespmem:$0x1EE10] =	vst v37;
	v37 =	vld [tilespmem:$0x1FFF0];
	v8 =	vcvt.s32.f32 v8;
	v59 =	vshll.u32 v25, $0x10;
	v55 =	vshra.s32 v32, $0x18  }
0x77a: {  	[tilespmem:$0x1EE00] =	vst v33;
	v33 =	vshll.u32 v25, $0x8;
	v59 =	vshra.s32 v59, $0x18;
	v55 =	vcvt.s32.f32 v55  }
0x77b: {  	v27 =	vcvt.s32.f32 v0;
	v60 =	vshra.s32 v33, $0x18;
	v59 =	vcvt.s32.f32 v59  }
0x77c: {  	[tilespmem:$0x1EF40] =	vst v43;
	v43 =	vld [tilespmem:$0x1EDA0];
	v25 =	vshra.s32 v25, $0x18;
	v60 =	vcvt.s32.f32 v60;
	v55 =	vsub.f32 v55, v58  }
0x77d: {  	v0 =	vperm.xlane v41, v26;
	v25 =	vcvt.s32.f32 v25;
	v59 =	vsub.f32 v59, v58  }
0x77e: {  	v32 =	vor.u32 s22, v37;
	v60 =	vsub.f32 v60, v58;
	v55 =	vmul.f32 v55, v51  }
0x77f: {  	v18 =	vsub.f32 v12, v0;
	v25 =	vsub.f32 v25, v58;
	v59 =	vmul.f32 v59, v51  }
0x780: {  	v38 =	vshra.s32 v38, $0x18;
	v12 =	vperm.xlane v41, v21;
	v33 =	vmul.f32 v60, v51;
	[tilespmem:v56+s28+$0x0] =	vst.idx.msk $0xffff, v55  }
0x781: {  	v3 =	vperm.xlane v43, v26;
	v58 =	vor.u32 s12, v19;
	v25 =	vmul.f32 v25, v51;
	[tilespmem:v57+s28+$0x0] =	vst.idx.msk $0xffff, v59  }
0x782: {  	v51 =	vor.u32 s16, v34;
	v55 =	vshra.s32 v54, $0x18;
	v56 =	vor.u32 s18, v14;
	[tilespmem:v61+s28+$0x0] =	vst.idx.msk $0xffff, v33  }
0x783: {  	v59 =	vshra.s32 v49, $0x18;
	v33 =	vcvt.s32.f32 v7;
	v7 =	vor.u32 s13, v17;
	[tilespmem:v32+s28+$0x0] =	vst.idx.msk $0xffff, v25  }
0x784: {  	v57 =	vor.u32 s17, v19;
	v61 =	vcvt.s32.f32 v55;
	v55 =	vor.u32 s18, v16;
	[tilespmem:$0x1EEF0] =	vst v7  }
0x785: {  	v49 =	vor.u32 s16, v17;
	v25 =	vshra.s32 v52, $0x18;
	v32 =	vor.u32 s13, v34;
	[tilespmem:$0x1EF60] =	vst v55  }
0x786: {  	v7 =	vcvt.s32.f32 v40;
	v55 =	vld [tilespmem:$0x1ED90];
	[tilespmem:$0x1EF10] =	vst v32;
	v32 =	vcvt.s32.f32 v38;
	v38 =	vor.u32 s19, v16  }
0x787: {  	v34 =	vor.u32 s13, v19;
	v52 =	vmovc v14;
	v14 =	vsub.f32 v10, v6;
	v10 =	vperm.xlane v47, v21;
	[tilespmem:$0x1EF30] =	vst v38;
	v38 =	vld [tilespmem:$0x1EDB0]  }
0x788: {  	v17 =	vsub.f32 v30, v5;
	[tilespmem:$0x1EF20] =	vst v34;
	v34 =	vcvt.s32.f32 v23;
	v23 =	vcvt.s32.f32 v62  }
0x789: {  	v19 =	vsub.f32 v31, v0;
	v62 =	vcvt.s32.f32 v13;
	v13 =	vperm.xlane v44, v21  }
0x78a: {  	[tilespmem:$0x1EF00] =	vst v9;
	v30 =	vsub.f32 v33, v0;
	v33 =	vsub.f32 v7, v2;
	v7 =	vperm.xlane v43, v21  }
0x78b: {  	v40 =	vmovc v16;
	v16 =	vsub.f32 v4, v6;
	v1 =	vperm.xlane v55, v26;
	v9 =	vperm.xlane v55, v21  }
0x78c: {  	v4 =	vperm.xlane v38, v26;
	v26 =	vsub.f32 v11, v5;
	v11 =	vperm.xlane v45, v21  }
0x78d: {  	v31 =	vsub.f32 v8, v1;
	v8 =	vperm.xlane v38, v21;
	v21 =	vsub.f32 v62, v3;
	v62 =	vld [tilespmem:$0x1EDC0];
	_ =	sdelay $0x5  }
0x78e: {  	v14 =	vmul.f32 v14, v13;
	_ =	sdelay $0x1  }
0x78f: {  	[tilespmem:v62+s28+$0x0] =	vst.idx.msk $0xffff, v14;
	v62 =	vld [tilespmem:$0x1EDF0];
	_ =	sdelay $0x1  }
0x790: {  	v53 =	vshll.u32 v20, $0x10;
	v22 =	vshra.s32 v22, $0x18;
	v24 =	vshll.u32 v48, $0x10  }
0x791: {  	v42 =	vshra.s32 v42, $0x18;
	v60 =	vshra.s32 v53, $0x18;
	v53 =	vor.u32 s19, v36  }
0x792: {  	v48 =	vshra.s32 v48, $0x18;
	v22 =	vcvt.s32.f32 v22;
	v42 =	vcvt.s32.f32 v42  }
0x793: {  	v48 =	vcvt.s32.f32 v48;
	v15 =	vsub.f32 v15, v6;
	v18 =	vmul.f32 v18, v12;
	[tilespmem:$0x1EF50] =	vst v53  }
0x794: {  	v53 =	vmovc v41;
	v41 =	vld [tilespmem:$0x1EDD0];
	v6 =	vsub.f32 v34, v6;
	v34 =	vsub.f32 v42, v0;
	v26 =	vmul.f32 v26, v11  }
0x795: {  	v19 =	vmul.f32 v19, v12;
	v0 =	vmul.f32 v17, v11;
	v17 =	vsub.f32 v48, v2;
	v48 =	vld [tilespmem:$0x1EDE0]  }
0x796: {  	v14 =	vmul.f32 v30, v12;
	[tilespmem:v62+s28+$0x0] =	vst.idx.msk $0xffff, v26;
	v62 =	vmul.f32 v34, v12;
	v12 =	vld [tilespmem:$0x1EE50];
	_ =	sdelay $0x1  }
0x797: {  	v22 =	vsub.f32 v22, v1  }
0x798: {  	[tilespmem:$0x1EF70] =	vst v56;
	v42 =	vor.u32 s18, v37  }
0x799: {  	v56 =	vor.u32 s1, v40;
	v15 =	vmul.f32 v15, v13;
	[tilespmem:$0x1EFE0] =	vst v42;
	v42 =	vmul.f32 v22, v9;
	v22 =	vld [tilespmem:$0x1EE20]  }
0x79a: {  	[tilespmem:$0x1EF90] =	vst v56;
	v16 =	vmul.f32 v16, v13  }
0x79b: {  	v6 =	vmul.f32 v6, v13;
	[tilespmem:v41+s28+$0x0] =	vst.idx.msk $0xffff, v15;
	v41 =	vld [tilespmem:$0x1EE00]  }
0x79c: {  	v56 =	vld [tilespmem:$0x1EE10];
	[tilespmem:v48+s28+$0x0] =	vst.idx.msk $0xffff, v16  }
0x79d: {  	[tilespmem:v12+s28+$0x0] =	vst.idx.msk $0xffff, v6;
	v12 =	vld [tilespmem:$0x1EE60]  }
0x79e: {  	v35 =	vshra.s32 v35, $0x18  }
0x79f: {  	v35 =	vcvt.s32.f32 v35;
	v60 =	vcvt.s32.f32 v60  }
0x7a0: {  	v29 =	vsub.f32 v29, v5  }
0x7a1: {  	v5 =	vsub.f32 v35, v5;
	v60 =	vsub.f32 v60, v4;
	[tilespmem:v22+s28+$0x0] =	vst.idx.msk $0xffff, v18;
	v18 =	vor.u32 s17, v40  }
0x7a2: {  	v35 =	vsub.f32 v23, v1;
	v61 =	vsub.f32 v61, v4;
	v23 =	vmul.f32 v29, v11;
	[tilespmem:$0x1EFC0] =	vst v18  }
0x7a3: {  	v5 =	vmul.f32 v5, v11;
	v18 =	vmul.f32 v60, v8;
	v60 =	vld [tilespmem:$0x1EE30];
	[tilespmem:v41+s28+$0x0] =	vst.idx.msk $0xffff, v0  }
0x7a4: {  	v22 =	vmul.f32 v61, v8;
	v61 =	vld [tilespmem:$0x1EE40];
	[tilespmem:v56+s28+$0x0] =	vst.idx.msk $0xffff, v23  }
0x7a5: {  	[tilespmem:v12+s28+$0x0] =	vst.idx.msk $0xffff, v5;
	v12 =	vld [tilespmem:$0x1EE70];
	_ =	sdelay $0x5  }
0x7a6: {  	[tilespmem:v60+s28+$0x0] =	vst.idx.msk $0xffff, v14  }
0x7a7: {  	[tilespmem:v61+s28+$0x0] =	vst.idx.msk $0xffff, v19  }
0x7a8: {  	[tilespmem:v12+s28+$0x0] =	vst.idx.msk $0xffff, v62;
	v12 =	vld [tilespmem:$0x1EE80];
	_ =	sdelay $0x5  }
0x7a9: {  	v15 =	vmul.f32 v31, v9;
	_ =	sdelay $0x1  }
0x7aa: {  	[tilespmem:v12+s28+$0x0] =	vst.idx.msk $0xffff, v15;
	v12 =	vld [tilespmem:$0x1EE90];
	_ =	sdelay $0x2  }
0x7ab: {  	v46 =	vshra.s32 v46, $0x18  }
0x7ac: {  	v24 =	vshra.s32 v24, $0x18;
	v46 =	vcvt.s32.f32 v46  }
0x7ad: {  	v24 =	vcvt.s32.f32 v24;
	v25 =	vcvt.s32.f32 v25  }
0x7ae: {  	v20 =	vshra.s32 v20, $0x18;
	v28 =	vsub.f32 v28, v2;
	v46 =	vsub.f32 v46, v3  }
0x7af: {  	v20 =	vcvt.s32.f32 v20;
	v24 =	vsub.f32 v24, v2;
	v25 =	vsub.f32 v25, v3;
	v19 =	vld [tilespmem:$0x1EEB0]  }
0x7b0: {  	v59 =	vcvt.s32.f32 v59;
	v32 =	vsub.f32 v32, v3;
	v46 =	vmul.f32 v46, v7;
	[tilespmem:v12+s28+$0x0] =	vst.idx.msk $0xffff, v42;
	v12 =	vld [tilespmem:$0x1EEA0]  }
0x7b1: {  	v27 =	vsub.f32 v27, v1;
	v1 =	vmul.f32 v28, v10;
	v3 =	vmul.f32 v33, v10  }
0x7b2: {  	v59 =	vsub.f32 v59, v4;
	v29 =	vsub.f32 v20, v4;
	v4 =	vor.u32 s18, v36  }
0x7b3: {  	v2 =	vmul.f32 v24, v10;
	[tilespmem:$0x1EF80] =	vst v4;
	v4 =	vor.u32 s1, v52;
	v6 =	vmul.f32 v17, v10;
	v10 =	vld [tilespmem:s15+$0x90]  }
0x7b4: {  	v28 =	vperm.xlane v44, v39;
	[tilespmem:$0x1EFA0] =	vst v4;
	v4 =	vmul.f32 v32, v7  }
0x7b5: {  	v20 =	vmul.f32 v59, v8;
	v59 =	vperm.xlane v47, v63  }
0x7b6: {  	v54 =	vor.u32 s19, v37;
	v30 =	vperm.xlane v55, v63;
	v16 =	vmul.f32 v27, v9  }
0x7b7: {  	v31 =	vperm.xlane v53, v63;
	v9 =	vmul.f32 v35, v9;
	[tilespmem:v19+s28+$0x0] =	vst.idx.msk $0xffff, v1;
	v19 =	vld [tilespmem:$0x1EEC0]  }
0x7b8: {  	v13 =	vshll.u32 v10, $0x10;
	v14 =	vshll.u32 v10, $0x8;
	v11 =	vld [tilespmem:s15+$0xD0];
	[tilespmem:v12+s28+$0x0] =	vst.idx.msk $0xffff, v16;
	v12 =	vshll.u32 v10, $0x18  }
0x7b9: {  	[tilespmem:$0x1EFD0] =	vst v54;
	v54 =	vmovc v47;
	v47 =	vshra.s32 v12, $0x18;
	v12 =	vshra.s32 v13, $0x18;
	v13 =	vshra.s32 v14, $0x18;
	v14 =	vld [tilespmem:$0x1EED0]  }
0x7ba: {  	v0 =	vmul.f32 v25, v7;
	v5 =	vmul.f32 v29, v8;
	v8 =	vld [tilespmem:s15+$0xB0];
	[tilespmem:v57+s28+$0x0] =	vst.idx.msk $0xffff, v9  }
0x7bb: {  	[tilespmem:v49+s28+$0x0] =	vst.idx.msk $0xffff, v46;
	v27 =	vperm.xlane v45, v39;
	v7 =	vmul.f32 v21, v7;
	v17 =	vld [tilespmem:s15+$0xF0]  }
0x7bc: {  	v41 =	vperm.xlane v44, v63;
	v60 =	vperm.xlane v43, v63;
	[tilespmem:v50+s28+$0x0] =	vst.idx.msk $0xffff, v0  }
0x7bd: {  	v61 =	vperm.xlane v38, v63;
	[tilespmem:v51+s28+$0x0] =	vst.idx.msk $0xffff, v4;
	v4 =	vshra.s32 v10, $0x18;
	v29 =	vperm.xlane v45, v63  }
0x7be: {  	v44 =	vshll.u32 v11, $0x18;
	v21 =	vshll.u32 v11, $0x10;
	v45 =	vshll.u32 v11, $0x8  }
0x7bf: {  	v1 =	vshra.s32 v44, $0x18;
	v63 =	vshra.s32 v21, $0x18;
	v42 =	vshll.u32 v8, $0x18  }
0x7c0: {  	[tilespmem:v19+s28+$0x0] =	vst.idx.msk $0xffff, v2;
	v10 =	vshra.s32 v11, $0x18;
	v21 =	vshll.u32 v17, $0x18;
	v44 =	vshll.u32 v17, $0x8  }
0x7c1: {  	v11 =	vshra.s32 v17, $0x18;
	[tilespmem:v14+s28+$0x0] =	vst.idx.msk $0xffff, v3;
	v3 =	vshra.s32 v42, $0x18;
	v42 =	vshll.u32 v17, $0x10;
	v17 =	vld [tilespmem:$0x1EEF0]  }
0x7c2: {  	v19 =	vld [tilespmem:$0x1EF00];
	_ =	sdelay $0x3  }
0x7c3: {  	v46 =	vld [tilespmem:$0x1EEE0];
	_ =	sdelay $0x2  }
0x7c4: {  	[tilespmem:v17+s28+$0x0] =	vst.idx.msk $0xffff, v20  }
0x7c5: {  	v33 =	vor.u32 s17, v52;
	v32 =	vor.u32 s17, v36;
	[tilespmem:v19+s28+$0x0] =	vst.idx.msk $0xffff, v18;
	v19 =	vld [tilespmem:$0x1EF10]  }
0x7c6: {  	v53 =	vperm.xlane v53, v39;
	v48 =	vor.u32 s1, v36;
	v35 =	vor.u32 s17, v37  }
0x7c7: {  	v34 =	vor.u32 s16, v36;
	v25 =	vor.u32 s16, v37;
	v1 =	vcvt.s32.f32 v1  }
0x7c8: {  	v23 =	vor.u32 s1, v37;
	v56 =	vor.u32 s16, v40;
	v4 =	vcvt.s32.f32 v4  }
0x7c9: {  	[tilespmem:v46+s28+$0x0] =	vst.idx.msk $0xffff, v7;
	v15 =	vshll.u32 v8, $0x10;
	v1 =	vsub.f32 v1, v31;
	v16 =	vshll.u32 v8, $0x8  }
0x7ca: {  	v8 =	vshra.s32 v8, $0x18;
	v2 =	vcvt.s32.f32 v47;
	v47 =	vcvt.s32.f32 v12;
	v12 =	vld [tilespmem:s15+$0x130]  }
0x7cb: {  	v4 =	vsub.f32 v4, v41;
	v1 =	vmul.f32 v1, v53;
	v8 =	vcvt.s32.f32 v8  }
0x7cc: {  	v57 =	vshra.s32 v15, $0x18;
	v15 =	vshra.s32 v45, $0x18;
	v13 =	vcvt.s32.f32 v13  }
0x7cd: {  	v10 =	vcvt.s32.f32 v10;
	v8 =	vsub.f32 v8, v29;
	v2 =	vsub.f32 v2, v41;
	[tilespmem:v19+s28+$0x0] =	vst.idx.msk $0xffff, v22;
	v19 =	vld [tilespmem:$0x1EF20]  }
0x7ce: {  	v15 =	vcvt.s32.f32 v15;
	v7 =	vsub.f32 v47, v41;
	v13 =	vsub.f32 v13, v41;
	[tilespmem:v58+s28+$0x0] =	vst.idx.msk $0xffff, v6  }
0x7cf: {  	v47 =	vperm.xlane v55, v39;
	v50 =	vshll.u32 v12, $0x10;
	v14 =	vshra.s32 v16, $0x18;
	v16 =	vld [tilespmem:s15+$0x110]  }
0x7d0: {  	v26 =	vmovc v36;
	v51 =	vshll.u32 v12, $0x8;
	v45 =	vshra.s32 v21, $0x18;
	v36 =	vshra.s32 v44, $0x18  }
0x7d1: {  	v24 =	vmovc v37;
	v37 =	vshra.s32 v50, $0x18;
	v44 =	vperm.xlane v43, v39;
	v0 =	vcvt.s32.f32 v45  }
0x7d2: {  	v45 =	vperm.xlane v54, v39;
	v21 =	vshra.s32 v42, $0x18;
	v3 =	vcvt.s32.f32 v3  }
0x7d3: {  	v9 =	vcvt.s32.f32 v14;
	v42 =	vshra.s32 v51, $0x18;
	v6 =	vcvt.s32.f32 v63  }
0x7d4: {  	v51 =	vsub.f32 v15, v31;
	v3 =	vsub.f32 v3, v29;
	v17 =	vshll.u32 v16, $0x18  }
0x7d5: {  	v9 =	vsub.f32 v9, v29;
	v20 =	vshll.u32 v16, $0x10;
	v17 =	vshra.s32 v17, $0x18;
	[tilespmem:v19+s28+$0x0] =	vst.idx.msk $0xffff, v5  }
0x7d6: {  	v49 =	vshll.u32 v16, $0x8;
	v18 =	vshra.s32 v20, $0x18;
	v17 =	vcvt.s32.f32 v17;
	v14 =	vld [tilespmem:s15+$0x150]  }
0x7d7: {  	v16 =	vshra.s32 v16, $0x18;
	v20 =	vshra.s32 v49, $0x18;
	v18 =	vcvt.s32.f32 v18  }
0x7d8: {  	v15 =	vcvt.s32.f32 v16;
	v20 =	vcvt.s32.f32 v20;
	v17 =	vsub.f32 v17, v59  }
0x7d9: {  	v18 =	vsub.f32 v18, v59;
	v22 =	vshll.u32 v12, $0x18;
	v12 =	vshra.s32 v12, $0x18  }
0x7da: {  	v20 =	vsub.f32 v20, v59;
	v12 =	vcvt.s32.f32 v12;
	v5 =	vcvt.s32.f32 v57  }
0x7db: {  	v57 =	vshll.u32 v14, $0x18;
	v58 =	vshll.u32 v14, $0x10;
	v63 =	vshll.u32 v14, $0x8  }
0x7dc: {  	v55 =	vld [tilespmem:$0x1EF60];
	v14 =	vshra.s32 v14, $0x18;
	v46 =	vshra.s32 v57, $0x18;
	v49 =	vshra.s32 v58, $0x18  }
0x7dd: {  	v50 =	vshra.s32 v63, $0x18;
	v14 =	vcvt.s32.f32 v14;
	v46 =	vcvt.s32.f32 v46  }
0x7de: {  	v5 =	vsub.f32 v5, v29;
	v49 =	vcvt.s32.f32 v49;
	v50 =	vcvt.s32.f32 v50  }
0x7df: {  	v57 =	vperm.xlane v38, v39;
	v58 =	vsub.f32 v12, v60;
	v12 =	vld [tilespmem:$0x1EF30];
	v39 =	vsub.f32 v46, v61  }
0x7e0: {  	v2 =	vmul.f32 v2, v28;
	v46 =	vsub.f32 v49, v61;
	v49 =	vsub.f32 v50, v61;
	v50 =	vld [tilespmem:$0x1EF40]  }
0x7e1: {  	v7 =	vmul.f32 v7, v28;
	v29 =	vsub.f32 v15, v59;
	v59 =	vsub.f32 v14, v61;
	v61 =	vld [tilespmem:$0x1EF70]  }
0x7e2: {  	v10 =	vsub.f32 v10, v31;
	v11 =	vcvt.s32.f32 v11;
	v54 =	vld [tilespmem:$0x1EF50];
	v3 =	vmul.f32 v3, v27  }
0x7e3: {  	v13 =	vmul.f32 v13, v28;
	v36 =	vcvt.s32.f32 v36;
	v22 =	vshra.s32 v22, $0x18;
	v63 =	vld [tilespmem:$0x1EF80]  }
0x7e4: {  	v11 =	vsub.f32 v11, v30;
	v21 =	vcvt.s32.f32 v21;
	[tilespmem:v55+s28+$0x0] =	vst.idx.msk $0xffff, v3;
	v55 =	vld [tilespmem:$0x1EFC0];
	v22 =	vcvt.s32.f32 v22  }
0x7e5: {  	v37 =	vcvt.s32.f32 v37;
	v0 =	vsub.f32 v0, v30;
	v6 =	vsub.f32 v6, v31  }
0x7e6: {  	[tilespmem:$0x1EFB0] =	vst v48;
	v42 =	vcvt.s32.f32 v42;
	v16 =	vsub.f32 v21, v30;
	v22 =	vsub.f32 v22, v60  }
0x7e7: {  	v62 =	vor.u32 s13, v40;
	[tilespmem:v12+s28+$0x0] =	vst.idx.msk $0xffff, v2;
	v2 =	vmul.f32 v5, v27;
	v5 =	vmul.f32 v9, v27;
	v9 =	vld [tilespmem:$0x1EF90]  }
0x7e8: {  	v0 =	vmul.f32 v0, v47;
	v21 =	vsub.f32 v36, v30;
	v30 =	vor.u32 s12, v40;
	v40 =	vld [tilespmem:$0x1EFA0];
	[tilespmem:v50+s28+$0x0] =	vst.idx.msk $0xffff, v7  }
0x7e9: {  	v48 =	vor.u32 s16, v52;
	v6 =	vmul.f32 v6, v53;
	v41 =	vmul.f32 v16, v47;
	[tilespmem:v61+s28+$0x0] =	vst.idx.msk $0xffff, v2;
	v61 =	vld [tilespmem:$0x1EFD0]  }
0x7ea: {  	v15 =	vor.u32 s13, v52;
	[tilespmem:v54+s28+$0x0] =	vst.idx.msk $0xffff, v13;
	v54 =	vor.u32 s12, v52;
	v52 =	vmul.f32 v22, v44;
	v22 =	vmovc v48;
	v48 =	vld [tilespmem:$0x1EFB0]  }
0x7eb: {  	v31 =	vmul.f32 v21, v47;
	v21 =	vmul.f32 v17, v45;
	[tilespmem:v63+s28+$0x0] =	vst.idx.msk $0xffff, v5;
	v63 =	vld [tilespmem:$0x1EFE0]  }
0x7ec: {  	v43 =	vmul.f32 v18, v45;
	[tilespmem:v55+s28+$0x0] =	vst.idx.msk $0xffff, v0;
	v55 =	vmul.f32 v29, v45  }
0x7ed: {  	s11 =	sadd.s32 $0x8, s11;
	v42 =	vsub.f32 v42, v60;
	v14 =	vmul.f32 v39, v57;
	v16 =	vmul.f32 v46, v57  }
0x7ee: {  	p0 =	slt.u32 s11, $0x78;
	v37 =	vsub.f32 v37, v60;
	v46 =	vmul.f32 v49, v57;
	v39 =	vmul.f32 v10, v53  }
.Ltmp5:
0x7ef: {  	v12 =	vmul.f32 v42, v44;
	v42 =	vmul.f32 v4, v28;
	[tilespmem:v9+s28+$0x0] =	vst.idx.msk $0xffff, v1;
	(pc) =	sbr.rel @p0 .LBB2_12-.Ltmp5, $4  }
0x7f0: {  	v36 =	vor.u32 s12, v26;
	v49 =	vmul.f32 v59, v57;
	v7 =	vmul.f32 v51, v53;
	[tilespmem:v40+s28+$0x0] =	vst.idx.msk $0xffff, v6  }
0x7f1: {  	v60 =	vor.u32 s13, v26;
	v50 =	vmul.f32 v20, v45;
	v51 =	vmul.f32 v8, v27;
	[tilespmem:v61+s28+$0x0] =	vst.idx.msk $0xffff, v42  }
0x7f2: {  	v38 =	vor.u32 s13, v24;
	v20 =	vmovc v56;
	v56 =	vor.u32 s12, v24;
	v27 =	vmul.f32 v11, v47;
	[tilespmem:v48+s28+$0x0] =	vst.idx.msk $0xffff, v7  }
0x7f3: {  	v24 =	vmov v34;
	v53 =	vmul.f32 v58, v44;
	v13 =	vmul.f32 v37, v44;
	s12 =	sadd.s32 $0x400, s12;
	[tilespmem:v63+s28+$0x0] =	vst.idx.msk $0xffff, v51  }
0x7f4: {  	_ =	sdelay $0x3  }
0x7f5: {  	[tilespmem:v23+s28+$0x0] =	vst.idx.msk $0xffff, v39  }
0x7f6: {  	[tilespmem:v33+s28+$0x0] =	vst.idx.msk $0xffff, v41  }
0x7f7: {  	[tilespmem:v30+s28+$0x0] =	vst.idx.msk $0xffff, v21  }
0x7f8: {  	[tilespmem:v20+s28+$0x0] =	vst.idx.msk $0xffff, v52  }
0x7f9: {  	[tilespmem:v62+s28+$0x0] =	vst.idx.msk $0xffff, v14  }
0x7fa: {  	[tilespmem:v32+s28+$0x0] =	vst.idx.msk $0xffff, v31  }
0x7fb: {  	[tilespmem:v54+s28+$0x0] =	vst.idx.msk $0xffff, v43  }
0x7fc: {  	[tilespmem:v22+s28+$0x0] =	vst.idx.msk $0xffff, v13  }
0x7fd: {  	[tilespmem:v15+s28+$0x0] =	vst.idx.msk $0xffff, v16  }
0x7fe: {  	[tilespmem:v35+s28+$0x0] =	vst.idx.msk $0xffff, v27  }
0x7ff: {  	[tilespmem:v36+s28+$0x0] =	vst.idx.msk $0xffff, v50  }
0x800: {  	[tilespmem:v24+s28+$0x0] =	vst.idx.msk $0xffff, v12  }
0x801: {  	[tilespmem:v60+s28+$0x0] =	vst.idx.msk $0xffff, v46  }
0x802: {  	[tilespmem:v56+s28+$0x0] =	vst.idx.msk $0xffff, v55  }
0x803: {  	[tilespmem:v25+s28+$0x0] =	vst.idx.msk $0xffff, v53  }
0x804: {  	[tilespmem:v38+s28+$0x0] =	vst.idx.msk $0xffff, v49  }
0x805: {  	s1 =	rddreg [dreg:$0x9]  }
0x806: {  	[hbm4b:s1+s3] =	stream.linear.scatter [tilespmem:s28], [sflag:$0x3], $0x4000, $0x38;
	[tilespmem:$0xB100] =	vst v63  }
0x807: {  	_ =	swait.ge [sflag:s29], $0x1000  }
0x808: {  	[sflag:s29] =	ssyncset.done $0x0  }
0x809: {  	[sflag:s29] =	ssyncadd.s32 $0xFFFFF000  }
0x80a: {  	_ =	swait.ge [sflag:s29], $0x800  }
0x80b: {  	[sflag:s29] =	ssyncset.done $0x0  }
0x80c: {  	[sflag:s29] =	ssyncadd.s32 $0xFFFFF800  }
0x80d: {  	_ =	swait.ge [sflag:s0], $0x4000  }
0x80e: {  	v56 =	vld [tilespmem:$0x1FF70]  }
0x80f: {  	v18 =	vld [tilespmem:$0x1FF90]  }
0x810: {  	v20 =	vld [tilespmem:$0x1FFA0]  }
0x811: {  	v19 =	vld [tilespmem:$0x1FFB0]  }
0x812: {  	s12 =	simm.s32 $0x200  }
0x813: {  	v0 =	vor.u32 s12, v56  }
0x814: {  	v52 =	vor.u32 s12, v18;
	[tilespmem:$0x1ECD0] =	vst v0  }
0x815: {  	s16 =	simm.s32 $0x0;
	[sflag:s0] =	ssyncset.done $0x0;
	v53 =	vor.u32 s12, v20;
	[tilespmem:$0x1ECE0] =	vst v52  }
0x816: {  	s15 =	simm.s32 $0x80;
	s23 =	simm.s32 $0x80;
	[sflag:s0] =	ssyncadd.s32 $0xFFFFC000;
	v1 =	vor.u32 s16, v19;
	[tilespmem:$0x1ECF0] =	vst v53  }
0x817: {  	s7 =	simm.s32 $0x2940;
	s13 =	simm.s32 $0x100;
	v2 =	vor.u32 s23, v19;
	v0 =	vld [tilespmem:s15+$0x1160];
	[tilespmem:$0x1EC90] =	vst v1  }
0x818: {  	v54 =	vor.u32 s13, v20;
	v1 =	vld [tilespmem:s7+$0x30];
	[tilespmem:$0x1ECA0] =	vst v2  }
0x819: {  	s11 =	simm.s32 $0x180;
	v55 =	vor.u32 s13, v19;
	[tilespmem:$0x1EC80] =	vst v54  }
0x81a: {  	v57 =	vor.u32 s11, v56;
	[tilespmem:$0x1ECB0] =	vst v55;
	v55 =	vld [tilespmem:$0x1FF80]  }
0x81b: {  	s17 =	simm.s32 $0x380;
	v15 =	vld [tilespmem:$0x1FF50];
	v42 =	vor.u32 s16, v56;
	[tilespmem:$0x1ECC0] =	vst v57  }
0x81c: {  	v41 =	vor.u32 s16, v18;
	v40 =	vor.u32 s23, v56;
	v3 =	vor.u32 s17, v56;
	v8 =	vld [tilespmem:s15+$0x1080]  }
0x81d: {  	v4 =	vor.u32 s17, v18;
	v11 =	vor.u32 s17, v20;
	v12 =	vor.u32 s17, v19;
	v10 =	vld [tilespmem:s15+$0x10A0]  }
0x81e: {  	v21 =	vld [tilespmem:s15+$0x10C0];
	v58 =	vshll.u32 v0, $0x18;
	v6 =	vshll.u32 v0, $0x10;
	v7 =	vshll.u32 v0, $0x8  }
0x81f: {  	v23 =	vld [tilespmem:s15+$0x10E0];
	v0 =	vshra.s32 v0, $0x18;
	v5 =	vperm.xlane v1, v55;
	v2 =	vshra.s32 v58, $0x18  }
0x820: {  	v6 =	vshra.s32 v6, $0x18;
	v9 =	vperm.xlane v1, v15;
	v0 =	vcvt.s32.f32 v0  }
0x821: {  	v7 =	vshra.s32 v7, $0x18;
	v2 =	vcvt.s32.f32 v2;
	v6 =	vcvt.s32.f32 v6  }
0x822: {  	v7 =	vcvt.s32.f32 v7;
	v13 =	vshll.u32 v8, $0x18;
	v60 =	vshll.u32 v8, $0x10  }
0x823: {  	v14 =	vshll.u32 v8, $0x8;
	v61 =	vshll.u32 v10, $0x18;
	v62 =	vshll.u32 v10, $0x10  }
0x824: {  	v28 =	vshll.u32 v10, $0x8;
	v22 =	vshll.u32 v21, $0x8;
	v63 =	vshll.u32 v23, $0x18  }
0x825: {  	v24 =	vshll.u32 v23, $0x10;
	v25 =	vshll.u32 v23, $0x8;
	v2 =	vsub.f32 v2, v5  }
0x826: {  	v8 =	vshra.s32 v8, $0x18;
	v10 =	vshra.s32 v10, $0x18;
	v6 =	vsub.f32 v6, v5  }
0x827: {  	v0 =	vsub.f32 v0, v5;
	v7 =	vsub.f32 v7, v5;
	v2 =	vmul.f32 v2, v9  }
0x828: {  	v49 =	vshra.s32 v13, $0x18;
	v8 =	vcvt.s32.f32 v8;
	v5 =	vld [tilespmem:s15+$0x1100];
	v6 =	vmul.f32 v6, v9  }
0x829: {  	v22 =	vshra.s32 v22, $0x18;
	v10 =	vcvt.s32.f32 v10;
	v59 =	vmul.f32 v7, v9;
	[tilespmem:v3+s30+$0x0] =	vst.idx.msk $0xffff, v2  }
0x82a: {  	v51 =	vshra.s32 v14, $0x18;
	v52 =	vcvt.s32.f32 v22;
	v0 =	vmul.f32 v0, v9;
	[tilespmem:v4+s30+$0x0] =	vst.idx.msk $0xffff, v6  }
0x82b: {  	v7 =	vshra.s32 v60, $0x18;
	v9 =	vshra.s32 v62, $0x18;
	v62 =	vshra.s32 v28, $0x18;
	[tilespmem:v11+s30+$0x0] =	vst.idx.msk $0xffff, v59  }
0x82c: {  	v7 =	vcvt.s32.f32 v7;
	v9 =	vcvt.s32.f32 v9;
	v2 =	vshll.u32 v21, $0x18;
	[tilespmem:v12+s30+$0x0] =	vst.idx.msk $0xffff, v0  }
0x82d: {  	v26 =	vshll.u32 v5, $0x18;
	v27 =	vshll.u32 v5, $0x10;
	v43 =	vshll.u32 v5, $0x8;
	v12 =	vld [tilespmem:s15+$0x1170]  }
0x82e: {  	v2 =	vshra.s32 v2, $0x18;
	v5 =	vshra.s32 v5, $0x18;
	v11 =	vshll.u32 v21, $0x10  }
0x82f: {  	v2 =	vcvt.s32.f32 v2;
	v5 =	vcvt.s32.f32 v5;
	v11 =	vshra.s32 v11, $0x18;
	v6 =	vld [tilespmem:$0x1FFC0]  }
0x830: {  	v0 =	vshra.s32 v63, $0x18;
	v63 =	vshra.s32 v24, $0x18;
	v24 =	vshra.s32 v25, $0x18;
	v29 =	vld [tilespmem:$0x1FF40]  }
0x831: {  	v25 =	vshra.s32 v26, $0x18;
	v26 =	vshra.s32 v27, $0x18;
	v27 =	vshra.s32 v43, $0x18  }
0x832: {  	v43 =	vcvt.s32.f32 v49;
	v49 =	vcvt.s32.f32 v51;
	v37 =	vld [tilespmem:$0x1FFE0];
	v13 =	vshll.u32 v12, $0x18  }
0x833: {  	v51 =	vcvt.s32.f32 v62;
	v11 =	vcvt.s32.f32 v11;
	v13 =	vshra.s32 v13, $0x18  }
0x834: {  	v14 =	vperm.xlane v1, v6;
	v16 =	vshll.u32 v12, $0x10;
	v13 =	vcvt.s32.f32 v13  }
0x835: {  	v17 =	vshll.u32 v12, $0x8;
	v1 =	vperm.xlane v1, v29;
	v16 =	vshra.s32 v16, $0x18  }
0x836: {  	v3 =	vld [tilespmem:s15+$0x1120];
	v12 =	vshra.s32 v12, $0x18;
	v16 =	vcvt.s32.f32 v16;
	v58 =	vsub.f32 v13, v14  }
0x837: {  	v30 =	vld [tilespmem:$0x1FFD0];
	v17 =	vshra.s32 v17, $0x18;
	v60 =	vcvt.s32.f32 v12;
	v12 =	vor.u32 s17, v37  }
0x838: {  	v4 =	vld [tilespmem:s15+$0x1140];
	v59 =	vcvt.s32.f32 v17;
	[tilespmem:$0x1ED20] =	vst v12;
	v16 =	vsub.f32 v16, v14;
	v12 =	vmul.f32 v58, v1  }
0x839: {  	v57 =	vshra.s32 v61, $0x18;
	v0 =	vcvt.s32.f32 v0;
	v53 =	vcvt.s32.f32 v24  }
0x83a: {  	v54 =	vcvt.s32.f32 v25;
	v61 =	vsub.f32 v59, v14;
	[tilespmem:$0x1ED10] =	vst v12;
	v12 =	vmul.f32 v16, v1  }
0x83b: {  	v44 =	vshll.u32 v3, $0x18;
	v45 =	vshll.u32 v3, $0x10;
	v14 =	vsub.f32 v60, v14  }
0x83c: {  	v46 =	vshll.u32 v3, $0x8;
	v13 =	vor.u32 s17, v30;
	[tilespmem:$0x1ED30] =	vst v12;
	v12 =	vmul.f32 v61, v1  }
0x83d: {  	v3 =	vshra.s32 v3, $0x18;
	v47 =	vshll.u32 v4, $0x18;
	[tilespmem:$0x1ED00] =	vst v13;
	v1 =	vmul.f32 v14, v1  }
0x83e: {  	v48 =	vshll.u32 v4, $0x10;
	v50 =	vshll.u32 v4, $0x8;
	v44 =	vshra.s32 v44, $0x18;
	[tilespmem:$0x1ED40] =	vst v12  }
0x83f: {  	v45 =	vshra.s32 v45, $0x18;
	v46 =	vshra.s32 v46, $0x18;
	v4 =	vshra.s32 v4, $0x18;
	[tilespmem:$0x1ED60] =	vst v1  }
0x840: {  	v3 =	vcvt.s32.f32 v3;
	v47 =	vshra.s32 v47, $0x18;
	v44 =	vcvt.s32.f32 v44;
	v25 =	vld [tilespmem:s7+$0xFFFFFFC0]  }
0x841: {  	v48 =	vshra.s32 v48, $0x18;
	v45 =	vcvt.s32.f32 v45;
	v46 =	vcvt.s32.f32 v46;
	v24 =	vld [tilespmem:s7+$0xFFFFFFD0]  }
0x842: {  	v50 =	vshra.s32 v50, $0x18;
	v4 =	vcvt.s32.f32 v4;
	v47 =	vcvt.s32.f32 v47  }
0x843: {  	v23 =	vshra.s32 v23, $0x18;
	v48 =	vcvt.s32.f32 v48;
	v50 =	vcvt.s32.f32 v50;
	v22 =	vld [tilespmem:s7+$0xFFFFFFE0]  }
0x844: {  	v38 =	vor.u32 s23, v18;
	v59 =	vcvt.s32.f32 v23;
	v13 =	vcvt.s32.f32 v26;
	v31 =	vld [tilespmem:s7+$0xFFFFFFF0]  }
0x845: {  	v36 =	vor.u32 s13, v56;
	v16 =	vcvt.s32.f32 v27;
	v58 =	vperm.xlane v25, v55  }
0x846: {  	v26 =	vshra.s32 v21, $0x18;
	v14 =	vcvt.s32.f32 v57;
	v28 =	vld [tilespmem:s7+$0x0];
	v60 =	vperm.xlane v24, v55  }
0x847: {  	v57 =	vcvt.s32.f32 v26;
	v26 =	vld [tilespmem:s7+$0x10];
	v43 =	vsub.f32 v43, v58;
	v7 =	vsub.f32 v7, v58  }
0x848: {  	v27 =	vld [tilespmem:s7+$0x20];
	v61 =	vperm.xlane v22, v55;
	v49 =	vsub.f32 v49, v58;
	v14 =	vsub.f32 v14, v60  }
0x849: {  	v62 =	vperm.xlane v31, v55;
	v9 =	vsub.f32 v9, v60;
	v51 =	vsub.f32 v51, v60  }
0x84a: {  	v12 =	vcvt.s32.f32 v63;
	v2 =	vsub.f32 v2, v61;
	v11 =	vsub.f32 v11, v61  }
0x84b: {  	v63 =	vperm.xlane v28, v55;
	v52 =	vsub.f32 v52, v61;
	v1 =	vsub.f32 v0, v62  }
0x84c: {  	v12 =	vsub.f32 v12, v62;
	v8 =	vsub.f32 v8, v58;
	v0 =	vperm.xlane v26, v55  }
0x84d: {  	v53 =	vsub.f32 v53, v62;
	v21 =	vsub.f32 v10, v60;
	v60 =	vperm.xlane v27, v55  }
0x84e: {  	v17 =	vld [tilespmem:$0x1FFF0];
	v54 =	vsub.f32 v54, v63;
	v57 =	vsub.f32 v57, v61;
	v61 =	vperm.xlane v25, v15  }
0x84f: {  	v55 =	vsub.f32 v13, v63;
	v59 =	vsub.f32 v59, v62;
	v62 =	vperm.xlane v24, v15;
	v10 =	vld [tilespmem:$0x1FF60]  }
0x850: {  	v23 =	vsub.f32 v16, v63;
	v5 =	vsub.f32 v5, v63;
	v63 =	vperm.xlane v22, v15  }
0x851: {  	v44 =	vsub.f32 v44, v0;
	v45 =	vsub.f32 v45, v0;
	v43 =	vmul.f32 v43, v61  }
0x852: {  	v47 =	vsub.f32 v47, v60;
	v7 =	vmul.f32 v7, v61;
	v48 =	vsub.f32 v48, v60  }
0x853: {  	v49 =	vmul.f32 v49, v61;
	v61 =	vmul.f32 v8, v61;
	v8 =	vor.u32 s17, v17  }
0x854: {  	v50 =	vsub.f32 v50, v60;
	v13 =	vsub.f32 v4, v60;
	[tilespmem:$0x1ED70] =	vst v8;
	v60 =	vor.u32 s17, v10  }
0x855: {  	v46 =	vsub.f32 v46, v0;
	v58 =	vsub.f32 v3, v0;
	v0 =	vmul.f32 v14, v62;
	[tilespmem:$0x1ED50] =	vst v60  }
0x856: {  	v35 =	vor.u32 s13, v18;
	v2 =	vmul.f32 v2, v63;
	[tilespmem:v42+s30+$0x0] =	vst.idx.msk $0xffff, v43  }
0x857: {  	v39 =	vor.u32 s16, v20;
	[tilespmem:v40+s30+$0x0] =	vst.idx.msk $0xffff, v0  }
0x858: {  	v32 =	vor.u32 s23, v20;
	v9 =	vmul.f32 v9, v62;
	[tilespmem:v36+s30+$0x0] =	vst.idx.msk $0xffff, v2  }
0x859: {  	v11 =	vmul.f32 v11, v63;
	[tilespmem:v41+s30+$0x0] =	vst.idx.msk $0xffff, v7  }
0x85a: {  	[tilespmem:v38+s30+$0x0] =	vst.idx.msk $0xffff, v9  }
0x85b: {  	v51 =	vmul.f32 v51, v62;
	[tilespmem:v35+s30+$0x0] =	vst.idx.msk $0xffff, v11  }
0x85c: {  	[tilespmem:v39+s30+$0x0] =	vst.idx.msk $0xffff, v49;
	v39 =	vperm.xlane v26, v15  }
0x85d: {  	[tilespmem:v32+s30+$0x0] =	vst.idx.msk $0xffff, v51  }
0x85e: {  	v35 =	vmul.f32 v46, v39;
	v46 =	vmul.f32 v21, v62;
	v62 =	vld [tilespmem:$0x1EC80];
	_ =	sdelay $0x5  }
0x85f: {  	v52 =	vmul.f32 v52, v63;
	v40 =	vor.u32 s16, v17  }
0x860: {  	[tilespmem:$0x1ED80] =	vst v40  }
0x861: {  	[tilespmem:v62+s30+$0x0] =	vst.idx.msk $0xffff, v52  }
0x862: {  	v0 =	vld [tilespmem:$0x1EC90];
	_ =	sdelay $0x7  }
0x863: {  	[tilespmem:v0+s30+$0x0] =	vst.idx.msk $0xffff, v61  }
0x864: {  	v0 =	vld [tilespmem:$0x1ECA0];
	_ =	sdelay $0x7  }
0x865: {  	[tilespmem:v0+s30+$0x0] =	vst.idx.msk $0xffff, v46  }
0x866: {  	v0 =	vld [tilespmem:$0x1ECB0];
	_ =	sdelay $0x5  }
0x867: {  	v63 =	vmul.f32 v57, v63;
	_ =	sdelay $0x1  }
0x868: {  	[tilespmem:v0+s30+$0x0] =	vst.idx.msk $0xffff, v63  }
0x869: {  	v0 =	vld [tilespmem:$0x1ECC0];
	_ =	sdelay $0x3  }
0x86a: {  	v33 =	vor.u32 s11, v18;
	v3 =	vperm.xlane v31, v15  }
0x86b: {  	v34 =	vor.u32 s11, v20  }
0x86c: {  	v8 =	vor.u32 s11, v19;
	v4 =	vmul.f32 v1, v3  }
0x86d: {  	v1 =	vmul.f32 v12, v3  }
0x86e: {  	v49 =	vmul.f32 v53, v3;
	[tilespmem:v0+s30+$0x0] =	vst.idx.msk $0xffff, v4  }
0x86f: {  	v3 =	vmul.f32 v59, v3;
	[tilespmem:v33+s30+$0x0] =	vst.idx.msk $0xffff, v1  }
0x870: {  	[tilespmem:v34+s30+$0x0] =	vst.idx.msk $0xffff, v49  }
0x871: {  	[tilespmem:v8+s30+$0x0] =	vst.idx.msk $0xffff, v3  }
0x872: {  	v4 =	vld [tilespmem:$0x1ECD0];
	_ =	sdelay $0x3  }
0x873: {  	v41 =	vperm.xlane v28, v15;
	_ =	sdelay $0x1  }
0x874: {  	v12 =	vmul.f32 v54, v41;
	_ =	sdelay $0x1  }
0x875: {  	[tilespmem:v4+s30+$0x0] =	vst.idx.msk $0xffff, v12  }
0x876: {  	v4 =	vld [tilespmem:$0x1ECE0]  }
0x877: {  	s18 =	simm.s32 $0x280;
	s24 =	simm.s32 $0x300  }
0x878: {  	v16 =	vor.u32 s18, v56;
	v14 =	vor.u32 s24, v18  }
0x879: {  	v57 =	vperm.xlane v31, v6;
	v60 =	vor.u32 s16, v37;
	v36 =	vperm.xlane v27, v15  }
0x87a: {  	v42 =	vor.u32 s18, v18;
	v43 =	vor.u32 s18, v20;
	v2 =	vor.u32 s23, v37  }
0x87b: {  	v7 =	vor.u32 s18, v19;
	v53 =	vor.u32 s24, v56;
	v47 =	vmul.f32 v47, v36  }
0x87c: {  	v38 =	vor.u32 s24, v19;
	v55 =	vmul.f32 v55, v41;
	v51 =	vmul.f32 v23, v41  }
0x87d: {  	v9 =	vor.u32 s12, v19;
	v5 =	vmul.f32 v5, v41;
	v56 =	vmul.f32 v44, v39;
	v41 =	vld [tilespmem:s15+$0x1090]  }
0x87e: {  	v11 =	vor.u32 s16, v10;
	v48 =	vmul.f32 v48, v36;
	v32 =	vmul.f32 v50, v36;
	v52 =	vld [tilespmem:s15+$0x10B0];
	[tilespmem:v4+s30+$0x0] =	vst.idx.msk $0xffff, v55  }
0x87f: {  	v15 =	vmul.f32 v13, v36;
	v54 =	vor.u32 s24, v20;
	v45 =	vmul.f32 v45, v39;
	v4 =	vld [tilespmem:$0x1ECF0];
	[tilespmem:v16+s30+$0x0] =	vst.idx.msk $0xffff, v56  }
0x880: {  	v36 =	vperm.xlane v24, v6;
	v40 =	vor.u32 s13, v30;
	v23 =	vor.u32 s13, v17;
	v50 =	vld [tilespmem:s15+$0x10D0];
	[tilespmem:v53+s30+$0x0] =	vst.idx.msk $0xffff, v47  }
0x881: {  	v44 =	vor.u32 s16, v30;
	v21 =	vor.u32 s23, v10;
	v39 =	vmul.f32 v58, v39;
	[tilespmem:v42+s30+$0x0] =	vst.idx.msk $0xffff, v45  }
0x882: {  	v62 =	vor.u32 s23, v30;
	v46 =	vperm.xlane v25, v6;
	v25 =	vperm.xlane v25, v29;
	[tilespmem:v14+s30+$0x0] =	vst.idx.msk $0xffff, v48  }
0x883: {  	v61 =	vor.u32 s23, v17;
	v0 =	vperm.xlane v22, v6;
	v1 =	vperm.xlane v28, v6;
	[tilespmem:v43+s30+$0x0] =	vst.idx.msk $0xffff, v35  }
0x884: {  	v58 =	vshll.u32 v41, $0x10;
	v33 =	vperm.xlane v26, v6;
	v34 =	vperm.xlane v27, v6;
	v6 =	vld [tilespmem:s15+$0x10F0];
	[tilespmem:v54+s30+$0x0] =	vst.idx.msk $0xffff, v32  }
0x885: {  	v59 =	vshll.u32 v52, $0x10;
	v20 =	vshll.u32 v52, $0x8;
	v18 =	vshll.u32 v50, $0x8;
	[tilespmem:v7+s30+$0x0] =	vst.idx.msk $0xffff, v39  }
0x886: {  	v19 =	vshll.u32 v50, $0x18;
	v18 =	vshra.s32 v18, $0x18;
	v3 =	vshll.u32 v41, $0x8;
	[tilespmem:v38+s30+$0x0] =	vst.idx.msk $0xffff, v15  }
0x887: {  	v18 =	vcvt.s32.f32 v18;
	v49 =	vshll.u32 v41, $0x18;
	v3 =	vshra.s32 v3, $0x18;
	[tilespmem:v4+s30+$0x0] =	vst.idx.msk $0xffff, v51  }
0x888: {  	v8 =	vshll.u32 v52, $0x18;
	v41 =	vshra.s32 v41, $0x18;
	v3 =	vcvt.s32.f32 v3;
	[tilespmem:v9+s30+$0x0] =	vst.idx.msk $0xffff, v5  }
0x889: {  	v8 =	vshra.s32 v8, $0x18;
	v13 =	vcvt.s32.f32 v41;
	v12 =	vshll.u32 v6, $0x8;
	v14 =	vld [tilespmem:$0x1ED00]  }
0x88a: {  	v8 =	vcvt.s32.f32 v8;
	v3 =	vsub.f32 v3, v46;
	v12 =	vshra.s32 v12, $0x18  }
0x88b: {  	v18 =	vsub.f32 v18, v0;
	v49 =	vshra.s32 v49, $0x18;
	v12 =	vcvt.s32.f32 v12  }
0x88c: {  	v13 =	vsub.f32 v13, v46;
	v8 =	vsub.f32 v8, v36;
	v3 =	vmul.f32 v3, v25;
	v15 =	vld [tilespmem:$0x1ED10]  }
0x88d: {  	v12 =	vsub.f32 v12, v57;
	v42 =	vshra.s32 v52, $0x18;
	v43 =	vcvt.s32.f32 v49  }
0x88e: {  	v55 =	vshll.u32 v50, $0x10;
	v35 =	vshra.s32 v50, $0x18;
	v47 =	vcvt.s32.f32 v42;
	v49 =	vld [tilespmem:s15+$0x1130]  }
0x88f: {  	v35 =	vcvt.s32.f32 v35;
	v43 =	vsub.f32 v43, v46;
	v51 =	vshra.s32 v58, $0x18  }
0x890: {  	v58 =	vshra.s32 v59, $0x18;
	v4 =	vshll.u32 v6, $0x10;
	v5 =	vshra.s32 v20, $0x18  }
0x891: {  	v38 =	vld [tilespmem:s15+$0x1150];
	v9 =	vshra.s32 v19, $0x18;
	v19 =	vshra.s32 v55, $0x18;
	v55 =	vshll.u32 v6, $0x18;
	[tilespmem:v14+s30+$0x0] =	vst.idx.msk $0xffff, v15  }
0x892: {  	v56 =	vshra.s32 v4, $0x18;
	v45 =	vcvt.s32.f32 v51;
	v6 =	vshra.s32 v6, $0x18;
	v14 =	vld [tilespmem:$0x1ED20]  }
0x893: {  	v48 =	vshll.u32 v49, $0x18;
	v51 =	vshll.u32 v49, $0x10;
	v55 =	vshra.s32 v55, $0x18  }
0x894: {  	v20 =	vld [tilespmem:s15+$0x1110];
	v5 =	vcvt.s32.f32 v5;
	v32 =	vshra.s32 v48, $0x18;
	v9 =	vcvt.s32.f32 v9  }
0x895: {  	v4 =	vshra.s32 v51, $0x18;
	v19 =	vcvt.s32.f32 v19;
	v54 =	vcvt.s32.f32 v56;
	v15 =	vld [tilespmem:$0x1ED30]  }
0x896: {  	v6 =	vcvt.s32.f32 v6;
	v45 =	vsub.f32 v45, v46;
	v46 =	vshra.s32 v49, $0x18  }
0x897: {  	v53 =	vcvt.s32.f32 v55;
	v55 =	vshll.u32 v38, $0x18;
	v9 =	vsub.f32 v9, v0  }
0x898: {  	v4 =	vcvt.s32.f32 v4;
	v19 =	vsub.f32 v19, v0;
	v0 =	vsub.f32 v35, v0  }
0x899: {  	v7 =	vshll.u32 v20, $0x18;
	v59 =	vshll.u32 v20, $0x10;
	v52 =	vshll.u32 v20, $0x8  }
0x89a: {  	v20 =	vshra.s32 v20, $0x18;
	v7 =	vshra.s32 v7, $0x18;
	v39 =	vshra.s32 v59, $0x18;
	[tilespmem:v14+s30+$0x0] =	vst.idx.msk $0xffff, v15  }
0x89b: {  	v50 =	vshra.s32 v52, $0x18;
	v7 =	vcvt.s32.f32 v7;
	v39 =	vcvt.s32.f32 v39;
	v15 =	vld [tilespmem:$0x1ED50]  }
0x89c: {  	v35 =	vshra.s32 v55, $0x18;
	v20 =	vcvt.s32.f32 v20;
	v56 =	vcvt.s32.f32 v50  }
0x89d: {  	v52 =	vshll.u32 v49, $0x8;
	v7 =	vsub.f32 v7, v1;
	v51 =	vsub.f32 v39, v1  }
0x89e: {  	v49 =	vsub.f32 v56, v1;
	v1 =	vsub.f32 v20, v1;
	v20 =	vshll.u32 v38, $0x8;
	v14 =	vld [tilespmem:$0x1ED40]  }
0x89f: {  	v55 =	vmul.f32 v45, v25;
	v59 =	vcvt.s32.f32 v58;
	v20 =	vshra.s32 v20, $0x18  }
0x8a0: {  	v5 =	vsub.f32 v5, v36;
	v45 =	vmul.f32 v13, v25;
	v20 =	vcvt.s32.f32 v20  }
0x8a1: {  	v13 =	vperm.xlane v22, v29;
	v58 =	vshll.u32 v38, $0x10;
	v42 =	vsub.f32 v59, v36  }
0x8a2: {  	v59 =	vshra.s32 v58, $0x18;
	v58 =	vsub.f32 v20, v34;
	v20 =	vperm.xlane v24, v29  }
0x8a3: {  	v48 =	vsub.f32 v54, v57;
	v35 =	vcvt.s32.f32 v35;
	v24 =	vmul.f32 v43, v25;
	[tilespmem:v15+s30+$0x0] =	vst.idx.msk $0xffff, v14  }
0x8a4: {  	v6 =	vsub.f32 v6, v57;
	v9 =	vmul.f32 v9, v13;
	v8 =	vmul.f32 v8, v20;
	v16 =	vld [tilespmem:$0x1ED70]  }
0x8a5: {  	v36 =	vsub.f32 v47, v36;
	v38 =	vshra.s32 v38, $0x18;
	v39 =	vcvt.s32.f32 v59;
	v14 =	vld [tilespmem:$0x1ED60];
	[tilespmem:v44+s30+$0x0] =	vst.idx.msk $0xffff, v24  }
0x8a6: {  	v47 =	vsub.f32 v53, v57;
	v56 =	vsub.f32 v35, v34;
	v50 =	vcvt.s32.f32 v38;
	[tilespmem:v62+s30+$0x0] =	vst.idx.msk $0xffff, v8  }
0x8a7: {  	v46 =	vcvt.s32.f32 v46;
	v57 =	vsub.f32 v39, v34;
	v15 =	vmul.f32 v42, v20;
	[tilespmem:v40+s30+$0x0] =	vst.idx.msk $0xffff, v9  }
0x8a8: {  	v59 =	vsub.f32 v50, v34;
	v34 =	vor.u32 s11, v30;
	v5 =	vmul.f32 v5, v20;
	[tilespmem:v60+s30+$0x0] =	vst.idx.msk $0xffff, v55  }
0x8a9: {  	v63 =	vor.u32 s13, v37;
	v42 =	vmul.f32 v36, v20;
	v36 =	vperm.xlane v31, v29;
	[tilespmem:v2+s30+$0x0] =	vst.idx.msk $0xffff, v15  }
0x8aa: {  	v32 =	vcvt.s32.f32 v32;
	v54 =	vor.u32 s13, v10;
	v4 =	vsub.f32 v4, v33;
	[tilespmem:v11+s30+$0x0] =	vst.idx.msk $0xffff, v3  }
0x8ab: {  	v46 =	vsub.f32 v46, v33;
	v41 =	vshra.s32 v52, $0x18;
	v47 =	vmul.f32 v47, v36;
	[tilespmem:v21+s30+$0x0] =	vst.idx.msk $0xffff, v5  }
0x8ac: {  	v52 =	vsub.f32 v32, v33;
	v41 =	vcvt.s32.f32 v41;
	[tilespmem:v16+s30+$0x0] =	vst.idx.msk $0xffff, v14;
	v14 =	vmul.f32 v19, v13  }
0x8ad: {  	v22 =	vor.u32 s18, v37;
	v38 =	vperm.xlane v28, v29;
	[tilespmem:v34+s30+$0x0] =	vst.idx.msk $0xffff, v47;
	v16 =	vmul.f32 v18, v13  }
0x8ae: {  	v32 =	vor.u32 s11, v10;
	v35 =	vor.u32 s11, v17;
	v53 =	vsub.f32 v41, v33;
	[tilespmem:v63+s30+$0x0] =	vst.idx.msk $0xffff, v14  }
0x8af: {  	v33 =	vor.u32 s11, v37;
	v39 =	vmul.f32 v0, v13;
	v50 =	vmul.f32 v49, v38;
	[tilespmem:v54+s30+$0x0] =	vst.idx.msk $0xffff, v16  }
0x8b0: {  	v25 =	vor.u32 s18, v17;
	v43 =	vmul.f32 v51, v38;
	v20 =	vor.u32 s18, v30;
	v63 =	vld [tilespmem:$0x1ED80]  }
0x8b1: {  	v24 =	vor.u32 s18, v10;
	v8 =	vperm.xlane v26, v29;
	v41 =	vmul.f32 v48, v36  }
0x8b2: {  	v62 =	vor.u32 s24, v30;
	v31 =	vmul.f32 v12, v36;
	v55 =	vmul.f32 v1, v38  }
0x8b3: {  	v30 =	vor.u32 s12, v30;
	v11 =	vperm.xlane v27, v29;
	v27 =	vmul.f32 v6, v36  }
0x8b4: {  	v15 =	vor.u32 s24, v37;
	v21 =	vmul.f32 v7, v38;
	v52 =	vmul.f32 v52, v8  }
0x8b5: {  	v60 =	vor.u32 s24, v10;
	v12 =	vmul.f32 v53, v8;
	v53 =	vmul.f32 v46, v8  }
0x8b6: {  	v38 =	vor.u32 s24, v17;
	v46 =	vmul.f32 v58, v11;
	v49 =	vmul.f32 v59, v11  }
0x8b7: {  	v36 =	vor.u32 s12, v10;
	v13 =	vmul.f32 v4, v8;
	v14 =	vmul.f32 v56, v11;
	[tilespmem:v61+s30+$0x0] =	vst.idx.msk $0xffff, v42  }
0x8b8: {  	s11 =	simm.s32 $0x0;
	v56 =	vor.u32 s12, v17;
	v54 =	vor.u32 s12, v37;
	v16 =	vmul.f32 v57, v11;
	s12 =	simm.s32 $0x600;
	v61 =	vmovc v10;
	[tilespmem:v63+s30+$0x0] =	vst.idx.msk $0xffff, v45  }
.LBB2_14:
0x8b9: {  	[tilespmem:v23+s30+$0x0] =	vst.idx.msk $0xffff, v39  }
0x8ba: {  	v17 =	vld [tilespmem:$0x1FF70];
	[tilespmem:v33+s30+$0x0] =	vst.idx.msk $0xffff, v41  }
0x8bb: {  	v18 =	vld [tilespmem:$0x1FF90];
	[tilespmem:v30+s30+$0x0] =	vst.idx.msk $0xffff, v21  }
0x8bc: {  	v34 =	vld [tilespmem:$0x1FFA0];
	[tilespmem:v32+s30+$0x0] =	vst.idx.msk $0xffff, v31  }
0x8bd: {  	v19 =	vld [tilespmem:$0x1FFB0];
	[tilespmem:v54+s30+$0x0] =	vst.idx.msk $0xffff, v43  }
0x8be: {  	s15 =	sshra.s32 s12, $0x2;
	v26 =	vld [tilespmem:$0x1FF80];
	[tilespmem:v35+s30+$0x0] =	vst.idx.msk $0xffff, v27  }
0x8bf: {  	v11 =	vld [tilespmem:s15+$0x1160];
	[tilespmem:v36+s30+$0x0] =	vst.idx.msk $0xffff, v50  }
0x8c0: {  	s22 =	sadd.s32 $0x180, s12;
	v50 =	vld [tilespmem:s15+$0x1120];
	[tilespmem:v20+s30+$0x0] =	vst.idx.msk $0xffff, v52  }
0x8c1: {  	s19 =	sadd.s32 $0xFFFFFE00, s12;
	s7 =	sadd.s32 $0x80, s7;
	v20 =	vld [tilespmem:s15+$0x1140];
	[tilespmem:v62+s30+$0x0] =	vst.idx.msk $0xffff, v14;
	v61 =	vor.u32 s22, v61;
	v0 =	vor.u32 s12, v17;
	v6 =	vor.u32 s12, v18  }
0x8c2: {  	s18 =	sadd.s32 $0xFFFFFE80, s12;
	v51 =	vld [tilespmem:s7+$0x30];
	[tilespmem:v22+s30+$0x0] =	vst.idx.msk $0xffff, v13;
	v7 =	vor.u32 s12, v34;
	v8 =	vor.u32 s19, v17;
	v9 =	vor.u32 s19, v18  }
0x8c3: {  	v23 =	vld [tilespmem:s15+$0x1080];
	[tilespmem:v15+s30+$0x0] =	vst.idx.msk $0xffff, v16;
	v10 =	vor.u32 s19, v34;
	v1 =	vor.u32 s19, v19;
	v33 =	vor.u32 s18, v17  }
0x8c4: {  	s1 =	sadd.s32 $0xFFFFFF00, s12;
	v21 =	vld [tilespmem:$0x1FF50];
	v37 =	vor.u32 s18, v18;
	v39 =	vor.u32 s18, v34;
	v40 =	vor.u32 s18, v19;
	[tilespmem:v24+s30+$0x0] =	vst.idx.msk $0xffff, v12  }
0x8c5: {  	s17 =	sadd.s32 $0xFFFFFF80, s12;
	v41 =	vor.u32 s1, v17;
	v42 =	vor.u32 s1, v18;
	v44 =	vor.u32 s1, v34;
	v12 =	vld [tilespmem:s7+$0x20];
	[tilespmem:v60+s30+$0x0] =	vst.idx.msk $0xffff, v46  }
0x8c6: {  	v45 =	vor.u32 s1, v19;
	v47 =	vor.u32 s17, v17;
	v48 =	vor.u32 s17, v18;
	[tilespmem:$0x1EB60] =	vst v0  }
0x8c7: {  	v57 =	vor.u32 s17, v34;
	v2 =	vor.u32 s22, v17;
	v3 =	vor.u32 s22, v18;
	[tilespmem:$0x1EB70] =	vst v6  }
0x8c8: {  	v59 =	vor.u32 s22, v19;
	[tilespmem:$0x1EB80] =	vst v7;
	v58 =	vshll.u32 v11, $0x18;
	v4 =	vperm.xlane v51, v26  }
0x8c9: {  	[tilespmem:$0x1EA70] =	vst v8;
	v5 =	vshll.u32 v11, $0x10;
	v6 =	vshll.u32 v11, $0x8;
	v7 =	vperm.xlane v51, v21  }
0x8ca: {  	v35 =	vld [tilespmem:s15+$0x10A0];
	[tilespmem:$0x1EA90] =	vst v10;
	v0 =	vshra.s32 v11, $0x18;
	v8 =	vor.u32 s22, v34;
	v10 =	vshll.u32 v23, $0x18  }
0x8cb: {  	[tilespmem:$0x1EA80] =	vst v9;
	v62 =	vshll.u32 v23, $0x10;
	v11 =	vshll.u32 v23, $0x8;
	v23 =	vshra.s32 v23, $0x18  }
0x8cc: {  	v14 =	vld [tilespmem:$0x1FFE0];
	[tilespmem:$0x1EB00] =	vst v1;
	v1 =	vshra.s32 v58, $0x18;
	v5 =	vshra.s32 v5, $0x18;
	v6 =	vshra.s32 v6, $0x18  }
0x8cd: {  	v43 =	vld [tilespmem:s15+$0x10E0];
	[tilespmem:$0x1EAA0] =	vst v33;
	v0 =	vcvt.s32.f32 v0;
	v10 =	vshra.s32 v10, $0x18;
	v1 =	vcvt.s32.f32 v1  }
0x8ce: {  	v16 =	vld [tilespmem:$0x1FFD0];
	[tilespmem:$0x1EB40] =	vst v48;
	v11 =	vshra.s32 v11, $0x18;
	v5 =	vcvt.s32.f32 v5;
	v6 =	vcvt.s32.f32 v6  }
0x8cf: {  	[tilespmem:$0x1EB50] =	vst v57;
	v32 =	vshll.u32 v35, $0x18;
	v33 =	vshll.u32 v35, $0x10;
	v46 =	vshll.u32 v50, $0x18  }
0x8d0: {  	v48 =	vld [tilespmem:s15+$0x1100];
	[tilespmem:v38+s30+$0x0] =	vst.idx.msk $0xffff, v49;
	v52 =	vshll.u32 v50, $0x10;
	v38 =	vshll.u32 v50, $0x8;
	v49 =	vshll.u32 v20, $0x18  }
0x8d1: {  	s16 =	sadd.s32 $0x80, s12;
	[tilespmem:v25+s30+$0x0] =	vst.idx.msk $0xffff, v53;
	v9 =	vld [tilespmem:s7+$0xFFFFFFF0];
	v53 =	vshll.u32 v20, $0x10;
	v54 =	vshll.u32 v20, $0x8;
	v57 =	vor.u32 s22, v14  }
0x8d2: {  	[tilespmem:$0x1EAB0] =	vst v37;
	v13 =	vshra.s32 v50, $0x18;
	v10 =	vcvt.s32.f32 v10;
	v50 =	vor.u32 s16, v19  }
0x8d3: {  	v36 =	vld [tilespmem:$0x1FFF0];
	[tilespmem:v56+s30+$0x0] =	vst.idx.msk $0xffff, v55;
	v0 =	vsub.f32 v0, v4;
	v22 =	vshll.u32 v43, $0x10;
	v56 =	vor.u32 s22, v16  }
0x8d4: {  	[tilespmem:$0x1EAE0] =	vst v42;
	v42 =	vld [tilespmem:s15+$0x10C0];
	v38 =	vshra.s32 v38, $0x18;
	v1 =	vsub.f32 v1, v4;
	v5 =	vsub.f32 v5, v4  }
0x8d5: {  	[tilespmem:$0x1EB10] =	vst v40;
	v6 =	vsub.f32 v6, v4;
	v4 =	vshra.s32 v62, $0x18;
	v62 =	vshra.s32 v43, $0x18  }
0x8d6: {  	[tilespmem:$0x1EA50] =	vst v9;
	v0 =	vmul.f32 v0, v7;
	v9 =	vshll.u32 v48, $0x18;
	v15 =	vcvt.s32.f32 v4  }
0x8d7: {  	[tilespmem:$0x1EB20] =	vst v45;
	v37 =	vld [tilespmem:s7+$0xFFFFFFC0];
	v40 =	vshll.u32 v48, $0x8;
	v4 =	vcvt.s32.f32 v11;
	v1 =	vmul.f32 v1, v7  }
0x8d8: {  	[tilespmem:$0x1EB30] =	vst v47;
	v5 =	vmul.f32 v5, v7;
	v63 =	vmul.f32 v6, v7;
	v6 =	vshra.s32 v33, $0x18  }
0x8d9: {  	v7 =	vshll.u32 v42, $0x10;
	v30 =	vcvt.s32.f32 v6;
	v6 =	vor.u32 s19, v36;
	[tilespmem:v2+s30+$0x0] =	vst.idx.msk $0xffff, v1  }
0x8da: {  	v47 =	vld [tilespmem:s7+$0x0];
	v33 =	vor.u32 s22, v36;
	v9 =	vshra.s32 v9, $0x18;
	v40 =	vshra.s32 v40, $0x18;
	[tilespmem:$0x1EC60] =	vst v6  }
0x8db: {  	v7 =	vshra.s32 v7, $0x18;
	v28 =	vcvt.s32.f32 v9;
	v9 =	vor.u32 s18, v16;
	[tilespmem:v3+s30+$0x0] =	vst.idx.msk $0xffff, v5  }
0x8dc: {  	v45 =	vld [tilespmem:s7+$0x10];
	v1 =	vshll.u32 v42, $0x8;
	v2 =	vshra.s32 v32, $0x18;
	v6 =	vperm.xlane v37, v26;
	[tilespmem:v8+s30+$0x0] =	vst.idx.msk $0xffff, v63  }
0x8dd: {  	v3 =	vshll.u32 v35, $0x8;
	v5 =	vshll.u32 v42, $0x18;
	v1 =	vshra.s32 v1, $0x18;
	v63 =	vld [tilespmem:$0x1FFC0];
	[tilespmem:v59+s30+$0x0] =	vst.idx.msk $0xffff, v0  }
0x8de: {  	v42 =	vshra.s32 v42, $0x18;
	v11 =	vcvt.s32.f32 v2;
	v5 =	vshra.s32 v5, $0x18;
	v25 =	vld [tilespmem:s15+$0x1170]  }
0x8df: {  	[tilespmem:$0x1EA60] =	vst v12;
	v2 =	vperm.xlane v47, v26;
	v8 =	vshll.u32 v43, $0x18;
	v12 =	vcvt.s32.f32 v5;
	v5 =	vld [tilespmem:$0x1FF60]  }
0x8e0: {  	[tilespmem:$0x1EAF0] =	vst v44;
	v44 =	vld [tilespmem:s7+$0xFFFFFFD0];
	v3 =	vshra.s32 v3, $0x18;
	v31 =	vcvt.s32.f32 v1;
	v42 =	vcvt.s32.f32 v42  }
0x8e1: {  	[tilespmem:$0x1EAD0] =	vst v41;
	v41 =	vld [tilespmem:s7+$0xFFFFFFE0];
	v15 =	vsub.f32 v15, v6;
	v0 =	vshll.u32 v43, $0x8;
	v8 =	vshra.s32 v8, $0x18  }
0x8e2: {  	v29 =	vcvt.s32.f32 v3;
	v3 =	vperm.xlane v45, v26;
	v0 =	vshra.s32 v0, $0x18  }
0x8e3: {  	[tilespmem:$0x1EAC0] =	vst v39;
	v8 =	vcvt.s32.f32 v8;
	v27 =	vcvt.s32.f32 v0;
	v39 =	vshll.u32 v25, $0x18  }
0x8e4: {  	v58 =	vperm.xlane v51, v63;
	v0 =	vor.u32 s19, v5;
	v55 =	vshra.s32 v39, $0x18;
	v39 =	vld [tilespmem:$0x1FF40]  }
0x8e5: {  	v5 =	vperm.xlane v44, v26;
	v59 =	vshll.u32 v25, $0x10;
	v32 =	vshll.u32 v25, $0x8  }
0x8e6: {  	v25 =	vshra.s32 v25, $0x18;
	[tilespmem:$0x1EBE0] =	vst v0;
	v0 =	vperm.xlane v41, v26;
	v59 =	vshra.s32 v59, $0x18  }
0x8e7: {  	s13 =	sadd.s32 $0x100, s12;
	v60 =	vshra.s32 v32, $0x18;
	v25 =	vcvt.s32.f32 v25;
	v55 =	vcvt.s32.f32 v55  }
0x8e8: {  	v43 =	vor.u32 s13, v34;
	v59 =	vcvt.s32.f32 v59;
	v60 =	vcvt.s32.f32 v60  }
0x8e9: {  	v32 =	vor.u32 s13, v18;
	v55 =	vsub.f32 v55, v58;
	v51 =	vperm.xlane v51, v39  }
0x8ea: {  	[tilespmem:$0x1EB90] =	vst v32;
	v32 =	vcvt.s32.f32 v38;
	v59 =	vsub.f32 v59, v58;
	v60 =	vsub.f32 v60, v58  }
0x8eb: {  	v38 =	vor.u32 s18, v14;
	v25 =	vsub.f32 v25, v58;
	v55 =	vmul.f32 v55, v51  }
0x8ec: {  	v58 =	vor.u32 s12, v19;
	v59 =	vmul.f32 v59, v51;
	v60 =	vmul.f32 v60, v51  }
0x8ed: {  	v25 =	vmul.f32 v25, v51;
	v51 =	vor.u32 s13, v17;
	[tilespmem:v56+s30+$0x0] =	vst.idx.msk $0xffff, v55;
	v56 =	vor.u32 s16, v17  }
0x8ee: {  	[tilespmem:$0x1EC00] =	vst v38;
	v55 =	vor.u32 s16, v18;
	v17 =	vsub.f32 v30, v5;
	v18 =	vsub.f32 v12, v0  }
0x8ef: {  	v12 =	vperm.xlane v41, v21;
	[tilespmem:v57+s30+$0x0] =	vst.idx.msk $0xffff, v59;
	v59 =	vshra.s32 v49, $0x18;
	v57 =	vor.u32 s17, v19  }
0x8f0: {  	v38 =	vld [tilespmem:$0x1EA60];
	v49 =	vor.u32 s16, v34;
	v34 =	vcvt.s32.f32 v23;
	v23 =	vcvt.s32.f32 v62;
	[tilespmem:v61+s30+$0x0] =	vst.idx.msk $0xffff, v60  }
0x8f1: {  	v62 =	vcvt.s32.f32 v13;
	v61 =	vshra.s32 v54, $0x18;
	v54 =	vor.u32 s19, v14;
	[tilespmem:v33+s30+$0x0] =	vst.idx.msk $0xffff, v25  }
0x8f2: {  	v13 =	vperm.xlane v37, v21;
	v60 =	vshra.s32 v53, $0x18;
	v25 =	vshra.s32 v52, $0x18;
	[tilespmem:$0x1EBD0] =	vst v54;
	v54 =	vld [tilespmem:$0x1EA50]  }
0x8f3: {  	[tilespmem:$0x1EBA0] =	vst v43;
	v33 =	vcvt.s32.f32 v7;
	v7 =	vcvt.s32.f32 v40;
	v52 =	vor.u32 s13, v19  }
0x8f4: {  	v43 =	vmovc v45;
	v53 =	vor.u32 s19, v16;
	v40 =	vmovc v16;
	v16 =	vsub.f32 v4, v6;
	v19 =	vsub.f32 v31, v0  }
0x8f5: {  	v4 =	vperm.xlane v38, v26;
	[tilespmem:$0x1EBB0] =	vst v52;
	v30 =	vsub.f32 v33, v0;
	v33 =	vsub.f32 v7, v2  }
0x8f6: {  	v7 =	vperm.xlane v43, v21;
	v52 =	vmovc v14;
	v14 =	vsub.f32 v10, v6;
	v10 =	vperm.xlane v47, v21  }
0x8f7: {  	v6 =	vsub.f32 v34, v6;
	v34 =	vsub.f32 v42, v0;
	v1 =	vperm.xlane v54, v26  }
0x8f8: {  	[tilespmem:$0x1EBF0] =	vst v9;
	v42 =	vld [tilespmem:$0x1EA70];
	v26 =	vsub.f32 v11, v5;
	v11 =	vperm.xlane v44, v21;
	v9 =	vperm.xlane v54, v21  }
0x8f9: {  	v31 =	vsub.f32 v8, v1;
	v8 =	vperm.xlane v38, v21;
	v21 =	vsub.f32 v62, v3;
	v62 =	vld [tilespmem:$0x1EA80];
	_ =	sdelay $0x4  }
0x8fa: {  	v14 =	vmul.f32 v14, v13  }
0x8fb: {  	v15 =	vmul.f32 v15, v13  }
0x8fc: {  	[tilespmem:v42+s30+$0x0] =	vst.idx.msk $0xffff, v14  }
0x8fd: {  	[tilespmem:v62+s30+$0x0] =	vst.idx.msk $0xffff, v15;
	v62 =	vld [tilespmem:$0x1EAA0];
	_ =	sdelay $0x1  }
0x8fe: {  	v22 =	vshra.s32 v22, $0x18;
	v24 =	vshll.u32 v48, $0x10;
	v48 =	vshra.s32 v48, $0x18  }
0x8ff: {  	v22 =	vcvt.s32.f32 v22;
	v48 =	vcvt.s32.f32 v48;
	v35 =	vshra.s32 v35, $0x18  }
0x900: {  	v35 =	vcvt.s32.f32 v35;
	v29 =	vsub.f32 v29, v5;
	v59 =	vcvt.s32.f32 v59  }
0x901: {  	v32 =	vsub.f32 v32, v3;
	v60 =	vcvt.s32.f32 v60;
	v61 =	vcvt.s32.f32 v61  }
0x902: {  	v18 =	vmul.f32 v18, v12;
	v59 =	vsub.f32 v59, v4;
	v26 =	vmul.f32 v26, v11  }
0x903: {  	v60 =	vsub.f32 v60, v4;
	v61 =	vsub.f32 v61, v4;
	v19 =	vmul.f32 v19, v12  }
0x904: {  	v20 =	vshra.s32 v20, $0x18;
	v14 =	vmul.f32 v30, v12;
	[tilespmem:v62+s30+$0x0] =	vst.idx.msk $0xffff, v26;
	v62 =	vmul.f32 v34, v12;
	v12 =	vld [tilespmem:$0x1FF60]  }
0x905: {  	v20 =	vcvt.s32.f32 v20;
	[tilespmem:$0x1EBC0] =	vst v53;
	v5 =	vsub.f32 v35, v5;
	v22 =	vsub.f32 v22, v1  }
0x906: {  	v53 =	vmovc v41;
	v41 =	vld [tilespmem:$0x1EA90];
	v35 =	vsub.f32 v23, v1;
	v0 =	vmul.f32 v17, v11;
	v17 =	vsub.f32 v48, v2  }
0x907: {  	v23 =	vmul.f32 v29, v11;
	v29 =	vsub.f32 v20, v4;
	v48 =	vld [tilespmem:$0x1FF60];
	v4 =	vor.u32 s18, v36  }
0x908: {  	[tilespmem:$0x1EC70] =	vst v4;
	v4 =	vor.u32 s1, v52;
	v42 =	vmul.f32 v22, v9;
	v22 =	vld [tilespmem:$0x1EAD0]  }
0x909: {  	[tilespmem:$0x1EC30] =	vst v4;
	v4 =	vmul.f32 v32, v7;
	v32 =	vor.u32 s17, v12;
	v12 =	vld [tilespmem:$0x1EB00]  }
0x90a: {  	v46 =	vshra.s32 v46, $0x18  }
0x90b: {  	v46 =	vcvt.s32.f32 v46  }
0x90c: {  	v25 =	vcvt.s32.f32 v25;
	v16 =	vmul.f32 v16, v13  }
0x90d: {  	v27 =	vsub.f32 v27, v1;
	v1 =	vor.u32 s18, v48;
	v48 =	vor.u32 s1, v40  }
0x90e: {  	v46 =	vsub.f32 v46, v3;
	v25 =	vsub.f32 v25, v3;
	[tilespmem:$0x1EC20] =	vst v48  }
0x90f: {  	v6 =	vmul.f32 v6, v13;
	v3 =	vmul.f32 v33, v10;
	v33 =	vld [tilespmem:$0x1EAB0];
	[tilespmem:v41+s30+$0x0] =	vst.idx.msk $0xffff, v16  }
0x910: {  	v48 =	vld [tilespmem:$0x1EAC0];
	[tilespmem:v22+s30+$0x0] =	vst.idx.msk $0xffff, v18  }
0x911: {  	v18 =	vor.u32 s17, v40;
	[tilespmem:v12+s30+$0x0] =	vst.idx.msk $0xffff, v6;
	v12 =	vld [tilespmem:$0x1EB10]  }
0x912: {  	[tilespmem:$0x1EC50] =	vst v18;
	v18 =	vmul.f32 v60, v8;
	v60 =	vld [tilespmem:$0x1EAE0]  }
0x913: {  	v22 =	vmul.f32 v61, v8;
	v61 =	vld [tilespmem:$0x1EAF0];
	_ =	sdelay $0x3  }
0x914: {  	v5 =	vmul.f32 v5, v11;
	[tilespmem:v33+s30+$0x0] =	vst.idx.msk $0xffff, v0  }
0x915: {  	[tilespmem:v48+s30+$0x0] =	vst.idx.msk $0xffff, v23  }
0x916: {  	[tilespmem:v12+s30+$0x0] =	vst.idx.msk $0xffff, v5;
	v12 =	vld [tilespmem:$0x1EB20]  }
0x917: {  	[tilespmem:v60+s30+$0x0] =	vst.idx.msk $0xffff, v14  }
0x918: {  	[tilespmem:v61+s30+$0x0] =	vst.idx.msk $0xffff, v19;
	v19 =	vld [tilespmem:$0x1EB60];
	_ =	sdelay $0x3  }
0x919: {  	v28 =	vsub.f32 v28, v2  }
0x91a: {  	[tilespmem:$0x1EC10] =	vst v1  }
0x91b: {  	v1 =	vmul.f32 v28, v10;
	[tilespmem:v12+s30+$0x0] =	vst.idx.msk $0xffff, v62;
	v12 =	vld [tilespmem:$0x1EB30];
	_ =	sdelay $0x1  }
0x91c: {  	[tilespmem:v19+s30+$0x0] =	vst.idx.msk $0xffff, v1;
	v19 =	vld [tilespmem:$0x1EB70]  }
0x91d: {  	v24 =	vshra.s32 v24, $0x18  }
0x91e: {  	v24 =	vcvt.s32.f32 v24;
	_ =	sdelay $0x1  }
0x91f: {  	v24 =	vsub.f32 v24, v2;
	v15 =	vmul.f32 v31, v9;
	_ =	sdelay $0x1  }
0x920: {  	v2 =	vmul.f32 v24, v10;
	[tilespmem:v12+s30+$0x0] =	vst.idx.msk $0xffff, v15;
	v12 =	vld [tilespmem:$0x1FF60];
	_ =	sdelay $0x1  }
0x921: {  	[tilespmem:v19+s30+$0x0] =	vst.idx.msk $0xffff, v2;
	v19 =	vld [tilespmem:$0x1EB90];
	_ =	sdelay $0x2  }
0x922: {  	v45 =	vmov v47;
	v24 =	vor.u32 s16, v12;
	v12 =	vld [tilespmem:$0x1EB40]  }
0x923: {  	v45 =	vperm.xlane v45, v39;
	v46 =	vmul.f32 v46, v7;
	v41 =	vld [tilespmem:$0x1FF60]  }
0x924: {  	v20 =	vmul.f32 v59, v8;
	v59 =	vperm.xlane v47, v63  }
0x925: {  	v30 =	vperm.xlane v54, v63;
	v28 =	vperm.xlane v37, v39  }
0x926: {  	[tilespmem:v51+s30+$0x0] =	vst.idx.msk $0xffff, v20;
	v31 =	vperm.xlane v53, v63;
	v53 =	vperm.xlane v53, v39;
	v11 =	vld [tilespmem:s15+$0x10D0]  }
0x927: {  	v16 =	vmul.f32 v27, v9;
	v9 =	vmul.f32 v35, v9;
	v35 =	vor.u32 s17, v36;
	[tilespmem:v19+s30+$0x0] =	vst.idx.msk $0xffff, v18;
	v19 =	vld [tilespmem:$0x1EBA0]  }
0x928: {  	v27 =	vperm.xlane v44, v39;
	v34 =	vor.u32 s16, v52;
	v0 =	vor.u32 s1, v41  }
0x929: {  	v33 =	vor.u32 s17, v52;
	v41 =	vperm.xlane v37, v63;
	[tilespmem:$0x1EC40] =	vst v0;
	v6 =	vmul.f32 v17, v10;
	v10 =	vld [tilespmem:s15+$0x1090]  }
0x92a: {  	v0 =	vmul.f32 v25, v7;
	v23 =	vor.u32 s1, v36;
	v7 =	vmul.f32 v21, v7;
	[tilespmem:v12+s30+$0x0] =	vst.idx.msk $0xffff, v42;
	v12 =	vld [tilespmem:$0x1EB50]  }
0x92b: {  	v5 =	vmul.f32 v29, v8;
	v29 =	vperm.xlane v44, v63;
	v8 =	vld [tilespmem:s15+$0x10B0];
	v44 =	vshll.u32 v11, $0x18  }
0x92c: {  	[tilespmem:v56+s30+$0x0] =	vst.idx.msk $0xffff, v46;
	v48 =	vor.u32 s16, v40;
	v60 =	vperm.xlane v43, v63;
	v1 =	vshra.s32 v44, $0x18  }
0x92d: {  	v25 =	vor.u32 s16, v36;
	[tilespmem:v55+s30+$0x0] =	vst.idx.msk $0xffff, v0;
	v61 =	vperm.xlane v38, v63;
	v1 =	vcvt.s32.f32 v1  }
0x92e: {  	[tilespmem:v49+s30+$0x0] =	vst.idx.msk $0xffff, v4;
	v13 =	vshll.u32 v10, $0x10;
	v14 =	vshll.u32 v10, $0x8;
	v4 =	vshra.s32 v10, $0x18  }
0x92f: {  	v62 =	vor.u32 s13, v40;
	v21 =	vshll.u32 v11, $0x10;
	[tilespmem:v19+s30+$0x0] =	vst.idx.msk $0xffff, v22;
	v19 =	vld [tilespmem:$0x1EBB0];
	v1 =	vsub.f32 v1, v31  }
0x930: {  	v47 =	vshll.u32 v11, $0x8;
	v63 =	vshra.s32 v21, $0x18;
	v42 =	vshll.u32 v8, $0x18  }
0x931: {  	v15 =	vshll.u32 v8, $0x10;
	v1 =	vmul.f32 v1, v53;
	v42 =	vshra.s32 v42, $0x18  }
0x932: {  	[tilespmem:v12+s30+$0x0] =	vst.idx.msk $0xffff, v16;
	v12 =	vshll.u32 v10, $0x18;
	v16 =	vshll.u32 v8, $0x8;
	v8 =	vshra.s32 v8, $0x18  }
0x933: {  	v10 =	vshra.s32 v11, $0x18;
	v2 =	vshra.s32 v12, $0x18;
	v12 =	vshra.s32 v13, $0x18  }
0x934: {  	[tilespmem:v57+s30+$0x0] =	vst.idx.msk $0xffff, v9;
	v13 =	vshra.s32 v14, $0x18;
	v14 =	vld [tilespmem:$0x1EB80];
	v57 =	vshra.s32 v15, $0x18;
	v8 =	vcvt.s32.f32 v8  }
0x935: {  	[tilespmem:v50+s30+$0x0] =	vst.idx.msk $0xffff, v7;
	v15 =	vshra.s32 v47, $0x18;
	v17 =	vld [tilespmem:s15+$0x10F0];
	v2 =	vcvt.s32.f32 v2;
	v50 =	vcvt.s32.f32 v12  }
0x936: {  	v10 =	vcvt.s32.f32 v10;
	v12 =	vld [tilespmem:s15+$0x1130];
	v13 =	vcvt.s32.f32 v13;
	v8 =	vsub.f32 v8, v29  }
0x937: {  	[tilespmem:v19+s30+$0x0] =	vst.idx.msk $0xffff, v5;
	v5 =	vcvt.s32.f32 v57;
	v2 =	vsub.f32 v2, v41;
	v7 =	vsub.f32 v50, v41  }
0x938: {  	v15 =	vcvt.s32.f32 v15;
	v10 =	vsub.f32 v10, v31;
	v13 =	vsub.f32 v13, v41  }
0x939: {  	v5 =	vsub.f32 v5, v29;
	v2 =	vmul.f32 v2, v28;
	v7 =	vmul.f32 v7, v28  }
0x93a: {  	v13 =	vmul.f32 v13, v28;
	v21 =	vshll.u32 v17, $0x18;
	v44 =	vshll.u32 v17, $0x10  }
0x93b: {  	v46 =	vshll.u32 v17, $0x8;
	v11 =	vshra.s32 v17, $0x18;
	v22 =	vshll.u32 v12, $0x18  }
0x93c: {  	v55 =	vshll.u32 v12, $0x10;
	v56 =	vshll.u32 v12, $0x8;
	v12 =	vshra.s32 v12, $0x18  }
0x93d: {  	v26 =	vmovc v36;
	v47 =	vshra.s32 v21, $0x18;
	v21 =	vshra.s32 v44, $0x18;
	v36 =	vshra.s32 v46, $0x18  }
0x93e: {  	v11 =	vcvt.s32.f32 v11;
	v12 =	vcvt.s32.f32 v12;
	[tilespmem:v14+s30+$0x0] =	vst.idx.msk $0xffff, v3;
	v14 =	vshra.s32 v16, $0x18  }
0x93f: {  	v22 =	vshra.s32 v22, $0x18;
	v44 =	vperm.xlane v43, v39;
	[tilespmem:v58+s30+$0x0] =	vst.idx.msk $0xffff, v6;
	v9 =	vcvt.s32.f32 v14;
	v14 =	vld [tilespmem:s15+$0x1150]  }
0x940: {  	v37 =	vshra.s32 v55, $0x18;
	v3 =	vcvt.s32.f32 v42;
	v0 =	vcvt.s32.f32 v47;
	v16 =	vld [tilespmem:s15+$0x1110]  }
0x941: {  	v42 =	vshra.s32 v56, $0x18;
	v21 =	vcvt.s32.f32 v21;
	v22 =	vcvt.s32.f32 v22  }
0x942: {  	v6 =	vcvt.s32.f32 v63;
	v11 =	vsub.f32 v11, v30;
	v3 =	vsub.f32 v3, v29  }
0x943: {  	v47 =	vperm.xlane v54, v39;
	v22 =	vsub.f32 v22, v60;
	v9 =	vsub.f32 v9, v29  }
0x944: {  	v6 =	vsub.f32 v6, v31;
	v57 =	vshll.u32 v14, $0x18;
	v58 =	vshll.u32 v14, $0x10  }
0x945: {  	v63 =	vshll.u32 v14, $0x8;
	v14 =	vshra.s32 v14, $0x18;
	v17 =	vshll.u32 v16, $0x18  }
0x946: {  	v20 =	vshll.u32 v16, $0x10;
	v51 =	vshll.u32 v16, $0x8;
	v16 =	vshra.s32 v16, $0x18  }
0x947: {  	v46 =	vshra.s32 v57, $0x18;
	v49 =	vshra.s32 v58, $0x18;
	v50 =	vshra.s32 v63, $0x18  }
0x948: {  	v14 =	vcvt.s32.f32 v14;
	v57 =	vperm.xlane v38, v39;
	v58 =	vsub.f32 v12, v60  }
0x949: {  	v17 =	vshra.s32 v17, $0x18;
	v18 =	vshra.s32 v20, $0x18;
	v46 =	vcvt.s32.f32 v46  }
0x94a: {  	v54 =	vld [tilespmem:$0x1FF60];
	v20 =	vshra.s32 v51, $0x18;
	v49 =	vcvt.s32.f32 v49;
	v50 =	vcvt.s32.f32 v50  }
0x94b: {  	v56 =	vld [tilespmem:$0x1EBF0];
	v51 =	vsub.f32 v15, v31;
	v15 =	vcvt.s32.f32 v16;
	v17 =	vcvt.s32.f32 v17  }
0x94c: {  	v12 =	vld [tilespmem:$0x1EBC0];
	v18 =	vcvt.s32.f32 v18;
	v39 =	vsub.f32 v46, v61;
	v46 =	vsub.f32 v49, v61  }
0x94d: {  	v20 =	vcvt.s32.f32 v20;
	v49 =	vsub.f32 v50, v61;
	v29 =	vsub.f32 v15, v59;
	v50 =	vld [tilespmem:$0x1EBD0]  }
0x94e: {  	v55 =	vld [tilespmem:$0x1EBE0];
	v37 =	vcvt.s32.f32 v37;
	v17 =	vsub.f32 v17, v59;
	v18 =	vsub.f32 v18, v59  }
0x94f: {  	v42 =	vcvt.s32.f32 v42;
	v20 =	vsub.f32 v20, v59;
	v59 =	vsub.f32 v14, v61;
	v61 =	vld [tilespmem:$0x1EC00]  }
0x950: {  	v36 =	vcvt.s32.f32 v36;
	v0 =	vsub.f32 v0, v30;
	v37 =	vsub.f32 v37, v60;
	v63 =	vld [tilespmem:$0x1EC10]  }
0x951: {  	v42 =	vsub.f32 v42, v60;
	v3 =	vmul.f32 v3, v27;
	v6 =	vmul.f32 v6, v53  }
0x952: {  	v60 =	vor.u32 s13, v54;
	v16 =	vsub.f32 v21, v30;
	v21 =	vsub.f32 v36, v30  }
0x953: {  	v54 =	vor.u32 s12, v52;
	[tilespmem:v56+s30+$0x0] =	vst.idx.msk $0xffff, v3;
	v15 =	vor.u32 s13, v52;
	v52 =	vmul.f32 v22, v44;
	v22 =	vmovc v34;
	v34 =	vld [tilespmem:$0x1EC20]  }
0x954: {  	v30 =	vor.u32 s12, v40;
	v40 =	vld [tilespmem:$0x1EC30];
	v14 =	vmul.f32 v39, v57;
	v39 =	vmul.f32 v10, v53;
	[tilespmem:v12+s30+$0x0] =	vst.idx.msk $0xffff, v2  }
0x955: {  	v2 =	vmul.f32 v5, v27;
	[tilespmem:v50+s30+$0x0] =	vst.idx.msk $0xffff, v7;
	v50 =	vmul.f32 v20, v45;
	v20 =	vmov v48;
	v48 =	vld [tilespmem:$0x1EC40]  }
0x956: {  	v5 =	vmul.f32 v9, v27;
	v7 =	vmul.f32 v51, v53;
	v53 =	vld [tilespmem:$0x1EC50];
	[tilespmem:v55+s30+$0x0] =	vst.idx.msk $0xffff, v13  }
0x957: {  	[tilespmem:v61+s30+$0x0] =	vst.idx.msk $0xffff, v2;
	v55 =	vld [tilespmem:$0x1EC60]  }
0x958: {  	v4 =	vcvt.s32.f32 v4;
	[tilespmem:v63+s30+$0x0] =	vst.idx.msk $0xffff, v5;
	v63 =	vld [tilespmem:$0x1EC70]  }
0x959: {  	v0 =	vmul.f32 v0, v47  }
0x95a: {  	s11 =	sadd.s32 $0x8, s11;
	v4 =	vsub.f32 v4, v41;
	v41 =	vmul.f32 v16, v47;
	v31 =	vmul.f32 v21, v47  }
0x95b: {  	p0 =	slt.u32 s11, $0x78;
	v16 =	vmul.f32 v46, v57;
	v46 =	vmul.f32 v49, v57;
	v9 =	vld [tilespmem:$0x1FF60];
	[tilespmem:v34+s30+$0x0] =	vst.idx.msk $0xffff, v1  }
.Ltmp6:
0x95c: {  	v21 =	vmul.f32 v17, v45;
	v43 =	vmul.f32 v18, v45;
	[tilespmem:v40+s30+$0x0] =	vst.idx.msk $0xffff, v6;
	(pc) =	sbr.rel @p0 .LBB2_14-.Ltmp6, $4  }
0x95d: {  	v12 =	vmul.f32 v42, v44;
	v42 =	vmul.f32 v4, v28;
	[tilespmem:v48+s30+$0x0] =	vst.idx.msk $0xffff, v7  }
0x95e: {  	v38 =	vor.u32 s13, v26;
	v49 =	vmul.f32 v59, v57;
	v51 =	vmul.f32 v8, v27;
	[tilespmem:v53+s30+$0x0] =	vst.idx.msk $0xffff, v0  }
0x95f: {  	v56 =	vor.u32 s12, v26;
	v27 =	vmul.f32 v11, v47;
	v13 =	vmul.f32 v37, v44;
	[tilespmem:v55+s30+$0x0] =	vst.idx.msk $0xffff, v42  }
0x960: {  	v61 =	vld [tilespmem:$0x1FF60];
	v36 =	vor.u32 s12, v9;
	s12 =	sadd.s32 $0x400, s12;
	v53 =	vmul.f32 v58, v44;
	v55 =	vmul.f32 v29, v45;
	[tilespmem:v63+s30+$0x0] =	vst.idx.msk $0xffff, v51  }
0x961: {  	_ =	sdelay $0x3  }
0x962: {  	[tilespmem:v23+s30+$0x0] =	vst.idx.msk $0xffff, v39  }
0x963: {  	[tilespmem:v33+s30+$0x0] =	vst.idx.msk $0xffff, v41  }
0x964: {  	[tilespmem:v30+s30+$0x0] =	vst.idx.msk $0xffff, v21  }
0x965: {  	[tilespmem:v20+s30+$0x0] =	vst.idx.msk $0xffff, v52  }
0x966: {  	[tilespmem:v62+s30+$0x0] =	vst.idx.msk $0xffff, v14  }
0x967: {  	[tilespmem:v32+s30+$0x0] =	vst.idx.msk $0xffff, v31  }
0x968: {  	[tilespmem:v54+s30+$0x0] =	vst.idx.msk $0xffff, v43  }
0x969: {  	[tilespmem:v22+s30+$0x0] =	vst.idx.msk $0xffff, v13  }
0x96a: {  	[tilespmem:v15+s30+$0x0] =	vst.idx.msk $0xffff, v16  }
0x96b: {  	[tilespmem:v35+s30+$0x0] =	vst.idx.msk $0xffff, v27  }
0x96c: {  	[tilespmem:v36+s30+$0x0] =	vst.idx.msk $0xffff, v50  }
0x96d: {  	[tilespmem:v24+s30+$0x0] =	vst.idx.msk $0xffff, v12  }
0x96e: {  	[tilespmem:v60+s30+$0x0] =	vst.idx.msk $0xffff, v46  }
0x96f: {  	[tilespmem:v56+s30+$0x0] =	vst.idx.msk $0xffff, v55  }
0x970: {  	[tilespmem:v25+s30+$0x0] =	vst.idx.msk $0xffff, v53  }
0x971: {  	[tilespmem:v38+s30+$0x0] =	vst.idx.msk $0xffff, v49  }
0x972: {  	s1 =	rddreg [dreg:$0xa]  }
0x973: {  	[hbm4b:s1+s3] =	stream.linear.scatter [tilespmem:s30], [sflag:$0x4], $0x4000, $0x38;
	[tilespmem:$0xB100] =	vst v63  }
0x974: {  	_ =	swait.ge [sflag:s31], $0x4000  }
0x975: {  	[sflag:s31] =	ssyncset.done $0x0  }
0x976: {  	[sflag:s31] =	ssyncadd.s32 $0xFFFFC000  }
0x977: {  	_ =	swait.ge [sflag:s0], $0x4000  }
0x978: {  	v1 =	vld [tilespmem:$0x1FF70]  }
0x979: {  	s7 =	rddreg [dreg:$0xc];
	v3 =	vld [tilespmem:$0x1FF80]  }
0x97a: {  	s24 =	rddreg [dreg:$0xb];
	v4 =	vld [tilespmem:$0x1FF90];
	s7 =	sadd.s32 $0x1, s7  }
0x97b: {  	v5 =	vld [tilespmem:$0x1FFA0];
	p0 =	sne.s32 s7, s24  }
.Ltmp7:
0x97c: {  	v6 =	vld [tilespmem:$0x1FFB0];
	(pc) =	sbr.rel @p0 .LBB2_1-.Ltmp7, $4  }
0x97d: {  	v8 =	vld [tilespmem:$0x1FFC0]  }
0x97e: {  	v9 =	vld [tilespmem:$0x1FFD0]  }
0x97f: {  	[sflag:s0] =	ssyncset.done $0x0;
	v10 =	vld [tilespmem:$0x1FFE0]  }
0x980: {  	v11 =	vld [tilespmem:$0x1FFF0];
	[sflag:s0] =	ssyncadd.s32 $0xFFFFC000  }
0x981: {  	_ =	sfence.sel $0x180000  }
0x982: {  	[bflag:$0x0] =	sbarrier.arrive $0xFFFF  }
0x983: {  	_ =	strace $0x90000047  }
0x984: {  	s0 =	stileid.u32;
	[bflag:$0x2] =	sbarrier.arrive $0xFFFF  }
0x985: {  	p0 =	sne.s32 s0, $0x0;
	s0 =	rddreg [dreg:$0x2]  }
0x986: {  	s0 =	sadd.s32 @!p0 $0x100000, s0  }
0x987: {  	[sflag:s0] =	ssyncadd.tile.s32 @!p0 $0x1;
	_ =	shalt  }
.Lfunc_end2:
_tile_overlayer_lowered:
.L_overlay_start_2:
0x988: {  	(tag) =	ssettag $0x2  }
0x989: {  	s0 =	rddreg [dreg:$0x0];
	s2 =	stileid.u32  }
0x98a: {  	s1 =	rddreg [dreg:$0x1];
	p0 =	sne.s32 s2, $0x0  }
0x98b: {  	s3 =	rddreg [dreg:$0x2];
	[bflag:$0x3] =	sbarrier.arrive $0xFFFF;
	s2 =	simm.s32 @!p0 $0x1C05  }
0x98c: {  	[timem:s3], [sflag:s2] =	dma.local @!p0 [hbm:s0], s1  }
0x98d: {  	s0 =	simm.s32 @!p0 $0x5  }
0x98e: {  	_ =	swait.ge @!p0 [sflag:s0], s1  }
0x98f: {  	s1 =	ssub.s32 @!p0 $0x0, s1;
	[sflag:s0] =	ssyncset.done @!p0 $0x0  }
0x990: {  	[sflag:s0] =	ssyncadd.s32 @!p0 s1  }
0x991: {  	[bflag:$0x3] =	sbarrier.arrive $0xFFFF  }
0x992: {  	_ =	shalt  }

</sc_bundles>
